<compile_context>
chip_gen: v7x
topology: tpu7x:2x2x1
jax: 0.10.2.dev20260603
libtpu: 0.0.44.dev20260713+nightly
codegen_flags: <defaults>
</compile_context>

<pallas_src>
import functools

import jax
import jax.numpy as jnp
from jax import lax
from jax.experimental import pallas as pl
from jax.experimental.pallas import tpu as pltpu
from jax.experimental.pallas import tpu_sc as plsc

_B, _N = 64, 8192
_NC, _NS, _L = 2, 16, 16
_RG, _CG = 8, 4
_RPW = _B // _RG
_CPW = _N // _CG
_CHUNKS = 4
_CC = _CPW // _CHUNKS
_VPR = _CC // _L


def _sc_body(x_hbm, out_hbm, xin_v, xout_v, insem0, insem1, outsem0, outsem1):
    insems = (insem0, insem1)
    outsems = (outsem0, outsem1)
    wid = lax.axis_index("s") * _NC + lax.axis_index("c")
    rg = wid // _CG
    cg = wid - rg * _CG
    r0 = rg * _RPW
    c0 = cg * _CPW

    iot = lax.iota(jnp.int32, _L)
    off = iot & 3
    blk = iot - off
    dnums = lax.GatherDimensionNumbers(
        offset_dims=(), collapsed_slice_dims=(0,), start_index_map=(0,))

    def shuf(v, r):
        noff = (off + r) & 3
        return lax.gather(v, (blk | noff)[:, None], dnums, (1,),
                          mode=lax.GatherScatterMode.PROMISE_IN_BOUNDS)

    zero = jnp.float32(0)

    def in_copy(k, buf):
        return pltpu.async_copy(
            x_hbm.at[pl.ds(r0, _RPW), pl.ds(c0 + k * _CC, _CC)],
            xin_v.at[buf], insems[buf])

    def out_copy(k, buf):
        return pltpu.async_copy(
            xout_v.at[buf],
            out_hbm.at[pl.ds(r0, _RPW), pl.ds(c0 + k * _CC, _CC)],
            outsems[buf])

    h_in = [None, None]
    h_out = [None, None]
    h_in[0] = in_copy(0, 0)
    h_in[1] = in_copy(1, 1)
    for k in range(_CHUNKS):
        buf = k & 1
        h_in[buf].wait()
        if k >= 2:
            h_out[buf].wait()

        @plsc.parallel_loop(0, _VPR, 1, unroll=2)
        def step(i):
            c = i * _L
            for row in range(_RPW):
                v = xin_v[buf, row, pl.ds(c, _L)]
                r2 = shuf(v, 2)
                p = jnp.maximum(v, r2)
                m = jnp.minimum(v, r2)
                q = shuf(p, 1)
                n = shuf(m, 1)
                t2 = jnp.maximum(jnp.minimum(p, q), jnp.maximum(m, n))
                xout_v[buf, row, pl.ds(c, _L)] = jnp.where(v >= t2, v, zero)
        h_out[buf] = out_copy(k, buf)
        if k + 2 < _CHUNKS:
            h_in[buf] = in_copy(k + 2, buf)
    h_out[0].wait()
    h_out[1].wait()


def _sc_half(x):
    mesh = plsc.VectorSubcoreMesh(core_axis_name="c", subcore_axis_name="s")
    fn = functools.partial(
        pl.kernel,
        mesh=mesh,
        out_type=jax.ShapeDtypeStruct((_B, _N), jnp.float32),
        scratch_types=[
            pltpu.VMEM((2, _RPW, _CC), jnp.float32),
            pltpu.VMEM((2, _RPW, _CC), jnp.float32),
            pltpu.SemaphoreType.DMA,
            pltpu.SemaphoreType.DMA,
            pltpu.SemaphoreType.DMA,
            pltpu.SemaphoreType.DMA,
        ],
        compiler_params=pltpu.CompilerParams(use_tc_tiling_on_sc=True),
    )(_sc_body)
    return fn(x)


@jax.jit
def kernel(x):
    return _sc_half(x)

# --- scband reference (transcript-rebuilt; emitter-appended) ---
"""Pipeline reference for scband-block-top-k-78357383348740 (READ-ONLY COPY).

The authoritative reference and input builder live on the scoring server;
editing this copy changes nothing except your own understanding.
"""

import jax, jax.numpy as jnp
import numpy as np


def setup_inputs(seed: int = 0) -> dict:
    key = jax.random.key(seed)
    x = jax.random.normal(key, (64, 8192), dtype=jnp.float32)
    return {"x": x}


def reference(x):
    # torch.ops.sparse_op.blocktopk(x, k=2, block_size=4, block_dim=1):
    # split dim 1 into contiguous blocks of size 4, keep the top-2 entries
    # (by value) within each block, zero out the rest.
    k = 2
    block_size = 4
    B, N = x.shape
    nb = N // block_size
    blocks = x.reshape(B, nb, block_size)
    # indices of the top-k entries within each block
    _, idx = jax.lax.top_k(blocks, k)  # [B, nb, k]
    # build binary keep-mask via one-hot scatter over the block dimension
    mask = jnp.sum(jax.nn.one_hot(idx, block_size, dtype=blocks.dtype), axis=-2)  # [B, nb, block_size]
    out = blocks * mask
    return out.reshape(B, N)

if __name__ == "__main__":
    import jax
    _d = setup_inputs()
    print(jax.jit(kernel)(*tuple(_d.values())))

</pallas_src>

<mosaic_0001>
#map = affine_map<(d0, d1) -> (0, 0)>
module attributes {stable_mosaic.version = 14 : i64} {
  func.func @_sc_body(%arg0: i32, %arg1: i32, %arg2: memref<64x8192xf32, #tpu.memory_space<hbm>>, %arg3: memref<64x8192xf32, #tpu.memory_space<hbm>>, %arg4: memref<2x8x512xf32, #tpu.memory_space<vmem>>, %arg5: memref<2x8x512xf32, #tpu.memory_space<vmem>>, %arg6: memref<!tpu.dma_semaphore, #tpu.memory_space<semaphore_mem>>, %arg7: memref<!tpu.dma_semaphore, #tpu.memory_space<semaphore_mem>>, %arg8: memref<!tpu.dma_semaphore, #tpu.memory_space<semaphore_mem>>, %arg9: memref<!tpu.dma_semaphore, #tpu.memory_space<semaphore_mem>>) attributes {dimension_semantics = [#tpu.dimension_semantics<core_parallel>, #tpu.dimension_semantics<subcore_parallel>], iteration_bounds = array<i64: 2, 16>, scalar_prefetch = 0 : i64, scratch_operands = 6 : i64, tpu.core_type = #tpu.core_type<sc_vector_subcore>, window_params = [{transform_indices = #map}, {transform_indices = #map}]} {
    %mul3A = arith.constant 2 : i32
    %mul3A_0 = arith.muli %arg1, %mul3A : i32
    %add3A = arith.addi %mul3A_0, %arg0 : i32
    %jit3A = arith.constant 4 : i32
    %div3A = arith.divsi %add3A, %jit3A : i32
    %sign3A = arith.constant 0 : i32
    %sign3A_1 = arith.cmpi sgt, %add3A, %sign3A : i32
    %sign3A_2 = arith.extui %sign3A_1 : i1 to i32
    %sign3A_3 = arith.constant 0 : i32
    %sign3A_4 = arith.cmpi slt, %add3A, %sign3A_3 : i32
    %sign3A_5 = arith.extui %sign3A_4 : i1 to i32
    %sign3A_6 = arith.subi %sign3A_2, %sign3A_5 : i32
    %sign3A_7 = arith.constant 0 : i32
    %sign3A_8 = arith.cmpi sgt, %jit3A, %sign3A_7 : i32
    %sign3A_9 = arith.extui %sign3A_8 : i1 to i32
    %sign3A_10 = arith.constant 0 : i32
    %sign3A_11 = arith.cmpi slt, %jit3A, %sign3A_10 : i32
    %sign3A_12 = arith.extui %sign3A_11 : i1 to i32
    %sign3A_13 = arith.subi %sign3A_9, %sign3A_12 : i32
    %ne3A = arith.cmpi ne, %sign3A_6, %sign3A_13 : i32
    %rem3A = arith.remsi %add3A, %jit3A : i32
    %ne3A_14 = arith.constant 0 : i32
    %ne3A_15 = arith.cmpi ne, %rem3A, %ne3A_14 : i32
    %and3A = arith.andi %ne3A, %ne3A_15 : i1
    %sub3A = arith.constant 1 : i32
    %sub3A_16 = arith.subi %div3A, %sub3A : i32
    %select_n3A = arith.select %and3A, %sub3A_16, %div3A : i32
    %mul3A_17 = arith.constant 4 : i32
    %mul3A_18 = arith.muli %select_n3A, %mul3A_17 : i32
    %sub3A_19 = arith.subi %add3A, %mul3A_18 : i32
    %mul3A_20 = arith.constant 8 : i32
    %mul3A_21 = arith.muli %select_n3A, %mul3A_20 : i32
    %mul3A_22 = arith.constant 2048 : i32
    %mul3A_23 = arith.muli %sub3A_19, %mul3A_22 : i32
    %iota3A = tpu.iota {dimensions = array<i32: 0>} : vector<16xi32>
    %and3A_24 = arith.constant 3 : i32
    %and3A_25 = vector.broadcast %and3A_24 : i32 to vector<16xi32>
    %and3A_26 = arith.andi %iota3A, %and3A_25 : vector<16xi32>
    %sub3A_27 = arith.subi %iota3A, %and3A_26 : vector<16xi32>
    %add3A_28 = arith.constant 0 : i32
    %add3A_29 = arith.addi %mul3A_23, %add3A_28 : i32
    %dma_start3A = arith.constant 0 : i32
    %dma_start3A_30 = arith.constant 0 : i32
    %dma_start3A_31 = arith.constant 0 : i32
    %dma_start3A_32 = tpu.memref_slice %arg4[%dma_start3A, %dma_start3A_30, %dma_start3A_31] : memref<2x8x512xf32, #tpu.memory_space<vmem>> -> memref<1x8x512xf32, #tpu.memory_space<vmem>>
    %dma_start3A_33 = tpu.memref_squeeze %dma_start3A_32 : memref<1x8x512xf32, #tpu.memory_space<vmem>> -> memref<8x512xf32, #tpu.memory_space<vmem>>
    %dma_start3A_34 = tpu.memref_slice %arg2[%mul3A_21, %add3A_29] : memref<64x8192xf32, #tpu.memory_space<hbm>> -> memref<8x512xf32, #tpu.memory_space<hbm>>
    %dma_start3A_35 = arith.constant 0 : i32
    %dma_start3A_36 = arith.constant 0 : i32
    %dma_start3A_37 = tpu.memref_slice %arg4[%dma_start3A, %dma_start3A_35, %dma_start3A_36] : memref<2x8x512xf32, #tpu.memory_space<vmem>> -> memref<1x8x512xf32, #tpu.memory_space<vmem>>
    %dma_start3A_38 = tpu.memref_squeeze %dma_start3A_37 : memref<1x8x512xf32, #tpu.memory_space<vmem>> -> memref<8x512xf32, #tpu.memory_space<vmem>>
    %dma_start3A_39 = tpu.memref_slice %arg2[%mul3A_21, %add3A_29] : memref<64x8192xf32, #tpu.memory_space<hbm>> -> memref<8x512xf32, #tpu.memory_space<hbm>>
    tpu.enqueue_dma source(%dma_start3A_39 : memref<8x512xf32, #tpu.memory_space<hbm>>) target(%dma_start3A_38 : memref<8x512xf32, #tpu.memory_space<vmem>>) target_semaphore(%arg6 : memref<!tpu.dma_semaphore, #tpu.memory_space<semaphore_mem>>)
    %add3A_40 = arith.constant 512 : i32
    %add3A_41 = arith.addi %mul3A_23, %add3A_40 : i32
    %dma_start3A_42 = arith.constant 1 : i32
    %dma_start3A_43 = arith.constant 0 : i32
    %dma_start3A_44 = arith.constant 0 : i32
    %dma_start3A_45 = tpu.memref_slice %arg4[%dma_start3A_42, %dma_start3A_43, %dma_start3A_44] : memref<2x8x512xf32, #tpu.memory_space<vmem>> -> memref<1x8x512xf32, #tpu.memory_space<vmem>>
    %dma_start3A_46 = tpu.memref_squeeze %dma_start3A_45 : memref<1x8x512xf32, #tpu.memory_space<vmem>> -> memref<8x512xf32, #tpu.memory_space<vmem>>
    %dma_start3A_47 = tpu.memref_slice %arg2[%mul3A_21, %add3A_41] : memref<64x8192xf32, #tpu.memory_space<hbm>> -> memref<8x512xf32, #tpu.memory_space<hbm>>
    %dma_start3A_48 = arith.constant 0 : i32
    %dma_start3A_49 = arith.constant 0 : i32
    %dma_start3A_50 = tpu.memref_slice %arg4[%dma_start3A_42, %dma_start3A_48, %dma_start3A_49] : memref<2x8x512xf32, #tpu.memory_space<vmem>> -> memref<1x8x512xf32, #tpu.memory_space<vmem>>
    %dma_start3A_51 = tpu.memref_squeeze %dma_start3A_50 : memref<1x8x512xf32, #tpu.memory_space<vmem>> -> memref<8x512xf32, #tpu.memory_space<vmem>>
    %dma_start3A_52 = tpu.memref_slice %arg2[%mul3A_21, %add3A_41] : memref<64x8192xf32, #tpu.memory_space<hbm>> -> memref<8x512xf32, #tpu.memory_space<hbm>>
    tpu.enqueue_dma source(%dma_start3A_52 : memref<8x512xf32, #tpu.memory_space<hbm>>) target(%dma_start3A_51 : memref<8x512xf32, #tpu.memory_space<vmem>>) target_semaphore(%arg7 : memref<!tpu.dma_semaphore, #tpu.memory_space<semaphore_mem>>)
    %dma_wait3A = arith.constant 0 : i32
    %dma_wait3A_53 = arith.constant 0 : i32
    %dma_wait3A_54 = arith.constant 0 : i32
    %dma_wait3A_55 = tpu.memref_slice %arg4[%dma_wait3A, %dma_wait3A_53, %dma_wait3A_54] : memref<2x8x512xf32, #tpu.memory_space<vmem>> -> memref<1x8x512xf32, #tpu.memory_space<vmem>>
    %dma_wait3A_56 = tpu.memref_squeeze %dma_wait3A_55 : memref<1x8x512xf32, #tpu.memory_space<vmem>> -> memref<8x512xf32, #tpu.memory_space<vmem>>
    %dma_wait3A_57 = tpu.memref_slice %arg2[%mul3A_21, %add3A_29] : memref<64x8192xf32, #tpu.memory_space<hbm>> -> memref<8x512xf32, #tpu.memory_space<hbm>>
    %dma_wait3A_58 = arith.constant 0 : i32
    %dma_wait3A_59 = arith.constant 0 : i32
    %dma_wait3A_60 = tpu.memref_slice %arg4[%dma_wait3A, %dma_wait3A_58, %dma_wait3A_59] : memref<2x8x512xf32, #tpu.memory_space<vmem>> -> memref<1x8x512xf32, #tpu.memory_space<vmem>>
    %dma_wait3A_61 = tpu.memref_squeeze %dma_wait3A_60 : memref<1x8x512xf32, #tpu.memory_space<vmem>> -> memref<8x512xf32, #tpu.memory_space<vmem>>
    %dma_wait3A_62 = tpu.memref_slice %arg2[%mul3A_21, %add3A_29] : memref<64x8192xf32, #tpu.memory_space<hbm>> -> memref<8x512xf32, #tpu.memory_space<hbm>>
    tpu.wait_dma2 semaphore(%arg6 : memref<!tpu.dma_semaphore, #tpu.memory_space<semaphore_mem>>) src(%dma_wait3A_62 : memref<8x512xf32, #tpu.memory_space<hbm>>) dst(%dma_wait3A_61 : memref<8x512xf32, #tpu.memory_space<vmem>>)
    %parallel_loop3A = arith.constant 0 : i32
    %parallel_loop3A_63 = arith.constant 32 : i32
    %parallel_loop3A_64 = arith.constant 1 : i32
    %parallel_loop3A_65 = arith.constant 0.000000e+00 : f32
    scf.for %parallel_loop3A_233 = %parallel_loop3A to %parallel_loop3A_63 step %parallel_loop3A_64  : i32 {
      %parallel_loop3A_234 = arith.constant 16 : i32
      %parallel_loop3A_235 = arith.muli %parallel_loop3A_233, %parallel_loop3A_234 : i32
      %parallel_loop3A_236 = arith.constant 0 : i32
      %parallel_loop3A_237 = arith.constant 0 : i32
      %parallel_loop3A_238 = arith.index_cast %parallel_loop3A_236 : i32 to index
      %parallel_loop3A_239 = arith.index_cast %parallel_loop3A_237 : i32 to index
      %parallel_loop3A_240 = arith.index_cast %parallel_loop3A_235 : i32 to index
      %parallel_loop3A_241 = tpu.vector_load %arg4[%parallel_loop3A_238, %parallel_loop3A_239, %parallel_loop3A_240] {strides = array<i32>} : memref<2x8x512xf32, #tpu.memory_space<vmem>>, vector<1x1x16xf32>,
      %parallel_loop3A_242 = vector.shape_cast %parallel_loop3A_241 : vector<1x1x16xf32> to vector<16xf32>
      %parallel_loop3A_243 = arith.constant 2 : i32
      %parallel_loop3A_244 = vector.broadcast %parallel_loop3A_243 : i32 to vector<16xi32>
      %parallel_loop3A_245 = arith.addi %and3A_26, %parallel_loop3A_244 : vector<16xi32>
      %parallel_loop3A_246 = arith.constant 3 : i32
      %parallel_loop3A_247 = vector.broadcast %parallel_loop3A_246 : i32 to vector<16xi32>
      %parallel_loop3A_248 = arith.andi %parallel_loop3A_245, %parallel_loop3A_247 : vector<16xi32>
      %parallel_loop3A_249 = arith.ori %sub3A_27, %parallel_loop3A_248 : vector<16xi32>
      %parallel_loop3A_250 = vector.shape_cast %parallel_loop3A_249 : vector<16xi32> to vector<16x1xi32>
      %parallel_loop3A_251 = vector.shape_cast %parallel_loop3A_250 : vector<16x1xi32> to vector<16xi32>
      %parallel_loop3A_252 = tpu.dynamic_gather %parallel_loop3A_242[%parallel_loop3A_251] in [0] : vector<16xf32>, vector<16xi32> -> vector<16xf32>
      %parallel_loop3A_253 = arith.maximumf %parallel_loop3A_242, %parallel_loop3A_252 : vector<16xf32>
      %parallel_loop3A_254 = arith.minimumf %parallel_loop3A_242, %parallel_loop3A_252 : vector<16xf32>
      %parallel_loop3A_255 = arith.constant 1 : i32
      %parallel_loop3A_256 = vector.broadcast %parallel_loop3A_255 : i32 to vector<16xi32>
      %parallel_loop3A_257 = arith.addi %and3A_26, %parallel_loop3A_256 : vector<16xi32>
      %parallel_loop3A_258 = arith.constant 3 : i32
      %parallel_loop3A_259 = vector.broadcast %parallel_loop3A_258 : i32 to vector<16xi32>
      %parallel_loop3A_260 = arith.andi %parallel_loop3A_257, %parallel_loop3A_259 : vector<16xi32>
      %parallel_loop3A_261 = arith.ori %sub3A_27, %parallel_loop3A_260 : vector<16xi32>
      %parallel_loop3A_262 = vector.shape_cast %parallel_loop3A_261 : vector<16xi32> to vector<16x1xi32>
      %parallel_loop3A_263 = vector.shape_cast %parallel_loop3A_262 : vector<16x1xi32> to vector<16xi32>
      %parallel_loop3A_264 = tpu.dynamic_gather %parallel_loop3A_253[%parallel_loop3A_263] in [0] : vector<16xf32>, vector<16xi32> -> vector<16xf32>
      %parallel_loop3A_265 = arith.constant 1 : i32
      %parallel_loop3A_266 = vector.broadcast %parallel_loop3A_265 : i32 to vector<16xi32>
      %parallel_loop3A_267 = arith.addi %and3A_26, %parallel_loop3A_266 : vector<16xi32>
      %parallel_loop3A_268 = arith.constant 3 : i32
      %parallel_loop3A_269 = vector.broadcast %parallel_loop3A_268 : i32 to vector<16xi32>
      %parallel_loop3A_270 = arith.andi %parallel_loop3A_267, %parallel_loop3A_269 : vector<16xi32>
      %parallel_loop3A_271 = arith.ori %sub3A_27, %parallel_loop3A_270 : vector<16xi32>
      %parallel_loop3A_272 = vector.shape_cast %parallel_loop3A_271 : vector<16xi32> to vector<16x1xi32>
      %parallel_loop3A_273 = vector.shape_cast %parallel_loop3A_272 : vector<16x1xi32> to vector<16xi32>
      %parallel_loop3A_274 = tpu.dynamic_gather %parallel_loop3A_254[%parallel_loop3A_273] in [0] : vector<16xf32>, vector<16xi32> -> vector<16xf32>
      %parallel_loop3A_275 = arith.minimumf %parallel_loop3A_253, %parallel_loop3A_264 : vector<16xf32>
      %parallel_loop3A_276 = arith.maximumf %parallel_loop3A_254, %parallel_loop3A_274 : vector<16xf32>
      %parallel_loop3A_277 = arith.maximumf %parallel_loop3A_275, %parallel_loop3A_276 : vector<16xf32>
      %parallel_loop3A_278 = arith.cmpf oge, %parallel_loop3A_242, %parallel_loop3A_277 : vector<16xf32>
      %parallel_loop3A_279 = vector.broadcast %parallel_loop3A_65 : f32 to vector<16xf32>
      %parallel_loop3A_280 = arith.select %parallel_loop3A_278, %parallel_loop3A_242, %parallel_loop3A_279 : vector<16xi1>, vector<16xf32>
      %parallel_loop3A_281 = arith.constant 0 : i32
      %parallel_loop3A_282 = arith.constant 0 : i32
      %parallel_loop3A_283 = arith.index_cast %parallel_loop3A_281 : i32 to index
      %parallel_loop3A_284 = arith.index_cast %parallel_loop3A_282 : i32 to index
      %parallel_loop3A_285 = arith.index_cast %parallel_loop3A_235 : i32 to index
      %parallel_loop3A_286 = tpu.vector_load %arg5[%parallel_loop3A_283, %parallel_loop3A_284, %parallel_loop3A_285] {strides = array<i32>} : memref<2x8x512xf32, #tpu.memory_space<vmem>>, vector<1x1x16xf32>,
      %parallel_loop3A_287 = vector.shape_cast %parallel_loop3A_286 : vector<1x1x16xf32> to vector<16xf32>
      %parallel_loop3A_288 = vector.shape_cast %parallel_loop3A_280 : vector<16xf32> to vector<1x1x16xf32>
      tpu.vector_store %arg5[%parallel_loop3A_283, %parallel_loop3A_284, %parallel_loop3A_285], %parallel_loop3A_288 {strides = array<i32>} : memref<2x8x512xf32, #tpu.memory_space<vmem>>, vector<1x1x16xf32>,
      %parallel_loop3A_289 = arith.constant 0 : i32
      %parallel_loop3A_290 = arith.constant 1 : i32
      %parallel_loop3A_291 = arith.index_cast %parallel_loop3A_289 : i32 to index
      %parallel_loop3A_292 = arith.index_cast %parallel_loop3A_290 : i32 to index
      %parallel_loop3A_293 = arith.index_cast %parallel_loop3A_235 : i32 to index
      %parallel_loop3A_294 = tpu.vector_load %arg4[%parallel_loop3A_291, %parallel_loop3A_292, %parallel_loop3A_293] {strides = array<i32>} : memref<2x8x512xf32, #tpu.memory_space<vmem>>, vector<1x1x16xf32>,
      %parallel_loop3A_295 = vector.shape_cast %parallel_loop3A_294 : vector<1x1x16xf32> to vector<16xf32>
      %parallel_loop3A_296 = arith.constant 2 : i32
      %parallel_loop3A_297 = vector.broadcast %parallel_loop3A_296 : i32 to vector<16xi32>
      %parallel_loop3A_298 = arith.addi %and3A_26, %parallel_loop3A_297 : vector<16xi32>
      %parallel_loop3A_299 = arith.constant 3 : i32
      %parallel_loop3A_300 = vector.broadcast %parallel_loop3A_299 : i32 to vector<16xi32>
      %parallel_loop3A_301 = arith.andi %parallel_loop3A_298, %parallel_loop3A_300 : vector<16xi32>
      %parallel_loop3A_302 = arith.ori %sub3A_27, %parallel_loop3A_301 : vector<16xi32>
      %parallel_loop3A_303 = vector.shape_cast %parallel_loop3A_302 : vector<16xi32> to vector<16x1xi32>
      %parallel_loop3A_304 = vector.shape_cast %parallel_loop3A_303 : vector<16x1xi32> to vector<16xi32>
      %parallel_loop3A_305 = tpu.dynamic_gather %parallel_loop3A_295[%parallel_loop3A_304] in [0] : vector<16xf32>, vector<16xi32> -> vector<16xf32>
      %parallel_loop3A_306 = arith.maximumf %parallel_loop3A_295, %parallel_loop3A_305 : vector<16xf32>
      %parallel_loop3A_307 = arith.minimumf %parallel_loop3A_295, %parallel_loop3A_305 : vector<16xf32>
      %parallel_loop3A_308 = arith.constant 1 : i32
      %parallel_loop3A_309 = vector.broadcast %parallel_loop3A_308 : i32 to vector<16xi32>
      %parallel_loop3A_310 = arith.addi %and3A_26, %parallel_loop3A_309 : vector<16xi32>
      %parallel_loop3A_311 = arith.constant 3 : i32
      %parallel_loop3A_312 = vector.broadcast %parallel_loop3A_311 : i32 to vector<16xi32>
      %parallel_loop3A_313 = arith.andi %parallel_loop3A_310, %parallel_loop3A_312 : vector<16xi32>
      %parallel_loop3A_314 = arith.ori %sub3A_27, %parallel_loop3A_313 : vector<16xi32>
      %parallel_loop3A_315 = vector.shape_cast %parallel_loop3A_314 : vector<16xi32> to vector<16x1xi32>
      %parallel_loop3A_316 = vector.shape_cast %parallel_loop3A_315 : vector<16x1xi32> to vector<16xi32>
      %parallel_loop3A_317 = tpu.dynamic_gather %parallel_loop3A_306[%parallel_loop3A_316] in [0] : vector<16xf32>, vector<16xi32> -> vector<16xf32>
      %parallel_loop3A_318 = arith.constant 1 : i32
      %parallel_loop3A_319 = vector.broadcast %parallel_loop3A_318 : i32 to vector<16xi32>
      %parallel_loop3A_320 = arith.addi %and3A_26, %parallel_loop3A_319 : vector<16xi32>
      %parallel_loop3A_321 = arith.constant 3 : i32
      %parallel_loop3A_322 = vector.broadcast %parallel_loop3A_321 : i32 to vector<16xi32>
      %parallel_loop3A_323 = arith.andi %parallel_loop3A_320, %parallel_loop3A_322 : vector<16xi32>
      %parallel_loop3A_324 = arith.ori %sub3A_27, %parallel_loop3A_323 : vector<16xi32>
      %parallel_loop3A_325 = vector.shape_cast %parallel_loop3A_324 : vector<16xi32> to vector<16x1xi32>
      %parallel_loop3A_326 = vector.shape_cast %parallel_loop3A_325 : vector<16x1xi32> to vector<16xi32>
      %parallel_loop3A_327 = tpu.dynamic_gather %parallel_loop3A_307[%parallel_loop3A_326] in [0] : vector<16xf32>, vector<16xi32> -> vector<16xf32>
      %parallel_loop3A_328 = arith.minimumf %parallel_loop3A_306, %parallel_loop3A_317 : vector<16xf32>
      %parallel_loop3A_329 = arith.maximumf %parallel_loop3A_307, %parallel_loop3A_327 : vector<16xf32>
      %parallel_loop3A_330 = arith.maximumf %parallel_loop3A_328, %parallel_loop3A_329 : vector<16xf32>
      %parallel_loop3A_331 = arith.cmpf oge, %parallel_loop3A_295, %parallel_loop3A_330 : vector<16xf32>
      %parallel_loop3A_332 = vector.broadcast %parallel_loop3A_65 : f32 to vector<16xf32>
      %parallel_loop3A_333 = arith.select %parallel_loop3A_331, %parallel_loop3A_295, %parallel_loop3A_332 : vector<16xi1>, vector<16xf32>
      %parallel_loop3A_334 = arith.constant 0 : i32
      %parallel_loop3A_335 = arith.constant 1 : i32
      %parallel_loop3A_336 = arith.index_cast %parallel_loop3A_334 : i32 to index
      %parallel_loop3A_337 = arith.index_cast %parallel_loop3A_335 : i32 to index
      %parallel_loop3A_338 = arith.index_cast %parallel_loop3A_235 : i32 to index
      %parallel_loop3A_339 = tpu.vector_load %arg5[%parallel_loop3A_336, %parallel_loop3A_337, %parallel_loop3A_338] {strides = array<i32>} : memref<2x8x512xf32, #tpu.memory_space<vmem>>, vector<1x1x16xf32>,
      %parallel_loop3A_340 = vector.shape_cast %parallel_loop3A_339 : vector<1x1x16xf32> to vector<16xf32>
      %parallel_loop3A_341 = vector.shape_cast %parallel_loop3A_333 : vector<16xf32> to vector<1x1x16xf32>
      tpu.vector_store %arg5[%parallel_loop3A_336, %parallel_loop3A_337, %parallel_loop3A_338], %parallel_loop3A_341 {strides = array<i32>} : memref<2x8x512xf32, #tpu.memory_space<vmem>>, vector<1x1x16xf32>,
      %parallel_loop3A_342 = arith.constant 0 : i32
      %parallel_loop3A_343 = arith.constant 2 : i32
      %parallel_loop3A_344 = arith.index_cast %parallel_loop3A_342 : i32 to index
      %parallel_loop3A_345 = arith.index_cast %parallel_loop3A_343 : i32 to index
      %parallel_loop3A_346 = arith.index_cast %parallel_loop3A_235 : i32 to index
      %parallel_loop3A_347 = tpu.vector_load %arg4[%parallel_loop3A_344, %parallel_loop3A_345, %parallel_loop3A_346] {strides = array<i32>} : memref<2x8x512xf32, #tpu.memory_space<vmem>>, vector<1x1x16xf32>,
      %parallel_loop3A_348 = vector.shape_cast %parallel_loop3A_347 : vector<1x1x16xf32> to vector<16xf32>
      %parallel_loop3A_349 = arith.constant 2 : i32
      %parallel_loop3A_350 = vector.broadcast %parallel_loop3A_349 : i32 to vector<16xi32>
      %parallel_loop3A_351 = arith.addi %and3A_26, %parallel_loop3A_350 : vector<16xi32>
      %parallel_loop3A_352 = arith.constant 3 : i32
      %parallel_loop3A_353 = vector.broadcast %parallel_loop3A_352 : i32 to vector<16xi32>
      %parallel_loop3A_354 = arith.andi %parallel_loop3A_351, %parallel_loop3A_353 : vector<16xi32>
      %parallel_loop3A_355 = arith.ori %sub3A_27, %parallel_loop3A_354 : vector<16xi32>
      %parallel_loop3A_356 = vector.shape_cast %parallel_loop3A_355 : vector<16xi32> to vector<16x1xi32>
      %parallel_loop3A_357 = vector.shape_cast %parallel_loop3A_356 : vector<16x1xi32> to vector<16xi32>
      %parallel_loop3A_358 = tpu.dynamic_gather %parallel_loop3A_348[%parallel_loop3A_357] in [0] : vector<16xf32>, vector<16xi32> -> vector<16xf32>
      %parallel_loop3A_359 = arith.maximumf %parallel_loop3A_348, %parallel_loop3A_358 : vector<16xf32>
      %parallel_loop3A_360 = arith.minimumf %parallel_loop3A_348, %parallel_loop3A_358 : vector<16xf32>
      %parallel_loop3A_361 = arith.constant 1 : i32
      %parallel_loop3A_362 = vector.broadcast %parallel_loop3A_361 : i32 to vector<16xi32>
      %parallel_loop3A_363 = arith.addi %and3A_26, %parallel_loop3A_362 : vector<16xi32>
      %parallel_loop3A_364 = arith.constant 3 : i32
      %parallel_loop3A_365 = vector.broadcast %parallel_loop3A_364 : i32 to vector<16xi32>
      %parallel_loop3A_366 = arith.andi %parallel_loop3A_363, %parallel_loop3A_365 : vector<16xi32>
      %parallel_loop3A_367 = arith.ori %sub3A_27, %parallel_loop3A_366 : vector<16xi32>
      %parallel_loop3A_368 = vector.shape_cast %parallel_loop3A_367 : vector<16xi32> to vector<16x1xi32>
      %parallel_loop3A_369 = vector.shape_cast %parallel_loop3A_368 : vector<16x1xi32> to vector<16xi32>
      %parallel_loop3A_370 = tpu.dynamic_gather %parallel_loop3A_359[%parallel_loop3A_369] in [0] : vector<16xf32>, vector<16xi32> -> vector<16xf32>
      %parallel_loop3A_371 = arith.constant 1 : i32
      %parallel_loop3A_372 = vector.broadcast %parallel_loop3A_371 : i32 to vector<16xi32>
      %parallel_loop3A_373 = arith.addi %and3A_26, %parallel_loop3A_372 : vector<16xi32>
      %parallel_loop3A_374 = arith.constant 3 : i32
      %parallel_loop3A_375 = vector.broadcast %parallel_loop3A_374 : i32 to vector<16xi32>
      %parallel_loop3A_376 = arith.andi %parallel_loop3A_373, %parallel_loop3A_375 : vector<16xi32>
      %parallel_loop3A_377 = arith.ori %sub3A_27, %parallel_loop3A_376 : vector<16xi32>
      %parallel_loop3A_378 = vector.shape_cast %parallel_loop3A_377 : vector<16xi32> to vector<16x1xi32>
      %parallel_loop3A_379 = vector.shape_cast %parallel_loop3A_378 : vector<16x1xi32> to vector<16xi32>
      %parallel_loop3A_380 = tpu.dynamic_gather %parallel_loop3A_360[%parallel_loop3A_379] in [0] : vector<16xf32>, vector<16xi32> -> vector<16xf32>
      %parallel_loop3A_381 = arith.minimumf %parallel_loop3A_359, %parallel_loop3A_370 : vector<16xf32>
      %parallel_loop3A_382 = arith.maximumf %parallel_loop3A_360, %parallel_loop3A_380 : vector<16xf32>
      %parallel_loop3A_383 = arith.maximumf %parallel_loop3A_381, %parallel_loop3A_382 : vector<16xf32>
      %parallel_loop3A_384 = arith.cmpf oge, %parallel_loop3A_348, %parallel_loop3A_383 : vector<16xf32>
      %parallel_loop3A_385 = vector.broadcast %parallel_loop3A_65 : f32 to vector<16xf32>
      %parallel_loop3A_386 = arith.select %parallel_loop3A_384, %parallel_loop3A_348, %parallel_loop3A_385 : vector<16xi1>, vector<16xf32>
      %parallel_loop3A_387 = arith.constant 0 : i32
      %parallel_loop3A_388 = arith.constant 2 : i32
      %parallel_loop3A_389 = arith.index_cast %parallel_loop3A_387 : i32 to index
      %parallel_loop3A_390 = arith.index_cast %parallel_loop3A_388 : i32 to index
      %parallel_loop3A_391 = arith.index_cast %parallel_loop3A_235 : i32 to index
      %parallel_loop3A_392 = tpu.vector_load %arg5[%parallel_loop3A_389, %parallel_loop3A_390, %parallel_loop3A_391] {strides = array<i32>} : memref<2x8x512xf32, #tpu.memory_space<vmem>>, vector<1x1x16xf32>,
      %parallel_loop3A_393 = vector.shape_cast %parallel_loop3A_392 : vector<1x1x16xf32> to vector<16xf32>
      %parallel_loop3A_394 = vector.shape_cast %parallel_loop3A_386 : vector<16xf32> to vector<1x1x16xf32>
      tpu.vector_store %arg5[%parallel_loop3A_389, %parallel_loop3A_390, %parallel_loop3A_391], %parallel_loop3A_394 {strides = array<i32>} : memref<2x8x512xf32, #tpu.memory_space<vmem>>, vector<1x1x16xf32>,
      %parallel_loop3A_395 = arith.constant 0 : i32
      %parallel_loop3A_396 = arith.constant 3 : i32
      %parallel_loop3A_397 = arith.index_cast %parallel_loop3A_395 : i32 to index
      %parallel_loop3A_398 = arith.index_cast %parallel_loop3A_396 : i32 to index
      %parallel_loop3A_399 = arith.index_cast %parallel_loop3A_235 : i32 to index
      %parallel_loop3A_400 = tpu.vector_load %arg4[%parallel_loop3A_397, %parallel_loop3A_398, %parallel_loop3A_399] {strides = array<i32>} : memref<2x8x512xf32, #tpu.memory_space<vmem>>, vector<1x1x16xf32>,
      %parallel_loop3A_401 = vector.shape_cast %parallel_loop3A_400 : vector<1x1x16xf32> to vector<16xf32>
      %parallel_loop3A_402 = arith.constant 2 : i32
      %parallel_loop3A_403 = vector.broadcast %parallel_loop3A_402 : i32 to vector<16xi32>
      %parallel_loop3A_404 = arith.addi %and3A_26, %parallel_loop3A_403 : vector<16xi32>
      %parallel_loop3A_405 = arith.constant 3 : i32
      %parallel_loop3A_406 = vector.broadcast %parallel_loop3A_405 : i32 to vector<16xi32>
      %parallel_loop3A_407 = arith.andi %parallel_loop3A_404, %parallel_loop3A_406 : vector<16xi32>
      %parallel_loop3A_408 = arith.ori %sub3A_27, %parallel_loop3A_407 : vector<16xi32>
      %parallel_loop3A_409 = vector.shape_cast %parallel_loop3A_408 : vector<16xi32> to vector<16x1xi32>
      %parallel_loop3A_410 = vector.shape_cast %parallel_loop3A_409 : vector<16x1xi32> to vector<16xi32>
      %parallel_loop3A_411 = tpu.dynamic_gather %parallel_loop3A_401[%parallel_loop3A_410] in [0] : vector<16xf32>, vector<16xi32> -> vector<16xf32>
      %parallel_loop3A_412 = arith.maximumf %parallel_loop3A_401, %parallel_loop3A_411 : vector<16xf32>
      %parallel_loop3A_413 = arith.minimumf %parallel_loop3A_401, %parallel_loop3A_411 : vector<16xf32>
      %parallel_loop3A_414 = arith.constant 1 : i32
      %parallel_loop3A_415 = vector.broadcast %parallel_loop3A_414 : i32 to vector<16xi32>
      %parallel_loop3A_416 = arith.addi %and3A_26, %parallel_loop3A_415 : vector<16xi32>
      %parallel_loop3A_417 = arith.constant 3 : i32
      %parallel_loop3A_418 = vector.broadcast %parallel_loop3A_417 : i32 to vector<16xi32>
      %parallel_loop3A_419 = arith.andi %parallel_loop3A_416, %parallel_loop3A_418 : vector<16xi32>
      %parallel_loop3A_420 = arith.ori %sub3A_27, %parallel_loop3A_419 : vector<16xi32>
      %parallel_loop3A_421 = vector.shape_cast %parallel_loop3A_420 : vector<16xi32> to vector<16x1xi32>
      %parallel_loop3A_422 = vector.shape_cast %parallel_loop3A_421 : vector<16x1xi32> to vector<16xi32>
      %parallel_loop3A_423 = tpu.dynamic_gather %parallel_loop3A_412[%parallel_loop3A_422] in [0] : vector<16xf32>, vector<16xi32> -> vector<16xf32>
      %parallel_loop3A_424 = arith.constant 1 : i32
      %parallel_loop3A_425 = vector.broadcast %parallel_loop3A_424 : i32 to vector<16xi32>
      %parallel_loop3A_426 = arith.addi %and3A_26, %parallel_loop3A_425 : vector<16xi32>
      %parallel_loop3A_427 = arith.constant 3 : i32
      %parallel_loop3A_428 = vector.broadcast %parallel_loop3A_427 : i32 to vector<16xi32>
      %parallel_loop3A_429 = arith.andi %parallel_loop3A_426, %parallel_loop3A_428 : vector<16xi32>
      %parallel_loop3A_430 = arith.ori %sub3A_27, %parallel_loop3A_429 : vector<16xi32>
      %parallel_loop3A_431 = vector.shape_cast %parallel_loop3A_430 : vector<16xi32> to vector<16x1xi32>
      %parallel_loop3A_432 = vector.shape_cast %parallel_loop3A_431 : vector<16x1xi32> to vector<16xi32>
      %parallel_loop3A_433 = tpu.dynamic_gather %parallel_loop3A_413[%parallel_loop3A_432] in [0] : vector<16xf32>, vector<16xi32> -> vector<16xf32>
      %parallel_loop3A_434 = arith.minimumf %parallel_loop3A_412, %parallel_loop3A_423 : vector<16xf32>
      %parallel_loop3A_435 = arith.maximumf %parallel_loop3A_413, %parallel_loop3A_433 : vector<16xf32>
      %parallel_loop3A_436 = arith.maximumf %parallel_loop3A_434, %parallel_loop3A_435 : vector<16xf32>
      %parallel_loop3A_437 = arith.cmpf oge, %parallel_loop3A_401, %parallel_loop3A_436 : vector<16xf32>
      %parallel_loop3A_438 = vector.broadcast %parallel_loop3A_65 : f32 to vector<16xf32>
      %parallel_loop3A_439 = arith.select %parallel_loop3A_437, %parallel_loop3A_401, %parallel_loop3A_438 : vector<16xi1>, vector<16xf32>
      %parallel_loop3A_440 = arith.constant 0 : i32
      %parallel_loop3A_441 = arith.constant 3 : i32
      %parallel_loop3A_442 = arith.index_cast %parallel_loop3A_440 : i32 to index
      %parallel_loop3A_443 = arith.index_cast %parallel_loop3A_441 : i32 to index
      %parallel_loop3A_444 = arith.index_cast %parallel_loop3A_235 : i32 to index
      %parallel_loop3A_445 = tpu.vector_load %arg5[%parallel_loop3A_442, %parallel_loop3A_443, %parallel_loop3A_444] {strides = array<i32>} : memref<2x8x512xf32, #tpu.memory_space<vmem>>, vector<1x1x16xf32>,
      %parallel_loop3A_446 = vector.shape_cast %parallel_loop3A_445 : vector<1x1x16xf32> to vector<16xf32>
      %parallel_loop3A_447 = vector.shape_cast %parallel_loop3A_439 : vector<16xf32> to vector<1x1x16xf32>
      tpu.vector_store %arg5[%parallel_loop3A_442, %parallel_loop3A_443, %parallel_loop3A_444], %parallel_loop3A_447 {strides = array<i32>} : memref<2x8x512xf32, #tpu.memory_space<vmem>>, vector<1x1x16xf32>,
      %parallel_loop3A_448 = arith.constant 0 : i32
      %parallel_loop3A_449 = arith.constant 4 : i32
      %parallel_loop3A_450 = arith.index_cast %parallel_loop3A_448 : i32 to index
      %parallel_loop3A_451 = arith.index_cast %parallel_loop3A_449 : i32 to index
      %parallel_loop3A_452 = arith.index_cast %parallel_loop3A_235 : i32 to index
      %parallel_loop3A_453 = tpu.vector_load %arg4[%parallel_loop3A_450, %parallel_loop3A_451, %parallel_loop3A_452] {strides = array<i32>} : memref<2x8x512xf32, #tpu.memory_space<vmem>>, vector<1x1x16xf32>,
      %parallel_loop3A_454 = vector.shape_cast %parallel_loop3A_453 : vector<1x1x16xf32> to vector<16xf32>
      %parallel_loop3A_455 = arith.constant 2 : i32
      %parallel_loop3A_456 = vector.broadcast %parallel_loop3A_455 : i32 to vector<16xi32>
      %parallel_loop3A_457 = arith.addi %and3A_26, %parallel_loop3A_456 : vector<16xi32>
      %parallel_loop3A_458 = arith.constant 3 : i32
      %parallel_loop3A_459 = vector.broadcast %parallel_loop3A_458 : i32 to vector<16xi32>
      %parallel_loop3A_460 = arith.andi %parallel_loop3A_457, %parallel_loop3A_459 : vector<16xi32>
      %parallel_loop3A_461 = arith.ori %sub3A_27, %parallel_loop3A_460 : vector<16xi32>
      %parallel_loop3A_462 = vector.shape_cast %parallel_loop3A_461 : vector<16xi32> to vector<16x1xi32>
      %parallel_loop3A_463 = vector.shape_cast %parallel_loop3A_462 : vector<16x1xi32> to vector<16xi32>
      %parallel_loop3A_464 = tpu.dynamic_gather %parallel_loop3A_454[%parallel_loop3A_463] in [0] : vector<16xf32>, vector<16xi32> -> vector<16xf32>
      %parallel_loop3A_465 = arith.maximumf %parallel_loop3A_454, %parallel_loop3A_464 : vector<16xf32>
      %parallel_loop3A_466 = arith.minimumf %parallel_loop3A_454, %parallel_loop3A_464 : vector<16xf32>
      %parallel_loop3A_467 = arith.constant 1 : i32
      %parallel_loop3A_468 = vector.broadcast %parallel_loop3A_467 : i32 to vector<16xi32>
      %parallel_loop3A_469 = arith.addi %and3A_26, %parallel_loop3A_468 : vector<16xi32>
      %parallel_loop3A_470 = arith.constant 3 : i32
      %parallel_loop3A_471 = vector.broadcast %parallel_loop3A_470 : i32 to vector<16xi32>
      %parallel_loop3A_472 = arith.andi %parallel_loop3A_469, %parallel_loop3A_471 : vector<16xi32>
      %parallel_loop3A_473 = arith.ori %sub3A_27, %parallel_loop3A_472 : vector<16xi32>
      %parallel_loop3A_474 = vector.shape_cast %parallel_loop3A_473 : vector<16xi32> to vector<16x1xi32>
      %parallel_loop3A_475 = vector.shape_cast %parallel_loop3A_474 : vector<16x1xi32> to vector<16xi32>
      %parallel_loop3A_476 = tpu.dynamic_gather %parallel_loop3A_465[%parallel_loop3A_475] in [0] : vector<16xf32>, vector<16xi32> -> vector<16xf32>
      %parallel_loop3A_477 = arith.constant 1 : i32
      %parallel_loop3A_478 = vector.broadcast %parallel_loop3A_477 : i32 to vector<16xi32>
      %parallel_loop3A_479 = arith.addi %and3A_26, %parallel_loop3A_478 : vector<16xi32>
      %parallel_loop3A_480 = arith.constant 3 : i32
      %parallel_loop3A_481 = vector.broadcast %parallel_loop3A_480 : i32 to vector<16xi32>
      %parallel_loop3A_482 = arith.andi %parallel_loop3A_479, %parallel_loop3A_481 : vector<16xi32>
      %parallel_loop3A_483 = arith.ori %sub3A_27, %parallel_loop3A_482 : vector<16xi32>
      %parallel_loop3A_484 = vector.shape_cast %parallel_loop3A_483 : vector<16xi32> to vector<16x1xi32>
      %parallel_loop3A_485 = vector.shape_cast %parallel_loop3A_484 : vector<16x1xi32> to vector<16xi32>
      %parallel_loop3A_486 = tpu.dynamic_gather %parallel_loop3A_466[%parallel_loop3A_485] in [0] : vector<16xf32>, vector<16xi32> -> vector<16xf32>
      %parallel_loop3A_487 = arith.minimumf %parallel_loop3A_465, %parallel_loop3A_476 : vector<16xf32>
      %parallel_loop3A_488 = arith.maximumf %parallel_loop3A_466, %parallel_loop3A_486 : vector<16xf32>
      %parallel_loop3A_489 = arith.maximumf %parallel_loop3A_487, %parallel_loop3A_488 : vector<16xf32>
      %parallel_loop3A_490 = arith.cmpf oge, %parallel_loop3A_454, %parallel_loop3A_489 : vector<16xf32>
      %parallel_loop3A_491 = vector.broadcast %parallel_loop3A_65 : f32 to vector<16xf32>
      %parallel_loop3A_492 = arith.select %parallel_loop3A_490, %parallel_loop3A_454, %parallel_loop3A_491 : vector<16xi1>, vector<16xf32>
      %parallel_loop3A_493 = arith.constant 0 : i32
      %parallel_loop3A_494 = arith.constant 4 : i32
      %parallel_loop3A_495 = arith.index_cast %parallel_loop3A_493 : i32 to index
      %parallel_loop3A_496 = arith.index_cast %parallel_loop3A_494 : i32 to index
      %parallel_loop3A_497 = arith.index_cast %parallel_loop3A_235 : i32 to index
      %parallel_loop3A_498 = tpu.vector_load %arg5[%parallel_loop3A_495, %parallel_loop3A_496, %parallel_loop3A_497] {strides = array<i32>} : memref<2x8x512xf32, #tpu.memory_space<vmem>>, vector<1x1x16xf32>,
      %parallel_loop3A_499 = vector.shape_cast %parallel_loop3A_498 : vector<1x1x16xf32> to vector<16xf32>
      %parallel_loop3A_500 = vector.shape_cast %parallel_loop3A_492 : vector<16xf32> to vector<1x1x16xf32>
      tpu.vector_store %arg5[%parallel_loop3A_495, %parallel_loop3A_496, %parallel_loop3A_497], %parallel_loop3A_500 {strides = array<i32>} : memref<2x8x512xf32, #tpu.memory_space<vmem>>, vector<1x1x16xf32>,
      %parallel_loop3A_501 = arith.constant 0 : i32
      %parallel_loop3A_502 = arith.constant 5 : i32
      %parallel_loop3A_503 = arith.index_cast %parallel_loop3A_501 : i32 to index
      %parallel_loop3A_504 = arith.index_cast %parallel_loop3A_502 : i32 to index
      %parallel_loop3A_505 = arith.index_cast %parallel_loop3A_235 : i32 to index
      %parallel_loop3A_506 = tpu.vector_load %arg4[%parallel_loop3A_503, %parallel_loop3A_504, %parallel_loop3A_505] {strides = array<i32>} : memref<2x8x512xf32, #tpu.memory_space<vmem>>, vector<1x1x16xf32>,
      %parallel_loop3A_507 = vector.shape_cast %parallel_loop3A_506 : vector<1x1x16xf32> to vector<16xf32>
      %parallel_loop3A_508 = arith.constant 2 : i32
      %parallel_loop3A_509 = vector.broadcast %parallel_loop3A_508 : i32 to vector<16xi32>
      %parallel_loop3A_510 = arith.addi %and3A_26, %parallel_loop3A_509 : vector<16xi32>
      %parallel_loop3A_511 = arith.constant 3 : i32
      %parallel_loop3A_512 = vector.broadcast %parallel_loop3A_511 : i32 to vector<16xi32>
      %parallel_loop3A_513 = arith.andi %parallel_loop3A_510, %parallel_loop3A_512 : vector<16xi32>
      %parallel_loop3A_514 = arith.ori %sub3A_27, %parallel_loop3A_513 : vector<16xi32>
      %parallel_loop3A_515 = vector.shape_cast %parallel_loop3A_514 : vector<16xi32> to vector<16x1xi32>
      %parallel_loop3A_516 = vector.shape_cast %parallel_loop3A_515 : vector<16x1xi32> to vector<16xi32>
      %parallel_loop3A_517 = tpu.dynamic_gather %parallel_loop3A_507[%parallel_loop3A_516] in [0] : vector<16xf32>, vector<16xi32> -> vector<16xf32>
      %parallel_loop3A_518 = arith.maximumf %parallel_loop3A_507, %parallel_loop3A_517 : vector<16xf32>
      %parallel_loop3A_519 = arith.minimumf %parallel_loop3A_507, %parallel_loop3A_517 : vector<16xf32>
      %parallel_loop3A_520 = arith.constant 1 : i32
      %parallel_loop3A_521 = vector.broadcast %parallel_loop3A_520 : i32 to vector<16xi32>
      %parallel_loop3A_522 = arith.addi %and3A_26, %parallel_loop3A_521 : vector<16xi32>
      %parallel_loop3A_523 = arith.constant 3 : i32
      %parallel_loop3A_524 = vector.broadcast %parallel_loop3A_523 : i32 to vector<16xi32>
      %parallel_loop3A_525 = arith.andi %parallel_loop3A_522, %parallel_loop3A_524 : vector<16xi32>
      %parallel_loop3A_526 = arith.ori %sub3A_27, %parallel_loop3A_525 : vector<16xi32>
      %parallel_loop3A_527 = vector.shape_cast %parallel_loop3A_526 : vector<16xi32> to vector<16x1xi32>
      %parallel_loop3A_528 = vector.shape_cast %parallel_loop3A_527 : vector<16x1xi32> to vector<16xi32>
      %parallel_loop3A_529 = tpu.dynamic_gather %parallel_loop3A_518[%parallel_loop3A_528] in [0] : vector<16xf32>, vector<16xi32> -> vector<16xf32>
      %parallel_loop3A_530 = arith.constant 1 : i32
      %parallel_loop3A_531 = vector.broadcast %parallel_loop3A_530 : i32 to vector<16xi32>
      %parallel_loop3A_532 = arith.addi %and3A_26, %parallel_loop3A_531 : vector<16xi32>
      %parallel_loop3A_533 = arith.constant 3 : i32
      %parallel_loop3A_534 = vector.broadcast %parallel_loop3A_533 : i32 to vector<16xi32>
      %parallel_loop3A_535 = arith.andi %parallel_loop3A_532, %parallel_loop3A_534 : vector<16xi32>
      %parallel_loop3A_536 = arith.ori %sub3A_27, %parallel_loop3A_535 : vector<16xi32>
      %parallel_loop3A_537 = vector.shape_cast %parallel_loop3A_536 : vector<16xi32> to vector<16x1xi32>
      %parallel_loop3A_538 = vector.shape_cast %parallel_loop3A_537 : vector<16x1xi32> to vector<16xi32>
      %parallel_loop3A_539 = tpu.dynamic_gather %parallel_loop3A_519[%parallel_loop3A_538] in [0] : vector<16xf32>, vector<16xi32> -> vector<16xf32>
      %parallel_loop3A_540 = arith.minimumf %parallel_loop3A_518, %parallel_loop3A_529 : vector<16xf32>
      %parallel_loop3A_541 = arith.maximumf %parallel_loop3A_519, %parallel_loop3A_539 : vector<16xf32>
      %parallel_loop3A_542 = arith.maximumf %parallel_loop3A_540, %parallel_loop3A_541 : vector<16xf32>
      %parallel_loop3A_543 = arith.cmpf oge, %parallel_loop3A_507, %parallel_loop3A_542 : vector<16xf32>
      %parallel_loop3A_544 = vector.broadcast %parallel_loop3A_65 : f32 to vector<16xf32>
      %parallel_loop3A_545 = arith.select %parallel_loop3A_543, %parallel_loop3A_507, %parallel_loop3A_544 : vector<16xi1>, vector<16xf32>
      %parallel_loop3A_546 = arith.constant 0 : i32
      %parallel_loop3A_547 = arith.constant 5 : i32
      %parallel_loop3A_548 = arith.index_cast %parallel_loop3A_546 : i32 to index
      %parallel_loop3A_549 = arith.index_cast %parallel_loop3A_547 : i32 to index
      %parallel_loop3A_550 = arith.index_cast %parallel_loop3A_235 : i32 to index
      %parallel_loop3A_551 = tpu.vector_load %arg5[%parallel_loop3A_548, %parallel_loop3A_549, %parallel_loop3A_550] {strides = array<i32>} : memref<2x8x512xf32, #tpu.memory_space<vmem>>, vector<1x1x16xf32>,
      %parallel_loop3A_552 = vector.shape_cast %parallel_loop3A_551 : vector<1x1x16xf32> to vector<16xf32>
      %parallel_loop3A_553 = vector.shape_cast %parallel_loop3A_545 : vector<16xf32> to vector<1x1x16xf32>
      tpu.vector_store %arg5[%parallel_loop3A_548, %parallel_loop3A_549, %parallel_loop3A_550], %parallel_loop3A_553 {strides = array<i32>} : memref<2x8x512xf32, #tpu.memory_space<vmem>>, vector<1x1x16xf32>,
      %parallel_loop3A_554 = arith.constant 0 : i32
      %parallel_loop3A_555 = arith.constant 6 : i32
      %parallel_loop3A_556 = arith.index_cast %parallel_loop3A_554 : i32 to index
      %parallel_loop3A_557 = arith.index_cast %parallel_loop3A_555 : i32 to index
      %parallel_loop3A_558 = arith.index_cast %parallel_loop3A_235 : i32 to index
      %parallel_loop3A_559 = tpu.vector_load %arg4[%parallel_loop3A_556, %parallel_loop3A_557, %parallel_loop3A_558] {strides = array<i32>} : memref<2x8x512xf32, #tpu.memory_space<vmem>>, vector<1x1x16xf32>,
      %parallel_loop3A_560 = vector.shape_cast %parallel_loop3A_559 : vector<1x1x16xf32> to vector<16xf32>
      %parallel_loop3A_561 = arith.constant 2 : i32
      %parallel_loop3A_562 = vector.broadcast %parallel_loop3A_561 : i32 to vector<16xi32>
      %parallel_loop3A_563 = arith.addi %and3A_26, %parallel_loop3A_562 : vector<16xi32>
      %parallel_loop3A_564 = arith.constant 3 : i32
      %parallel_loop3A_565 = vector.broadcast %parallel_loop3A_564 : i32 to vector<16xi32>
      %parallel_loop3A_566 = arith.andi %parallel_loop3A_563, %parallel_loop3A_565 : vector<16xi32>
      %parallel_loop3A_567 = arith.ori %sub3A_27, %parallel_loop3A_566 : vector<16xi32>
      %parallel_loop3A_568 = vector.shape_cast %parallel_loop3A_567 : vector<16xi32> to vector<16x1xi32>
      %parallel_loop3A_569 = vector.shape_cast %parallel_loop3A_568 : vector<16x1xi32> to vector<16xi32>
      %parallel_loop3A_570 = tpu.dynamic_gather %parallel_loop3A_560[%parallel_loop3A_569] in [0] : vector<16xf32>, vector<16xi32> -> vector<16xf32>
      %parallel_loop3A_571 = arith.maximumf %parallel_loop3A_560, %parallel_loop3A_570 : vector<16xf32>
      %parallel_loop3A_572 = arith.minimumf %parallel_loop3A_560, %parallel_loop3A_570 : vector<16xf32>
      %parallel_loop3A_573 = arith.constant 1 : i32
      %parallel_loop3A_574 = vector.broadcast %parallel_loop3A_573 : i32 to vector<16xi32>
      %parallel_loop3A_575 = arith.addi %and3A_26, %parallel_loop3A_574 : vector<16xi32>
      %parallel_loop3A_576 = arith.constant 3 : i32
      %parallel_loop3A_577 = vector.broadcast %parallel_loop3A_576 : i32 to vector<16xi32>
      %parallel_loop3A_578 = arith.andi %parallel_loop3A_575, %parallel_loop3A_577 : vector<16xi32>
      %parallel_loop3A_579 = arith.ori %sub3A_27, %parallel_loop3A_578 : vector<16xi32>
      %parallel_loop3A_580 = vector.shape_cast %parallel_loop3A_579 : vector<16xi32> to vector<16x1xi32>
      %parallel_loop3A_581 = vector.shape_cast %parallel_loop3A_580 : vector<16x1xi32> to vector<16xi32>
      %parallel_loop3A_582 = tpu.dynamic_gather %parallel_loop3A_571[%parallel_loop3A_581] in [0] : vector<16xf32>, vector<16xi32> -> vector<16xf32>
      %parallel_loop3A_583 = arith.constant 1 : i32
      %parallel_loop3A_584 = vector.broadcast %parallel_loop3A_583 : i32 to vector<16xi32>
      %parallel_loop3A_585 = arith.addi %and3A_26, %parallel_loop3A_584 : vector<16xi32>
      %parallel_loop3A_586 = arith.constant 3 : i32
      %parallel_loop3A_587 = vector.broadcast %parallel_loop3A_586 : i32 to vector<16xi32>
      %parallel_loop3A_588 = arith.andi %parallel_loop3A_585, %parallel_loop3A_587 : vector<16xi32>
      %parallel_loop3A_589 = arith.ori %sub3A_27, %parallel_loop3A_588 : vector<16xi32>
      %parallel_loop3A_590 = vector.shape_cast %parallel_loop3A_589 : vector<16xi32> to vector<16x1xi32>
      %parallel_loop3A_591 = vector.shape_cast %parallel_loop3A_590 : vector<16x1xi32> to vector<16xi32>
      %parallel_loop3A_592 = tpu.dynamic_gather %parallel_loop3A_572[%parallel_loop3A_591] in [0] : vector<16xf32>, vector<16xi32> -> vector<16xf32>
      %parallel_loop3A_593 = arith.minimumf %parallel_loop3A_571, %parallel_loop3A_582 : vector<16xf32>
      %parallel_loop3A_594 = arith.maximumf %parallel_loop3A_572, %parallel_loop3A_592 : vector<16xf32>
      %parallel_loop3A_595 = arith.maximumf %parallel_loop3A_593, %parallel_loop3A_594 : vector<16xf32>
      %parallel_loop3A_596 = arith.cmpf oge, %parallel_loop3A_560, %parallel_loop3A_595 : vector<16xf32>
      %parallel_loop3A_597 = vector.broadcast %parallel_loop3A_65 : f32 to vector<16xf32>
      %parallel_loop3A_598 = arith.select %parallel_loop3A_596, %parallel_loop3A_560, %parallel_loop3A_597 : vector<16xi1>, vector<16xf32>
      %parallel_loop3A_599 = arith.constant 0 : i32
      %parallel_loop3A_600 = arith.constant 6 : i32
      %parallel_loop3A_601 = arith.index_cast %parallel_loop3A_599 : i32 to index
      %parallel_loop3A_602 = arith.index_cast %parallel_loop3A_600 : i32 to index
      %parallel_loop3A_603 = arith.index_cast %parallel_loop3A_235 : i32 to index
      %parallel_loop3A_604 = tpu.vector_load %arg5[%parallel_loop3A_601, %parallel_loop3A_602, %parallel_loop3A_603] {strides = array<i32>} : memref<2x8x512xf32, #tpu.memory_space<vmem>>, vector<1x1x16xf32>,
      %parallel_loop3A_605 = vector.shape_cast %parallel_loop3A_604 : vector<1x1x16xf32> to vector<16xf32>
      %parallel_loop3A_606 = vector.shape_cast %parallel_loop3A_598 : vector<16xf32> to vector<1x1x16xf32>
      tpu.vector_store %arg5[%parallel_loop3A_601, %parallel_loop3A_602, %parallel_loop3A_603], %parallel_loop3A_606 {strides = array<i32>} : memref<2x8x512xf32, #tpu.memory_space<vmem>>, vector<1x1x16xf32>,
      %parallel_loop3A_607 = arith.constant 0 : i32
      %parallel_loop3A_608 = arith.constant 7 : i32
      %parallel_loop3A_609 = arith.index_cast %parallel_loop3A_607 : i32 to index
      %parallel_loop3A_610 = arith.index_cast %parallel_loop3A_608 : i32 to index
      %parallel_loop3A_611 = arith.index_cast %parallel_loop3A_235 : i32 to index
      %parallel_loop3A_612 = tpu.vector_load %arg4[%parallel_loop3A_609, %parallel_loop3A_610, %parallel_loop3A_611] {strides = array<i32>} : memref<2x8x512xf32, #tpu.memory_space<vmem>>, vector<1x1x16xf32>,
      %parallel_loop3A_613 = vector.shape_cast %parallel_loop3A_612 : vector<1x1x16xf32> to vector<16xf32>
      %parallel_loop3A_614 = arith.constant 2 : i32
      %parallel_loop3A_615 = vector.broadcast %parallel_loop3A_614 : i32 to vector<16xi32>
      %parallel_loop3A_616 = arith.addi %and3A_26, %parallel_loop3A_615 : vector<16xi32>
      %parallel_loop3A_617 = arith.constant 3 : i32
      %parallel_loop3A_618 = vector.broadcast %parallel_loop3A_617 : i32 to vector<16xi32>
      %parallel_loop3A_619 = arith.andi %parallel_loop3A_616, %parallel_loop3A_618 : vector<16xi32>
      %parallel_loop3A_620 = arith.ori %sub3A_27, %parallel_loop3A_619 : vector<16xi32>
      %parallel_loop3A_621 = vector.shape_cast %parallel_loop3A_620 : vector<16xi32> to vector<16x1xi32>
      %parallel_loop3A_622 = vector.shape_cast %parallel_loop3A_621 : vector<16x1xi32> to vector<16xi32>
      %parallel_loop3A_623 = tpu.dynamic_gather %parallel_loop3A_613[%parallel_loop3A_622] in [0] : vector<16xf32>, vector<16xi32> -> vector<16xf32>
      %parallel_loop3A_624 = arith.maximumf %parallel_loop3A_613, %parallel_loop3A_623 : vector<16xf32>
      %parallel_loop3A_625 = arith.minimumf %parallel_loop3A_613, %parallel_loop3A_623 : vector<16xf32>
      %parallel_loop3A_626 = arith.constant 1 : i32
      %parallel_loop3A_627 = vector.broadcast %parallel_loop3A_626 : i32 to vector<16xi32>
      %parallel_loop3A_628 = arith.addi %and3A_26, %parallel_loop3A_627 : vector<16xi32>
      %parallel_loop3A_629 = arith.constant 3 : i32
      %parallel_loop3A_630 = vector.broadcast %parallel_loop3A_629 : i32 to vector<16xi32>
      %parallel_loop3A_631 = arith.andi %parallel_loop3A_628, %parallel_loop3A_630 : vector<16xi32>
      %parallel_loop3A_632 = arith.ori %sub3A_27, %parallel_loop3A_631 : vector<16xi32>
      %parallel_loop3A_633 = vector.shape_cast %parallel_loop3A_632 : vector<16xi32> to vector<16x1xi32>
      %parallel_loop3A_634 = vector.shape_cast %parallel_loop3A_633 : vector<16x1xi32> to vector<16xi32>
      %parallel_loop3A_635 = tpu.dynamic_gather %parallel_loop3A_624[%parallel_loop3A_634] in [0] : vector<16xf32>, vector<16xi32> -> vector<16xf32>
      %parallel_loop3A_636 = arith.constant 1 : i32
      %parallel_loop3A_637 = vector.broadcast %parallel_loop3A_636 : i32 to vector<16xi32>
      %parallel_loop3A_638 = arith.addi %and3A_26, %parallel_loop3A_637 : vector<16xi32>
      %parallel_loop3A_639 = arith.constant 3 : i32
      %parallel_loop3A_640 = vector.broadcast %parallel_loop3A_639 : i32 to vector<16xi32>
      %parallel_loop3A_641 = arith.andi %parallel_loop3A_638, %parallel_loop3A_640 : vector<16xi32>
      %parallel_loop3A_642 = arith.ori %sub3A_27, %parallel_loop3A_641 : vector<16xi32>
      %parallel_loop3A_643 = vector.shape_cast %parallel_loop3A_642 : vector<16xi32> to vector<16x1xi32>
      %parallel_loop3A_644 = vector.shape_cast %parallel_loop3A_643 : vector<16x1xi32> to vector<16xi32>
      %parallel_loop3A_645 = tpu.dynamic_gather %parallel_loop3A_625[%parallel_loop3A_644] in [0] : vector<16xf32>, vector<16xi32> -> vector<16xf32>
      %parallel_loop3A_646 = arith.minimumf %parallel_loop3A_624, %parallel_loop3A_635 : vector<16xf32>
      %parallel_loop3A_647 = arith.maximumf %parallel_loop3A_625, %parallel_loop3A_645 : vector<16xf32>
      %parallel_loop3A_648 = arith.maximumf %parallel_loop3A_646, %parallel_loop3A_647 : vector<16xf32>
      %parallel_loop3A_649 = arith.cmpf oge, %parallel_loop3A_613, %parallel_loop3A_648 : vector<16xf32>
      %parallel_loop3A_650 = vector.broadcast %parallel_loop3A_65 : f32 to vector<16xf32>
      %parallel_loop3A_651 = arith.select %parallel_loop3A_649, %parallel_loop3A_613, %parallel_loop3A_650 : vector<16xi1>, vector<16xf32>
      %parallel_loop3A_652 = arith.constant 0 : i32
      %parallel_loop3A_653 = arith.constant 7 : i32
      %parallel_loop3A_654 = arith.index_cast %parallel_loop3A_652 : i32 to index
      %parallel_loop3A_655 = arith.index_cast %parallel_loop3A_653 : i32 to index
      %parallel_loop3A_656 = arith.index_cast %parallel_loop3A_235 : i32 to index
      %parallel_loop3A_657 = tpu.vector_load %arg5[%parallel_loop3A_654, %parallel_loop3A_655, %parallel_loop3A_656] {strides = array<i32>} : memref<2x8x512xf32, #tpu.memory_space<vmem>>, vector<1x1x16xf32>,
      %parallel_loop3A_658 = vector.shape_cast %parallel_loop3A_657 : vector<1x1x16xf32> to vector<16xf32>
      %parallel_loop3A_659 = vector.shape_cast %parallel_loop3A_651 : vector<16xf32> to vector<1x1x16xf32>
      tpu.vector_store %arg5[%parallel_loop3A_654, %parallel_loop3A_655, %parallel_loop3A_656], %parallel_loop3A_659 {strides = array<i32>} : memref<2x8x512xf32, #tpu.memory_space<vmem>>, vector<1x1x16xf32>,
    } {sc.loop_unroll_factor = 2 : i64, sc.parallel_access}
    %add3A_66 = arith.constant 0 : i32
    %add3A_67 = arith.addi %mul3A_23, %add3A_66 : i32
    %dma_start3A_68 = arith.constant 0 : i32
    %dma_start3A_69 = arith.constant 0 : i32
    %dma_start3A_70 = arith.constant 0 : i32
    %dma_start3A_71 = tpu.memref_slice %arg5[%dma_start3A_68, %dma_start3A_69, %dma_start3A_70] : memref<2x8x512xf32, #tpu.memory_space<vmem>> -> memref<1x8x512xf32, #tpu.memory_space<vmem>>
    %dma_start3A_72 = tpu.memref_squeeze %dma_start3A_71 : memref<1x8x512xf32, #tpu.memory_space<vmem>> -> memref<8x512xf32, #tpu.memory_space<vmem>>
    %dma_start3A_73 = tpu.memref_slice %arg3[%mul3A_21, %add3A_67] : memref<64x8192xf32, #tpu.memory_space<hbm>> -> memref<8x512xf32, #tpu.memory_space<hbm>>
    %dma_start3A_74 = tpu.memref_slice %arg3[%mul3A_21, %add3A_67] : memref<64x8192xf32, #tpu.memory_space<hbm>> -> memref<8x512xf32, #tpu.memory_space<hbm>>
    %dma_start3A_75 = arith.constant 0 : i32
    %dma_start3A_76 = arith.constant 0 : i32
    %dma_start3A_77 = tpu.memref_slice %arg5[%dma_start3A_68, %dma_start3A_75, %dma_start3A_76] : memref<2x8x512xf32, #tpu.memory_space<vmem>> -> memref<1x8x512xf32, #tpu.memory_space<vmem>>
    %dma_start3A_78 = tpu.memref_squeeze %dma_start3A_77 : memref<1x8x512xf32, #tpu.memory_space<vmem>> -> memref<8x512xf32, #tpu.memory_space<vmem>>
    tpu.enqueue_dma source(%dma_start3A_78 : memref<8x512xf32, #tpu.memory_space<vmem>>) target(%dma_start3A_74 : memref<8x512xf32, #tpu.memory_space<hbm>>) target_semaphore(%arg8 : memref<!tpu.dma_semaphore, #tpu.memory_space<semaphore_mem>>)
    %add3A_79 = arith.constant 1024 : i32
    %add3A_80 = arith.addi %mul3A_23, %add3A_79 : i32
    %dma_start3A_81 = arith.constant 0 : i32
    %dma_start3A_82 = arith.constant 0 : i32
    %dma_start3A_83 = arith.constant 0 : i32
    %dma_start3A_84 = tpu.memref_slice %arg4[%dma_start3A_81, %dma_start3A_82, %dma_start3A_83] : memref<2x8x512xf32, #tpu.memory_space<vmem>> -> memref<1x8x512xf32, #tpu.memory_space<vmem>>
    %dma_start3A_85 = tpu.memref_squeeze %dma_start3A_84 : memref<1x8x512xf32, #tpu.memory_space<vmem>> -> memref<8x512xf32, #tpu.memory_space<vmem>>
    %dma_start3A_86 = tpu.memref_slice %arg2[%mul3A_21, %add3A_80] : memref<64x8192xf32, #tpu.memory_space<hbm>> -> memref<8x512xf32, #tpu.memory_space<hbm>>
    %dma_start3A_87 = arith.constant 0 : i32
    %dma_start3A_88 = arith.constant 0 : i32
    %dma_start3A_89 = tpu.memref_slice %arg4[%dma_start3A_81, %dma_start3A_87, %dma_start3A_88] : memref<2x8x512xf32, #tpu.memory_space<vmem>> -> memref<1x8x512xf32, #tpu.memory_space<vmem>>
    %dma_start3A_90 = tpu.memref_squeeze %dma_start3A_89 : memref<1x8x512xf32, #tpu.memory_space<vmem>> -> memref<8x512xf32, #tpu.memory_space<vmem>>
    %dma_start3A_91 = tpu.memref_slice %arg2[%mul3A_21, %add3A_80] : memref<64x8192xf32, #tpu.memory_space<hbm>> -> memref<8x512xf32, #tpu.memory_space<hbm>>
    tpu.enqueue_dma source(%dma_start3A_91 : memref<8x512xf32, #tpu.memory_space<hbm>>) target(%dma_start3A_90 : memref<8x512xf32, #tpu.memory_space<vmem>>) target_semaphore(%arg6 : memref<!tpu.dma_semaphore, #tpu.memory_space<semaphore_mem>>)
    %dma_wait3A_92 = arith.constant 1 : i32
    %dma_wait3A_93 = arith.constant 0 : i32
    %dma_wait3A_94 = arith.constant 0 : i32
    %dma_wait3A_95 = tpu.memref_slice %arg4[%dma_wait3A_92, %dma_wait3A_93, %dma_wait3A_94] : memref<2x8x512xf32, #tpu.memory_space<vmem>> -> memref<1x8x512xf32, #tpu.memory_space<vmem>>
    %dma_wait3A_96 = tpu.memref_squeeze %dma_wait3A_95 : memref<1x8x512xf32, #tpu.memory_space<vmem>> -> memref<8x512xf32, #tpu.memory_space<vmem>>
    %dma_wait3A_97 = tpu.memref_slice %arg2[%mul3A_21, %add3A_41] : memref<64x8192xf32, #tpu.memory_space<hbm>> -> memref<8x512xf32, #tpu.memory_space<hbm>>
    %dma_wait3A_98 = arith.constant 0 : i32
    %dma_wait3A_99 = arith.constant 0 : i32
    %dma_wait3A_100 = tpu.memref_slice %arg4[%dma_wait3A_92, %dma_wait3A_98, %dma_wait3A_99] : memref<2x8x512xf32, #tpu.memory_space<vmem>> -> memref<1x8x512xf32, #tpu.memory_space<vmem>>
    %dma_wait3A_101 = tpu.memref_squeeze %dma_wait3A_100 : memref<1x8x512xf32, #tpu.memory_space<vmem>> -> memref<8x512xf32, #tpu.memory_space<vmem>>
    %dma_wait3A_102 = tpu.memref_slice %arg2[%mul3A_21, %add3A_41] : memref<64x8192xf32, #tpu.memory_space<hbm>> -> memref<8x512xf32, #tpu.memory_space<hbm>>
    tpu.wait_dma2 semaphore(%arg7 : memref<!tpu.dma_semaphore, #tpu.memory_space<semaphore_mem>>) src(%dma_wait3A_102 : memref<8x512xf32, #tpu.memory_space<hbm>>) dst(%dma_wait3A_101 : memref<8x512xf32, #tpu.memory_space<vmem>>)
    %parallel_loop3A_103 = arith.constant 0 : i32
    %parallel_loop3A_104 = arith.constant 32 : i32
    %parallel_loop3A_105 = arith.constant 1 : i32
    %parallel_loop3A_106 = arith.constant 0.000000e+00 : f32
    scf.for %parallel_loop3A_233 = %parallel_loop3A_103 to %parallel_loop3A_104 step %parallel_loop3A_105  : i32 {
      %parallel_loop3A_234 = arith.constant 16 : i32
      %parallel_loop3A_235 = arith.muli %parallel_loop3A_233, %parallel_loop3A_234 : i32
      %parallel_loop3A_236 = arith.constant 1 : i32
      %parallel_loop3A_237 = arith.constant 0 : i32
      %parallel_loop3A_238 = arith.index_cast %parallel_loop3A_236 : i32 to index
      %parallel_loop3A_239 = arith.index_cast %parallel_loop3A_237 : i32 to index
      %parallel_loop3A_240 = arith.index_cast %parallel_loop3A_235 : i32 to index
      %parallel_loop3A_241 = tpu.vector_load %arg4[%parallel_loop3A_238, %parallel_loop3A_239, %parallel_loop3A_240] {strides = array<i32>} : memref<2x8x512xf32, #tpu.memory_space<vmem>>, vector<1x1x16xf32>,
      %parallel_loop3A_242 = vector.shape_cast %parallel_loop3A_241 : vector<1x1x16xf32> to vector<16xf32>
      %parallel_loop3A_243 = arith.constant 2 : i32
      %parallel_loop3A_244 = vector.broadcast %parallel_loop3A_243 : i32 to vector<16xi32>
      %parallel_loop3A_245 = arith.addi %and3A_26, %parallel_loop3A_244 : vector<16xi32>
      %parallel_loop3A_246 = arith.constant 3 : i32
      %parallel_loop3A_247 = vector.broadcast %parallel_loop3A_246 : i32 to vector<16xi32>
      %parallel_loop3A_248 = arith.andi %parallel_loop3A_245, %parallel_loop3A_247 : vector<16xi32>
      %parallel_loop3A_249 = arith.ori %sub3A_27, %parallel_loop3A_248 : vector<16xi32>
      %parallel_loop3A_250 = vector.shape_cast %parallel_loop3A_249 : vector<16xi32> to vector<16x1xi32>
      %parallel_loop3A_251 = vector.shape_cast %parallel_loop3A_250 : vector<16x1xi32> to vector<16xi32>
      %parallel_loop3A_252 = tpu.dynamic_gather %parallel_loop3A_242[%parallel_loop3A_251] in [0] : vector<16xf32>, vector<16xi32> -> vector<16xf32>
      %parallel_loop3A_253 = arith.maximumf %parallel_loop3A_242, %parallel_loop3A_252 : vector<16xf32>
      %parallel_loop3A_254 = arith.minimumf %parallel_loop3A_242, %parallel_loop3A_252 : vector<16xf32>
      %parallel_loop3A_255 = arith.constant 1 : i32
      %parallel_loop3A_256 = vector.broadcast %parallel_loop3A_255 : i32 to vector<16xi32>
      %parallel_loop3A_257 = arith.addi %and3A_26, %parallel_loop3A_256 : vector<16xi32>
      %parallel_loop3A_258 = arith.constant 3 : i32
      %parallel_loop3A_259 = vector.broadcast %parallel_loop3A_258 : i32 to vector<16xi32>
      %parallel_loop3A_260 = arith.andi %parallel_loop3A_257, %parallel_loop3A_259 : vector<16xi32>
      %parallel_loop3A_261 = arith.ori %sub3A_27, %parallel_loop3A_260 : vector<16xi32>
      %parallel_loop3A_262 = vector.shape_cast %parallel_loop3A_261 : vector<16xi32> to vector<16x1xi32>
      %parallel_loop3A_263 = vector.shape_cast %parallel_loop3A_262 : vector<16x1xi32> to vector<16xi32>
      %parallel_loop3A_264 = tpu.dynamic_gather %parallel_loop3A_253[%parallel_loop3A_263] in [0] : vector<16xf32>, vector<16xi32> -> vector<16xf32>
      %parallel_loop3A_265 = arith.constant 1 : i32
      %parallel_loop3A_266 = vector.broadcast %parallel_loop3A_265 : i32 to vector<16xi32>
      %parallel_loop3A_267 = arith.addi %and3A_26, %parallel_loop3A_266 : vector<16xi32>
      %parallel_loop3A_268 = arith.constant 3 : i32
      %parallel_loop3A_269 = vector.broadcast %parallel_loop3A_268 : i32 to vector<16xi32>
      %parallel_loop3A_270 = arith.andi %parallel_loop3A_267, %parallel_loop3A_269 : vector<16xi32>
      %parallel_loop3A_271 = arith.ori %sub3A_27, %parallel_loop3A_270 : vector<16xi32>
      %parallel_loop3A_272 = vector.shape_cast %parallel_loop3A_271 : vector<16xi32> to vector<16x1xi32>
      %parallel_loop3A_273 = vector.shape_cast %parallel_loop3A_272 : vector<16x1xi32> to vector<16xi32>
      %parallel_loop3A_274 = tpu.dynamic_gather %parallel_loop3A_254[%parallel_loop3A_273] in [0] : vector<16xf32>, vector<16xi32> -> vector<16xf32>
      %parallel_loop3A_275 = arith.minimumf %parallel_loop3A_253, %parallel_loop3A_264 : vector<16xf32>
      %parallel_loop3A_276 = arith.maximumf %parallel_loop3A_254, %parallel_loop3A_274 : vector<16xf32>
      %parallel_loop3A_277 = arith.maximumf %parallel_loop3A_275, %parallel_loop3A_276 : vector<16xf32>
      %parallel_loop3A_278 = arith.cmpf oge, %parallel_loop3A_242, %parallel_loop3A_277 : vector<16xf32>
      %parallel_loop3A_279 = vector.broadcast %parallel_loop3A_106 : f32 to vector<16xf32>
      %parallel_loop3A_280 = arith.select %parallel_loop3A_278, %parallel_loop3A_242, %parallel_loop3A_279 : vector<16xi1>, vector<16xf32>
      %parallel_loop3A_281 = arith.constant 1 : i32
      %parallel_loop3A_282 = arith.constant 0 : i32
      %parallel_loop3A_283 = arith.index_cast %parallel_loop3A_281 : i32 to index
      %parallel_loop3A_284 = arith.index_cast %parallel_loop3A_282 : i32 to index
      %parallel_loop3A_285 = arith.index_cast %parallel_loop3A_235 : i32 to index
      %parallel_loop3A_286 = tpu.vector_load %arg5[%parallel_loop3A_283, %parallel_loop3A_284, %parallel_loop3A_285] {strides = array<i32>} : memref<2x8x512xf32, #tpu.memory_space<vmem>>, vector<1x1x16xf32>,
      %parallel_loop3A_287 = vector.shape_cast %parallel_loop3A_286 : vector<1x1x16xf32> to vector<16xf32>
      %parallel_loop3A_288 = vector.shape_cast %parallel_loop3A_280 : vector<16xf32> to vector<1x1x16xf32>
      tpu.vector_store %arg5[%parallel_loop3A_283, %parallel_loop3A_284, %parallel_loop3A_285], %parallel_loop3A_288 {strides = array<i32>} : memref<2x8x512xf32, #tpu.memory_space<vmem>>, vector<1x1x16xf32>,
      %parallel_loop3A_289 = arith.constant 1 : i32
      %parallel_loop3A_290 = arith.constant 1 : i32
      %parallel_loop3A_291 = arith.index_cast %parallel_loop3A_289 : i32 to index
      %parallel_loop3A_292 = arith.index_cast %parallel_loop3A_290 : i32 to index
      %parallel_loop3A_293 = arith.index_cast %parallel_loop3A_235 : i32 to index
      %parallel_loop3A_294 = tpu.vector_load %arg4[%parallel_loop3A_291, %parallel_loop3A_292, %parallel_loop3A_293] {strides = array<i32>} : memref<2x8x512xf32, #tpu.memory_space<vmem>>, vector<1x1x16xf32>,
      %parallel_loop3A_295 = vector.shape_cast %parallel_loop3A_294 : vector<1x1x16xf32> to vector<16xf32>
      %parallel_loop3A_296 = arith.constant 2 : i32
      %parallel_loop3A_297 = vector.broadcast %parallel_loop3A_296 : i32 to vector<16xi32>
      %parallel_loop3A_298 = arith.addi %and3A_26, %parallel_loop3A_297 : vector<16xi32>
      %parallel_loop3A_299 = arith.constant 3 : i32
      %parallel_loop3A_300 = vector.broadcast %parallel_loop3A_299 : i32 to vector<16xi32>
      %parallel_loop3A_301 = arith.andi %parallel_loop3A_298, %parallel_loop3A_300 : vector<16xi32>
      %parallel_loop3A_302 = arith.ori %sub3A_27, %parallel_loop3A_301 : vector<16xi32>
      %parallel_loop3A_303 = vector.shape_cast %parallel_loop3A_302 : vector<16xi32> to vector<16x1xi32>
      %parallel_loop3A_304 = vector.shape_cast %parallel_loop3A_303 : vector<16x1xi32> to vector<16xi32>
      %parallel_loop3A_305 = tpu.dynamic_gather %parallel_loop3A_295[%parallel_loop3A_304] in [0] : vector<16xf32>, vector<16xi32> -> vector<16xf32>
      %parallel_loop3A_306 = arith.maximumf %parallel_loop3A_295, %parallel_loop3A_305 : vector<16xf32>
      %parallel_loop3A_307 = arith.minimumf %parallel_loop3A_295, %parallel_loop3A_305 : vector<16xf32>
      %parallel_loop3A_308 = arith.constant 1 : i32
      %parallel_loop3A_309 = vector.broadcast %parallel_loop3A_308 : i32 to vector<16xi32>
      %parallel_loop3A_310 = arith.addi %and3A_26, %parallel_loop3A_309 : vector<16xi32>
      %parallel_loop3A_311 = arith.constant 3 : i32
      %parallel_loop3A_312 = vector.broadcast %parallel_loop3A_311 : i32 to vector<16xi32>
      %parallel_loop3A_313 = arith.andi %parallel_loop3A_310, %parallel_loop3A_312 : vector<16xi32>
      %parallel_loop3A_314 = arith.ori %sub3A_27, %parallel_loop3A_313 : vector<16xi32>
      %parallel_loop3A_315 = vector.shape_cast %parallel_loop3A_314 : vector<16xi32> to vector<16x1xi32>
      %parallel_loop3A_316 = vector.shape_cast %parallel_loop3A_315 : vector<16x1xi32> to vector<16xi32>
      %parallel_loop3A_317 = tpu.dynamic_gather %parallel_loop3A_306[%parallel_loop3A_316] in [0] : vector<16xf32>, vector<16xi32> -> vector<16xf32>
      %parallel_loop3A_318 = arith.constant 1 : i32
      %parallel_loop3A_319 = vector.broadcast %parallel_loop3A_318 : i32 to vector<16xi32>
      %parallel_loop3A_320 = arith.addi %and3A_26, %parallel_loop3A_319 : vector<16xi32>
      %parallel_loop3A_321 = arith.constant 3 : i32
      %parallel_loop3A_322 = vector.broadcast %parallel_loop3A_321 : i32 to vector<16xi32>
      %parallel_loop3A_323 = arith.andi %parallel_loop3A_320, %parallel_loop3A_322 : vector<16xi32>
      %parallel_loop3A_324 = arith.ori %sub3A_27, %parallel_loop3A_323 : vector<16xi32>
      %parallel_loop3A_325 = vector.shape_cast %parallel_loop3A_324 : vector<16xi32> to vector<16x1xi32>
      %parallel_loop3A_326 = vector.shape_cast %parallel_loop3A_325 : vector<16x1xi32> to vector<16xi32>
      %parallel_loop3A_327 = tpu.dynamic_gather %parallel_loop3A_307[%parallel_loop3A_326] in [0] : vector<16xf32>, vector<16xi32> -> vector<16xf32>
      %parallel_loop3A_328 = arith.minimumf %parallel_loop3A_306, %parallel_loop3A_317 : vector<16xf32>
      %parallel_loop3A_329 = arith.maximumf %parallel_loop3A_307, %parallel_loop3A_327 : vector<16xf32>
      %parallel_loop3A_330 = arith.maximumf %parallel_loop3A_328, %parallel_loop3A_329 : vector<16xf32>
      %parallel_loop3A_331 = arith.cmpf oge, %parallel_loop3A_295, %parallel_loop3A_330 : vector<16xf32>
      %parallel_loop3A_332 = vector.broadcast %parallel_loop3A_106 : f32 to vector<16xf32>
      %parallel_loop3A_333 = arith.select %parallel_loop3A_331, %parallel_loop3A_295, %parallel_loop3A_332 : vector<16xi1>, vector<16xf32>
      %parallel_loop3A_334 = arith.constant 1 : i32
      %parallel_loop3A_335 = arith.constant 1 : i32
      %parallel_loop3A_336 = arith.index_cast %parallel_loop3A_334 : i32 to index
      %parallel_loop3A_337 = arith.index_cast %parallel_loop3A_335 : i32 to index
      %parallel_loop3A_338 = arith.index_cast %parallel_loop3A_235 : i32 to index
      %parallel_loop3A_339 = tpu.vector_load %arg5[%parallel_loop3A_336, %parallel_loop3A_337, %parallel_loop3A_338] {strides = array<i32>} : memref<2x8x512xf32, #tpu.memory_space<vmem>>, vector<1x1x16xf32>,
      %parallel_loop3A_340 = vector.shape_cast %parallel_loop3A_339 : vector<1x1x16xf32> to vector<16xf32>
      %parallel_loop3A_341 = vector.shape_cast %parallel_loop3A_333 : vector<16xf32> to vector<1x1x16xf32>
      tpu.vector_store %arg5[%parallel_loop3A_336, %parallel_loop3A_337, %parallel_loop3A_338], %parallel_loop3A_341 {strides = array<i32>} : memref<2x8x512xf32, #tpu.memory_space<vmem>>, vector<1x1x16xf32>,
      %parallel_loop3A_342 = arith.constant 1 : i32
      %parallel_loop3A_343 = arith.constant 2 : i32
      %parallel_loop3A_344 = arith.index_cast %parallel_loop3A_342 : i32 to index
      %parallel_loop3A_345 = arith.index_cast %parallel_loop3A_343 : i32 to index
      %parallel_loop3A_346 = arith.index_cast %parallel_loop3A_235 : i32 to index
      %parallel_loop3A_347 = tpu.vector_load %arg4[%parallel_loop3A_344, %parallel_loop3A_345, %parallel_loop3A_346] {strides = array<i32>} : memref<2x8x512xf32, #tpu.memory_space<vmem>>, vector<1x1x16xf32>,
      %parallel_loop3A_348 = vector.shape_cast %parallel_loop3A_347 : vector<1x1x16xf32> to vector<16xf32>
      %parallel_loop3A_349 = arith.constant 2 : i32
      %parallel_loop3A_350 = vector.broadcast %parallel_loop3A_349 : i32 to vector<16xi32>
      %parallel_loop3A_351 = arith.addi %and3A_26, %parallel_loop3A_350 : vector<16xi32>
      %parallel_loop3A_352 = arith.constant 3 : i32
      %parallel_loop3A_353 = vector.broadcast %parallel_loop3A_352 : i32 to vector<16xi32>
      %parallel_loop3A_354 = arith.andi %parallel_loop3A_351, %parallel_loop3A_353 : vector<16xi32>
      %parallel_loop3A_355 = arith.ori %sub3A_27, %parallel_loop3A_354 : vector<16xi32>
      %parallel_loop3A_356 = vector.shape_cast %parallel_loop3A_355 : vector<16xi32> to vector<16x1xi32>
      %parallel_loop3A_357 = vector.shape_cast %parallel_loop3A_356 : vector<16x1xi32> to vector<16xi32>
      %parallel_loop3A_358 = tpu.dynamic_gather %parallel_loop3A_348[%parallel_loop3A_357] in [0] : vector<16xf32>, vector<16xi32> -> vector<16xf32>
      %parallel_loop3A_359 = arith.maximumf %parallel_loop3A_348, %parallel_loop3A_358 : vector<16xf32>
      %parallel_loop3A_360 = arith.minimumf %parallel_loop3A_348, %parallel_loop3A_358 : vector<16xf32>
      %parallel_loop3A_361 = arith.constant 1 : i32
      %parallel_loop3A_362 = vector.broadcast %parallel_loop3A_361 : i32 to vector<16xi32>
      %parallel_loop3A_363 = arith.addi %and3A_26, %parallel_loop3A_362 : vector<16xi32>
      %parallel_loop3A_364 = arith.constant 3 : i32
      %parallel_loop3A_365 = vector.broadcast %parallel_loop3A_364 : i32 to vector<16xi32>
      %parallel_loop3A_366 = arith.andi %parallel_loop3A_363, %parallel_loop3A_365 : vector<16xi32>
      %parallel_loop3A_367 = arith.ori %sub3A_27, %parallel_loop3A_366 : vector<16xi32>
      %parallel_loop3A_368 = vector.shape_cast %parallel_loop3A_367 : vector<16xi32> to vector<16x1xi32>
      %parallel_loop3A_369 = vector.shape_cast %parallel_loop3A_368 : vector<16x1xi32> to vector<16xi32>
      %parallel_loop3A_370 = tpu.dynamic_gather %parallel_loop3A_359[%parallel_loop3A_369] in [0] : vector<16xf32>, vector<16xi32> -> vector<16xf32>
      %parallel_loop3A_371 = arith.constant 1 : i32
      %parallel_loop3A_372 = vector.broadcast %parallel_loop3A_371 : i32 to vector<16xi32>
      %parallel_loop3A_373 = arith.addi %and3A_26, %parallel_loop3A_372 : vector<16xi32>
      %parallel_loop3A_374 = arith.constant 3 : i32
      %parallel_loop3A_375 = vector.broadcast %parallel_loop3A_374 : i32 to vector<16xi32>
      %parallel_loop3A_376 = arith.andi %parallel_loop3A_373, %parallel_loop3A_375 : vector<16xi32>
      %parallel_loop3A_377 = arith.ori %sub3A_27, %parallel_loop3A_376 : vector<16xi32>
      %parallel_loop3A_378 = vector.shape_cast %parallel_loop3A_377 : vector<16xi32> to vector<16x1xi32>
      %parallel_loop3A_379 = vector.shape_cast %parallel_loop3A_378 : vector<16x1xi32> to vector<16xi32>
      %parallel_loop3A_380 = tpu.dynamic_gather %parallel_loop3A_360[%parallel_loop3A_379] in [0] : vector<16xf32>, vector<16xi32> -> vector<16xf32>
      %parallel_loop3A_381 = arith.minimumf %parallel_loop3A_359, %parallel_loop3A_370 : vector<16xf32>
      %parallel_loop3A_382 = arith.maximumf %parallel_loop3A_360, %parallel_loop3A_380 : vector<16xf32>
      %parallel_loop3A_383 = arith.maximumf %parallel_loop3A_381, %parallel_loop3A_382 : vector<16xf32>
      %parallel_loop3A_384 = arith.cmpf oge, %parallel_loop3A_348, %parallel_loop3A_383 : vector<16xf32>
      %parallel_loop3A_385 = vector.broadcast %parallel_loop3A_106 : f32 to vector<16xf32>
      %parallel_loop3A_386 = arith.select %parallel_loop3A_384, %parallel_loop3A_348, %parallel_loop3A_385 : vector<16xi1>, vector<16xf32>
      %parallel_loop3A_387 = arith.constant 1 : i32
      %parallel_loop3A_388 = arith.constant 2 : i32
      %parallel_loop3A_389 = arith.index_cast %parallel_loop3A_387 : i32 to index
      %parallel_loop3A_390 = arith.index_cast %parallel_loop3A_388 : i32 to index
      %parallel_loop3A_391 = arith.index_cast %parallel_loop3A_235 : i32 to index
      %parallel_loop3A_392 = tpu.vector_load %arg5[%parallel_loop3A_389, %parallel_loop3A_390, %parallel_loop3A_391] {strides = array<i32>} : memref<2x8x512xf32, #tpu.memory_space<vmem>>, vector<1x1x16xf32>,
      %parallel_loop3A_393 = vector.shape_cast %parallel_loop3A_392 : vector<1x1x16xf32> to vector<16xf32>
      %parallel_loop3A_394 = vector.shape_cast %parallel_loop3A_386 : vector<16xf32> to vector<1x1x16xf32>
      tpu.vector_store %arg5[%parallel_loop3A_389, %parallel_loop3A_390, %parallel_loop3A_391], %parallel_loop3A_394 {strides = array<i32>} : memref<2x8x512xf32, #tpu.memory_space<vmem>>, vector<1x1x16xf32>,
      %parallel_loop3A_395 = arith.constant 1 : i32
      %parallel_loop3A_396 = arith.constant 3 : i32
      %parallel_loop3A_397 = arith.index_cast %parallel_loop3A_395 : i32 to index
      %parallel_loop3A_398 = arith.index_cast %parallel_loop3A_396 : i32 to index
      %parallel_loop3A_399 = arith.index_cast %parallel_loop3A_235 : i32 to index
      %parallel_loop3A_400 = tpu.vector_load %arg4[%parallel_loop3A_397, %parallel_loop3A_398, %parallel_loop3A_399] {strides = array<i32>} : memref<2x8x512xf32, #tpu.memory_space<vmem>>, vector<1x1x16xf32>,
      %parallel_loop3A_401 = vector.shape_cast %parallel_loop3A_400 : vector<1x1x16xf32> to vector<16xf32>
      %parallel_loop3A_402 = arith.constant 2 : i32
      %parallel_loop3A_403 = vector.broadcast %parallel_loop3A_402 : i32 to vector<16xi32>
      %parallel_loop3A_404 = arith.addi %and3A_26, %parallel_loop3A_403 : vector<16xi32>
      %parallel_loop3A_405 = arith.constant 3 : i32
      %parallel_loop3A_406 = vector.broadcast %parallel_loop3A_405 : i32 to vector<16xi32>
      %parallel_loop3A_407 = arith.andi %parallel_loop3A_404, %parallel_loop3A_406 : vector<16xi32>
      %parallel_loop3A_408 = arith.ori %sub3A_27, %parallel_loop3A_407 : vector<16xi32>
      %parallel_loop3A_409 = vector.shape_cast %parallel_loop3A_408 : vector<16xi32> to vector<16x1xi32>
      %parallel_loop3A_410 = vector.shape_cast %parallel_loop3A_409 : vector<16x1xi32> to vector<16xi32>
      %parallel_loop3A_411 = tpu.dynamic_gather %parallel_loop3A_401[%parallel_loop3A_410] in [0] : vector<16xf32>, vector<16xi32> -> vector<16xf32>
      %parallel_loop3A_412 = arith.maximumf %parallel_loop3A_401, %parallel_loop3A_411 : vector<16xf32>
      %parallel_loop3A_413 = arith.minimumf %parallel_loop3A_401, %parallel_loop3A_411 : vector<16xf32>
      %parallel_loop3A_414 = arith.constant 1 : i32
      %parallel_loop3A_415 = vector.broadcast %parallel_loop3A_414 : i32 to vector<16xi32>
      %parallel_loop3A_416 = arith.addi %and3A_26, %parallel_loop3A_415 : vector<16xi32>
      %parallel_loop3A_417 = arith.constant 3 : i32
      %parallel_loop3A_418 = vector.broadcast %parallel_loop3A_417 : i32 to vector<16xi32>
      %parallel_loop3A_419 = arith.andi %parallel_loop3A_416, %parallel_loop3A_418 : vector<16xi32>
      %parallel_loop3A_420 = arith.ori %sub3A_27, %parallel_loop3A_419 : vector<16xi32>
      %parallel_loop3A_421 = vector.shape_cast %parallel_loop3A_420 : vector<16xi32> to vector<16x1xi32>
      %parallel_loop3A_422 = vector.shape_cast %parallel_loop3A_421 : vector<16x1xi32> to vector<16xi32>
      %parallel_loop3A_423 = tpu.dynamic_gather %parallel_loop3A_412[%parallel_loop3A_422] in [0] : vector<16xf32>, vector<16xi32> -> vector<16xf32>
      %parallel_loop3A_424 = arith.constant 1 : i32
      %parallel_loop3A_425 = vector.broadcast %parallel_loop3A_424 : i32 to vector<16xi32>
      %parallel_loop3A_426 = arith.addi %and3A_26, %parallel_loop3A_425 : vector<16xi32>
      %parallel_loop3A_427 = arith.constant 3 : i32
      %parallel_loop3A_428 = vector.broadcast %parallel_loop3A_427 : i32 to vector<16xi32>
      %parallel_loop3A_429 = arith.andi %parallel_loop3A_426, %parallel_loop3A_428 : vector<16xi32>
      %parallel_loop3A_430 = arith.ori %sub3A_27, %parallel_loop3A_429 : vector<16xi32>
      %parallel_loop3A_431 = vector.shape_cast %parallel_loop3A_430 : vector<16xi32> to vector<16x1xi32>
      %parallel_loop3A_432 = vector.shape_cast %parallel_loop3A_431 : vector<16x1xi32> to vector<16xi32>
      %parallel_loop3A_433 = tpu.dynamic_gather %parallel_loop3A_413[%parallel_loop3A_432] in [0] : vector<16xf32>, vector<16xi32> -> vector<16xf32>
      %parallel_loop3A_434 = arith.minimumf %parallel_loop3A_412, %parallel_loop3A_423 : vector<16xf32>
      %parallel_loop3A_435 = arith.maximumf %parallel_loop3A_413, %parallel_loop3A_433 : vector<16xf32>
      %parallel_loop3A_436 = arith.maximumf %parallel_loop3A_434, %parallel_loop3A_435 : vector<16xf32>
      %parallel_loop3A_437 = arith.cmpf oge, %parallel_loop3A_401, %parallel_loop3A_436 : vector<16xf32>
      %parallel_loop3A_438 = vector.broadcast %parallel_loop3A_106 : f32 to vector<16xf32>
      %parallel_loop3A_439 = arith.select %parallel_loop3A_437, %parallel_loop3A_401, %parallel_loop3A_438 : vector<16xi1>, vector<16xf32>
      %parallel_loop3A_440 = arith.constant 1 : i32
      %parallel_loop3A_441 = arith.constant 3 : i32
      %parallel_loop3A_442 = arith.index_cast %parallel_loop3A_440 : i32 to index
      %parallel_loop3A_443 = arith.index_cast %parallel_loop3A_441 : i32 to index
      %parallel_loop3A_444 = arith.index_cast %parallel_loop3A_235 : i32 to index
      %parallel_loop3A_445 = tpu.vector_load %arg5[%parallel_loop3A_442, %parallel_loop3A_443, %parallel_loop3A_444] {strides = array<i32>} : memref<2x8x512xf32, #tpu.memory_space<vmem>>, vector<1x1x16xf32>,
      %parallel_loop3A_446 = vector.shape_cast %parallel_loop3A_445 : vector<1x1x16xf32> to vector<16xf32>
      %parallel_loop3A_447 = vector.shape_cast %parallel_loop3A_439 : vector<16xf32> to vector<1x1x16xf32>
      tpu.vector_store %arg5[%parallel_loop3A_442, %parallel_loop3A_443, %parallel_loop3A_444], %parallel_loop3A_447 {strides = array<i32>} : memref<2x8x512xf32, #tpu.memory_space<vmem>>, vector<1x1x16xf32>,
      %parallel_loop3A_448 = arith.constant 1 : i32
      %parallel_loop3A_449 = arith.constant 4 : i32
      %parallel_loop3A_450 = arith.index_cast %parallel_loop3A_448 : i32 to index
      %parallel_loop3A_451 = arith.index_cast %parallel_loop3A_449 : i32 to index
      %parallel_loop3A_452 = arith.index_cast %parallel_loop3A_235 : i32 to index
      %parallel_loop3A_453 = tpu.vector_load %arg4[%parallel_loop3A_450, %parallel_loop3A_451, %parallel_loop3A_452] {strides = array<i32>} : memref<2x8x512xf32, #tpu.memory_space<vmem>>, vector<1x1x16xf32>,
      %parallel_loop3A_454 = vector.shape_cast %parallel_loop3A_453 : vector<1x1x16xf32> to vector<16xf32>
      %parallel_loop3A_455 = arith.constant 2 : i32
      %parallel_loop3A_456 = vector.broadcast %parallel_loop3A_455 : i32 to vector<16xi32>
      %parallel_loop3A_457 = arith.addi %and3A_26, %parallel_loop3A_456 : vector<16xi32>
      %parallel_loop3A_458 = arith.constant 3 : i32
      %parallel_loop3A_459 = vector.broadcast %parallel_loop3A_458 : i32 to vector<16xi32>
      %parallel_loop3A_460 = arith.andi %parallel_loop3A_457, %parallel_loop3A_459 : vector<16xi32>
      %parallel_loop3A_461 = arith.ori %sub3A_27, %parallel_loop3A_460 : vector<16xi32>
      %parallel_loop3A_462 = vector.shape_cast %parallel_loop3A_461 : vector<16xi32> to vector<16x1xi32>
      %parallel_loop3A_463 = vector.shape_cast %parallel_loop3A_462 : vector<16x1xi32> to vector<16xi32>
      %parallel_loop3A_464 = tpu.dynamic_gather %parallel_loop3A_454[%parallel_loop3A_463] in [0] : vector<16xf32>, vector<16xi32> -> vector<16xf32>
      %parallel_loop3A_465 = arith.maximumf %parallel_loop3A_454, %parallel_loop3A_464 : vector<16xf32>
      %parallel_loop3A_466 = arith.minimumf %parallel_loop3A_454, %parallel_loop3A_464 : vector<16xf32>
      %parallel_loop3A_467 = arith.constant 1 : i32
      %parallel_loop3A_468 = vector.broadcast %parallel_loop3A_467 : i32 to vector<16xi32>
      %parallel_loop3A_469 = arith.addi %and3A_26, %parallel_loop3A_468 : vector<16xi32>
      %parallel_loop3A_470 = arith.constant 3 : i32
      %parallel_loop3A_471 = vector.broadcast %parallel_loop3A_470 : i32 to vector<16xi32>
      %parallel_loop3A_472 = arith.andi %parallel_loop3A_469, %parallel_loop3A_471 : vector<16xi32>
      %parallel_loop3A_473 = arith.ori %sub3A_27, %parallel_loop3A_472 : vector<16xi32>
      %parallel_loop3A_474 = vector.shape_cast %parallel_loop3A_473 : vector<16xi32> to vector<16x1xi32>
      %parallel_loop3A_475 = vector.shape_cast %parallel_loop3A_474 : vector<16x1xi32> to vector<16xi32>
      %parallel_loop3A_476 = tpu.dynamic_gather %parallel_loop3A_465[%parallel_loop3A_475] in [0] : vector<16xf32>, vector<16xi32> -> vector<16xf32>
      %parallel_loop3A_477 = arith.constant 1 : i32
      %parallel_loop3A_478 = vector.broadcast %parallel_loop3A_477 : i32 to vector<16xi32>
      %parallel_loop3A_479 = arith.addi %and3A_26, %parallel_loop3A_478 : vector<16xi32>
      %parallel_loop3A_480 = arith.constant 3 : i32
      %parallel_loop3A_481 = vector.broadcast %parallel_loop3A_480 : i32 to vector<16xi32>
      %parallel_loop3A_482 = arith.andi %parallel_loop3A_479, %parallel_loop3A_481 : vector<16xi32>
      %parallel_loop3A_483 = arith.ori %sub3A_27, %parallel_loop3A_482 : vector<16xi32>
      %parallel_loop3A_484 = vector.shape_cast %parallel_loop3A_483 : vector<16xi32> to vector<16x1xi32>
      %parallel_loop3A_485 = vector.shape_cast %parallel_loop3A_484 : vector<16x1xi32> to vector<16xi32>
      %parallel_loop3A_486 = tpu.dynamic_gather %parallel_loop3A_466[%parallel_loop3A_485] in [0] : vector<16xf32>, vector<16xi32> -> vector<16xf32>
      %parallel_loop3A_487 = arith.minimumf %parallel_loop3A_465, %parallel_loop3A_476 : vector<16xf32>
      %parallel_loop3A_488 = arith.maximumf %parallel_loop3A_466, %parallel_loop3A_486 : vector<16xf32>
      %parallel_loop3A_489 = arith.maximumf %parallel_loop3A_487, %parallel_loop3A_488 : vector<16xf32>
      %parallel_loop3A_490 = arith.cmpf oge, %parallel_loop3A_454, %parallel_loop3A_489 : vector<16xf32>
      %parallel_loop3A_491 = vector.broadcast %parallel_loop3A_106 : f32 to vector<16xf32>
      %parallel_loop3A_492 = arith.select %parallel_loop3A_490, %parallel_loop3A_454, %parallel_loop3A_491 : vector<16xi1>, vector<16xf32>
      %parallel_loop3A_493 = arith.constant 1 : i32
      %parallel_loop3A_494 = arith.constant 4 : i32
      %parallel_loop3A_495 = arith.index_cast %parallel_loop3A_493 : i32 to index
      %parallel_loop3A_496 = arith.index_cast %parallel_loop3A_494 : i32 to index
      %parallel_loop3A_497 = arith.index_cast %parallel_loop3A_235 : i32 to index
      %parallel_loop3A_498 = tpu.vector_load %arg5[%parallel_loop3A_495, %parallel_loop3A_496, %parallel_loop3A_497] {strides = array<i32>} : memref<2x8x512xf32, #tpu.memory_space<vmem>>, vector<1x1x16xf32>,
      %parallel_loop3A_499 = vector.shape_cast %parallel_loop3A_498 : vector<1x1x16xf32> to vector<16xf32>
      %parallel_loop3A_500 = vector.shape_cast %parallel_loop3A_492 : vector<16xf32> to vector<1x1x16xf32>
      tpu.vector_store %arg5[%parallel_loop3A_495, %parallel_loop3A_496, %parallel_loop3A_497], %parallel_loop3A_500 {strides = array<i32>} : memref<2x8x512xf32, #tpu.memory_space<vmem>>, vector<1x1x16xf32>,
      %parallel_loop3A_501 = arith.constant 1 : i32
      %parallel_loop3A_502 = arith.constant 5 : i32
      %parallel_loop3A_503 = arith.index_cast %parallel_loop3A_501 : i32 to index
      %parallel_loop3A_504 = arith.index_cast %parallel_loop3A_502 : i32 to index
      %parallel_loop3A_505 = arith.index_cast %parallel_loop3A_235 : i32 to index
      %parallel_loop3A_506 = tpu.vector_load %arg4[%parallel_loop3A_503, %parallel_loop3A_504, %parallel_loop3A_505] {strides = array<i32>} : memref<2x8x512xf32, #tpu.memory_space<vmem>>, vector<1x1x16xf32>,
      %parallel_loop3A_507 = vector.shape_cast %parallel_loop3A_506 : vector<1x1x16xf32> to vector<16xf32>
      %parallel_loop3A_508 = arith.constant 2 : i32
      %parallel_loop3A_509 = vector.broadcast %parallel_loop3A_508 : i32 to vector<16xi32>
      %parallel_loop3A_510 = arith.addi %and3A_26, %parallel_loop3A_509 : vector<16xi32>
      %parallel_loop3A_511 = arith.constant 3 : i32
      %parallel_loop3A_512 = vector.broadcast %parallel_loop3A_511 : i32 to vector<16xi32>
      %parallel_loop3A_513 = arith.andi %parallel_loop3A_510, %parallel_loop3A_512 : vector<16xi32>
      %parallel_loop3A_514 = arith.ori %sub3A_27, %parallel_loop3A_513 : vector<16xi32>
      %parallel_loop3A_515 = vector.shape_cast %parallel_loop3A_514 : vector<16xi32> to vector<16x1xi32>
      %parallel_loop3A_516 = vector.shape_cast %parallel_loop3A_515 : vector<16x1xi32> to vector<16xi32>
      %parallel_loop3A_517 = tpu.dynamic_gather %parallel_loop3A_507[%parallel_loop3A_516] in [0] : vector<16xf32>, vector<16xi32> -> vector<16xf32>
      %parallel_loop3A_518 = arith.maximumf %parallel_loop3A_507, %parallel_loop3A_517 : vector<16xf32>
      %parallel_loop3A_519 = arith.minimumf %parallel_loop3A_507, %parallel_loop3A_517 : vector<16xf32>
      %parallel_loop3A_520 = arith.constant 1 : i32
      %parallel_loop3A_521 = vector.broadcast %parallel_loop3A_520 : i32 to vector<16xi32>
      %parallel_loop3A_522 = arith.addi %and3A_26, %parallel_loop3A_521 : vector<16xi32>
      %parallel_loop3A_523 = arith.constant 3 : i32
      %parallel_loop3A_524 = vector.broadcast %parallel_loop3A_523 : i32 to vector<16xi32>
      %parallel_loop3A_525 = arith.andi %parallel_loop3A_522, %parallel_loop3A_524 : vector<16xi32>
      %parallel_loop3A_526 = arith.ori %sub3A_27, %parallel_loop3A_525 : vector<16xi32>
      %parallel_loop3A_527 = vector.shape_cast %parallel_loop3A_526 : vector<16xi32> to vector<16x1xi32>
      %parallel_loop3A_528 = vector.shape_cast %parallel_loop3A_527 : vector<16x1xi32> to vector<16xi32>
      %parallel_loop3A_529 = tpu.dynamic_gather %parallel_loop3A_518[%parallel_loop3A_528] in [0] : vector<16xf32>, vector<16xi32> -> vector<16xf32>
      %parallel_loop3A_530 = arith.constant 1 : i32
      %parallel_loop3A_531 = vector.broadcast %parallel_loop3A_530 : i32 to vector<16xi32>
      %parallel_loop3A_532 = arith.addi %and3A_26, %parallel_loop3A_531 : vector<16xi32>
      %parallel_loop3A_533 = arith.constant 3 : i32
      %parallel_loop3A_534 = vector.broadcast %parallel_loop3A_533 : i32 to vector<16xi32>
      %parallel_loop3A_535 = arith.andi %parallel_loop3A_532, %parallel_loop3A_534 : vector<16xi32>
      %parallel_loop3A_536 = arith.ori %sub3A_27, %parallel_loop3A_535 : vector<16xi32>
      %parallel_loop3A_537 = vector.shape_cast %parallel_loop3A_536 : vector<16xi32> to vector<16x1xi32>
      %parallel_loop3A_538 = vector.shape_cast %parallel_loop3A_537 : vector<16x1xi32> to vector<16xi32>
      %parallel_loop3A_539 = tpu.dynamic_gather %parallel_loop3A_519[%parallel_loop3A_538] in [0] : vector<16xf32>, vector<16xi32> -> vector<16xf32>
      %parallel_loop3A_540 = arith.minimumf %parallel_loop3A_518, %parallel_loop3A_529 : vector<16xf32>
      %parallel_loop3A_541 = arith.maximumf %parallel_loop3A_519, %parallel_loop3A_539 : vector<16xf32>
      %parallel_loop3A_542 = arith.maximumf %parallel_loop3A_540, %parallel_loop3A_541 : vector<16xf32>
      %parallel_loop3A_543 = arith.cmpf oge, %parallel_loop3A_507, %parallel_loop3A_542 : vector<16xf32>
      %parallel_loop3A_544 = vector.broadcast %parallel_loop3A_106 : f32 to vector<16xf32>
      %parallel_loop3A_545 = arith.select %parallel_loop3A_543, %parallel_loop3A_507, %parallel_loop3A_544 : vector<16xi1>, vector<16xf32>
      %parallel_loop3A_546 = arith.constant 1 : i32
      %parallel_loop3A_547 = arith.constant 5 : i32
      %parallel_loop3A_548 = arith.index_cast %parallel_loop3A_546 : i32 to index
      %parallel_loop3A_549 = arith.index_cast %parallel_loop3A_547 : i32 to index
      %parallel_loop3A_550 = arith.index_cast %parallel_loop3A_235 : i32 to index
      %parallel_loop3A_551 = tpu.vector_load %arg5[%parallel_loop3A_548, %parallel_loop3A_549, %parallel_loop3A_550] {strides = array<i32>} : memref<2x8x512xf32, #tpu.memory_space<vmem>>, vector<1x1x16xf32>,
      %parallel_loop3A_552 = vector.shape_cast %parallel_loop3A_551 : vector<1x1x16xf32> to vector<16xf32>
      %parallel_loop3A_553 = vector.shape_cast %parallel_loop3A_545 : vector<16xf32> to vector<1x1x16xf32>
      tpu.vector_store %arg5[%parallel_loop3A_548, %parallel_loop3A_549, %parallel_loop3A_550], %parallel_loop3A_553 {strides = array<i32>} : memref<2x8x512xf32, #tpu.memory_space<vmem>>, vector<1x1x16xf32>,
      %parallel_loop3A_554 = arith.constant 1 : i32
      %parallel_loop3A_555 = arith.constant 6 : i32
      %parallel_loop3A_556 = arith.index_cast %parallel_loop3A_554 : i32 to index
      %parallel_loop3A_557 = arith.index_cast %parallel_loop3A_555 : i32 to index
      %parallel_loop3A_558 = arith.index_cast %parallel_loop3A_235 : i32 to index
      %parallel_loop3A_559 = tpu.vector_load %arg4[%parallel_loop3A_556, %parallel_loop3A_557, %parallel_loop3A_558] {strides = array<i32>} : memref<2x8x512xf32, #tpu.memory_space<vmem>>, vector<1x1x16xf32>,
      %parallel_loop3A_560 = vector.shape_cast %parallel_loop3A_559 : vector<1x1x16xf32> to vector<16xf32>
      %parallel_loop3A_561 = arith.constant 2 : i32
      %parallel_loop3A_562 = vector.broadcast %parallel_loop3A_561 : i32 to vector<16xi32>
      %parallel_loop3A_563 = arith.addi %and3A_26, %parallel_loop3A_562 : vector<16xi32>
      %parallel_loop3A_564 = arith.constant 3 : i32
      %parallel_loop3A_565 = vector.broadcast %parallel_loop3A_564 : i32 to vector<16xi32>
      %parallel_loop3A_566 = arith.andi %parallel_loop3A_563, %parallel_loop3A_565 : vector<16xi32>
      %parallel_loop3A_567 = arith.ori %sub3A_27, %parallel_loop3A_566 : vector<16xi32>
      %parallel_loop3A_568 = vector.shape_cast %parallel_loop3A_567 : vector<16xi32> to vector<16x1xi32>
      %parallel_loop3A_569 = vector.shape_cast %parallel_loop3A_568 : vector<16x1xi32> to vector<16xi32>
      %parallel_loop3A_570 = tpu.dynamic_gather %parallel_loop3A_560[%parallel_loop3A_569] in [0] : vector<16xf32>, vector<16xi32> -> vector<16xf32>
      %parallel_loop3A_571 = arith.maximumf %parallel_loop3A_560, %parallel_loop3A_570 : vector<16xf32>
      %parallel_loop3A_572 = arith.minimumf %parallel_loop3A_560, %parallel_loop3A_570 : vector<16xf32>
      %parallel_loop3A_573 = arith.constant 1 : i32
      %parallel_loop3A_574 = vector.broadcast %parallel_loop3A_573 : i32 to vector<16xi32>
      %parallel_loop3A_575 = arith.addi %and3A_26, %parallel_loop3A_574 : vector<16xi32>
      %parallel_loop3A_576 = arith.constant 3 : i32
      %parallel_loop3A_577 = vector.broadcast %parallel_loop3A_576 : i32 to vector<16xi32>
      %parallel_loop3A_578 = arith.andi %parallel_loop3A_575, %parallel_loop3A_577 : vector<16xi32>
      %parallel_loop3A_579 = arith.ori %sub3A_27, %parallel_loop3A_578 : vector<16xi32>
      %parallel_loop3A_580 = vector.shape_cast %parallel_loop3A_579 : vector<16xi32> to vector<16x1xi32>
      %parallel_loop3A_581 = vector.shape_cast %parallel_loop3A_580 : vector<16x1xi32> to vector<16xi32>
      %parallel_loop3A_582 = tpu.dynamic_gather %parallel_loop3A_571[%parallel_loop3A_581] in [0] : vector<16xf32>, vector<16xi32> -> vector<16xf32>
      %parallel_loop3A_583 = arith.constant 1 : i32
      %parallel_loop3A_584 = vector.broadcast %parallel_loop3A_583 : i32 to vector<16xi32>
      %parallel_loop3A_585 = arith.addi %and3A_26, %parallel_loop3A_584 : vector<16xi32>
      %parallel_loop3A_586 = arith.constant 3 : i32
      %parallel_loop3A_587 = vector.broadcast %parallel_loop3A_586 : i32 to vector<16xi32>
      %parallel_loop3A_588 = arith.andi %parallel_loop3A_585, %parallel_loop3A_587 : vector<16xi32>
      %parallel_loop3A_589 = arith.ori %sub3A_27, %parallel_loop3A_588 : vector<16xi32>
      %parallel_loop3A_590 = vector.shape_cast %parallel_loop3A_589 : vector<16xi32> to vector<16x1xi32>
      %parallel_loop3A_591 = vector.shape_cast %parallel_loop3A_590 : vector<16x1xi32> to vector<16xi32>
      %parallel_loop3A_592 = tpu.dynamic_gather %parallel_loop3A_572[%parallel_loop3A_591] in [0] : vector<16xf32>, vector<16xi32> -> vector<16xf32>
      %parallel_loop3A_593 = arith.minimumf %parallel_loop3A_571, %parallel_loop3A_582 : vector<16xf32>
      %parallel_loop3A_594 = arith.maximumf %parallel_loop3A_572, %parallel_loop3A_592 : vector<16xf32>
      %parallel_loop3A_595 = arith.maximumf %parallel_loop3A_593, %parallel_loop3A_594 : vector<16xf32>
      %parallel_loop3A_596 = arith.cmpf oge, %parallel_loop3A_560, %parallel_loop3A_595 : vector<16xf32>
      %parallel_loop3A_597 = vector.broadcast %parallel_loop3A_106 : f32 to vector<16xf32>
      %parallel_loop3A_598 = arith.select %parallel_loop3A_596, %parallel_loop3A_560, %parallel_loop3A_597 : vector<16xi1>, vector<16xf32>
      %parallel_loop3A_599 = arith.constant 1 : i32
      %parallel_loop3A_600 = arith.constant 6 : i32
      %parallel_loop3A_601 = arith.index_cast %parallel_loop3A_599 : i32 to index
      %parallel_loop3A_602 = arith.index_cast %parallel_loop3A_600 : i32 to index
      %parallel_loop3A_603 = arith.index_cast %parallel_loop3A_235 : i32 to index
      %parallel_loop3A_604 = tpu.vector_load %arg5[%parallel_loop3A_601, %parallel_loop3A_602, %parallel_loop3A_603] {strides = array<i32>} : memref<2x8x512xf32, #tpu.memory_space<vmem>>, vector<1x1x16xf32>,
      %parallel_loop3A_605 = vector.shape_cast %parallel_loop3A_604 : vector<1x1x16xf32> to vector<16xf32>
      %parallel_loop3A_606 = vector.shape_cast %parallel_loop3A_598 : vector<16xf32> to vector<1x1x16xf32>
      tpu.vector_store %arg5[%parallel_loop3A_601, %parallel_loop3A_602, %parallel_loop3A_603], %parallel_loop3A_606 {strides = array<i32>} : memref<2x8x512xf32, #tpu.memory_space<vmem>>, vector<1x1x16xf32>,
      %parallel_loop3A_607 = arith.constant 1 : i32
      %parallel_loop3A_608 = arith.constant 7 : i32
      %parallel_loop3A_609 = arith.index_cast %parallel_loop3A_607 : i32 to index
      %parallel_loop3A_610 = arith.index_cast %parallel_loop3A_608 : i32 to index
      %parallel_loop3A_611 = arith.index_cast %parallel_loop3A_235 : i32 to index
      %parallel_loop3A_612 = tpu.vector_load %arg4[%parallel_loop3A_609, %parallel_loop3A_610, %parallel_loop3A_611] {strides = array<i32>} : memref<2x8x512xf32, #tpu.memory_space<vmem>>, vector<1x1x16xf32>,
      %parallel_loop3A_613 = vector.shape_cast %parallel_loop3A_612 : vector<1x1x16xf32> to vector<16xf32>
      %parallel_loop3A_614 = arith.constant 2 : i32
      %parallel_loop3A_615 = vector.broadcast %parallel_loop3A_614 : i32 to vector<16xi32>
      %parallel_loop3A_616 = arith.addi %and3A_26, %parallel_loop3A_615 : vector<16xi32>
      %parallel_loop3A_617 = arith.constant 3 : i32
      %parallel_loop3A_618 = vector.broadcast %parallel_loop3A_617 : i32 to vector<16xi32>
      %parallel_loop3A_619 = arith.andi %parallel_loop3A_616, %parallel_loop3A_618 : vector<16xi32>
      %parallel_loop3A_620 = arith.ori %sub3A_27, %parallel_loop3A_619 : vector<16xi32>
      %parallel_loop3A_621 = vector.shape_cast %parallel_loop3A_620 : vector<16xi32> to vector<16x1xi32>
      %parallel_loop3A_622 = vector.shape_cast %parallel_loop3A_621 : vector<16x1xi32> to vector<16xi32>
      %parallel_loop3A_623 = tpu.dynamic_gather %parallel_loop3A_613[%parallel_loop3A_622] in [0] : vector<16xf32>, vector<16xi32> -> vector<16xf32>
      %parallel_loop3A_624 = arith.maximumf %parallel_loop3A_613, %parallel_loop3A_623 : vector<16xf32>
      %parallel_loop3A_625 = arith.minimumf %parallel_loop3A_613, %parallel_loop3A_623 : vector<16xf32>
      %parallel_loop3A_626 = arith.constant 1 : i32
      %parallel_loop3A_627 = vector.broadcast %parallel_loop3A_626 : i32 to vector<16xi32>
      %parallel_loop3A_628 = arith.addi %and3A_26, %parallel_loop3A_627 : vector<16xi32>
      %parallel_loop3A_629 = arith.constant 3 : i32
      %parallel_loop3A_630 = vector.broadcast %parallel_loop3A_629 : i32 to vector<16xi32>
      %parallel_loop3A_631 = arith.andi %parallel_loop3A_628, %parallel_loop3A_630 : vector<16xi32>
      %parallel_loop3A_632 = arith.ori %sub3A_27, %parallel_loop3A_631 : vector<16xi32>
      %parallel_loop3A_633 = vector.shape_cast %parallel_loop3A_632 : vector<16xi32> to vector<16x1xi32>
      %parallel_loop3A_634 = vector.shape_cast %parallel_loop3A_633 : vector<16x1xi32> to vector<16xi32>
      %parallel_loop3A_635 = tpu.dynamic_gather %parallel_loop3A_624[%parallel_loop3A_634] in [0] : vector<16xf32>, vector<16xi32> -> vector<16xf32>
      %parallel_loop3A_636 = arith.constant 1 : i32
      %parallel_loop3A_637 = vector.broadcast %parallel_loop3A_636 : i32 to vector<16xi32>
      %parallel_loop3A_638 = arith.addi %and3A_26, %parallel_loop3A_637 : vector<16xi32>
      %parallel_loop3A_639 = arith.constant 3 : i32
      %parallel_loop3A_640 = vector.broadcast %parallel_loop3A_639 : i32 to vector<16xi32>
      %parallel_loop3A_641 = arith.andi %parallel_loop3A_638, %parallel_loop3A_640 : vector<16xi32>
      %parallel_loop3A_642 = arith.ori %sub3A_27, %parallel_loop3A_641 : vector<16xi32>
      %parallel_loop3A_643 = vector.shape_cast %parallel_loop3A_642 : vector<16xi32> to vector<16x1xi32>
      %parallel_loop3A_644 = vector.shape_cast %parallel_loop3A_643 : vector<16x1xi32> to vector<16xi32>
      %parallel_loop3A_645 = tpu.dynamic_gather %parallel_loop3A_625[%parallel_loop3A_644] in [0] : vector<16xf32>, vector<16xi32> -> vector<16xf32>
      %parallel_loop3A_646 = arith.minimumf %parallel_loop3A_624, %parallel_loop3A_635 : vector<16xf32>
      %parallel_loop3A_647 = arith.maximumf %parallel_loop3A_625, %parallel_loop3A_645 : vector<16xf32>
      %parallel_loop3A_648 = arith.maximumf %parallel_loop3A_646, %parallel_loop3A_647 : vector<16xf32>
      %parallel_loop3A_649 = arith.cmpf oge, %parallel_loop3A_613, %parallel_loop3A_648 : vector<16xf32>
      %parallel_loop3A_650 = vector.broadcast %parallel_loop3A_106 : f32 to vector<16xf32>
      %parallel_loop3A_651 = arith.select %parallel_loop3A_649, %parallel_loop3A_613, %parallel_loop3A_650 : vector<16xi1>, vector<16xf32>
      %parallel_loop3A_652 = arith.constant 1 : i32
      %parallel_loop3A_653 = arith.constant 7 : i32
      %parallel_loop3A_654 = arith.index_cast %parallel_loop3A_652 : i32 to index
      %parallel_loop3A_655 = arith.index_cast %parallel_loop3A_653 : i32 to index
      %parallel_loop3A_656 = arith.index_cast %parallel_loop3A_235 : i32 to index
      %parallel_loop3A_657 = tpu.vector_load %arg5[%parallel_loop3A_654, %parallel_loop3A_655, %parallel_loop3A_656] {strides = array<i32>} : memref<2x8x512xf32, #tpu.memory_space<vmem>>, vector<1x1x16xf32>,
      %parallel_loop3A_658 = vector.shape_cast %parallel_loop3A_657 : vector<1x1x16xf32> to vector<16xf32>
      %parallel_loop3A_659 = vector.shape_cast %parallel_loop3A_651 : vector<16xf32> to vector<1x1x16xf32>
      tpu.vector_store %arg5[%parallel_loop3A_654, %parallel_loop3A_655, %parallel_loop3A_656], %parallel_loop3A_659 {strides = array<i32>} : memref<2x8x512xf32, #tpu.memory_space<vmem>>, vector<1x1x16xf32>,
    } {sc.loop_unroll_factor = 2 : i64, sc.parallel_access}
    %add3A_107 = arith.constant 512 : i32
    %add3A_108 = arith.addi %mul3A_23, %add3A_107 : i32
    %dma_start3A_109 = arith.constant 1 : i32
    %dma_start3A_110 = arith.constant 0 : i32
    %dma_start3A_111 = arith.constant 0 : i32
    %dma_start3A_112 = tpu.memref_slice %arg5[%dma_start3A_109, %dma_start3A_110, %dma_start3A_111] : memref<2x8x512xf32, #tpu.memory_space<vmem>> -> memref<1x8x512xf32, #tpu.memory_space<vmem>>
    %dma_start3A_113 = tpu.memref_squeeze %dma_start3A_112 : memref<1x8x512xf32, #tpu.memory_space<vmem>> -> memref<8x512xf32, #tpu.memory_space<vmem>>
    %dma_start3A_114 = tpu.memref_slice %arg3[%mul3A_21, %add3A_108] : memref<64x8192xf32, #tpu.memory_space<hbm>> -> memref<8x512xf32, #tpu.memory_space<hbm>>
    %dma_start3A_115 = tpu.memref_slice %arg3[%mul3A_21, %add3A_108] : memref<64x8192xf32, #tpu.memory_space<hbm>> -> memref<8x512xf32, #tpu.memory_space<hbm>>
    %dma_start3A_116 = arith.constant 0 : i32
    %dma_start3A_117 = arith.constant 0 : i32
    %dma_start3A_118 = tpu.memref_slice %arg5[%dma_start3A_109, %dma_start3A_116, %dma_start3A_117] : memref<2x8x512xf32, #tpu.memory_space<vmem>> -> memref<1x8x512xf32, #tpu.memory_space<vmem>>
    %dma_start3A_119 = tpu.memref_squeeze %dma_start3A_118 : memref<1x8x512xf32, #tpu.memory_space<vmem>> -> memref<8x512xf32, #tpu.memory_space<vmem>>
    tpu.enqueue_dma source(%dma_start3A_119 : memref<8x512xf32, #tpu.memory_space<vmem>>) target(%dma_start3A_115 : memref<8x512xf32, #tpu.memory_space<hbm>>) target_semaphore(%arg9 : memref<!tpu.dma_semaphore, #tpu.memory_space<semaphore_mem>>)
    %add3A_120 = arith.constant 1536 : i32
    %add3A_121 = arith.addi %mul3A_23, %add3A_120 : i32
    %dma_start3A_122 = arith.constant 1 : i32
    %dma_start3A_123 = arith.constant 0 : i32
    %dma_start3A_124 = arith.constant 0 : i32
    %dma_start3A_125 = tpu.memref_slice %arg4[%dma_start3A_122, %dma_start3A_123, %dma_start3A_124] : memref<2x8x512xf32, #tpu.memory_space<vmem>> -> memref<1x8x512xf32, #tpu.memory_space<vmem>>
    %dma_start3A_126 = tpu.memref_squeeze %dma_start3A_125 : memref<1x8x512xf32, #tpu.memory_space<vmem>> -> memref<8x512xf32, #tpu.memory_space<vmem>>
    %dma_start3A_127 = tpu.memref_slice %arg2[%mul3A_21, %add3A_121] : memref<64x8192xf32, #tpu.memory_space<hbm>> -> memref<8x512xf32, #tpu.memory_space<hbm>>
    %dma_start3A_128 = arith.constant 0 : i32
    %dma_start3A_129 = arith.constant 0 : i32
    %dma_start3A_130 = tpu.memref_slice %arg4[%dma_start3A_122, %dma_start3A_128, %dma_start3A_129] : memref<2x8x512xf32, #tpu.memory_space<vmem>> -> memref<1x8x512xf32, #tpu.memory_space<vmem>>
    %dma_start3A_131 = tpu.memref_squeeze %dma_start3A_130 : memref<1x8x512xf32, #tpu.memory_space<vmem>> -> memref<8x512xf32, #tpu.memory_space<vmem>>
    %dma_start3A_132 = tpu.memref_slice %arg2[%mul3A_21, %add3A_121] : memref<64x8192xf32, #tpu.memory_space<hbm>> -> memref<8x512xf32, #tpu.memory_space<hbm>>
    tpu.enqueue_dma source(%dma_start3A_132 : memref<8x512xf32, #tpu.memory_space<hbm>>) target(%dma_start3A_131 : memref<8x512xf32, #tpu.memory_space<vmem>>) target_semaphore(%arg7 : memref<!tpu.dma_semaphore, #tpu.memory_space<semaphore_mem>>)
    %dma_wait3A_133 = arith.constant 0 : i32
    %dma_wait3A_134 = arith.constant 0 : i32
    %dma_wait3A_135 = arith.constant 0 : i32
    %dma_wait3A_136 = tpu.memref_slice %arg4[%dma_wait3A_133, %dma_wait3A_134, %dma_wait3A_135] : memref<2x8x512xf32, #tpu.memory_space<vmem>> -> memref<1x8x512xf32, #tpu.memory_space<vmem>>
    %dma_wait3A_137 = tpu.memref_squeeze %dma_wait3A_136 : memref<1x8x512xf32, #tpu.memory_space<vmem>> -> memref<8x512xf32, #tpu.memory_space<vmem>>
    %dma_wait3A_138 = tpu.memref_slice %arg2[%mul3A_21, %add3A_80] : memref<64x8192xf32, #tpu.memory_space<hbm>> -> memref<8x512xf32, #tpu.memory_space<hbm>>
    %dma_wait3A_139 = arith.constant 0 : i32
    %dma_wait3A_140 = arith.constant 0 : i32
    %dma_wait3A_141 = tpu.memref_slice %arg4[%dma_wait3A_133, %dma_wait3A_139, %dma_wait3A_140] : memref<2x8x512xf32, #tpu.memory_space<vmem>> -> memref<1x8x512xf32, #tpu.memory_space<vmem>>
    %dma_wait3A_142 = tpu.memref_squeeze %dma_wait3A_141 : memref<1x8x512xf32, #tpu.memory_space<vmem>> -> memref<8x512xf32, #tpu.memory_space<vmem>>
    %dma_wait3A_143 = tpu.memref_slice %arg2[%mul3A_21, %add3A_80] : memref<64x8192xf32, #tpu.memory_space<hbm>> -> memref<8x512xf32, #tpu.memory_space<hbm>>
    tpu.wait_dma2 semaphore(%arg6 : memref<!tpu.dma_semaphore, #tpu.memory_space<semaphore_mem>>) src(%dma_wait3A_143 : memref<8x512xf32, #tpu.memory_space<hbm>>) dst(%dma_wait3A_142 : memref<8x512xf32, #tpu.memory_space<vmem>>)
    %dma_wait3A_144 = arith.constant 0 : i32
    %dma_wait3A_145 = arith.constant 0 : i32
    %dma_wait3A_146 = arith.constant 0 : i32
    %dma_wait3A_147 = tpu.memref_slice %arg5[%dma_wait3A_144, %dma_wait3A_145, %dma_wait3A_146] : memref<2x8x512xf32, #tpu.memory_space<vmem>> -> memref<1x8x512xf32, #tpu.memory_space<vmem>>
    %dma_wait3A_148 = tpu.memref_squeeze %dma_wait3A_147 : memref<1x8x512xf32, #tpu.memory_space<vmem>> -> memref<8x512xf32, #tpu.memory_space<vmem>>
    %dma_wait3A_149 = tpu.memref_slice %arg3[%mul3A_21, %add3A_67] : memref<64x8192xf32, #tpu.memory_space<hbm>> -> memref<8x512xf32, #tpu.memory_space<hbm>>
    %dma_wait3A_150 = tpu.memref_slice %arg3[%mul3A_21, %add3A_67] : memref<64x8192xf32, #tpu.memory_space<hbm>> -> memref<8x512xf32, #tpu.memory_space<hbm>>
    %dma_wait3A_151 = arith.constant 0 : i32
    %dma_wait3A_152 = arith.constant 0 : i32
    %dma_wait3A_153 = tpu.memref_slice %arg5[%dma_wait3A_144, %dma_wait3A_151, %dma_wait3A_152] : memref<2x8x512xf32, #tpu.memory_space<vmem>> -> memref<1x8x512xf32, #tpu.memory_space<vmem>>
    %dma_wait3A_154 = tpu.memref_squeeze %dma_wait3A_153 : memref<1x8x512xf32, #tpu.memory_space<vmem>> -> memref<8x512xf32, #tpu.memory_space<vmem>>
    tpu.wait_dma2 semaphore(%arg8 : memref<!tpu.dma_semaphore, #tpu.memory_space<semaphore_mem>>) src(%dma_wait3A_154 : memref<8x512xf32, #tpu.memory_space<vmem>>) dst(%dma_wait3A_150 : memref<8x512xf32, #tpu.memory_space<hbm>>)
    %parallel_loop3A_155 = arith.constant 0 : i32
    %parallel_loop3A_156 = arith.constant 32 : i32
    %parallel_loop3A_157 = arith.constant 1 : i32
    %parallel_loop3A_158 = arith.constant 0.000000e+00 : f32
    scf.for %parallel_loop3A_233 = %parallel_loop3A_155 to %parallel_loop3A_156 step %parallel_loop3A_157  : i32 {
      %parallel_loop3A_234 = arith.constant 16 : i32
      %parallel_loop3A_235 = arith.muli %parallel_loop3A_233, %parallel_loop3A_234 : i32
      %parallel_loop3A_236 = arith.constant 0 : i32
      %parallel_loop3A_237 = arith.constant 0 : i32
      %parallel_loop3A_238 = arith.index_cast %parallel_loop3A_236 : i32 to index
      %parallel_loop3A_239 = arith.index_cast %parallel_loop3A_237 : i32 to index
      %parallel_loop3A_240 = arith.index_cast %parallel_loop3A_235 : i32 to index
      %parallel_loop3A_241 = tpu.vector_load %arg4[%parallel_loop3A_238, %parallel_loop3A_239, %parallel_loop3A_240] {strides = array<i32>} : memref<2x8x512xf32, #tpu.memory_space<vmem>>, vector<1x1x16xf32>,
      %parallel_loop3A_242 = vector.shape_cast %parallel_loop3A_241 : vector<1x1x16xf32> to vector<16xf32>
      %parallel_loop3A_243 = arith.constant 2 : i32
      %parallel_loop3A_244 = vector.broadcast %parallel_loop3A_243 : i32 to vector<16xi32>
      %parallel_loop3A_245 = arith.addi %and3A_26, %parallel_loop3A_244 : vector<16xi32>
      %parallel_loop3A_246 = arith.constant 3 : i32
      %parallel_loop3A_247 = vector.broadcast %parallel_loop3A_246 : i32 to vector<16xi32>
      %parallel_loop3A_248 = arith.andi %parallel_loop3A_245, %parallel_loop3A_247 : vector<16xi32>
      %parallel_loop3A_249 = arith.ori %sub3A_27, %parallel_loop3A_248 : vector<16xi32>
      %parallel_loop3A_250 = vector.shape_cast %parallel_loop3A_249 : vector<16xi32> to vector<16x1xi32>
      %parallel_loop3A_251 = vector.shape_cast %parallel_loop3A_250 : vector<16x1xi32> to vector<16xi32>
      %parallel_loop3A_252 = tpu.dynamic_gather %parallel_loop3A_242[%parallel_loop3A_251] in [0] : vector<16xf32>, vector<16xi32> -> vector<16xf32>
      %parallel_loop3A_253 = arith.maximumf %parallel_loop3A_242, %parallel_loop3A_252 : vector<16xf32>
      %parallel_loop3A_254 = arith.minimumf %parallel_loop3A_242, %parallel_loop3A_252 : vector<16xf32>
      %parallel_loop3A_255 = arith.constant 1 : i32
      %parallel_loop3A_256 = vector.broadcast %parallel_loop3A_255 : i32 to vector<16xi32>
      %parallel_loop3A_257 = arith.addi %and3A_26, %parallel_loop3A_256 : vector<16xi32>
      %parallel_loop3A_258 = arith.constant 3 : i32
      %parallel_loop3A_259 = vector.broadcast %parallel_loop3A_258 : i32 to vector<16xi32>
      %parallel_loop3A_260 = arith.andi %parallel_loop3A_257, %parallel_loop3A_259 : vector<16xi32>
      %parallel_loop3A_261 = arith.ori %sub3A_27, %parallel_loop3A_260 : vector<16xi32>
      %parallel_loop3A_262 = vector.shape_cast %parallel_loop3A_261 : vector<16xi32> to vector<16x1xi32>
      %parallel_loop3A_263 = vector.shape_cast %parallel_loop3A_262 : vector<16x1xi32> to vector<16xi32>
      %parallel_loop3A_264 = tpu.dynamic_gather %parallel_loop3A_253[%parallel_loop3A_263] in [0] : vector<16xf32>, vector<16xi32> -> vector<16xf32>
      %parallel_loop3A_265 = arith.constant 1 : i32
      %parallel_loop3A_266 = vector.broadcast %parallel_loop3A_265 : i32 to vector<16xi32>
      %parallel_loop3A_267 = arith.addi %and3A_26, %parallel_loop3A_266 : vector<16xi32>
      %parallel_loop3A_268 = arith.constant 3 : i32
      %parallel_loop3A_269 = vector.broadcast %parallel_loop3A_268 : i32 to vector<16xi32>
      %parallel_loop3A_270 = arith.andi %parallel_loop3A_267, %parallel_loop3A_269 : vector<16xi32>
      %parallel_loop3A_271 = arith.ori %sub3A_27, %parallel_loop3A_270 : vector<16xi32>
      %parallel_loop3A_272 = vector.shape_cast %parallel_loop3A_271 : vector<16xi32> to vector<16x1xi32>
      %parallel_loop3A_273 = vector.shape_cast %parallel_loop3A_272 : vector<16x1xi32> to vector<16xi32>
      %parallel_loop3A_274 = tpu.dynamic_gather %parallel_loop3A_254[%parallel_loop3A_273] in [0] : vector<16xf32>, vector<16xi32> -> vector<16xf32>
      %parallel_loop3A_275 = arith.minimumf %parallel_loop3A_253, %parallel_loop3A_264 : vector<16xf32>
      %parallel_loop3A_276 = arith.maximumf %parallel_loop3A_254, %parallel_loop3A_274 : vector<16xf32>
      %parallel_loop3A_277 = arith.maximumf %parallel_loop3A_275, %parallel_loop3A_276 : vector<16xf32>
      %parallel_loop3A_278 = arith.cmpf oge, %parallel_loop3A_242, %parallel_loop3A_277 : vector<16xf32>
      %parallel_loop3A_279 = vector.broadcast %parallel_loop3A_158 : f32 to vector<16xf32>
      %parallel_loop3A_280 = arith.select %parallel_loop3A_278, %parallel_loop3A_242, %parallel_loop3A_279 : vector<16xi1>, vector<16xf32>
      %parallel_loop3A_281 = arith.constant 0 : i32
      %parallel_loop3A_282 = arith.constant 0 : i32
      %parallel_loop3A_283 = arith.index_cast %parallel_loop3A_281 : i32 to index
      %parallel_loop3A_284 = arith.index_cast %parallel_loop3A_282 : i32 to index
      %parallel_loop3A_285 = arith.index_cast %parallel_loop3A_235 : i32 to index
      %parallel_loop3A_286 = tpu.vector_load %arg5[%parallel_loop3A_283, %parallel_loop3A_284, %parallel_loop3A_285] {strides = array<i32>} : memref<2x8x512xf32, #tpu.memory_space<vmem>>, vector<1x1x16xf32>,
      %parallel_loop3A_287 = vector.shape_cast %parallel_loop3A_286 : vector<1x1x16xf32> to vector<16xf32>
      %parallel_loop3A_288 = vector.shape_cast %parallel_loop3A_280 : vector<16xf32> to vector<1x1x16xf32>
      tpu.vector_store %arg5[%parallel_loop3A_283, %parallel_loop3A_284, %parallel_loop3A_285], %parallel_loop3A_288 {strides = array<i32>} : memref<2x8x512xf32, #tpu.memory_space<vmem>>, vector<1x1x16xf32>,
      %parallel_loop3A_289 = arith.constant 0 : i32
      %parallel_loop3A_290 = arith.constant 1 : i32
      %parallel_loop3A_291 = arith.index_cast %parallel_loop3A_289 : i32 to index
      %parallel_loop3A_292 = arith.index_cast %parallel_loop3A_290 : i32 to index
      %parallel_loop3A_293 = arith.index_cast %parallel_loop3A_235 : i32 to index
      %parallel_loop3A_294 = tpu.vector_load %arg4[%parallel_loop3A_291, %parallel_loop3A_292, %parallel_loop3A_293] {strides = array<i32>} : memref<2x8x512xf32, #tpu.memory_space<vmem>>, vector<1x1x16xf32>,
      %parallel_loop3A_295 = vector.shape_cast %parallel_loop3A_294 : vector<1x1x16xf32> to vector<16xf32>
      %parallel_loop3A_296 = arith.constant 2 : i32
      %parallel_loop3A_297 = vector.broadcast %parallel_loop3A_296 : i32 to vector<16xi32>
      %parallel_loop3A_298 = arith.addi %and3A_26, %parallel_loop3A_297 : vector<16xi32>
      %parallel_loop3A_299 = arith.constant 3 : i32
      %parallel_loop3A_300 = vector.broadcast %parallel_loop3A_299 : i32 to vector<16xi32>
      %parallel_loop3A_301 = arith.andi %parallel_loop3A_298, %parallel_loop3A_300 : vector<16xi32>
      %parallel_loop3A_302 = arith.ori %sub3A_27, %parallel_loop3A_301 : vector<16xi32>
      %parallel_loop3A_303 = vector.shape_cast %parallel_loop3A_302 : vector<16xi32> to vector<16x1xi32>
      %parallel_loop3A_304 = vector.shape_cast %parallel_loop3A_303 : vector<16x1xi32> to vector<16xi32>
      %parallel_loop3A_305 = tpu.dynamic_gather %parallel_loop3A_295[%parallel_loop3A_304] in [0] : vector<16xf32>, vector<16xi32> -> vector<16xf32>
      %parallel_loop3A_306 = arith.maximumf %parallel_loop3A_295, %parallel_loop3A_305 : vector<16xf32>
      %parallel_loop3A_307 = arith.minimumf %parallel_loop3A_295, %parallel_loop3A_305 : vector<16xf32>
      %parallel_loop3A_308 = arith.constant 1 : i32
      %parallel_loop3A_309 = vector.broadcast %parallel_loop3A_308 : i32 to vector<16xi32>
      %parallel_loop3A_310 = arith.addi %and3A_26, %parallel_loop3A_309 : vector<16xi32>
      %parallel_loop3A_311 = arith.constant 3 : i32
      %parallel_loop3A_312 = vector.broadcast %parallel_loop3A_311 : i32 to vector<16xi32>
      %parallel_loop3A_313 = arith.andi %parallel_loop3A_310, %parallel_loop3A_312 : vector<16xi32>
      %parallel_loop3A_314 = arith.ori %sub3A_27, %parallel_loop3A_313 : vector<16xi32>
      %parallel_loop3A_315 = vector.shape_cast %parallel_loop3A_314 : vector<16xi32> to vector<16x1xi32>
      %parallel_loop3A_316 = vector.shape_cast %parallel_loop3A_315 : vector<16x1xi32> to vector<16xi32>
      %parallel_loop3A_317 = tpu.dynamic_gather %parallel_loop3A_306[%parallel_loop3A_316] in [0] : vector<16xf32>, vector<16xi32> -> vector<16xf32>
      %parallel_loop3A_318 = arith.constant 1 : i32
      %parallel_loop3A_319 = vector.broadcast %parallel_loop3A_318 : i32 to vector<16xi32>
      %parallel_loop3A_320 = arith.addi %and3A_26, %parallel_loop3A_319 : vector<16xi32>
      %parallel_loop3A_321 = arith.constant 3 : i32
      %parallel_loop3A_322 = vector.broadcast %parallel_loop3A_321 : i32 to vector<16xi32>
      %parallel_loop3A_323 = arith.andi %parallel_loop3A_320, %parallel_loop3A_322 : vector<16xi32>
      %parallel_loop3A_324 = arith.ori %sub3A_27, %parallel_loop3A_323 : vector<16xi32>
      %parallel_loop3A_325 = vector.shape_cast %parallel_loop3A_324 : vector<16xi32> to vector<16x1xi32>
      %parallel_loop3A_326 = vector.shape_cast %parallel_loop3A_325 : vector<16x1xi32> to vector<16xi32>
      %parallel_loop3A_327 = tpu.dynamic_gather %parallel_loop3A_307[%parallel_loop3A_326] in [0] : vector<16xf32>, vector<16xi32> -> vector<16xf32>
      %parallel_loop3A_328 = arith.minimumf %parallel_loop3A_306, %parallel_loop3A_317 : vector<16xf32>
      %parallel_loop3A_329 = arith.maximumf %parallel_loop3A_307, %parallel_loop3A_327 : vector<16xf32>
      %parallel_loop3A_330 = arith.maximumf %parallel_loop3A_328, %parallel_loop3A_329 : vector<16xf32>
      %parallel_loop3A_331 = arith.cmpf oge, %parallel_loop3A_295, %parallel_loop3A_330 : vector<16xf32>
      %parallel_loop3A_332 = vector.broadcast %parallel_loop3A_158 : f32 to vector<16xf32>
      %parallel_loop3A_333 = arith.select %parallel_loop3A_331, %parallel_loop3A_295, %parallel_loop3A_332 : vector<16xi1>, vector<16xf32>
      %parallel_loop3A_334 = arith.constant 0 : i32
      %parallel_loop3A_335 = arith.constant 1 : i32
      %parallel_loop3A_336 = arith.index_cast %parallel_loop3A_334 : i32 to index
      %parallel_loop3A_337 = arith.index_cast %parallel_loop3A_335 : i32 to index
      %parallel_loop3A_338 = arith.index_cast %parallel_loop3A_235 : i32 to index
      %parallel_loop3A_339 = tpu.vector_load %arg5[%parallel_loop3A_336, %parallel_loop3A_337, %parallel_loop3A_338] {strides = array<i32>} : memref<2x8x512xf32, #tpu.memory_space<vmem>>, vector<1x1x16xf32>,
      %parallel_loop3A_340 = vector.shape_cast %parallel_loop3A_339 : vector<1x1x16xf32> to vector<16xf32>
      %parallel_loop3A_341 = vector.shape_cast %parallel_loop3A_333 : vector<16xf32> to vector<1x1x16xf32>
      tpu.vector_store %arg5[%parallel_loop3A_336, %parallel_loop3A_337, %parallel_loop3A_338], %parallel_loop3A_341 {strides = array<i32>} : memref<2x8x512xf32, #tpu.memory_space<vmem>>, vector<1x1x16xf32>,
      %parallel_loop3A_342 = arith.constant 0 : i32
      %parallel_loop3A_343 = arith.constant 2 : i32
      %parallel_loop3A_344 = arith.index_cast %parallel_loop3A_342 : i32 to index
      %parallel_loop3A_345 = arith.index_cast %parallel_loop3A_343 : i32 to index
      %parallel_loop3A_346 = arith.index_cast %parallel_loop3A_235 : i32 to index
      %parallel_loop3A_347 = tpu.vector_load %arg4[%parallel_loop3A_344, %parallel_loop3A_345, %parallel_loop3A_346] {strides = array<i32>} : memref<2x8x512xf32, #tpu.memory_space<vmem>>, vector<1x1x16xf32>,
      %parallel_loop3A_348 = vector.shape_cast %parallel_loop3A_347 : vector<1x1x16xf32> to vector<16xf32>
      %parallel_loop3A_349 = arith.constant 2 : i32
      %parallel_loop3A_350 = vector.broadcast %parallel_loop3A_349 : i32 to vector<16xi32>
      %parallel_loop3A_351 = arith.addi %and3A_26, %parallel_loop3A_350 : vector<16xi32>
      %parallel_loop3A_352 = arith.constant 3 : i32
      %parallel_loop3A_353 = vector.broadcast %parallel_loop3A_352 : i32 to vector<16xi32>
      %parallel_loop3A_354 = arith.andi %parallel_loop3A_351, %parallel_loop3A_353 : vector<16xi32>
      %parallel_loop3A_355 = arith.ori %sub3A_27, %parallel_loop3A_354 : vector<16xi32>
      %parallel_loop3A_356 = vector.shape_cast %parallel_loop3A_355 : vector<16xi32> to vector<16x1xi32>
      %parallel_loop3A_357 = vector.shape_cast %parallel_loop3A_356 : vector<16x1xi32> to vector<16xi32>
      %parallel_loop3A_358 = tpu.dynamic_gather %parallel_loop3A_348[%parallel_loop3A_357] in [0] : vector<16xf32>, vector<16xi32> -> vector<16xf32>
      %parallel_loop3A_359 = arith.maximumf %parallel_loop3A_348, %parallel_loop3A_358 : vector<16xf32>
      %parallel_loop3A_360 = arith.minimumf %parallel_loop3A_348, %parallel_loop3A_358 : vector<16xf32>
      %parallel_loop3A_361 = arith.constant 1 : i32
      %parallel_loop3A_362 = vector.broadcast %parallel_loop3A_361 : i32 to vector<16xi32>
      %parallel_loop3A_363 = arith.addi %and3A_26, %parallel_loop3A_362 : vector<16xi32>
      %parallel_loop3A_364 = arith.constant 3 : i32
      %parallel_loop3A_365 = vector.broadcast %parallel_loop3A_364 : i32 to vector<16xi32>
      %parallel_loop3A_366 = arith.andi %parallel_loop3A_363, %parallel_loop3A_365 : vector<16xi32>
      %parallel_loop3A_367 = arith.ori %sub3A_27, %parallel_loop3A_366 : vector<16xi32>
      %parallel_loop3A_368 = vector.shape_cast %parallel_loop3A_367 : vector<16xi32> to vector<16x1xi32>
      %parallel_loop3A_369 = vector.shape_cast %parallel_loop3A_368 : vector<16x1xi32> to vector<16xi32>
      %parallel_loop3A_370 = tpu.dynamic_gather %parallel_loop3A_359[%parallel_loop3A_369] in [0] : vector<16xf32>, vector<16xi32> -> vector<16xf32>
      %parallel_loop3A_371 = arith.constant 1 : i32
      %parallel_loop3A_372 = vector.broadcast %parallel_loop3A_371 : i32 to vector<16xi32>
      %parallel_loop3A_373 = arith.addi %and3A_26, %parallel_loop3A_372 : vector<16xi32>
      %parallel_loop3A_374 = arith.constant 3 : i32
      %parallel_loop3A_375 = vector.broadcast %parallel_loop3A_374 : i32 to vector<16xi32>
      %parallel_loop3A_376 = arith.andi %parallel_loop3A_373, %parallel_loop3A_375 : vector<16xi32>
      %parallel_loop3A_377 = arith.ori %sub3A_27, %parallel_loop3A_376 : vector<16xi32>
      %parallel_loop3A_378 = vector.shape_cast %parallel_loop3A_377 : vector<16xi32> to vector<16x1xi32>
      %parallel_loop3A_379 = vector.shape_cast %parallel_loop3A_378 : vector<16x1xi32> to vector<16xi32>
      %parallel_loop3A_380 = tpu.dynamic_gather %parallel_loop3A_360[%parallel_loop3A_379] in [0] : vector<16xf32>, vector<16xi32> -> vector<16xf32>
      %parallel_loop3A_381 = arith.minimumf %parallel_loop3A_359, %parallel_loop3A_370 : vector<16xf32>
      %parallel_loop3A_382 = arith.maximumf %parallel_loop3A_360, %parallel_loop3A_380 : vector<16xf32>
      %parallel_loop3A_383 = arith.maximumf %parallel_loop3A_381, %parallel_loop3A_382 : vector<16xf32>
      %parallel_loop3A_384 = arith.cmpf oge, %parallel_loop3A_348, %parallel_loop3A_383 : vector<16xf32>
      %parallel_loop3A_385 = vector.broadcast %parallel_loop3A_158 : f32 to vector<16xf32>
      %parallel_loop3A_386 = arith.select %parallel_loop3A_384, %parallel_loop3A_348, %parallel_loop3A_385 : vector<16xi1>, vector<16xf32>
      %parallel_loop3A_387 = arith.constant 0 : i32
      %parallel_loop3A_388 = arith.constant 2 : i32
      %parallel_loop3A_389 = arith.index_cast %parallel_loop3A_387 : i32 to index
      %parallel_loop3A_390 = arith.index_cast %parallel_loop3A_388 : i32 to index
      %parallel_loop3A_391 = arith.index_cast %parallel_loop3A_235 : i32 to index
      %parallel_loop3A_392 = tpu.vector_load %arg5[%parallel_loop3A_389, %parallel_loop3A_390, %parallel_loop3A_391] {strides = array<i32>} : memref<2x8x512xf32, #tpu.memory_space<vmem>>, vector<1x1x16xf32>,
      %parallel_loop3A_393 = vector.shape_cast %parallel_loop3A_392 : vector<1x1x16xf32> to vector<16xf32>
      %parallel_loop3A_394 = vector.shape_cast %parallel_loop3A_386 : vector<16xf32> to vector<1x1x16xf32>
      tpu.vector_store %arg5[%parallel_loop3A_389, %parallel_loop3A_390, %parallel_loop3A_391], %parallel_loop3A_394 {strides = array<i32>} : memref<2x8x512xf32, #tpu.memory_space<vmem>>, vector<1x1x16xf32>,
      %parallel_loop3A_395 = arith.constant 0 : i32
      %parallel_loop3A_396 = arith.constant 3 : i32
      %parallel_loop3A_397 = arith.index_cast %parallel_loop3A_395 : i32 to index
      %parallel_loop3A_398 = arith.index_cast %parallel_loop3A_396 : i32 to index
      %parallel_loop3A_399 = arith.index_cast %parallel_loop3A_235 : i32 to index
      %parallel_loop3A_400 = tpu.vector_load %arg4[%parallel_loop3A_397, %parallel_loop3A_398, %parallel_loop3A_399] {strides = array<i32>} : memref<2x8x512xf32, #tpu.memory_space<vmem>>, vector<1x1x16xf32>,
      %parallel_loop3A_401 = vector.shape_cast %parallel_loop3A_400 : vector<1x1x16xf32> to vector<16xf32>
      %parallel_loop3A_402 = arith.constant 2 : i32
      %parallel_loop3A_403 = vector.broadcast %parallel_loop3A_402 : i32 to vector<16xi32>
      %parallel_loop3A_404 = arith.addi %and3A_26, %parallel_loop3A_403 : vector<16xi32>
      %parallel_loop3A_405 = arith.constant 3 : i32
      %parallel_loop3A_406 = vector.broadcast %parallel_loop3A_405 : i32 to vector<16xi32>
      %parallel_loop3A_407 = arith.andi %parallel_loop3A_404, %parallel_loop3A_406 : vector<16xi32>
      %parallel_loop3A_408 = arith.ori %sub3A_27, %parallel_loop3A_407 : vector<16xi32>
      %parallel_loop3A_409 = vector.shape_cast %parallel_loop3A_408 : vector<16xi32> to vector<16x1xi32>
      %parallel_loop3A_410 = vector.shape_cast %parallel_loop3A_409 : vector<16x1xi32> to vector<16xi32>
      %parallel_loop3A_411 = tpu.dynamic_gather %parallel_loop3A_401[%parallel_loop3A_410] in [0] : vector<16xf32>, vector<16xi32> -> vector<16xf32>
      %parallel_loop3A_412 = arith.maximumf %parallel_loop3A_401, %parallel_loop3A_411 : vector<16xf32>
      %parallel_loop3A_413 = arith.minimumf %parallel_loop3A_401, %parallel_loop3A_411 : vector<16xf32>
      %parallel_loop3A_414 = arith.constant 1 : i32
      %parallel_loop3A_415 = vector.broadcast %parallel_loop3A_414 : i32 to vector<16xi32>
      %parallel_loop3A_416 = arith.addi %and3A_26, %parallel_loop3A_415 : vector<16xi32>
      %parallel_loop3A_417 = arith.constant 3 : i32
      %parallel_loop3A_418 = vector.broadcast %parallel_loop3A_417 : i32 to vector<16xi32>
      %parallel_loop3A_419 = arith.andi %parallel_loop3A_416, %parallel_loop3A_418 : vector<16xi32>
      %parallel_loop3A_420 = arith.ori %sub3A_27, %parallel_loop3A_419 : vector<16xi32>
      %parallel_loop3A_421 = vector.shape_cast %parallel_loop3A_420 : vector<16xi32> to vector<16x1xi32>
      %parallel_loop3A_422 = vector.shape_cast %parallel_loop3A_421 : vector<16x1xi32> to vector<16xi32>
      %parallel_loop3A_423 = tpu.dynamic_gather %parallel_loop3A_412[%parallel_loop3A_422] in [0] : vector<16xf32>, vector<16xi32> -> vector<16xf32>
      %parallel_loop3A_424 = arith.constant 1 : i32
      %parallel_loop3A_425 = vector.broadcast %parallel_loop3A_424 : i32 to vector<16xi32>
      %parallel_loop3A_426 = arith.addi %and3A_26, %parallel_loop3A_425 : vector<16xi32>
      %parallel_loop3A_427 = arith.constant 3 : i32
      %parallel_loop3A_428 = vector.broadcast %parallel_loop3A_427 : i32 to vector<16xi32>
      %parallel_loop3A_429 = arith.andi %parallel_loop3A_426, %parallel_loop3A_428 : vector<16xi32>
      %parallel_loop3A_430 = arith.ori %sub3A_27, %parallel_loop3A_429 : vector<16xi32>
      %parallel_loop3A_431 = vector.shape_cast %parallel_loop3A_430 : vector<16xi32> to vector<16x1xi32>
      %parallel_loop3A_432 = vector.shape_cast %parallel_loop3A_431 : vector<16x1xi32> to vector<16xi32>
      %parallel_loop3A_433 = tpu.dynamic_gather %parallel_loop3A_413[%parallel_loop3A_432] in [0] : vector<16xf32>, vector<16xi32> -> vector<16xf32>
      %parallel_loop3A_434 = arith.minimumf %parallel_loop3A_412, %parallel_loop3A_423 : vector<16xf32>
      %parallel_loop3A_435 = arith.maximumf %parallel_loop3A_413, %parallel_loop3A_433 : vector<16xf32>
      %parallel_loop3A_436 = arith.maximumf %parallel_loop3A_434, %parallel_loop3A_435 : vector<16xf32>
      %parallel_loop3A_437 = arith.cmpf oge, %parallel_loop3A_401, %parallel_loop3A_436 : vector<16xf32>
      %parallel_loop3A_438 = vector.broadcast %parallel_loop3A_158 : f32 to vector<16xf32>
      %parallel_loop3A_439 = arith.select %parallel_loop3A_437, %parallel_loop3A_401, %parallel_loop3A_438 : vector<16xi1>, vector<16xf32>
      %parallel_loop3A_440 = arith.constant 0 : i32
      %parallel_loop3A_441 = arith.constant 3 : i32
      %parallel_loop3A_442 = arith.index_cast %parallel_loop3A_440 : i32 to index
      %parallel_loop3A_443 = arith.index_cast %parallel_loop3A_441 : i32 to index
      %parallel_loop3A_444 = arith.index_cast %parallel_loop3A_235 : i32 to index
      %parallel_loop3A_445 = tpu.vector_load %arg5[%parallel_loop3A_442, %parallel_loop3A_443, %parallel_loop3A_444] {strides = array<i32>} : memref<2x8x512xf32, #tpu.memory_space<vmem>>, vector<1x1x16xf32>,
      %parallel_loop3A_446 = vector.shape_cast %parallel_loop3A_445 : vector<1x1x16xf32> to vector<16xf32>
      %parallel_loop3A_447 = vector.shape_cast %parallel_loop3A_439 : vector<16xf32> to vector<1x1x16xf32>
      tpu.vector_store %arg5[%parallel_loop3A_442, %parallel_loop3A_443, %parallel_loop3A_444], %parallel_loop3A_447 {strides = array<i32>} : memref<2x8x512xf32, #tpu.memory_space<vmem>>, vector<1x1x16xf32>,
      %parallel_loop3A_448 = arith.constant 0 : i32
      %parallel_loop3A_449 = arith.constant 4 : i32
      %parallel_loop3A_450 = arith.index_cast %parallel_loop3A_448 : i32 to index
      %parallel_loop3A_451 = arith.index_cast %parallel_loop3A_449 : i32 to index
      %parallel_loop3A_452 = arith.index_cast %parallel_loop3A_235 : i32 to index
      %parallel_loop3A_453 = tpu.vector_load %arg4[%parallel_loop3A_450, %parallel_loop3A_451, %parallel_loop3A_452] {strides = array<i32>} : memref<2x8x512xf32, #tpu.memory_space<vmem>>, vector<1x1x16xf32>,
      %parallel_loop3A_454 = vector.shape_cast %parallel_loop3A_453 : vector<1x1x16xf32> to vector<16xf32>
      %parallel_loop3A_455 = arith.constant 2 : i32
      %parallel_loop3A_456 = vector.broadcast %parallel_loop3A_455 : i32 to vector<16xi32>
      %parallel_loop3A_457 = arith.addi %and3A_26, %parallel_loop3A_456 : vector<16xi32>
      %parallel_loop3A_458 = arith.constant 3 : i32
      %parallel_loop3A_459 = vector.broadcast %parallel_loop3A_458 : i32 to vector<16xi32>
      %parallel_loop3A_460 = arith.andi %parallel_loop3A_457, %parallel_loop3A_459 : vector<16xi32>
      %parallel_loop3A_461 = arith.ori %sub3A_27, %parallel_loop3A_460 : vector<16xi32>
      %parallel_loop3A_462 = vector.shape_cast %parallel_loop3A_461 : vector<16xi32> to vector<16x1xi32>
      %parallel_loop3A_463 = vector.shape_cast %parallel_loop3A_462 : vector<16x1xi32> to vector<16xi32>
      %parallel_loop3A_464 = tpu.dynamic_gather %parallel_loop3A_454[%parallel_loop3A_463] in [0] : vector<16xf32>, vector<16xi32> -> vector<16xf32>
      %parallel_loop3A_465 = arith.maximumf %parallel_loop3A_454, %parallel_loop3A_464 : vector<16xf32>
      %parallel_loop3A_466 = arith.minimumf %parallel_loop3A_454, %parallel_loop3A_464 : vector<16xf32>
      %parallel_loop3A_467 = arith.constant 1 : i32
      %parallel_loop3A_468 = vector.broadcast %parallel_loop3A_467 : i32 to vector<16xi32>
      %parallel_loop3A_469 = arith.addi %and3A_26, %parallel_loop3A_468 : vector<16xi32>
      %parallel_loop3A_470 = arith.constant 3 : i32
      %parallel_loop3A_471 = vector.broadcast %parallel_loop3A_470 : i32 to vector<16xi32>
      %parallel_loop3A_472 = arith.andi %parallel_loop3A_469, %parallel_loop3A_471 : vector<16xi32>
      %parallel_loop3A_473 = arith.ori %sub3A_27, %parallel_loop3A_472 : vector<16xi32>
      %parallel_loop3A_474 = vector.shape_cast %parallel_loop3A_473 : vector<16xi32> to vector<16x1xi32>
      %parallel_loop3A_475 = vector.shape_cast %parallel_loop3A_474 : vector<16x1xi32> to vector<16xi32>
      %parallel_loop3A_476 = tpu.dynamic_gather %parallel_loop3A_465[%parallel_loop3A_475] in [0] : vector<16xf32>, vector<16xi32> -> vector<16xf32>
      %parallel_loop3A_477 = arith.constant 1 : i32
      %parallel_loop3A_478 = vector.broadcast %parallel_loop3A_477 : i32 to vector<16xi32>
      %parallel_loop3A_479 = arith.addi %and3A_26, %parallel_loop3A_478 : vector<16xi32>
      %parallel_loop3A_480 = arith.constant 3 : i32
      %parallel_loop3A_481 = vector.broadcast %parallel_loop3A_480 : i32 to vector<16xi32>
      %parallel_loop3A_482 = arith.andi %parallel_loop3A_479, %parallel_loop3A_481 : vector<16xi32>
      %parallel_loop3A_483 = arith.ori %sub3A_27, %parallel_loop3A_482 : vector<16xi32>
      %parallel_loop3A_484 = vector.shape_cast %parallel_loop3A_483 : vector<16xi32> to vector<16x1xi32>
      %parallel_loop3A_485 = vector.shape_cast %parallel_loop3A_484 : vector<16x1xi32> to vector<16xi32>
      %parallel_loop3A_486 = tpu.dynamic_gather %parallel_loop3A_466[%parallel_loop3A_485] in [0] : vector<16xf32>, vector<16xi32> -> vector<16xf32>
      %parallel_loop3A_487 = arith.minimumf %parallel_loop3A_465, %parallel_loop3A_476 : vector<16xf32>
      %parallel_loop3A_488 = arith.maximumf %parallel_loop3A_466, %parallel_loop3A_486 : vector<16xf32>
      %parallel_loop3A_489 = arith.maximumf %parallel_loop3A_487, %parallel_loop3A_488 : vector<16xf32>
      %parallel_loop3A_490 = arith.cmpf oge, %parallel_loop3A_454, %parallel_loop3A_489 : vector<16xf32>
      %parallel_loop3A_491 = vector.broadcast %parallel_loop3A_158 : f32 to vector<16xf32>
      %parallel_loop3A_492 = arith.select %parallel_loop3A_490, %parallel_loop3A_454, %parallel_loop3A_491 : vector<16xi1>, vector<16xf32>
      %parallel_loop3A_493 = arith.constant 0 : i32
      %parallel_loop3A_494 = arith.constant 4 : i32
      %parallel_loop3A_495 = arith.index_cast %parallel_loop3A_493 : i32 to index
      %parallel_loop3A_496 = arith.index_cast %parallel_loop3A_494 : i32 to index
      %parallel_loop3A_497 = arith.index_cast %parallel_loop3A_235 : i32 to index
      %parallel_loop3A_498 = tpu.vector_load %arg5[%parallel_loop3A_495, %parallel_loop3A_496, %parallel_loop3A_497] {strides = array<i32>} : memref<2x8x512xf32, #tpu.memory_space<vmem>>, vector<1x1x16xf32>,
      %parallel_loop3A_499 = vector.shape_cast %parallel_loop3A_498 : vector<1x1x16xf32> to vector<16xf32>
      %parallel_loop3A_500 = vector.shape_cast %parallel_loop3A_492 : vector<16xf32> to vector<1x1x16xf32>
      tpu.vector_store %arg5[%parallel_loop3A_495, %parallel_loop3A_496, %parallel_loop3A_497], %parallel_loop3A_500 {strides = array<i32>} : memref<2x8x512xf32, #tpu.memory_space<vmem>>, vector<1x1x16xf32>,
      %parallel_loop3A_501 = arith.constant 0 : i32
      %parallel_loop3A_502 = arith.constant 5 : i32
      %parallel_loop3A_503 = arith.index_cast %parallel_loop3A_501 : i32 to index
      %parallel_loop3A_504 = arith.index_cast %parallel_loop3A_502 : i32 to index
      %parallel_loop3A_505 = arith.index_cast %parallel_loop3A_235 : i32 to index
      %parallel_loop3A_506 = tpu.vector_load %arg4[%parallel_loop3A_503, %parallel_loop3A_504, %parallel_loop3A_505] {strides = array<i32>} : memref<2x8x512xf32, #tpu.memory_space<vmem>>, vector<1x1x16xf32>,
      %parallel_loop3A_507 = vector.shape_cast %parallel_loop3A_506 : vector<1x1x16xf32> to vector<16xf32>
      %parallel_loop3A_508 = arith.constant 2 : i32
      %parallel_loop3A_509 = vector.broadcast %parallel_loop3A_508 : i32 to vector<16xi32>
      %parallel_loop3A_510 = arith.addi %and3A_26, %parallel_loop3A_509 : vector<16xi32>
      %parallel_loop3A_511 = arith.constant 3 : i32
      %parallel_loop3A_512 = vector.broadcast %parallel_loop3A_511 : i32 to vector<16xi32>
      %parallel_loop3A_513 = arith.andi %parallel_loop3A_510, %parallel_loop3A_512 : vector<16xi32>
      %parallel_loop3A_514 = arith.ori %sub3A_27, %parallel_loop3A_513 : vector<16xi32>
      %parallel_loop3A_515 = vector.shape_cast %parallel_loop3A_514 : vector<16xi32> to vector<16x1xi32>
      %parallel_loop3A_516 = vector.shape_cast %parallel_loop3A_515 : vector<16x1xi32> to vector<16xi32>
      %parallel_loop3A_517 = tpu.dynamic_gather %parallel_loop3A_507[%parallel_loop3A_516] in [0] : vector<16xf32>, vector<16xi32> -> vector<16xf32>
      %parallel_loop3A_518 = arith.maximumf %parallel_loop3A_507, %parallel_loop3A_517 : vector<16xf32>
      %parallel_loop3A_519 = arith.minimumf %parallel_loop3A_507, %parallel_loop3A_517 : vector<16xf32>
      %parallel_loop3A_520 = arith.constant 1 : i32
      %parallel_loop3A_521 = vector.broadcast %parallel_loop3A_520 : i32 to vector<16xi32>
      %parallel_loop3A_522 = arith.addi %and3A_26, %parallel_loop3A_521 : vector<16xi32>
      %parallel_loop3A_523 = arith.constant 3 : i32
      %parallel_loop3A_524 = vector.broadcast %parallel_loop3A_523 : i32 to vector<16xi32>
      %parallel_loop3A_525 = arith.andi %parallel_loop3A_522, %parallel_loop3A_524 : vector<16xi32>
      %parallel_loop3A_526 = arith.ori %sub3A_27, %parallel_loop3A_525 : vector<16xi32>
      %parallel_loop3A_527 = vector.shape_cast %parallel_loop3A_526 : vector<16xi32> to vector<16x1xi32>
      %parallel_loop3A_528 = vector.shape_cast %parallel_loop3A_527 : vector<16x1xi32> to vector<16xi32>
      %parallel_loop3A_529 = tpu.dynamic_gather %parallel_loop3A_518[%parallel_loop3A_528] in [0] : vector<16xf32>, vector<16xi32> -> vector<16xf32>
      %parallel_loop3A_530 = arith.constant 1 : i32
      %parallel_loop3A_531 = vector.broadcast %parallel_loop3A_530 : i32 to vector<16xi32>
      %parallel_loop3A_532 = arith.addi %and3A_26, %parallel_loop3A_531 : vector<16xi32>
      %parallel_loop3A_533 = arith.constant 3 : i32
      %parallel_loop3A_534 = vector.broadcast %parallel_loop3A_533 : i32 to vector<16xi32>
      %parallel_loop3A_535 = arith.andi %parallel_loop3A_532, %parallel_loop3A_534 : vector<16xi32>
      %parallel_loop3A_536 = arith.ori %sub3A_27, %parallel_loop3A_535 : vector<16xi32>
      %parallel_loop3A_537 = vector.shape_cast %parallel_loop3A_536 : vector<16xi32> to vector<16x1xi32>
      %parallel_loop3A_538 = vector.shape_cast %parallel_loop3A_537 : vector<16x1xi32> to vector<16xi32>
      %parallel_loop3A_539 = tpu.dynamic_gather %parallel_loop3A_519[%parallel_loop3A_538] in [0] : vector<16xf32>, vector<16xi32> -> vector<16xf32>
      %parallel_loop3A_540 = arith.minimumf %parallel_loop3A_518, %parallel_loop3A_529 : vector<16xf32>
      %parallel_loop3A_541 = arith.maximumf %parallel_loop3A_519, %parallel_loop3A_539 : vector<16xf32>
      %parallel_loop3A_542 = arith.maximumf %parallel_loop3A_540, %parallel_loop3A_541 : vector<16xf32>
      %parallel_loop3A_543 = arith.cmpf oge, %parallel_loop3A_507, %parallel_loop3A_542 : vector<16xf32>
      %parallel_loop3A_544 = vector.broadcast %parallel_loop3A_158 : f32 to vector<16xf32>
      %parallel_loop3A_545 = arith.select %parallel_loop3A_543, %parallel_loop3A_507, %parallel_loop3A_544 : vector<16xi1>, vector<16xf32>
      %parallel_loop3A_546 = arith.constant 0 : i32
      %parallel_loop3A_547 = arith.constant 5 : i32
      %parallel_loop3A_548 = arith.index_cast %parallel_loop3A_546 : i32 to index
      %parallel_loop3A_549 = arith.index_cast %parallel_loop3A_547 : i32 to index
      %parallel_loop3A_550 = arith.index_cast %parallel_loop3A_235 : i32 to index
      %parallel_loop3A_551 = tpu.vector_load %arg5[%parallel_loop3A_548, %parallel_loop3A_549, %parallel_loop3A_550] {strides = array<i32>} : memref<2x8x512xf32, #tpu.memory_space<vmem>>, vector<1x1x16xf32>,
      %parallel_loop3A_552 = vector.shape_cast %parallel_loop3A_551 : vector<1x1x16xf32> to vector<16xf32>
      %parallel_loop3A_553 = vector.shape_cast %parallel_loop3A_545 : vector<16xf32> to vector<1x1x16xf32>
      tpu.vector_store %arg5[%parallel_loop3A_548, %parallel_loop3A_549, %parallel_loop3A_550], %parallel_loop3A_553 {strides = array<i32>} : memref<2x8x512xf32, #tpu.memory_space<vmem>>, vector<1x1x16xf32>,
      %parallel_loop3A_554 = arith.constant 0 : i32
      %parallel_loop3A_555 = arith.constant 6 : i32
      %parallel_loop3A_556 = arith.index_cast %parallel_loop3A_554 : i32 to index
      %parallel_loop3A_557 = arith.index_cast %parallel_loop3A_555 : i32 to index
      %parallel_loop3A_558 = arith.index_cast %parallel_loop3A_235 : i32 to index
      %parallel_loop3A_559 = tpu.vector_load %arg4[%parallel_loop3A_556, %parallel_loop3A_557, %parallel_loop3A_558] {strides = array<i32>} : memref<2x8x512xf32, #tpu.memory_space<vmem>>, vector<1x1x16xf32>,
      %parallel_loop3A_560 = vector.shape_cast %parallel_loop3A_559 : vector<1x1x16xf32> to vector<16xf32>
      %parallel_loop3A_561 = arith.constant 2 : i32
      %parallel_loop3A_562 = vector.broadcast %parallel_loop3A_561 : i32 to vector<16xi32>
      %parallel_loop3A_563 = arith.addi %and3A_26, %parallel_loop3A_562 : vector<16xi32>
      %parallel_loop3A_564 = arith.constant 3 : i32
      %parallel_loop3A_565 = vector.broadcast %parallel_loop3A_564 : i32 to vector<16xi32>
      %parallel_loop3A_566 = arith.andi %parallel_loop3A_563, %parallel_loop3A_565 : vector<16xi32>
      %parallel_loop3A_567 = arith.ori %sub3A_27, %parallel_loop3A_566 : vector<16xi32>
      %parallel_loop3A_568 = vector.shape_cast %parallel_loop3A_567 : vector<16xi32> to vector<16x1xi32>
      %parallel_loop3A_569 = vector.shape_cast %parallel_loop3A_568 : vector<16x1xi32> to vector<16xi32>
      %parallel_loop3A_570 = tpu.dynamic_gather %parallel_loop3A_560[%parallel_loop3A_569] in [0] : vector<16xf32>, vector<16xi32> -> vector<16xf32>
      %parallel_loop3A_571 = arith.maximumf %parallel_loop3A_560, %parallel_loop3A_570 : vector<16xf32>
      %parallel_loop3A_572 = arith.minimumf %parallel_loop3A_560, %parallel_loop3A_570 : vector<16xf32>
      %parallel_loop3A_573 = arith.constant 1 : i32
      %parallel_loop3A_574 = vector.broadcast %parallel_loop3A_573 : i32 to vector<16xi32>
      %parallel_loop3A_575 = arith.addi %and3A_26, %parallel_loop3A_574 : vector<16xi32>
      %parallel_loop3A_576 = arith.constant 3 : i32
      %parallel_loop3A_577 = vector.broadcast %parallel_loop3A_576 : i32 to vector<16xi32>
      %parallel_loop3A_578 = arith.andi %parallel_loop3A_575, %parallel_loop3A_577 : vector<16xi32>
      %parallel_loop3A_579 = arith.ori %sub3A_27, %parallel_loop3A_578 : vector<16xi32>
      %parallel_loop3A_580 = vector.shape_cast %parallel_loop3A_579 : vector<16xi32> to vector<16x1xi32>
      %parallel_loop3A_581 = vector.shape_cast %parallel_loop3A_580 : vector<16x1xi32> to vector<16xi32>
      %parallel_loop3A_582 = tpu.dynamic_gather %parallel_loop3A_571[%parallel_loop3A_581] in [0] : vector<16xf32>, vector<16xi32> -> vector<16xf32>
      %parallel_loop3A_583 = arith.constant 1 : i32
      %parallel_loop3A_584 = vector.broadcast %parallel_loop3A_583 : i32 to vector<16xi32>
      %parallel_loop3A_585 = arith.addi %and3A_26, %parallel_loop3A_584 : vector<16xi32>
      %parallel_loop3A_586 = arith.constant 3 : i32
      %parallel_loop3A_587 = vector.broadcast %parallel_loop3A_586 : i32 to vector<16xi32>
      %parallel_loop3A_588 = arith.andi %parallel_loop3A_585, %parallel_loop3A_587 : vector<16xi32>
      %parallel_loop3A_589 = arith.ori %sub3A_27, %parallel_loop3A_588 : vector<16xi32>
      %parallel_loop3A_590 = vector.shape_cast %parallel_loop3A_589 : vector<16xi32> to vector<16x1xi32>
      %parallel_loop3A_591 = vector.shape_cast %parallel_loop3A_590 : vector<16x1xi32> to vector<16xi32>
      %parallel_loop3A_592 = tpu.dynamic_gather %parallel_loop3A_572[%parallel_loop3A_591] in [0] : vector<16xf32>, vector<16xi32> -> vector<16xf32>
      %parallel_loop3A_593 = arith.minimumf %parallel_loop3A_571, %parallel_loop3A_582 : vector<16xf32>
      %parallel_loop3A_594 = arith.maximumf %parallel_loop3A_572, %parallel_loop3A_592 : vector<16xf32>
      %parallel_loop3A_595 = arith.maximumf %parallel_loop3A_593, %parallel_loop3A_594 : vector<16xf32>
      %parallel_loop3A_596 = arith.cmpf oge, %parallel_loop3A_560, %parallel_loop3A_595 : vector<16xf32>
      %parallel_loop3A_597 = vector.broadcast %parallel_loop3A_158 : f32 to vector<16xf32>
      %parallel_loop3A_598 = arith.select %parallel_loop3A_596, %parallel_loop3A_560, %parallel_loop3A_597 : vector<16xi1>, vector<16xf32>
      %parallel_loop3A_599 = arith.constant 0 : i32
      %parallel_loop3A_600 = arith.constant 6 : i32
      %parallel_loop3A_601 = arith.index_cast %parallel_loop3A_599 : i32 to index
      %parallel_loop3A_602 = arith.index_cast %parallel_loop3A_600 : i32 to index
      %parallel_loop3A_603 = arith.index_cast %parallel_loop3A_235 : i32 to index
      %parallel_loop3A_604 = tpu.vector_load %arg5[%parallel_loop3A_601, %parallel_loop3A_602, %parallel_loop3A_603] {strides = array<i32>} : memref<2x8x512xf32, #tpu.memory_space<vmem>>, vector<1x1x16xf32>,
      %parallel_loop3A_605 = vector.shape_cast %parallel_loop3A_604 : vector<1x1x16xf32> to vector<16xf32>
      %parallel_loop3A_606 = vector.shape_cast %parallel_loop3A_598 : vector<16xf32> to vector<1x1x16xf32>
      tpu.vector_store %arg5[%parallel_loop3A_601, %parallel_loop3A_602, %parallel_loop3A_603], %parallel_loop3A_606 {strides = array<i32>} : memref<2x8x512xf32, #tpu.memory_space<vmem>>, vector<1x1x16xf32>,
      %parallel_loop3A_607 = arith.constant 0 : i32
      %parallel_loop3A_608 = arith.constant 7 : i32
      %parallel_loop3A_609 = arith.index_cast %parallel_loop3A_607 : i32 to index
      %parallel_loop3A_610 = arith.index_cast %parallel_loop3A_608 : i32 to index
      %parallel_loop3A_611 = arith.index_cast %parallel_loop3A_235 : i32 to index
      %parallel_loop3A_612 = tpu.vector_load %arg4[%parallel_loop3A_609, %parallel_loop3A_610, %parallel_loop3A_611] {strides = array<i32>} : memref<2x8x512xf32, #tpu.memory_space<vmem>>, vector<1x1x16xf32>,
      %parallel_loop3A_613 = vector.shape_cast %parallel_loop3A_612 : vector<1x1x16xf32> to vector<16xf32>
      %parallel_loop3A_614 = arith.constant 2 : i32
      %parallel_loop3A_615 = vector.broadcast %parallel_loop3A_614 : i32 to vector<16xi32>
      %parallel_loop3A_616 = arith.addi %and3A_26, %parallel_loop3A_615 : vector<16xi32>
      %parallel_loop3A_617 = arith.constant 3 : i32
      %parallel_loop3A_618 = vector.broadcast %parallel_loop3A_617 : i32 to vector<16xi32>
      %parallel_loop3A_619 = arith.andi %parallel_loop3A_616, %parallel_loop3A_618 : vector<16xi32>
      %parallel_loop3A_620 = arith.ori %sub3A_27, %parallel_loop3A_619 : vector<16xi32>
      %parallel_loop3A_621 = vector.shape_cast %parallel_loop3A_620 : vector<16xi32> to vector<16x1xi32>
      %parallel_loop3A_622 = vector.shape_cast %parallel_loop3A_621 : vector<16x1xi32> to vector<16xi32>
      %parallel_loop3A_623 = tpu.dynamic_gather %parallel_loop3A_613[%parallel_loop3A_622] in [0] : vector<16xf32>, vector<16xi32> -> vector<16xf32>
      %parallel_loop3A_624 = arith.maximumf %parallel_loop3A_613, %parallel_loop3A_623 : vector<16xf32>
      %parallel_loop3A_625 = arith.minimumf %parallel_loop3A_613, %parallel_loop3A_623 : vector<16xf32>
      %parallel_loop3A_626 = arith.constant 1 : i32
      %parallel_loop3A_627 = vector.broadcast %parallel_loop3A_626 : i32 to vector<16xi32>
      %parallel_loop3A_628 = arith.addi %and3A_26, %parallel_loop3A_627 : vector<16xi32>
      %parallel_loop3A_629 = arith.constant 3 : i32
      %parallel_loop3A_630 = vector.broadcast %parallel_loop3A_629 : i32 to vector<16xi32>
      %parallel_loop3A_631 = arith.andi %parallel_loop3A_628, %parallel_loop3A_630 : vector<16xi32>
      %parallel_loop3A_632 = arith.ori %sub3A_27, %parallel_loop3A_631 : vector<16xi32>
      %parallel_loop3A_633 = vector.shape_cast %parallel_loop3A_632 : vector<16xi32> to vector<16x1xi32>
      %parallel_loop3A_634 = vector.shape_cast %parallel_loop3A_633 : vector<16x1xi32> to vector<16xi32>
      %parallel_loop3A_635 = tpu.dynamic_gather %parallel_loop3A_624[%parallel_loop3A_634] in [0] : vector<16xf32>, vector<16xi32> -> vector<16xf32>
      %parallel_loop3A_636 = arith.constant 1 : i32
      %parallel_loop3A_637 = vector.broadcast %parallel_loop3A_636 : i32 to vector<16xi32>
      %parallel_loop3A_638 = arith.addi %and3A_26, %parallel_loop3A_637 : vector<16xi32>
      %parallel_loop3A_639 = arith.constant 3 : i32
      %parallel_loop3A_640 = vector.broadcast %parallel_loop3A_639 : i32 to vector<16xi32>
      %parallel_loop3A_641 = arith.andi %parallel_loop3A_638, %parallel_loop3A_640 : vector<16xi32>
      %parallel_loop3A_642 = arith.ori %sub3A_27, %parallel_loop3A_641 : vector<16xi32>
      %parallel_loop3A_643 = vector.shape_cast %parallel_loop3A_642 : vector<16xi32> to vector<16x1xi32>
      %parallel_loop3A_644 = vector.shape_cast %parallel_loop3A_643 : vector<16x1xi32> to vector<16xi32>
      %parallel_loop3A_645 = tpu.dynamic_gather %parallel_loop3A_625[%parallel_loop3A_644] in [0] : vector<16xf32>, vector<16xi32> -> vector<16xf32>
      %parallel_loop3A_646 = arith.minimumf %parallel_loop3A_624, %parallel_loop3A_635 : vector<16xf32>
      %parallel_loop3A_647 = arith.maximumf %parallel_loop3A_625, %parallel_loop3A_645 : vector<16xf32>
      %parallel_loop3A_648 = arith.maximumf %parallel_loop3A_646, %parallel_loop3A_647 : vector<16xf32>
      %parallel_loop3A_649 = arith.cmpf oge, %parallel_loop3A_613, %parallel_loop3A_648 : vector<16xf32>
      %parallel_loop3A_650 = vector.broadcast %parallel_loop3A_158 : f32 to vector<16xf32>
      %parallel_loop3A_651 = arith.select %parallel_loop3A_649, %parallel_loop3A_613, %parallel_loop3A_650 : vector<16xi1>, vector<16xf32>
      %parallel_loop3A_652 = arith.constant 0 : i32
      %parallel_loop3A_653 = arith.constant 7 : i32
      %parallel_loop3A_654 = arith.index_cast %parallel_loop3A_652 : i32 to index
      %parallel_loop3A_655 = arith.index_cast %parallel_loop3A_653 : i32 to index
      %parallel_loop3A_656 = arith.index_cast %parallel_loop3A_235 : i32 to index
      %parallel_loop3A_657 = tpu.vector_load %arg5[%parallel_loop3A_654, %parallel_loop3A_655, %parallel_loop3A_656] {strides = array<i32>} : memref<2x8x512xf32, #tpu.memory_space<vmem>>, vector<1x1x16xf32>,
      %parallel_loop3A_658 = vector.shape_cast %parallel_loop3A_657 : vector<1x1x16xf32> to vector<16xf32>
      %parallel_loop3A_659 = vector.shape_cast %parallel_loop3A_651 : vector<16xf32> to vector<1x1x16xf32>
      tpu.vector_store %arg5[%parallel_loop3A_654, %parallel_loop3A_655, %parallel_loop3A_656], %parallel_loop3A_659 {strides = array<i32>} : memref<2x8x512xf32, #tpu.memory_space<vmem>>, vector<1x1x16xf32>,
    } {sc.loop_unroll_factor = 2 : i64, sc.parallel_access}
    %add3A_159 = arith.constant 1024 : i32
    %add3A_160 = arith.addi %mul3A_23, %add3A_159 : i32
    %dma_start3A_161 = arith.constant 0 : i32
    %dma_start3A_162 = arith.constant 0 : i32
    %dma_start3A_163 = arith.constant 0 : i32
    %dma_start3A_164 = tpu.memref_slice %arg5[%dma_start3A_161, %dma_start3A_162, %dma_start3A_163] : memref<2x8x512xf32, #tpu.memory_space<vmem>> -> memref<1x8x512xf32, #tpu.memory_space<vmem>>
    %dma_start3A_165 = tpu.memref_squeeze %dma_start3A_164 : memref<1x8x512xf32, #tpu.memory_space<vmem>> -> memref<8x512xf32, #tpu.memory_space<vmem>>
    %dma_start3A_166 = tpu.memref_slice %arg3[%mul3A_21, %add3A_160] : memref<64x8192xf32, #tpu.memory_space<hbm>> -> memref<8x512xf32, #tpu.memory_space<hbm>>
    %dma_start3A_167 = tpu.memref_slice %arg3[%mul3A_21, %add3A_160] : memref<64x8192xf32, #tpu.memory_space<hbm>> -> memref<8x512xf32, #tpu.memory_space<hbm>>
    %dma_start3A_168 = arith.constant 0 : i32
    %dma_start3A_169 = arith.constant 0 : i32
    %dma_start3A_170 = tpu.memref_slice %arg5[%dma_start3A_161, %dma_start3A_168, %dma_start3A_169] : memref<2x8x512xf32, #tpu.memory_space<vmem>> -> memref<1x8x512xf32, #tpu.memory_space<vmem>>
    %dma_start3A_171 = tpu.memref_squeeze %dma_start3A_170 : memref<1x8x512xf32, #tpu.memory_space<vmem>> -> memref<8x512xf32, #tpu.memory_space<vmem>>
    tpu.enqueue_dma source(%dma_start3A_171 : memref<8x512xf32, #tpu.memory_space<vmem>>) target(%dma_start3A_167 : memref<8x512xf32, #tpu.memory_space<hbm>>) target_semaphore(%arg8 : memref<!tpu.dma_semaphore, #tpu.memory_space<semaphore_mem>>)
    %dma_wait3A_172 = arith.constant 1 : i32
    %dma_wait3A_173 = arith.constant 0 : i32
    %dma_wait3A_174 = arith.constant 0 : i32
    %dma_wait3A_175 = tpu.memref_slice %arg4[%dma_wait3A_172, %dma_wait3A_173, %dma_wait3A_174] : memref<2x8x512xf32, #tpu.memory_space<vmem>> -> memref<1x8x512xf32, #tpu.memory_space<vmem>>
    %dma_wait3A_176 = tpu.memref_squeeze %dma_wait3A_175 : memref<1x8x512xf32, #tpu.memory_space<vmem>> -> memref<8x512xf32, #tpu.memory_space<vmem>>
    %dma_wait3A_177 = tpu.memref_slice %arg2[%mul3A_21, %add3A_121] : memref<64x8192xf32, #tpu.memory_space<hbm>> -> memref<8x512xf32, #tpu.memory_space<hbm>>
    %dma_wait3A_178 = arith.constant 0 : i32
    %dma_wait3A_179 = arith.constant 0 : i32
    %dma_wait3A_180 = tpu.memref_slice %arg4[%dma_wait3A_172, %dma_wait3A_178, %dma_wait3A_179] : memref<2x8x512xf32, #tpu.memory_space<vmem>> -> memref<1x8x512xf32, #tpu.memory_space<vmem>>
    %dma_wait3A_181 = tpu.memref_squeeze %dma_wait3A_180 : memref<1x8x512xf32, #tpu.memory_space<vmem>> -> memref<8x512xf32, #tpu.memory_space<vmem>>
    %dma_wait3A_182 = tpu.memref_slice %arg2[%mul3A_21, %add3A_121] : memref<64x8192xf32, #tpu.memory_space<hbm>> -> memref<8x512xf32, #tpu.memory_space<hbm>>
    tpu.wait_dma2 semaphore(%arg7 : memref<!tpu.dma_semaphore, #tpu.memory_space<semaphore_mem>>) src(%dma_wait3A_182 : memref<8x512xf32, #tpu.memory_space<hbm>>) dst(%dma_wait3A_181 : memref<8x512xf32, #tpu.memory_space<vmem>>)
    %dma_wait3A_183 = arith.constant 1 : i32
    %dma_wait3A_184 = arith.constant 0 : i32
    %dma_wait3A_185 = arith.constant 0 : i32
    %dma_wait3A_186 = tpu.memref_slice %arg5[%dma_wait3A_183, %dma_wait3A_184, %dma_wait3A_185] : memref<2x8x512xf32, #tpu.memory_space<vmem>> -> memref<1x8x512xf32, #tpu.memory_space<vmem>>
    %dma_wait3A_187 = tpu.memref_squeeze %dma_wait3A_186 : memref<1x8x512xf32, #tpu.memory_space<vmem>> -> memref<8x512xf32, #tpu.memory_space<vmem>>
    %dma_wait3A_188 = tpu.memref_slice %arg3[%mul3A_21, %add3A_108] : memref<64x8192xf32, #tpu.memory_space<hbm>> -> memref<8x512xf32, #tpu.memory_space<hbm>>
    %dma_wait3A_189 = tpu.memref_slice %arg3[%mul3A_21, %add3A_108] : memref<64x8192xf32, #tpu.memory_space<hbm>> -> memref<8x512xf32, #tpu.memory_space<hbm>>
    %dma_wait3A_190 = arith.constant 0 : i32
    %dma_wait3A_191 = arith.constant 0 : i32
    %dma_wait3A_192 = tpu.memref_slice %arg5[%dma_wait3A_183, %dma_wait3A_190, %dma_wait3A_191] : memref<2x8x512xf32, #tpu.memory_space<vmem>> -> memref<1x8x512xf32, #tpu.memory_space<vmem>>
    %dma_wait3A_193 = tpu.memref_squeeze %dma_wait3A_192 : memref<1x8x512xf32, #tpu.memory_space<vmem>> -> memref<8x512xf32, #tpu.memory_space<vmem>>
    tpu.wait_dma2 semaphore(%arg9 : memref<!tpu.dma_semaphore, #tpu.memory_space<semaphore_mem>>) src(%dma_wait3A_193 : memref<8x512xf32, #tpu.memory_space<vmem>>) dst(%dma_wait3A_189 : memref<8x512xf32, #tpu.memory_space<hbm>>)
    %parallel_loop3A_194 = arith.constant 0 : i32
    %parallel_loop3A_195 = arith.constant 32 : i32
    %parallel_loop3A_196 = arith.constant 1 : i32
    %parallel_loop3A_197 = arith.constant 0.000000e+00 : f32
    scf.for %parallel_loop3A_233 = %parallel_loop3A_194 to %parallel_loop3A_195 step %parallel_loop3A_196  : i32 {
      %parallel_loop3A_234 = arith.constant 16 : i32
      %parallel_loop3A_235 = arith.muli %parallel_loop3A_233, %parallel_loop3A_234 : i32
      %parallel_loop3A_236 = arith.constant 1 : i32
      %parallel_loop3A_237 = arith.constant 0 : i32
      %parallel_loop3A_238 = arith.index_cast %parallel_loop3A_236 : i32 to index
      %parallel_loop3A_239 = arith.index_cast %parallel_loop3A_237 : i32 to index
      %parallel_loop3A_240 = arith.index_cast %parallel_loop3A_235 : i32 to index
      %parallel_loop3A_241 = tpu.vector_load %arg4[%parallel_loop3A_238, %parallel_loop3A_239, %parallel_loop3A_240] {strides = array<i32>} : memref<2x8x512xf32, #tpu.memory_space<vmem>>, vector<1x1x16xf32>,
      %parallel_loop3A_242 = vector.shape_cast %parallel_loop3A_241 : vector<1x1x16xf32> to vector<16xf32>
      %parallel_loop3A_243 = arith.constant 2 : i32
      %parallel_loop3A_244 = vector.broadcast %parallel_loop3A_243 : i32 to vector<16xi32>
      %parallel_loop3A_245 = arith.addi %and3A_26, %parallel_loop3A_244 : vector<16xi32>
      %parallel_loop3A_246 = arith.constant 3 : i32
      %parallel_loop3A_247 = vector.broadcast %parallel_loop3A_246 : i32 to vector<16xi32>
      %parallel_loop3A_248 = arith.andi %parallel_loop3A_245, %parallel_loop3A_247 : vector<16xi32>
      %parallel_loop3A_249 = arith.ori %sub3A_27, %parallel_loop3A_248 : vector<16xi32>
      %parallel_loop3A_250 = vector.shape_cast %parallel_loop3A_249 : vector<16xi32> to vector<16x1xi32>
      %parallel_loop3A_251 = vector.shape_cast %parallel_loop3A_250 : vector<16x1xi32> to vector<16xi32>
      %parallel_loop3A_252 = tpu.dynamic_gather %parallel_loop3A_242[%parallel_loop3A_251] in [0] : vector<16xf32>, vector<16xi32> -> vector<16xf32>
      %parallel_loop3A_253 = arith.maximumf %parallel_loop3A_242, %parallel_loop3A_252 : vector<16xf32>
      %parallel_loop3A_254 = arith.minimumf %parallel_loop3A_242, %parallel_loop3A_252 : vector<16xf32>
      %parallel_loop3A_255 = arith.constant 1 : i32
      %parallel_loop3A_256 = vector.broadcast %parallel_loop3A_255 : i32 to vector<16xi32>
      %parallel_loop3A_257 = arith.addi %and3A_26, %parallel_loop3A_256 : vector<16xi32>
      %parallel_loop3A_258 = arith.constant 3 : i32
      %parallel_loop3A_259 = vector.broadcast %parallel_loop3A_258 : i32 to vector<16xi32>
      %parallel_loop3A_260 = arith.andi %parallel_loop3A_257, %parallel_loop3A_259 : vector<16xi32>
      %parallel_loop3A_261 = arith.ori %sub3A_27, %parallel_loop3A_260 : vector<16xi32>
      %parallel_loop3A_262 = vector.shape_cast %parallel_loop3A_261 : vector<16xi32> to vector<16x1xi32>
      %parallel_loop3A_263 = vector.shape_cast %parallel_loop3A_262 : vector<16x1xi32> to vector<16xi32>
      %parallel_loop3A_264 = tpu.dynamic_gather %parallel_loop3A_253[%parallel_loop3A_263] in [0] : vector<16xf32>, vector<16xi32> -> vector<16xf32>
      %parallel_loop3A_265 = arith.constant 1 : i32
      %parallel_loop3A_266 = vector.broadcast %parallel_loop3A_265 : i32 to vector<16xi32>
      %parallel_loop3A_267 = arith.addi %and3A_26, %parallel_loop3A_266 : vector<16xi32>
      %parallel_loop3A_268 = arith.constant 3 : i32
      %parallel_loop3A_269 = vector.broadcast %parallel_loop3A_268 : i32 to vector<16xi32>
      %parallel_loop3A_270 = arith.andi %parallel_loop3A_267, %parallel_loop3A_269 : vector<16xi32>
      %parallel_loop3A_271 = arith.ori %sub3A_27, %parallel_loop3A_270 : vector<16xi32>
      %parallel_loop3A_272 = vector.shape_cast %parallel_loop3A_271 : vector<16xi32> to vector<16x1xi32>
      %parallel_loop3A_273 = vector.shape_cast %parallel_loop3A_272 : vector<16x1xi32> to vector<16xi32>
      %parallel_loop3A_274 = tpu.dynamic_gather %parallel_loop3A_254[%parallel_loop3A_273] in [0] : vector<16xf32>, vector<16xi32> -> vector<16xf32>
      %parallel_loop3A_275 = arith.minimumf %parallel_loop3A_253, %parallel_loop3A_264 : vector<16xf32>
      %parallel_loop3A_276 = arith.maximumf %parallel_loop3A_254, %parallel_loop3A_274 : vector<16xf32>
      %parallel_loop3A_277 = arith.maximumf %parallel_loop3A_275, %parallel_loop3A_276 : vector<16xf32>
      %parallel_loop3A_278 = arith.cmpf oge, %parallel_loop3A_242, %parallel_loop3A_277 : vector<16xf32>
      %parallel_loop3A_279 = vector.broadcast %parallel_loop3A_197 : f32 to vector<16xf32>
      %parallel_loop3A_280 = arith.select %parallel_loop3A_278, %parallel_loop3A_242, %parallel_loop3A_279 : vector<16xi1>, vector<16xf32>
      %parallel_loop3A_281 = arith.constant 1 : i32
      %parallel_loop3A_282 = arith.constant 0 : i32
      %parallel_loop3A_283 = arith.index_cast %parallel_loop3A_281 : i32 to index
      %parallel_loop3A_284 = arith.index_cast %parallel_loop3A_282 : i32 to index
      %parallel_loop3A_285 = arith.index_cast %parallel_loop3A_235 : i32 to index
      %parallel_loop3A_286 = tpu.vector_load %arg5[%parallel_loop3A_283, %parallel_loop3A_284, %parallel_loop3A_285] {strides = array<i32>} : memref<2x8x512xf32, #tpu.memory_space<vmem>>, vector<1x1x16xf32>,
      %parallel_loop3A_287 = vector.shape_cast %parallel_loop3A_286 : vector<1x1x16xf32> to vector<16xf32>
      %parallel_loop3A_288 = vector.shape_cast %parallel_loop3A_280 : vector<16xf32> to vector<1x1x16xf32>
      tpu.vector_store %arg5[%parallel_loop3A_283, %parallel_loop3A_284, %parallel_loop3A_285], %parallel_loop3A_288 {strides = array<i32>} : memref<2x8x512xf32, #tpu.memory_space<vmem>>, vector<1x1x16xf32>,
      %parallel_loop3A_289 = arith.constant 1 : i32
      %parallel_loop3A_290 = arith.constant 1 : i32
      %parallel_loop3A_291 = arith.index_cast %parallel_loop3A_289 : i32 to index
      %parallel_loop3A_292 = arith.index_cast %parallel_loop3A_290 : i32 to index
      %parallel_loop3A_293 = arith.index_cast %parallel_loop3A_235 : i32 to index
      %parallel_loop3A_294 = tpu.vector_load %arg4[%parallel_loop3A_291, %parallel_loop3A_292, %parallel_loop3A_293] {strides = array<i32>} : memref<2x8x512xf32, #tpu.memory_space<vmem>>, vector<1x1x16xf32>,
      %parallel_loop3A_295 = vector.shape_cast %parallel_loop3A_294 : vector<1x1x16xf32> to vector<16xf32>
      %parallel_loop3A_296 = arith.constant 2 : i32
      %parallel_loop3A_297 = vector.broadcast %parallel_loop3A_296 : i32 to vector<16xi32>
      %parallel_loop3A_298 = arith.addi %and3A_26, %parallel_loop3A_297 : vector<16xi32>
      %parallel_loop3A_299 = arith.constant 3 : i32
      %parallel_loop3A_300 = vector.broadcast %parallel_loop3A_299 : i32 to vector<16xi32>
      %parallel_loop3A_301 = arith.andi %parallel_loop3A_298, %parallel_loop3A_300 : vector<16xi32>
      %parallel_loop3A_302 = arith.ori %sub3A_27, %parallel_loop3A_301 : vector<16xi32>
      %parallel_loop3A_303 = vector.shape_cast %parallel_loop3A_302 : vector<16xi32> to vector<16x1xi32>
      %parallel_loop3A_304 = vector.shape_cast %parallel_loop3A_303 : vector<16x1xi32> to vector<16xi32>
      %parallel_loop3A_305 = tpu.dynamic_gather %parallel_loop3A_295[%parallel_loop3A_304] in [0] : vector<16xf32>, vector<16xi32> -> vector<16xf32>
      %parallel_loop3A_306 = arith.maximumf %parallel_loop3A_295, %parallel_loop3A_305 : vector<16xf32>
      %parallel_loop3A_307 = arith.minimumf %parallel_loop3A_295, %parallel_loop3A_305 : vector<16xf32>
      %parallel_loop3A_308 = arith.constant 1 : i32
      %parallel_loop3A_309 = vector.broadcast %parallel_loop3A_308 : i32 to vector<16xi32>
      %parallel_loop3A_310 = arith.addi %and3A_26, %parallel_loop3A_309 : vector<16xi32>
      %parallel_loop3A_311 = arith.constant 3 : i32
      %parallel_loop3A_312 = vector.broadcast %parallel_loop3A_311 : i32 to vector<16xi32>
      %parallel_loop3A_313 = arith.andi %parallel_loop3A_310, %parallel_loop3A_312 : vector<16xi32>
      %parallel_loop3A_314 = arith.ori %sub3A_27, %parallel_loop3A_313 : vector<16xi32>
      %parallel_loop3A_315 = vector.shape_cast %parallel_loop3A_314 : vector<16xi32> to vector<16x1xi32>
      %parallel_loop3A_316 = vector.shape_cast %parallel_loop3A_315 : vector<16x1xi32> to vector<16xi32>
      %parallel_loop3A_317 = tpu.dynamic_gather %parallel_loop3A_306[%parallel_loop3A_316] in [0] : vector<16xf32>, vector<16xi32> -> vector<16xf32>
      %parallel_loop3A_318 = arith.constant 1 : i32
      %parallel_loop3A_319 = vector.broadcast %parallel_loop3A_318 : i32 to vector<16xi32>
      %parallel_loop3A_320 = arith.addi %and3A_26, %parallel_loop3A_319 : vector<16xi32>
      %parallel_loop3A_321 = arith.constant 3 : i32
      %parallel_loop3A_322 = vector.broadcast %parallel_loop3A_321 : i32 to vector<16xi32>
      %parallel_loop3A_323 = arith.andi %parallel_loop3A_320, %parallel_loop3A_322 : vector<16xi32>
      %parallel_loop3A_324 = arith.ori %sub3A_27, %parallel_loop3A_323 : vector<16xi32>
      %parallel_loop3A_325 = vector.shape_cast %parallel_loop3A_324 : vector<16xi32> to vector<16x1xi32>
      %parallel_loop3A_326 = vector.shape_cast %parallel_loop3A_325 : vector<16x1xi32> to vector<16xi32>
      %parallel_loop3A_327 = tpu.dynamic_gather %parallel_loop3A_307[%parallel_loop3A_326] in [0] : vector<16xf32>, vector<16xi32> -> vector<16xf32>
      %parallel_loop3A_328 = arith.minimumf %parallel_loop3A_306, %parallel_loop3A_317 : vector<16xf32>
      %parallel_loop3A_329 = arith.maximumf %parallel_loop3A_307, %parallel_loop3A_327 : vector<16xf32>
      %parallel_loop3A_330 = arith.maximumf %parallel_loop3A_328, %parallel_loop3A_329 : vector<16xf32>
      %parallel_loop3A_331 = arith.cmpf oge, %parallel_loop3A_295, %parallel_loop3A_330 : vector<16xf32>
      %parallel_loop3A_332 = vector.broadcast %parallel_loop3A_197 : f32 to vector<16xf32>
      %parallel_loop3A_333 = arith.select %parallel_loop3A_331, %parallel_loop3A_295, %parallel_loop3A_332 : vector<16xi1>, vector<16xf32>
      %parallel_loop3A_334 = arith.constant 1 : i32
      %parallel_loop3A_335 = arith.constant 1 : i32
      %parallel_loop3A_336 = arith.index_cast %parallel_loop3A_334 : i32 to index
      %parallel_loop3A_337 = arith.index_cast %parallel_loop3A_335 : i32 to index
      %parallel_loop3A_338 = arith.index_cast %parallel_loop3A_235 : i32 to index
      %parallel_loop3A_339 = tpu.vector_load %arg5[%parallel_loop3A_336, %parallel_loop3A_337, %parallel_loop3A_338] {strides = array<i32>} : memref<2x8x512xf32, #tpu.memory_space<vmem>>, vector<1x1x16xf32>,
      %parallel_loop3A_340 = vector.shape_cast %parallel_loop3A_339 : vector<1x1x16xf32> to vector<16xf32>
      %parallel_loop3A_341 = vector.shape_cast %parallel_loop3A_333 : vector<16xf32> to vector<1x1x16xf32>
      tpu.vector_store %arg5[%parallel_loop3A_336, %parallel_loop3A_337, %parallel_loop3A_338], %parallel_loop3A_341 {strides = array<i32>} : memref<2x8x512xf32, #tpu.memory_space<vmem>>, vector<1x1x16xf32>,
      %parallel_loop3A_342 = arith.constant 1 : i32
      %parallel_loop3A_343 = arith.constant 2 : i32
      %parallel_loop3A_344 = arith.index_cast %parallel_loop3A_342 : i32 to index
      %parallel_loop3A_345 = arith.index_cast %parallel_loop3A_343 : i32 to index
      %parallel_loop3A_346 = arith.index_cast %parallel_loop3A_235 : i32 to index
      %parallel_loop3A_347 = tpu.vector_load %arg4[%parallel_loop3A_344, %parallel_loop3A_345, %parallel_loop3A_346] {strides = array<i32>} : memref<2x8x512xf32, #tpu.memory_space<vmem>>, vector<1x1x16xf32>,
      %parallel_loop3A_348 = vector.shape_cast %parallel_loop3A_347 : vector<1x1x16xf32> to vector<16xf32>
      %parallel_loop3A_349 = arith.constant 2 : i32
      %parallel_loop3A_350 = vector.broadcast %parallel_loop3A_349 : i32 to vector<16xi32>
      %parallel_loop3A_351 = arith.addi %and3A_26, %parallel_loop3A_350 : vector<16xi32>
      %parallel_loop3A_352 = arith.constant 3 : i32
      %parallel_loop3A_353 = vector.broadcast %parallel_loop3A_352 : i32 to vector<16xi32>
      %parallel_loop3A_354 = arith.andi %parallel_loop3A_351, %parallel_loop3A_353 : vector<16xi32>
      %parallel_loop3A_355 = arith.ori %sub3A_27, %parallel_loop3A_354 : vector<16xi32>
      %parallel_loop3A_356 = vector.shape_cast %parallel_loop3A_355 : vector<16xi32> to vector<16x1xi32>
      %parallel_loop3A_357 = vector.shape_cast %parallel_loop3A_356 : vector<16x1xi32> to vector<16xi32>
      %parallel_loop3A_358 = tpu.dynamic_gather %parallel_loop3A_348[%parallel_loop3A_357] in [0] : vector<16xf32>, vector<16xi32> -> vector<16xf32>
      %parallel_loop3A_359 = arith.maximumf %parallel_loop3A_348, %parallel_loop3A_358 : vector<16xf32>
      %parallel_loop3A_360 = arith.minimumf %parallel_loop3A_348, %parallel_loop3A_358 : vector<16xf32>
      %parallel_loop3A_361 = arith.constant 1 : i32
      %parallel_loop3A_362 = vector.broadcast %parallel_loop3A_361 : i32 to vector<16xi32>
      %parallel_loop3A_363 = arith.addi %and3A_26, %parallel_loop3A_362 : vector<16xi32>
      %parallel_loop3A_364 = arith.constant 3 : i32
      %parallel_loop3A_365 = vector.broadcast %parallel_loop3A_364 : i32 to vector<16xi32>
      %parallel_loop3A_366 = arith.andi %parallel_loop3A_363, %parallel_loop3A_365 : vector<16xi32>
      %parallel_loop3A_367 = arith.ori %sub3A_27, %parallel_loop3A_366 : vector<16xi32>
      %parallel_loop3A_368 = vector.shape_cast %parallel_loop3A_367 : vector<16xi32> to vector<16x1xi32>
      %parallel_loop3A_369 = vector.shape_cast %parallel_loop3A_368 : vector<16x1xi32> to vector<16xi32>
      %parallel_loop3A_370 = tpu.dynamic_gather %parallel_loop3A_359[%parallel_loop3A_369] in [0] : vector<16xf32>, vector<16xi32> -> vector<16xf32>
      %parallel_loop3A_371 = arith.constant 1 : i32
      %parallel_loop3A_372 = vector.broadcast %parallel_loop3A_371 : i32 to vector<16xi32>
      %parallel_loop3A_373 = arith.addi %and3A_26, %parallel_loop3A_372 : vector<16xi32>
      %parallel_loop3A_374 = arith.constant 3 : i32
      %parallel_loop3A_375 = vector.broadcast %parallel_loop3A_374 : i32 to vector<16xi32>
      %parallel_loop3A_376 = arith.andi %parallel_loop3A_373, %parallel_loop3A_375 : vector<16xi32>
      %parallel_loop3A_377 = arith.ori %sub3A_27, %parallel_loop3A_376 : vector<16xi32>
      %parallel_loop3A_378 = vector.shape_cast %parallel_loop3A_377 : vector<16xi32> to vector<16x1xi32>
      %parallel_loop3A_379 = vector.shape_cast %parallel_loop3A_378 : vector<16x1xi32> to vector<16xi32>
      %parallel_loop3A_380 = tpu.dynamic_gather %parallel_loop3A_360[%parallel_loop3A_379] in [0] : vector<16xf32>, vector<16xi32> -> vector<16xf32>
      %parallel_loop3A_381 = arith.minimumf %parallel_loop3A_359, %parallel_loop3A_370 : vector<16xf32>
      %parallel_loop3A_382 = arith.maximumf %parallel_loop3A_360, %parallel_loop3A_380 : vector<16xf32>
      %parallel_loop3A_383 = arith.maximumf %parallel_loop3A_381, %parallel_loop3A_382 : vector<16xf32>
      %parallel_loop3A_384 = arith.cmpf oge, %parallel_loop3A_348, %parallel_loop3A_383 : vector<16xf32>
      %parallel_loop3A_385 = vector.broadcast %parallel_loop3A_197 : f32 to vector<16xf32>
      %parallel_loop3A_386 = arith.select %parallel_loop3A_384, %parallel_loop3A_348, %parallel_loop3A_385 : vector<16xi1>, vector<16xf32>
      %parallel_loop3A_387 = arith.constant 1 : i32
      %parallel_loop3A_388 = arith.constant 2 : i32
      %parallel_loop3A_389 = arith.index_cast %parallel_loop3A_387 : i32 to index
      %parallel_loop3A_390 = arith.index_cast %parallel_loop3A_388 : i32 to index
      %parallel_loop3A_391 = arith.index_cast %parallel_loop3A_235 : i32 to index
      %parallel_loop3A_392 = tpu.vector_load %arg5[%parallel_loop3A_389, %parallel_loop3A_390, %parallel_loop3A_391] {strides = array<i32>} : memref<2x8x512xf32, #tpu.memory_space<vmem>>, vector<1x1x16xf32>,
      %parallel_loop3A_393 = vector.shape_cast %parallel_loop3A_392 : vector<1x1x16xf32> to vector<16xf32>
      %parallel_loop3A_394 = vector.shape_cast %parallel_loop3A_386 : vector<16xf32> to vector<1x1x16xf32>
      tpu.vector_store %arg5[%parallel_loop3A_389, %parallel_loop3A_390, %parallel_loop3A_391], %parallel_loop3A_394 {strides = array<i32>} : memref<2x8x512xf32, #tpu.memory_space<vmem>>, vector<1x1x16xf32>,
      %parallel_loop3A_395 = arith.constant 1 : i32
      %parallel_loop3A_396 = arith.constant 3 : i32
      %parallel_loop3A_397 = arith.index_cast %parallel_loop3A_395 : i32 to index
      %parallel_loop3A_398 = arith.index_cast %parallel_loop3A_396 : i32 to index
      %parallel_loop3A_399 = arith.index_cast %parallel_loop3A_235 : i32 to index
      %parallel_loop3A_400 = tpu.vector_load %arg4[%parallel_loop3A_397, %parallel_loop3A_398, %parallel_loop3A_399] {strides = array<i32>} : memref<2x8x512xf32, #tpu.memory_space<vmem>>, vector<1x1x16xf32>,
      %parallel_loop3A_401 = vector.shape_cast %parallel_loop3A_400 : vector<1x1x16xf32> to vector<16xf32>
      %parallel_loop3A_402 = arith.constant 2 : i32
      %parallel_loop3A_403 = vector.broadcast %parallel_loop3A_402 : i32 to vector<16xi32>
      %parallel_loop3A_404 = arith.addi %and3A_26, %parallel_loop3A_403 : vector<16xi32>
      %parallel_loop3A_405 = arith.constant 3 : i32
      %parallel_loop3A_406 = vector.broadcast %parallel_loop3A_405 : i32 to vector<16xi32>
      %parallel_loop3A_407 = arith.andi %parallel_loop3A_404, %parallel_loop3A_406 : vector<16xi32>
      %parallel_loop3A_408 = arith.ori %sub3A_27, %parallel_loop3A_407 : vector<16xi32>
      %parallel_loop3A_409 = vector.shape_cast %parallel_loop3A_408 : vector<16xi32> to vector<16x1xi32>
      %parallel_loop3A_410 = vector.shape_cast %parallel_loop3A_409 : vector<16x1xi32> to vector<16xi32>
      %parallel_loop3A_411 = tpu.dynamic_gather %parallel_loop3A_401[%parallel_loop3A_410] in [0] : vector<16xf32>, vector<16xi32> -> vector<16xf32>
      %parallel_loop3A_412 = arith.maximumf %parallel_loop3A_401, %parallel_loop3A_411 : vector<16xf32>
      %parallel_loop3A_413 = arith.minimumf %parallel_loop3A_401, %parallel_loop3A_411 : vector<16xf32>
      %parallel_loop3A_414 = arith.constant 1 : i32
      %parallel_loop3A_415 = vector.broadcast %parallel_loop3A_414 : i32 to vector<16xi32>
      %parallel_loop3A_416 = arith.addi %and3A_26, %parallel_loop3A_415 : vector<16xi32>
      %parallel_loop3A_417 = arith.constant 3 : i32
      %parallel_loop3A_418 = vector.broadcast %parallel_loop3A_417 : i32 to vector<16xi32>
      %parallel_loop3A_419 = arith.andi %parallel_loop3A_416, %parallel_loop3A_418 : vector<16xi32>
      %parallel_loop3A_420 = arith.ori %sub3A_27, %parallel_loop3A_419 : vector<16xi32>
      %parallel_loop3A_421 = vector.shape_cast %parallel_loop3A_420 : vector<16xi32> to vector<16x1xi32>
      %parallel_loop3A_422 = vector.shape_cast %parallel_loop3A_421 : vector<16x1xi32> to vector<16xi32>
      %parallel_loop3A_423 = tpu.dynamic_gather %parallel_loop3A_412[%parallel_loop3A_422] in [0] : vector<16xf32>, vector<16xi32> -> vector<16xf32>
      %parallel_loop3A_424 = arith.constant 1 : i32
      %parallel_loop3A_425 = vector.broadcast %parallel_loop3A_424 : i32 to vector<16xi32>
      %parallel_loop3A_426 = arith.addi %and3A_26, %parallel_loop3A_425 : vector<16xi32>
      %parallel_loop3A_427 = arith.constant 3 : i32
      %parallel_loop3A_428 = vector.broadcast %parallel_loop3A_427 : i32 to vector<16xi32>
      %parallel_loop3A_429 = arith.andi %parallel_loop3A_426, %parallel_loop3A_428 : vector<16xi32>
      %parallel_loop3A_430 = arith.ori %sub3A_27, %parallel_loop3A_429 : vector<16xi32>
      %parallel_loop3A_431 = vector.shape_cast %parallel_loop3A_430 : vector<16xi32> to vector<16x1xi32>
      %parallel_loop3A_432 = vector.shape_cast %parallel_loop3A_431 : vector<16x1xi32> to vector<16xi32>
      %parallel_loop3A_433 = tpu.dynamic_gather %parallel_loop3A_413[%parallel_loop3A_432] in [0] : vector<16xf32>, vector<16xi32> -> vector<16xf32>
      %parallel_loop3A_434 = arith.minimumf %parallel_loop3A_412, %parallel_loop3A_423 : vector<16xf32>
      %parallel_loop3A_435 = arith.maximumf %parallel_loop3A_413, %parallel_loop3A_433 : vector<16xf32>
      %parallel_loop3A_436 = arith.maximumf %parallel_loop3A_434, %parallel_loop3A_435 : vector<16xf32>
      %parallel_loop3A_437 = arith.cmpf oge, %parallel_loop3A_401, %parallel_loop3A_436 : vector<16xf32>
      %parallel_loop3A_438 = vector.broadcast %parallel_loop3A_197 : f32 to vector<16xf32>
      %parallel_loop3A_439 = arith.select %parallel_loop3A_437, %parallel_loop3A_401, %parallel_loop3A_438 : vector<16xi1>, vector<16xf32>
      %parallel_loop3A_440 = arith.constant 1 : i32
      %parallel_loop3A_441 = arith.constant 3 : i32
      %parallel_loop3A_442 = arith.index_cast %parallel_loop3A_440 : i32 to index
      %parallel_loop3A_443 = arith.index_cast %parallel_loop3A_441 : i32 to index
      %parallel_loop3A_444 = arith.index_cast %parallel_loop3A_235 : i32 to index
      %parallel_loop3A_445 = tpu.vector_load %arg5[%parallel_loop3A_442, %parallel_loop3A_443, %parallel_loop3A_444] {strides = array<i32>} : memref<2x8x512xf32, #tpu.memory_space<vmem>>, vector<1x1x16xf32>,
      %parallel_loop3A_446 = vector.shape_cast %parallel_loop3A_445 : vector<1x1x16xf32> to vector<16xf32>
      %parallel_loop3A_447 = vector.shape_cast %parallel_loop3A_439 : vector<16xf32> to vector<1x1x16xf32>
      tpu.vector_store %arg5[%parallel_loop3A_442, %parallel_loop3A_443, %parallel_loop3A_444], %parallel_loop3A_447 {strides = array<i32>} : memref<2x8x512xf32, #tpu.memory_space<vmem>>, vector<1x1x16xf32>,
      %parallel_loop3A_448 = arith.constant 1 : i32
      %parallel_loop3A_449 = arith.constant 4 : i32
      %parallel_loop3A_450 = arith.index_cast %parallel_loop3A_448 : i32 to index
      %parallel_loop3A_451 = arith.index_cast %parallel_loop3A_449 : i32 to index
      %parallel_loop3A_452 = arith.index_cast %parallel_loop3A_235 : i32 to index
      %parallel_loop3A_453 = tpu.vector_load %arg4[%parallel_loop3A_450, %parallel_loop3A_451, %parallel_loop3A_452] {strides = array<i32>} : memref<2x8x512xf32, #tpu.memory_space<vmem>>, vector<1x1x16xf32>,
      %parallel_loop3A_454 = vector.shape_cast %parallel_loop3A_453 : vector<1x1x16xf32> to vector<16xf32>
      %parallel_loop3A_455 = arith.constant 2 : i32
      %parallel_loop3A_456 = vector.broadcast %parallel_loop3A_455 : i32 to vector<16xi32>
      %parallel_loop3A_457 = arith.addi %and3A_26, %parallel_loop3A_456 : vector<16xi32>
      %parallel_loop3A_458 = arith.constant 3 : i32
      %parallel_loop3A_459 = vector.broadcast %parallel_loop3A_458 : i32 to vector<16xi32>
      %parallel_loop3A_460 = arith.andi %parallel_loop3A_457, %parallel_loop3A_459 : vector<16xi32>
      %parallel_loop3A_461 = arith.ori %sub3A_27, %parallel_loop3A_460 : vector<16xi32>
      %parallel_loop3A_462 = vector.shape_cast %parallel_loop3A_461 : vector<16xi32> to vector<16x1xi32>
      %parallel_loop3A_463 = vector.shape_cast %parallel_loop3A_462 : vector<16x1xi32> to vector<16xi32>
      %parallel_loop3A_464 = tpu.dynamic_gather %parallel_loop3A_454[%parallel_loop3A_463] in [0] : vector<16xf32>, vector<16xi32> -> vector<16xf32>
      %parallel_loop3A_465 = arith.maximumf %parallel_loop3A_454, %parallel_loop3A_464 : vector<16xf32>
      %parallel_loop3A_466 = arith.minimumf %parallel_loop3A_454, %parallel_loop3A_464 : vector<16xf32>
      %parallel_loop3A_467 = arith.constant 1 : i32
      %parallel_loop3A_468 = vector.broadcast %parallel_loop3A_467 : i32 to vector<16xi32>
      %parallel_loop3A_469 = arith.addi %and3A_26, %parallel_loop3A_468 : vector<16xi32>
      %parallel_loop3A_470 = arith.constant 3 : i32
      %parallel_loop3A_471 = vector.broadcast %parallel_loop3A_470 : i32 to vector<16xi32>
      %parallel_loop3A_472 = arith.andi %parallel_loop3A_469, %parallel_loop3A_471 : vector<16xi32>
      %parallel_loop3A_473 = arith.ori %sub3A_27, %parallel_loop3A_472 : vector<16xi32>
      %parallel_loop3A_474 = vector.shape_cast %parallel_loop3A_473 : vector<16xi32> to vector<16x1xi32>
      %parallel_loop3A_475 = vector.shape_cast %parallel_loop3A_474 : vector<16x1xi32> to vector<16xi32>
      %parallel_loop3A_476 = tpu.dynamic_gather %parallel_loop3A_465[%parallel_loop3A_475] in [0] : vector<16xf32>, vector<16xi32> -> vector<16xf32>
      %parallel_loop3A_477 = arith.constant 1 : i32
      %parallel_loop3A_478 = vector.broadcast %parallel_loop3A_477 : i32 to vector<16xi32>
      %parallel_loop3A_479 = arith.addi %and3A_26, %parallel_loop3A_478 : vector<16xi32>
      %parallel_loop3A_480 = arith.constant 3 : i32
      %parallel_loop3A_481 = vector.broadcast %parallel_loop3A_480 : i32 to vector<16xi32>
      %parallel_loop3A_482 = arith.andi %parallel_loop3A_479, %parallel_loop3A_481 : vector<16xi32>
      %parallel_loop3A_483 = arith.ori %sub3A_27, %parallel_loop3A_482 : vector<16xi32>
      %parallel_loop3A_484 = vector.shape_cast %parallel_loop3A_483 : vector<16xi32> to vector<16x1xi32>
      %parallel_loop3A_485 = vector.shape_cast %parallel_loop3A_484 : vector<16x1xi32> to vector<16xi32>
      %parallel_loop3A_486 = tpu.dynamic_gather %parallel_loop3A_466[%parallel_loop3A_485] in [0] : vector<16xf32>, vector<16xi32> -> vector<16xf32>
      %parallel_loop3A_487 = arith.minimumf %parallel_loop3A_465, %parallel_loop3A_476 : vector<16xf32>
      %parallel_loop3A_488 = arith.maximumf %parallel_loop3A_466, %parallel_loop3A_486 : vector<16xf32>
      %parallel_loop3A_489 = arith.maximumf %parallel_loop3A_487, %parallel_loop3A_488 : vector<16xf32>
      %parallel_loop3A_490 = arith.cmpf oge, %parallel_loop3A_454, %parallel_loop3A_489 : vector<16xf32>
      %parallel_loop3A_491 = vector.broadcast %parallel_loop3A_197 : f32 to vector<16xf32>
      %parallel_loop3A_492 = arith.select %parallel_loop3A_490, %parallel_loop3A_454, %parallel_loop3A_491 : vector<16xi1>, vector<16xf32>
      %parallel_loop3A_493 = arith.constant 1 : i32
      %parallel_loop3A_494 = arith.constant 4 : i32
      %parallel_loop3A_495 = arith.index_cast %parallel_loop3A_493 : i32 to index
      %parallel_loop3A_496 = arith.index_cast %parallel_loop3A_494 : i32 to index
      %parallel_loop3A_497 = arith.index_cast %parallel_loop3A_235 : i32 to index
      %parallel_loop3A_498 = tpu.vector_load %arg5[%parallel_loop3A_495, %parallel_loop3A_496, %parallel_loop3A_497] {strides = array<i32>} : memref<2x8x512xf32, #tpu.memory_space<vmem>>, vector<1x1x16xf32>,
      %parallel_loop3A_499 = vector.shape_cast %parallel_loop3A_498 : vector<1x1x16xf32> to vector<16xf32>
      %parallel_loop3A_500 = vector.shape_cast %parallel_loop3A_492 : vector<16xf32> to vector<1x1x16xf32>
      tpu.vector_store %arg5[%parallel_loop3A_495, %parallel_loop3A_496, %parallel_loop3A_497], %parallel_loop3A_500 {strides = array<i32>} : memref<2x8x512xf32, #tpu.memory_space<vmem>>, vector<1x1x16xf32>,
      %parallel_loop3A_501 = arith.constant 1 : i32
      %parallel_loop3A_502 = arith.constant 5 : i32
      %parallel_loop3A_503 = arith.index_cast %parallel_loop3A_501 : i32 to index
      %parallel_loop3A_504 = arith.index_cast %parallel_loop3A_502 : i32 to index
      %parallel_loop3A_505 = arith.index_cast %parallel_loop3A_235 : i32 to index
      %parallel_loop3A_506 = tpu.vector_load %arg4[%parallel_loop3A_503, %parallel_loop3A_504, %parallel_loop3A_505] {strides = array<i32>} : memref<2x8x512xf32, #tpu.memory_space<vmem>>, vector<1x1x16xf32>,
      %parallel_loop3A_507 = vector.shape_cast %parallel_loop3A_506 : vector<1x1x16xf32> to vector<16xf32>
      %parallel_loop3A_508 = arith.constant 2 : i32
      %parallel_loop3A_509 = vector.broadcast %parallel_loop3A_508 : i32 to vector<16xi32>
      %parallel_loop3A_510 = arith.addi %and3A_26, %parallel_loop3A_509 : vector<16xi32>
      %parallel_loop3A_511 = arith.constant 3 : i32
      %parallel_loop3A_512 = vector.broadcast %parallel_loop3A_511 : i32 to vector<16xi32>
      %parallel_loop3A_513 = arith.andi %parallel_loop3A_510, %parallel_loop3A_512 : vector<16xi32>
      %parallel_loop3A_514 = arith.ori %sub3A_27, %parallel_loop3A_513 : vector<16xi32>
      %parallel_loop3A_515 = vector.shape_cast %parallel_loop3A_514 : vector<16xi32> to vector<16x1xi32>
      %parallel_loop3A_516 = vector.shape_cast %parallel_loop3A_515 : vector<16x1xi32> to vector<16xi32>
      %parallel_loop3A_517 = tpu.dynamic_gather %parallel_loop3A_507[%parallel_loop3A_516] in [0] : vector<16xf32>, vector<16xi32> -> vector<16xf32>
      %parallel_loop3A_518 = arith.maximumf %parallel_loop3A_507, %parallel_loop3A_517 : vector<16xf32>
      %parallel_loop3A_519 = arith.minimumf %parallel_loop3A_507, %parallel_loop3A_517 : vector<16xf32>
      %parallel_loop3A_520 = arith.constant 1 : i32
      %parallel_loop3A_521 = vector.broadcast %parallel_loop3A_520 : i32 to vector<16xi32>
      %parallel_loop3A_522 = arith.addi %and3A_26, %parallel_loop3A_521 : vector<16xi32>
      %parallel_loop3A_523 = arith.constant 3 : i32
      %parallel_loop3A_524 = vector.broadcast %parallel_loop3A_523 : i32 to vector<16xi32>
      %parallel_loop3A_525 = arith.andi %parallel_loop3A_522, %parallel_loop3A_524 : vector<16xi32>
      %parallel_loop3A_526 = arith.ori %sub3A_27, %parallel_loop3A_525 : vector<16xi32>
      %parallel_loop3A_527 = vector.shape_cast %parallel_loop3A_526 : vector<16xi32> to vector<16x1xi32>
      %parallel_loop3A_528 = vector.shape_cast %parallel_loop3A_527 : vector<16x1xi32> to vector<16xi32>
      %parallel_loop3A_529 = tpu.dynamic_gather %parallel_loop3A_518[%parallel_loop3A_528] in [0] : vector<16xf32>, vector<16xi32> -> vector<16xf32>
      %parallel_loop3A_530 = arith.constant 1 : i32
      %parallel_loop3A_531 = vector.broadcast %parallel_loop3A_530 : i32 to vector<16xi32>
      %parallel_loop3A_532 = arith.addi %and3A_26, %parallel_loop3A_531 : vector<16xi32>
      %parallel_loop3A_533 = arith.constant 3 : i32
      %parallel_loop3A_534 = vector.broadcast %parallel_loop3A_533 : i32 to vector<16xi32>
      %parallel_loop3A_535 = arith.andi %parallel_loop3A_532, %parallel_loop3A_534 : vector<16xi32>
      %parallel_loop3A_536 = arith.ori %sub3A_27, %parallel_loop3A_535 : vector<16xi32>
      %parallel_loop3A_537 = vector.shape_cast %parallel_loop3A_536 : vector<16xi32> to vector<16x1xi32>
      %parallel_loop3A_538 = vector.shape_cast %parallel_loop3A_537 : vector<16x1xi32> to vector<16xi32>
      %parallel_loop3A_539 = tpu.dynamic_gather %parallel_loop3A_519[%parallel_loop3A_538] in [0] : vector<16xf32>, vector<16xi32> -> vector<16xf32>
      %parallel_loop3A_540 = arith.minimumf %parallel_loop3A_518, %parallel_loop3A_529 : vector<16xf32>
      %parallel_loop3A_541 = arith.maximumf %parallel_loop3A_519, %parallel_loop3A_539 : vector<16xf32>
      %parallel_loop3A_542 = arith.maximumf %parallel_loop3A_540, %parallel_loop3A_541 : vector<16xf32>
      %parallel_loop3A_543 = arith.cmpf oge, %parallel_loop3A_507, %parallel_loop3A_542 : vector<16xf32>
      %parallel_loop3A_544 = vector.broadcast %parallel_loop3A_197 : f32 to vector<16xf32>
      %parallel_loop3A_545 = arith.select %parallel_loop3A_543, %parallel_loop3A_507, %parallel_loop3A_544 : vector<16xi1>, vector<16xf32>
      %parallel_loop3A_546 = arith.constant 1 : i32
      %parallel_loop3A_547 = arith.constant 5 : i32
      %parallel_loop3A_548 = arith.index_cast %parallel_loop3A_546 : i32 to index
      %parallel_loop3A_549 = arith.index_cast %parallel_loop3A_547 : i32 to index
      %parallel_loop3A_550 = arith.index_cast %parallel_loop3A_235 : i32 to index
      %parallel_loop3A_551 = tpu.vector_load %arg5[%parallel_loop3A_548, %parallel_loop3A_549, %parallel_loop3A_550] {strides = array<i32>} : memref<2x8x512xf32, #tpu.memory_space<vmem>>, vector<1x1x16xf32>,
      %parallel_loop3A_552 = vector.shape_cast %parallel_loop3A_551 : vector<1x1x16xf32> to vector<16xf32>
      %parallel_loop3A_553 = vector.shape_cast %parallel_loop3A_545 : vector<16xf32> to vector<1x1x16xf32>
      tpu.vector_store %arg5[%parallel_loop3A_548, %parallel_loop3A_549, %parallel_loop3A_550], %parallel_loop3A_553 {strides = array<i32>} : memref<2x8x512xf32, #tpu.memory_space<vmem>>, vector<1x1x16xf32>,
      %parallel_loop3A_554 = arith.constant 1 : i32
      %parallel_loop3A_555 = arith.constant 6 : i32
      %parallel_loop3A_556 = arith.index_cast %parallel_loop3A_554 : i32 to index
      %parallel_loop3A_557 = arith.index_cast %parallel_loop3A_555 : i32 to index
      %parallel_loop3A_558 = arith.index_cast %parallel_loop3A_235 : i32 to index
      %parallel_loop3A_559 = tpu.vector_load %arg4[%parallel_loop3A_556, %parallel_loop3A_557, %parallel_loop3A_558] {strides = array<i32>} : memref<2x8x512xf32, #tpu.memory_space<vmem>>, vector<1x1x16xf32>,
      %parallel_loop3A_560 = vector.shape_cast %parallel_loop3A_559 : vector<1x1x16xf32> to vector<16xf32>
      %parallel_loop3A_561 = arith.constant 2 : i32
      %parallel_loop3A_562 = vector.broadcast %parallel_loop3A_561 : i32 to vector<16xi32>
      %parallel_loop3A_563 = arith.addi %and3A_26, %parallel_loop3A_562 : vector<16xi32>
      %parallel_loop3A_564 = arith.constant 3 : i32
      %parallel_loop3A_565 = vector.broadcast %parallel_loop3A_564 : i32 to vector<16xi32>
      %parallel_loop3A_566 = arith.andi %parallel_loop3A_563, %parallel_loop3A_565 : vector<16xi32>
      %parallel_loop3A_567 = arith.ori %sub3A_27, %parallel_loop3A_566 : vector<16xi32>
      %parallel_loop3A_568 = vector.shape_cast %parallel_loop3A_567 : vector<16xi32> to vector<16x1xi32>
      %parallel_loop3A_569 = vector.shape_cast %parallel_loop3A_568 : vector<16x1xi32> to vector<16xi32>
      %parallel_loop3A_570 = tpu.dynamic_gather %parallel_loop3A_560[%parallel_loop3A_569] in [0] : vector<16xf32>, vector<16xi32> -> vector<16xf32>
      %parallel_loop3A_571 = arith.maximumf %parallel_loop3A_560, %parallel_loop3A_570 : vector<16xf32>
      %parallel_loop3A_572 = arith.minimumf %parallel_loop3A_560, %parallel_loop3A_570 : vector<16xf32>
      %parallel_loop3A_573 = arith.constant 1 : i32
      %parallel_loop3A_574 = vector.broadcast %parallel_loop3A_573 : i32 to vector<16xi32>
      %parallel_loop3A_575 = arith.addi %and3A_26, %parallel_loop3A_574 : vector<16xi32>
      %parallel_loop3A_576 = arith.constant 3 : i32
      %parallel_loop3A_577 = vector.broadcast %parallel_loop3A_576 : i32 to vector<16xi32>
      %parallel_loop3A_578 = arith.andi %parallel_loop3A_575, %parallel_loop3A_577 : vector<16xi32>
      %parallel_loop3A_579 = arith.ori %sub3A_27, %parallel_loop3A_578 : vector<16xi32>
      %parallel_loop3A_580 = vector.shape_cast %parallel_loop3A_579 : vector<16xi32> to vector<16x1xi32>
      %parallel_loop3A_581 = vector.shape_cast %parallel_loop3A_580 : vector<16x1xi32> to vector<16xi32>
      %parallel_loop3A_582 = tpu.dynamic_gather %parallel_loop3A_571[%parallel_loop3A_581] in [0] : vector<16xf32>, vector<16xi32> -> vector<16xf32>
      %parallel_loop3A_583 = arith.constant 1 : i32
      %parallel_loop3A_584 = vector.broadcast %parallel_loop3A_583 : i32 to vector<16xi32>
      %parallel_loop3A_585 = arith.addi %and3A_26, %parallel_loop3A_584 : vector<16xi32>
      %parallel_loop3A_586 = arith.constant 3 : i32
      %parallel_loop3A_587 = vector.broadcast %parallel_loop3A_586 : i32 to vector<16xi32>
      %parallel_loop3A_588 = arith.andi %parallel_loop3A_585, %parallel_loop3A_587 : vector<16xi32>
      %parallel_loop3A_589 = arith.ori %sub3A_27, %parallel_loop3A_588 : vector<16xi32>
      %parallel_loop3A_590 = vector.shape_cast %parallel_loop3A_589 : vector<16xi32> to vector<16x1xi32>
      %parallel_loop3A_591 = vector.shape_cast %parallel_loop3A_590 : vector<16x1xi32> to vector<16xi32>
      %parallel_loop3A_592 = tpu.dynamic_gather %parallel_loop3A_572[%parallel_loop3A_591] in [0] : vector<16xf32>, vector<16xi32> -> vector<16xf32>
      %parallel_loop3A_593 = arith.minimumf %parallel_loop3A_571, %parallel_loop3A_582 : vector<16xf32>
      %parallel_loop3A_594 = arith.maximumf %parallel_loop3A_572, %parallel_loop3A_592 : vector<16xf32>
      %parallel_loop3A_595 = arith.maximumf %parallel_loop3A_593, %parallel_loop3A_594 : vector<16xf32>
      %parallel_loop3A_596 = arith.cmpf oge, %parallel_loop3A_560, %parallel_loop3A_595 : vector<16xf32>
      %parallel_loop3A_597 = vector.broadcast %parallel_loop3A_197 : f32 to vector<16xf32>
      %parallel_loop3A_598 = arith.select %parallel_loop3A_596, %parallel_loop3A_560, %parallel_loop3A_597 : vector<16xi1>, vector<16xf32>
      %parallel_loop3A_599 = arith.constant 1 : i32
      %parallel_loop3A_600 = arith.constant 6 : i32
      %parallel_loop3A_601 = arith.index_cast %parallel_loop3A_599 : i32 to index
      %parallel_loop3A_602 = arith.index_cast %parallel_loop3A_600 : i32 to index
      %parallel_loop3A_603 = arith.index_cast %parallel_loop3A_235 : i32 to index
      %parallel_loop3A_604 = tpu.vector_load %arg5[%parallel_loop3A_601, %parallel_loop3A_602, %parallel_loop3A_603] {strides = array<i32>} : memref<2x8x512xf32, #tpu.memory_space<vmem>>, vector<1x1x16xf32>,
      %parallel_loop3A_605 = vector.shape_cast %parallel_loop3A_604 : vector<1x1x16xf32> to vector<16xf32>
      %parallel_loop3A_606 = vector.shape_cast %parallel_loop3A_598 : vector<16xf32> to vector<1x1x16xf32>
      tpu.vector_store %arg5[%parallel_loop3A_601, %parallel_loop3A_602, %parallel_loop3A_603], %parallel_loop3A_606 {strides = array<i32>} : memref<2x8x512xf32, #tpu.memory_space<vmem>>, vector<1x1x16xf32>,
      %parallel_loop3A_607 = arith.constant 1 : i32
      %parallel_loop3A_608 = arith.constant 7 : i32
      %parallel_loop3A_609 = arith.index_cast %parallel_loop3A_607 : i32 to index
      %parallel_loop3A_610 = arith.index_cast %parallel_loop3A_608 : i32 to index
      %parallel_loop3A_611 = arith.index_cast %parallel_loop3A_235 : i32 to index
      %parallel_loop3A_612 = tpu.vector_load %arg4[%parallel_loop3A_609, %parallel_loop3A_610, %parallel_loop3A_611] {strides = array<i32>} : memref<2x8x512xf32, #tpu.memory_space<vmem>>, vector<1x1x16xf32>,
      %parallel_loop3A_613 = vector.shape_cast %parallel_loop3A_612 : vector<1x1x16xf32> to vector<16xf32>
      %parallel_loop3A_614 = arith.constant 2 : i32
      %parallel_loop3A_615 = vector.broadcast %parallel_loop3A_614 : i32 to vector<16xi32>
      %parallel_loop3A_616 = arith.addi %and3A_26, %parallel_loop3A_615 : vector<16xi32>
      %parallel_loop3A_617 = arith.constant 3 : i32
      %parallel_loop3A_618 = vector.broadcast %parallel_loop3A_617 : i32 to vector<16xi32>
      %parallel_loop3A_619 = arith.andi %parallel_loop3A_616, %parallel_loop3A_618 : vector<16xi32>
      %parallel_loop3A_620 = arith.ori %sub3A_27, %parallel_loop3A_619 : vector<16xi32>
      %parallel_loop3A_621 = vector.shape_cast %parallel_loop3A_620 : vector<16xi32> to vector<16x1xi32>
      %parallel_loop3A_622 = vector.shape_cast %parallel_loop3A_621 : vector<16x1xi32> to vector<16xi32>
      %parallel_loop3A_623 = tpu.dynamic_gather %parallel_loop3A_613[%parallel_loop3A_622] in [0] : vector<16xf32>, vector<16xi32> -> vector<16xf32>
      %parallel_loop3A_624 = arith.maximumf %parallel_loop3A_613, %parallel_loop3A_623 : vector<16xf32>
      %parallel_loop3A_625 = arith.minimumf %parallel_loop3A_613, %parallel_loop3A_623 : vector<16xf32>
      %parallel_loop3A_626 = arith.constant 1 : i32
      %parallel_loop3A_627 = vector.broadcast %parallel_loop3A_626 : i32 to vector<16xi32>
      %parallel_loop3A_628 = arith.addi %and3A_26, %parallel_loop3A_627 : vector<16xi32>
      %parallel_loop3A_629 = arith.constant 3 : i32
      %parallel_loop3A_630 = vector.broadcast %parallel_loop3A_629 : i32 to vector<16xi32>
      %parallel_loop3A_631 = arith.andi %parallel_loop3A_628, %parallel_loop3A_630 : vector<16xi32>
      %parallel_loop3A_632 = arith.ori %sub3A_27, %parallel_loop3A_631 : vector<16xi32>
      %parallel_loop3A_633 = vector.shape_cast %parallel_loop3A_632 : vector<16xi32> to vector<16x1xi32>
      %parallel_loop3A_634 = vector.shape_cast %parallel_loop3A_633 : vector<16x1xi32> to vector<16xi32>
      %parallel_loop3A_635 = tpu.dynamic_gather %parallel_loop3A_624[%parallel_loop3A_634] in [0] : vector<16xf32>, vector<16xi32> -> vector<16xf32>
      %parallel_loop3A_636 = arith.constant 1 : i32
      %parallel_loop3A_637 = vector.broadcast %parallel_loop3A_636 : i32 to vector<16xi32>
      %parallel_loop3A_638 = arith.addi %and3A_26, %parallel_loop3A_637 : vector<16xi32>
      %parallel_loop3A_639 = arith.constant 3 : i32
      %parallel_loop3A_640 = vector.broadcast %parallel_loop3A_639 : i32 to vector<16xi32>
      %parallel_loop3A_641 = arith.andi %parallel_loop3A_638, %parallel_loop3A_640 : vector<16xi32>
      %parallel_loop3A_642 = arith.ori %sub3A_27, %parallel_loop3A_641 : vector<16xi32>
      %parallel_loop3A_643 = vector.shape_cast %parallel_loop3A_642 : vector<16xi32> to vector<16x1xi32>
      %parallel_loop3A_644 = vector.shape_cast %parallel_loop3A_643 : vector<16x1xi32> to vector<16xi32>
      %parallel_loop3A_645 = tpu.dynamic_gather %parallel_loop3A_625[%parallel_loop3A_644] in [0] : vector<16xf32>, vector<16xi32> -> vector<16xf32>
      %parallel_loop3A_646 = arith.minimumf %parallel_loop3A_624, %parallel_loop3A_635 : vector<16xf32>
      %parallel_loop3A_647 = arith.maximumf %parallel_loop3A_625, %parallel_loop3A_645 : vector<16xf32>
      %parallel_loop3A_648 = arith.maximumf %parallel_loop3A_646, %parallel_loop3A_647 : vector<16xf32>
      %parallel_loop3A_649 = arith.cmpf oge, %parallel_loop3A_613, %parallel_loop3A_648 : vector<16xf32>
      %parallel_loop3A_650 = vector.broadcast %parallel_loop3A_197 : f32 to vector<16xf32>
      %parallel_loop3A_651 = arith.select %parallel_loop3A_649, %parallel_loop3A_613, %parallel_loop3A_650 : vector<16xi1>, vector<16xf32>
      %parallel_loop3A_652 = arith.constant 1 : i32
      %parallel_loop3A_653 = arith.constant 7 : i32
      %parallel_loop3A_654 = arith.index_cast %parallel_loop3A_652 : i32 to index
      %parallel_loop3A_655 = arith.index_cast %parallel_loop3A_653 : i32 to index
      %parallel_loop3A_656 = arith.index_cast %parallel_loop3A_235 : i32 to index
      %parallel_loop3A_657 = tpu.vector_load %arg5[%parallel_loop3A_654, %parallel_loop3A_655, %parallel_loop3A_656] {strides = array<i32>} : memref<2x8x512xf32, #tpu.memory_space<vmem>>, vector<1x1x16xf32>,
      %parallel_loop3A_658 = vector.shape_cast %parallel_loop3A_657 : vector<1x1x16xf32> to vector<16xf32>
      %parallel_loop3A_659 = vector.shape_cast %parallel_loop3A_651 : vector<16xf32> to vector<1x1x16xf32>
      tpu.vector_store %arg5[%parallel_loop3A_654, %parallel_loop3A_655, %parallel_loop3A_656], %parallel_loop3A_659 {strides = array<i32>} : memref<2x8x512xf32, #tpu.memory_space<vmem>>, vector<1x1x16xf32>,
    } {sc.loop_unroll_factor = 2 : i64, sc.parallel_access}
    %add3A_198 = arith.constant 1536 : i32
    %add3A_199 = arith.addi %mul3A_23, %add3A_198 : i32
    %dma_start3A_200 = arith.constant 1 : i32
    %dma_start3A_201 = arith.constant 0 : i32
    %dma_start3A_202 = arith.constant 0 : i32
    %dma_start3A_203 = tpu.memref_slice %arg5[%dma_start3A_200, %dma_start3A_201, %dma_start3A_202] : memref<2x8x512xf32, #tpu.memory_space<vmem>> -> memref<1x8x512xf32, #tpu.memory_space<vmem>>
    %dma_start3A_204 = tpu.memref_squeeze %dma_start3A_203 : memref<1x8x512xf32, #tpu.memory_space<vmem>> -> memref<8x512xf32, #tpu.memory_space<vmem>>
    %dma_start3A_205 = tpu.memref_slice %arg3[%mul3A_21, %add3A_199] : memref<64x8192xf32, #tpu.memory_space<hbm>> -> memref<8x512xf32, #tpu.memory_space<hbm>>
    %dma_start3A_206 = tpu.memref_slice %arg3[%mul3A_21, %add3A_199] : memref<64x8192xf32, #tpu.memory_space<hbm>> -> memref<8x512xf32, #tpu.memory_space<hbm>>
    %dma_start3A_207 = arith.constant 0 : i32
    %dma_start3A_208 = arith.constant 0 : i32
    %dma_start3A_209 = tpu.memref_slice %arg5[%dma_start3A_200, %dma_start3A_207, %dma_start3A_208] : memref<2x8x512xf32, #tpu.memory_space<vmem>> -> memref<1x8x512xf32, #tpu.memory_space<vmem>>
    %dma_start3A_210 = tpu.memref_squeeze %dma_start3A_209 : memref<1x8x512xf32, #tpu.memory_space<vmem>> -> memref<8x512xf32, #tpu.memory_space<vmem>>
    tpu.enqueue_dma source(%dma_start3A_210 : memref<8x512xf32, #tpu.memory_space<vmem>>) target(%dma_start3A_206 : memref<8x512xf32, #tpu.memory_space<hbm>>) target_semaphore(%arg9 : memref<!tpu.dma_semaphore, #tpu.memory_space<semaphore_mem>>)
    %dma_wait3A_211 = arith.constant 0 : i32
    %dma_wait3A_212 = arith.constant 0 : i32
    %dma_wait3A_213 = arith.constant 0 : i32
    %dma_wait3A_214 = tpu.memref_slice %arg5[%dma_wait3A_211, %dma_wait3A_212, %dma_wait3A_213] : memref<2x8x512xf32, #tpu.memory_space<vmem>> -> memref<1x8x512xf32, #tpu.memory_space<vmem>>
    %dma_wait3A_215 = tpu.memref_squeeze %dma_wait3A_214 : memref<1x8x512xf32, #tpu.memory_space<vmem>> -> memref<8x512xf32, #tpu.memory_space<vmem>>
    %dma_wait3A_216 = tpu.memref_slice %arg3[%mul3A_21, %add3A_160] : memref<64x8192xf32, #tpu.memory_space<hbm>> -> memref<8x512xf32, #tpu.memory_space<hbm>>
    %dma_wait3A_217 = tpu.memref_slice %arg3[%mul3A_21, %add3A_160] : memref<64x8192xf32, #tpu.memory_space<hbm>> -> memref<8x512xf32, #tpu.memory_space<hbm>>
    %dma_wait3A_218 = arith.constant 0 : i32
    %dma_wait3A_219 = arith.constant 0 : i32
    %dma_wait3A_220 = tpu.memref_slice %arg5[%dma_wait3A_211, %dma_wait3A_218, %dma_wait3A_219] : memref<2x8x512xf32, #tpu.memory_space<vmem>> -> memref<1x8x512xf32, #tpu.memory_space<vmem>>
    %dma_wait3A_221 = tpu.memref_squeeze %dma_wait3A_220 : memref<1x8x512xf32, #tpu.memory_space<vmem>> -> memref<8x512xf32, #tpu.memory_space<vmem>>
    tpu.wait_dma2 semaphore(%arg8 : memref<!tpu.dma_semaphore, #tpu.memory_space<semaphore_mem>>) src(%dma_wait3A_221 : memref<8x512xf32, #tpu.memory_space<vmem>>) dst(%dma_wait3A_217 : memref<8x512xf32, #tpu.memory_space<hbm>>)
    %dma_wait3A_222 = arith.constant 1 : i32
    %dma_wait3A_223 = arith.constant 0 : i32
    %dma_wait3A_224 = arith.constant 0 : i32
    %dma_wait3A_225 = tpu.memref_slice %arg5[%dma_wait3A_222, %dma_wait3A_223, %dma_wait3A_224] : memref<2x8x512xf32, #tpu.memory_space<vmem>> -> memref<1x8x512xf32, #tpu.memory_space<vmem>>
    %dma_wait3A_226 = tpu.memref_squeeze %dma_wait3A_225 : memref<1x8x512xf32, #tpu.memory_space<vmem>> -> memref<8x512xf32, #tpu.memory_space<vmem>>
    %dma_wait3A_227 = tpu.memref_slice %arg3[%mul3A_21, %add3A_199] : memref<64x8192xf32, #tpu.memory_space<hbm>> -> memref<8x512xf32, #tpu.memory_space<hbm>>
    %dma_wait3A_228 = tpu.memref_slice %arg3[%mul3A_21, %add3A_199] : memref<64x8192xf32, #tpu.memory_space<hbm>> -> memref<8x512xf32, #tpu.memory_space<hbm>>
    %dma_wait3A_229 = arith.constant 0 : i32
    %dma_wait3A_230 = arith.constant 0 : i32
    %dma_wait3A_231 = tpu.memref_slice %arg5[%dma_wait3A_222, %dma_wait3A_229, %dma_wait3A_230] : memref<2x8x512xf32, #tpu.memory_space<vmem>> -> memref<1x8x512xf32, #tpu.memory_space<vmem>>
    %dma_wait3A_232 = tpu.memref_squeeze %dma_wait3A_231 : memref<1x8x512xf32, #tpu.memory_space<vmem>> -> memref<8x512xf32, #tpu.memory_space<vmem>>
    tpu.wait_dma2 semaphore(%arg9 : memref<!tpu.dma_semaphore, #tpu.memory_space<semaphore_mem>>) src(%dma_wait3A_232 : memref<8x512xf32, #tpu.memory_space<vmem>>) dst(%dma_wait3A_228 : memref<8x512xf32, #tpu.memory_space<hbm>>)
    return
  }
}

</mosaic_0001>

<sc_bundles>
// kernel: kernel.3.cloned.1.call-start
scs
__scs_entry_jumppad:
0x0: {  	(pc) =	sbr.rel $0x88, $3  }
0x1: {  	(tag) =	ssettag $0x0;
	lr =	simm.s32 $0x1  }
0x2: {  	[smem:$0x3FA0] =	sst lr;
	_ =	strace $0xD0000000  }
0x3: {  	_ = 	snop  }
0x4: {  	_ = 	snop  }
0x5: {  	_ = 	snop  }
0x6: {  	_ = 	snop  }
0x7: {  	_ = 	snop  }
__scs_overlays_trampoline_lowered:
0x8: {  	[smem:$0x3FAF] =	sst s0  }
0x9: {  	[smem:$0x3FB0] =	sst s1  }
0xa: {  	[smem:$0x3FB1] =	sst s2  }
0xb: {  	[smem:$0x3FB2] =	sst s3  }
0xc: {  	[smem:$0x3FB3] =	sst s4  }
0xd: {  	[smem:$0x3FB4] =	sst s5  }
0xe: {  	[smem:$0x3FB5] =	sst s6  }
0xf: {  	[smem:$0x3FB6] =	sst s7  }
0x10: {  	[smem:$0x3FB7] =	sst s8  }
0x11: {  	[smem:$0x3FB8] =	sst s9;
	s0 =	simm.s32 @!p0 $0x0  }
0x12: {  	s1 =	sld [smem:$0x3F9E];
	s0 =	simm.s32 @p0 $0x1  }
0x13: {  	[smem:$0x3FB9] =	sst s0;
	s0 =	simm.s32 @!p1 $0x0  }
0x14: {  	s2 =	sld [smem:$0x3F9D];
	s0 =	simm.s32 @p1 $0x1  }
0x15: {  	[smem:$0x3FBA] =	sst s0;
	s0 =	simm.s32 @!p2 $0x0  }
0x16: {  	s3 =	sld [smem:$0x3FDB];
	s0 =	simm.s32 @p2 $0x1  }
0x17: {  	s4 =	simm.s32 $0x1BF5;
	[smem:$0x3FBC] =	sst s0  }
0x18: {  	s0 =	sld [smem:$0x3F9F];
	_ =	swait.ge [sflag:s4], $0x0  }
0x19: {  	s7 =	sld [smem:$0x3FA0]  }
0x1a: {  	s8 =	sadd.s32 $0xFFFFE003, lr  }
0x1b: {  	s9 =	sadd.s32 $0xFFFFFEF7, lr;
	s5 =	simm.s32 $0xFFFFFFFF;
	p2 =	slt.u32 s8, $0xFFFFF086  }
0x1c: {  	p1 =	slt.u32 s9, $0xF7A;
	s5 =	simm.s32 @!p2 $0x0  }
0x1d: {  	s5 =	simm.s32 @p1 $0x1;
	p0 =	seq.s32 s7, s2  }
0x1e: {  	s7 =	smul.u32 @!p0 $0xF7A, s2;
	p2 =	seq.s32 @!p0 s5, $0x0  }
0x1f: {  	s9 =	smul.u32 $0xF7A, s1;
	s8 =	simm.s32 @!p0 $0x1BF5;
	p2 =	por !p2, p0  }
0x20: {  	[sflag:s8] =	ssyncset.s32 @!p0 $0xFFFFF086;
	s6 =	sadd.s32 @!p0 s3, s7;
	s7 =	simm.s32 @!p0 $0x108  }
0x21: {  	s3 =	sadd.s32 s3, s9;
	s6 =	sadd.s32 @!p0 $0x88, s6;
	s7 =	simm.s32 @p2 $0x1082  }
0x22: {  	[simem:s7], [sflag:s8] =	dma.local @!p0 [hbm:s6], $0xF7A  }
0x23: {  	s9 =	sor.u32 $0xD0000000, s2;
	s6 =	simm.s32 $0x108;
	_ =	swait.ge @!p0 [sflag:s8], $0x0  }
0x24: {  	s3 =	sadd.s32 $0x88, s3;
	s6 =	simm.s32 @!p1 $0x1082;
	[sflag:s4] =	ssyncset.s32 $0xFFFFF086  }
0x25: {  	[simem:s6], [sflag:s4] =	dma.local [hbm:s3], $0xF7A  }
0x26: {  	[smem:$0x3FA0] =	sst s1;
	(tag) =	ssettag s2;
	_ =	strace s9  }
0x27: {  	s1 =	sld [smem:$0x3FB0]  }
0x28: {  	s2 =	sld [smem:$0x3FB1]  }
0x29: {  	s4 =	sld [smem:$0x3FB3]  }
0x2a: {  	p0 =	seq.s32 s5, $0x0;
	s5 =	sld [smem:$0x3FB4]  }
0x2b: {  	s6 =	sld [smem:$0x3FB5]  }
0x2c: {  	s7 =	sld [smem:$0x3FB6]  }
0x2d: {  	s3 =	simm.s32 $0x108;
	s8 =	sld [smem:$0x3FB7]  }
0x2e: {  	s3 =	simm.s32 @!p0 $0x1082;
	s9 =	sld [smem:$0x3FB8]  }
0x2f: {  	lr =	sadd.s32 s0, s3;
	s0 =	sld [smem:$0x3FAF]  }
0x30: {  	s3 =	sld [smem:$0x3FB2]  }
0x31: {  	[smem:$0x3FBB] =	sst s10  }
0x32: {  	s10 =	sld [smem:$0x3FB9];
	_ =	sdelay $0x3  }
0x33: {  	p0 =	seq.s32 s10, $0x1;
	s10 =	sld [smem:$0x3FBB];
	_ =	sdelay $0x3  }
0x34: {  	[smem:$0x3FBB] =	sst s10  }
0x35: {  	s10 =	sld [smem:$0x3FBA];
	_ =	sdelay $0x3  }
0x36: {  	p1 =	seq.s32 s10, $0x1;
	s10 =	sld [smem:$0x3FBB];
	_ =	sdelay $0x3  }
0x37: {  	[smem:$0x3FBB] =	sst s10  }
0x38: {  	s10 =	sld [smem:$0x3FBC]  }
0x39: {  	_ = 	snop;
	(pc) =	sbr.ind lr, $3  }
0x3a: {  	_ = 	snop  }
0x3b: {  	_ = 	snop  }
0x3c: {  	p2 =	seq.s32 s10, $0x1;
	s10 =	sld [smem:$0x3FBB]  }
0x3d: {  	_ =	shalt  }
0x3e: {  	_ =	shalt  }
0x3f: {  	_ =	shalt  }
0x40: {  	_ =	shalt  }
0x41: {  	_ =	shalt  }
0x42: {  	_ =	shalt  }
0x43: {  	_ =	shalt  }
0x44: {  	_ =	shalt  }
0x45: {  	_ =	shalt  }
0x46: {  	_ =	shalt  }
0x47: {  	_ =	shalt  }
0x48: {  	_ =	shalt  }
0x49: {  	_ =	shalt  }
0x4a: {  	_ =	shalt  }
0x4b: {  	_ =	shalt  }
0x4c: {  	_ =	shalt  }
0x4d: {  	_ =	shalt  }
0x4e: {  	_ =	shalt  }
0x4f: {  	_ =	shalt  }
0x50: {  	_ =	shalt  }
0x51: {  	_ =	shalt  }
0x52: {  	_ =	shalt  }
0x53: {  	_ =	shalt  }
0x54: {  	_ =	shalt  }
0x55: {  	_ =	shalt  }
0x56: {  	_ =	shalt  }
0x57: {  	_ =	shalt  }
0x58: {  	_ =	shalt  }
0x59: {  	_ =	shalt  }
0x5a: {  	_ =	shalt  }
0x5b: {  	_ =	shalt  }
0x5c: {  	_ =	shalt  }
0x5d: {  	_ =	shalt  }
0x5e: {  	_ =	shalt  }
0x5f: {  	_ =	shalt  }
0x60: {  	_ =	shalt  }
0x61: {  	_ =	shalt  }
0x62: {  	_ =	shalt  }
0x63: {  	_ =	shalt  }
0x64: {  	_ =	shalt  }
0x65: {  	_ =	shalt  }
0x66: {  	_ =	shalt  }
0x67: {  	_ =	shalt  }
0x68: {  	_ =	shalt  }
0x69: {  	_ =	shalt  }
0x6a: {  	_ =	shalt  }
0x6b: {  	_ =	shalt  }
0x6c: {  	_ =	shalt  }
0x6d: {  	_ =	shalt  }
0x6e: {  	_ =	shalt  }
0x6f: {  	_ =	shalt  }
0x70: {  	_ =	shalt  }
0x71: {  	_ =	shalt  }
0x72: {  	_ =	shalt  }
0x73: {  	_ =	shalt  }
0x74: {  	_ =	shalt  }
0x75: {  	_ =	shalt  }
0x76: {  	_ =	shalt  }
0x77: {  	_ =	shalt  }
0x78: {  	_ =	shalt  }
0x79: {  	_ =	shalt  }
0x7a: {  	_ =	shalt  }
0x7b: {  	_ =	shalt  }
0x7c: {  	_ =	shalt  }
0x7d: {  	_ =	shalt  }
0x7e: {  	_ =	shalt  }
0x7f: {  	_ =	shalt  }
0x80: {  	_ =	shalt  }
0x81: {  	_ =	shalt  }
0x82: {  	_ =	shalt  }
0x83: {  	_ =	shalt  }
0x84: {  	_ =	shalt  }
0x85: {  	_ =	shalt  }
0x86: {  	_ =	shalt  }
0x87: {  	_ =	shalt  }
.Lfunc_end0:
.L_simem_size_0:
called_computation_lowered:
.L_overlay_start_0:
0x88: {  	s2 =	sld [smem:$0x3FD9]  }
0x89: {  	s3 =	sld [smem:$0x3FFE];
	_ =	sdelay $0x1  }
0x8a: {  	s1 =	srdreg.scid  }
0x8b: {  	s0 =	sand.u32 $0x1, s1  }
0x8c: {  	s18 =	sshll.u32 s0, $0xA;
	s2 =	sadd.s32 s3, s2  }
0x8d: {  	s2 =	sadd.s32 s2, s18  }
0x8e: {  	[smem:$0x3FC7] =	sst s2  }
0x8f: {  	_ = 	snop  }
0x90: {  	s2 =	sld [smem:$0x3FC9]  }
0x91: {  	s19 =	sld [smem:$0x3FD0];
	(tm) =	ssettm $0x1  }
0x92: {  	s4 =	sld [smem:$0x3FFB];
	_ =	sdelay $0x3  }
0x93: {  	_ =	strace s4  }
0x94: {  	s4 =	sld [smem:$0x3FFC];
	_ =	sdelay $0x3  }
0x95: {  	_ =	strace s4  }
0x96: {  	s4 =	sld [smem:$0x3FFD];
	_ =	sdelay $0x3  }
0x97: {  	_ =	strace s4  }
0x98: {  	_ =	strace $0x8FFFFFFF  }
0x99: {  	s20 =	sld [smem:$0x3FDB];
	_ =	sdelay $0x1  }
0x9a: {  	s5 =	simm.s32 $_scs_section_size  }
0x9b: {  	s6 =	simm.s32 $_size__tile_overlayer_lowered;
	s7 =	simm.s32 $_tile_overlayer_lowered  }
0x9c: {  	s23 =	simm.s32 $0x1BFF;
	s22 =	sshll.u32 s7, $0x1;
	s4 =	sadd.s32 s5, s20  }
0x9d: {  	s8 =	simm.s32 $0x0;
	s21 =	sshll.u32 s6, $0x1;
	s6 =	sadd.s32 s22, s4  }
0x9e: {  	[timem:s8], [sflag:s23] =	dma.local [hbm:s6], s21  }
0x9f: {  	_ =	swait.ge [sflag:s23], s21  }
0xa0: {  	s5 =	ssub.s32 $0x0, s21;
	[sflag:s23] =	ssyncset.done $0x0  }
0xa1: {  	[sflag:s23] =	ssyncadd.s32 s5;
	_ =	sdelay $0x1  }
0xa2: {  	s24 =	simm.s32 $0x1B8B  }
0xa3: {  	_ =	swait.ge [sflag:s24], $0x1  }
0xa4: {  	[sflag:s24] =	ssyncset.done $0x0  }
0xa5: {  	s25 =	simm.s32 $0x1B8E;
	[sflag:s24] =	ssyncadd.s32 $0xFFFFFFFF  }
0xa6: {  	s26 =	simm.s32 $execute0_lowered;
	[smem:$0x3FD2] =	sst s25  }
0xa7: {  	s5 =	sshll.u32 s26, $0x1;
	_ =	strace $0x80000046;
	[dreg:$0x1] =	wrdreg $0xFFFFFFFF  }
0xa8: {  	s28 =	simm.s32 $_size_execute0_lowered;
	s4 =	sadd.s32 s4, s5;
	[dreg:$0x0] =	wrdreg $0x0  }
0xa9: {  	s5 =	sshll.u32 s28, $0x1;
	[dreg:$0x2] =	wrdreg s4  }
0xaa: {  	[dreg:$0x3] =	wrdreg s5  }
0xab: {  	[dreg:$0x4] =	wrdreg $0xC0  }
0xac: {  	_ =	task [dreg:s8], $0x5FFFF  }
0xad: {  	[dreg:$0x1] =	wrdreg $0xFFFFFFFF  }
0xae: {  	[dreg:$0x0] =	wrdreg $0x60  }
0xaf: {  	[dreg:$0x2] =	wrdreg s2  }
0xb0: {  	[dreg:$0x3] =	wrdreg s19  }
0xb1: {  	[dreg:$0x4] =	wrdreg $0x9  }
0xb2: {  	_ =	task.clear_ibuf [dreg:s8], $0x5FFFF;
	_ =	strace $0x90000046  }
0xb3: {  	s29 =	simm.s32 $0x9;
	_ =	strace $0x80000048  }
0xb4: {  	_ =	swait.ge [sflag:s29], $0x1  }
0xb5: {  	[sflag:s29] =	ssyncadd.s32 $0xFFFFFFFF  }
0xb6: {  	_ =	strace $0x90000048  }
0xb7: {  	_ =	sfence  }
0xb8: {  	s30 =	sld [smem:$0x0];
	_ =	sdelay $0x2  }
0xb9: {  	s31 =	sshll.u32 s1, $0xD;
	s1 =	sshrl.u32 s1, $0x2  }
0xba: {  	s3 =	sand.u32 $0x4000, s31;
	s1 =	sadd.s32 s1, s30  }
0xbb: {  	s0 =	sor.u32 s3, s0;
	s1 =	sshll.u32 s1, $0x11  }
0xbc: {  	s0 =	sor.u32 s1, s0  }
0xbd: {  	s0 =	sadd.s32 $0x8F2B, s0  }
0xbe: {  	[sflag:s0] =	ssyncadd.remote.s32 $0x1  }
0xbf: {  	_ =	sfence.sel $0xFFFF  }
0xc0: {  	[dreg:$0x0] =	wrdreg $0xFFFFFFFF;
	(pc) =	sbr.abs _section_cstart, $3  }
0xc1: {  	[dreg:$0x1] =	wrdreg $0xFFFFFFFF  }
0xc2: {  	_ =	task.clear_ibuf [dreg:s8], $0x2FFFF;
	_ =	strace $0x9FFFFFFF  }
0xc3: {  	(tm) =	ssettm $0x7FFFFFFF  }
tec
execute0_lowered:
.L_overlay_start_1:
0x0: {  	(tag) =	ssettag $0x1  }
0x1: {  	s0 =	rddreg [dreg:$0x0]  }
0x2: {  	s1 =	rddreg [dreg:$0x1];
	s2 =	simm.s32 $0x0;
	s3 =	srdreg.scid  }
0x3: {  	s5 =	stileid.u32;
	v0 =	vimm.s32 $0xDCFE98BA;
	v1 =	vimm.s32 $0x54761032;
	s13 =	simm.s32 $0x1;
	s15 =	simm.s32 $0x2  }
0x4: {  	v2 =	vimm.s32 $0xCFED8BA9;
	v3 =	vimm.s32 $0x47650321;
	s17 =	simm.s32 $0x3;
	s18 =	simm.s32 $0x4;
	s3 =	sand.u32 $0x1, s3;
	v0 =	vunpack.c.l.s4.s8 v0  }
0x5: {  	s19 =	simm.s32 $0x0;
	[smem:$0x7FF] =	sst s2;
	v1 =	vunpack.c.l.s4.s8 v1;
	v2 =	vunpack.c.l.s4.s8 v2;
	v3 =	vunpack.c.l.s4.s8 v3;
	s4 =	ssub.s32 $0x2, s3  }
0x6: {  	s5 =	sshll.u32 s5, $0xC;
	s3 =	sshll.u32 s3, $0xB;
	s6 =	sshrl.u32 s4, $0x1;
	v0 =	vunpack.c.0.s8.s32 v0  }
0x7: {  	_ =	strace $0x80000047;
	s8 =	sor.u32 s3, s5;
	v1 =	vunpack.c.0.s8.s32 v1;
	v2 =	vunpack.c.0.s8.s32 v2;
	v3 =	vunpack.c.0.s8.s32 v3;
	s11 =	ssub.s32 s4, s6  }
0x8: {  	s3 =	sadd.s32 s0, s8;
	s7 =	sor.u32 $0x200, s8;
	s5 =	sadd.s32 s1, s8  }
0x9: {  	s9 =	sor.u32 $0x400, s8;
	s10 =	sor.u32 $0x600, s8;
	s4 =	sadd.s32 s0, s7;
	v0 =	vcombine.low v1, v0;
	v1 =	vcombine.low v3, v2  }
0xa: {  	s6 =	sadd.s32 s0, s9;
	s7 =	sadd.s32 s1, s7;
	s8 =	sadd.s32 s0, s10  }
0xb: {  	s9 =	sadd.s32 s1, s9;
	s10 =	sadd.s32 s1, s10;
	s11 =	smax.u32 s11, $0x1;
	v0 =	vand.u32 $0xF, v0;
	v1 =	vand.u32 $0xF, v1  }
.LBB2_1:
0xc: {  	[tilespmem:s2], [sflag:$0x1] =	stream.linear.gather [hbm4b:s3+s2], $0x1000, $0x38;
	[tilespmem:$0x4000] =	vst v63  }
0xd: {  	s0 =	simm.s32 $0x1000  }
0xe: {  	[tilespmem:s0], [sflag:$0x2] =	stream.linear.gather [hbm4b:s4+s2], $0x1000, $0x38;
	[tilespmem:$0x4000] =	vst v63  }
0xf: {  	_ =	swait.ge [sflag:s13], $0x1000  }
0x10: {  	s21 =	sand.u32 $0x60, s2;
	s1 =	sand.u32 $0xC00, s2;
	[sflag:s13] =	ssyncset.done $0x0  }
0x11: {  	s21 =	sor.u32 s21, s1;
	[sflag:s13] =	ssyncadd.s32 $0xFFFFF000  }
0x12: {  	v2 =	vld [tilespmem:s21+$0x0]  }
0x13: {  	v3 =	vld [tilespmem:s21+$0x80]  }
0x14: {  	v4 =	vld [tilespmem:s21+$0x100];
	_ =	sdelay $0x2  }
0x15: {  	v5 =	vperm.xlane v2, v0  }
0x16: {  	v6 =	vperm.xlane v3, v0  }
0x17: {  	v7 =	vperm.xlane v4, v0;
	v8 =	vmax.f32 v2, v5  }
0x18: {  	v5 =	vmin.f32 v2, v5;
	v9 =	vmax.f32 v3, v6;
	v6 =	vmin.f32 v3, v6  }
0x19: {  	v10 =	vmax.f32 v4, v7;
	v11 =	vperm.xlane v8, v1;
	v12 =	vperm.xlane v5, v1  }
0x1a: {  	v7 =	vmin.f32 v4, v7;
	v13 =	vperm.xlane v9, v1;
	v14 =	vperm.xlane v6, v1  }
0x1b: {  	v15 =	vperm.xlane v10, v1;
	v16 =	vperm.xlane v7, v1  }
0x1c: {  	v8 =	vmin.f32 v8, v11;
	v5 =	vmax.f32 v5, v12;
	v9 =	vmin.f32 v9, v13  }
0x1d: {  	v6 =	vmax.f32 v6, v14;
	v5 =	vmax.f32 v8, v5;
	v8 =	vmin.f32 v10, v15  }
0x1e: {  	vm0 =	vge.f32 v2, v5;
	v5 =	vmax.f32 v9, v6;
	v6 =	vmax.f32 v7, v16  }
0x1f: {  	v2 =	vnsel vm0, $0x0, v2;
	vm0 =	vge.f32 v3, v5;
	v5 =	vmax.f32 v8, v6  }
0x20: {  	[tilespmem:s21+$0x2000] =	vst v2;
	v2 =	vnsel vm0, $0x0, v3;
	vm0 =	vge.f32 v4, v5  }
0x21: {  	s22 =	sor.u32 s1, s2;
	[tilespmem:s21+$0x2080] =	vst v2;
	v2 =	vnsel vm0, $0x0, v4  }
0x22: {  	s0 =	sor.u32 $0x180, s22;
	[tilespmem:s21+$0x2100] =	vst v2  }
0x23: {  	v2 =	vld [tilespmem:s0+$0x0];
	_ =	sdelay $0x3  }
0x24: {  	v12 =	vld [tilespmem:s21+$0x190]  }
0x25: {  	v10 =	vld [tilespmem:s21+$0x210];
	v3 =	vperm.xlane v2, v0;
	_ =	sdelay $0x1  }
0x26: {  	v4 =	vmax.f32 v2, v3;
	v3 =	vmin.f32 v2, v3  }
0x27: {  	v5 =	vperm.xlane v4, v1;
	v6 =	vperm.xlane v3, v1  }
0x28: {  	v11 =	vld [tilespmem:s21+$0x110];
	v13 =	vperm.xlane v12, v0  }
0x29: {  	v9 =	vld [tilespmem:s21+$0x10];
	v14 =	vperm.xlane v10, v0;
	v4 =	vmin.f32 v4, v5;
	v3 =	vmax.f32 v3, v6  }
0x2a: {  	v19 =	vmax.f32 v12, v13;
	v4 =	vmax.f32 v4, v3  }
0x2b: {  	v8 =	vld [tilespmem:s21+$0x90];
	v13 =	vmin.f32 v12, v13;
	v22 =	vmax.f32 v10, v14;
	vm0 =	vge.f32 v2, v4  }
0x2c: {  	v44 =	vperm.xlane v19, v1;
	v46 =	vperm.xlane v13, v1;
	v2 =	vnsel vm0, $0x0, v2  }
0x2d: {  	v14 =	vmin.f32 v10, v14;
	v48 =	vperm.xlane v22, v1;
	v6 =	vperm.xlane v11, v0;
	v3 =	vld [tilespmem:s21+$0x290];
	[tilespmem:s0+$0x2000] =	vst v2  }
0x2e: {  	v19 =	vmin.f32 v19, v44;
	v13 =	vmax.f32 v13, v46;
	v4 =	vperm.xlane v9, v0;
	v7 =	vld [tilespmem:s21+$0x200]  }
0x2f: {  	v22 =	vmin.f32 v22, v48;
	v18 =	vmax.f32 v11, v6;
	v6 =	vmin.f32 v11, v6;
	v15 =	vld [tilespmem:s21+$0x280]  }
0x30: {  	v28 =	vperm.xlane v18, v1;
	v2 =	vperm.xlane v8, v0;
	v5 =	vmax.f32 v9, v4  }
0x31: {  	v29 =	vperm.xlane v6, v1;
	v4 =	vmin.f32 v9, v4;
	v20 =	vperm.xlane v5, v1  }
0x32: {  	v21 =	vperm.xlane v4, v1;
	v18 =	vmin.f32 v18, v28;
	v16 =	vmax.f32 v8, v2  }
0x33: {  	v6 =	vmax.f32 v6, v29;
	v17 =	vperm.xlane v3, v0;
	v23 =	vperm.xlane v16, v1  }
0x34: {  	v2 =	vmin.f32 v8, v2;
	v25 =	vperm.xlane v7, v0;
	v26 =	vperm.xlane v15, v0  }
0x35: {  	v24 =	vperm.xlane v2, v1;
	v5 =	vmin.f32 v5, v20;
	v20 =	vperm.xlane v14, v1  }
0x36: {  	s23 =	sand.u32 $0x3, s2;
	v30 =	vmax.f32 v7, v25;
	v25 =	vmin.f32 v7, v25;
	v31 =	vmax.f32 v15, v26  }
0x37: {  	s22 =	simm.s32 $0x100;
	s0 =	sshll.u32 s23, $0x5;
	s23 =	simm.s32 $0x20;
	v26 =	vmin.f32 v15, v26;
	v32 =	vperm.xlane v30, v1;
	v33 =	vperm.xlane v25, v1  }
0x38: {  	s25 =	sand.u32 $0xC00, s22;
	s24 =	sand.u32 $0x60, s23;
	v4 =	vmax.f32 v4, v21;
	v34 =	vperm.xlane v31, v1;
	v35 =	vperm.xlane v26, v1  }
0x39: {  	s20 =	sor.u32 s24, s25;
	v14 =	vmax.f32 v14, v20;
	v30 =	vmin.f32 v30, v32;
	v25 =	vmax.f32 v25, v33  }
0x3a: {  	v20 =	vld [tilespmem:s20+$0x80];
	v45 =	vmin.f32 v31, v34;
	v26 =	vmax.f32 v26, v35;
	v25 =	vmax.f32 v30, v25  }
0x3b: {  	v27 =	vmax.f32 v3, v17;
	v47 =	vmax.f32 v45, v26;
	vm0 =	vge.f32 v7, v25  }
0x3c: {  	v17 =	vmin.f32 v3, v17;
	v7 =	vnsel vm0, $0x0, v7;
	vm0 =	vge.f32 v15, v47  }
0x3d: {  	s29 =	sadd.s32 $0x0, s0;
	v50 =	vld [tilespmem:s20+$0x0];
	v4 =	vmax.f32 v5, v4;
	v5 =	vmax.f32 v18, v6;
	[tilespmem:s21+$0x2200] =	vst v7;
	v7 =	vnsel vm0, $0x0, v15  }
0x3e: {  	s12 =	sor.u32 $0x300, s29;
	v6 =	vmax.f32 v19, v13;
	v16 =	vmin.f32 v16, v23;
	v2 =	vmax.f32 v2, v24;
	[tilespmem:s21+$0x2280] =	vst v7  }
0x3f: {  	vm3 =	vge.f32 v9, v4;
	vm1 =	vge.f32 v11, v5;
	v5 =	vperm.xlane v20, v0;
	v49 =	vld [tilespmem:s12+$0x0]  }
0x40: {  	vm2 =	vge.f32 v12, v6;
	v2 =	vmax.f32 v16, v2;
	v13 =	vmax.f32 v22, v14  }
0x41: {  	vm5 =	vge.f32 v10, v13;
	v19 =	vmax.f32 v20, v5;
	v5 =	vmin.f32 v20, v5  }
0x42: {  	v15 =	vperm.xlane v27, v1;
	vm0 =	vge.f32 v8, v2;
	v2 =	vperm.xlane v50, v0  }
0x43: {  	v16 =	vld [tilespmem:s20+$0x100];
	v10 =	vnsel vm5, $0x0, v10;
	v53 =	vperm.xlane v5, v1;
	v7 =	vperm.xlane v17, v1  }
0x44: {  	v15 =	vmin.f32 v27, v15;
	v18 =	vmax.f32 v50, v2;
	v4 =	vperm.xlane v49, v0  }
0x45: {  	v2 =	vmin.f32 v50, v2;
	v7 =	vmax.f32 v17, v7;
	v51 =	vperm.xlane v18, v1  }
0x46: {  	v52 =	vperm.xlane v2, v1;
	v6 =	vmax.f32 v49, v4;
	v4 =	vmin.f32 v49, v4  }
0x47: {  	v14 =	vmax.f32 v15, v7;
	v15 =	vperm.xlane v6, v1;
	v17 =	vperm.xlane v4, v1  }
0x48: {  	v7 =	vperm.xlane v16, v0;
	v18 =	vmin.f32 v18, v51;
	v56 =	vmax.f32 v2, v52  }
0x49: {  	vm6 =	vge.f32 v3, v14;
	v6 =	vmin.f32 v6, v15;
	v4 =	vmax.f32 v4, v17  }
0x4a: {  	v15 =	vmax.f32 v16, v7;
	v17 =	vmin.f32 v16, v7;
	v4 =	vmax.f32 v6, v4  }
0x4b: {  	v54 =	vperm.xlane v15, v1;
	vm4 =	vge.f32 v49, v4;
	v4 =	vperm.xlane v19, v1  }
0x4c: {  	v2 =	vld [tilespmem:s20+$0x110];
	v18 =	vmax.f32 v18, v56;
	v55 =	vperm.xlane v17, v1;
	v21 =	vnsel vm4, $0x0, v49  }
0x4d: {  	v6 =	vld [tilespmem:s20+$0x10];
	v15 =	vmin.f32 v15, v54;
	v4 =	vmin.f32 v19, v4;
	v19 =	vmax.f32 v5, v53  }
0x4e: {  	s26 =	sor.u32 s2, s2;
	v7 =	vld [tilespmem:s20+$0x90];
	vm4 =	vge.f32 v50, v18;
	v17 =	vmax.f32 v17, v55;
	v4 =	vmax.f32 v4, v19  }
0x4f: {  	s24 =	sor.u32 $0x380, s26;
	v5 =	vld [tilespmem:s20+$0x190];
	[tilespmem:s12+$0x2000] =	vst v21;
	v15 =	vmax.f32 v15, v17;
	v19 =	vnsel vm4, $0x0, v50;
	vm4 =	vge.f32 v20, v4  }
0x50: {  	v14 =	vnsel vm3, $0x0, v9;
	v18 =	vld [tilespmem:s24+$0x0];
	[tilespmem:s20+$0x2000] =	vst v19;
	v13 =	vnsel vm4, $0x0, v20;
	vm4 =	vge.f32 v16, v15  }
0x51: {  	s0 =	sor.u32 s25, s23;
	v19 =	vperm.xlane v2, v0;
	v15 =	vnsel vm1, $0x0, v11;
	[tilespmem:s20+$0x2080] =	vst v13;
	v9 =	vnsel vm4, $0x0, v16  }
0x52: {  	s0 =	sor.u32 $0x180, s0;
	v11 =	vnsel vm2, $0x0, v12;
	v12 =	vperm.xlane v6, v0;
	v13 =	vnsel vm0, $0x0, v8;
	[tilespmem:s20+$0x2100] =	vst v9  }
0x53: {  	v16 =	vperm.xlane v7, v0;
	v36 =	vmax.f32 v2, v19;
	v19 =	vmin.f32 v2, v19;
	v17 =	vld [tilespmem:s0+$0x0]  }
0x54: {  	v4 =	vld [tilespmem:s20+$0x210];
	v9 =	vnsel vm6, $0x0, v3;
	v20 =	vmax.f32 v6, v12;
	v57 =	vperm.xlane v5, v0  }
0x55: {  	v12 =	vmin.f32 v6, v12;
	v47 =	vperm.xlane v36, v1;
	v3 =	vperm.xlane v18, v0  }
0x56: {  	v48 =	vperm.xlane v19, v1;
	v62 =	vmax.f32 v7, v16;
	v16 =	vmin.f32 v7, v16  }
0x57: {  	v43 =	vperm.xlane v20, v1;
	v44 =	vperm.xlane v12, v1;
	v59 =	vmax.f32 v18, v3  }
0x58: {  	v3 =	vmin.f32 v18, v3;
	v60 =	vperm.xlane v59, v1;
	v35 =	vperm.xlane v17, v0  }
0x59: {  	v58 =	vperm.xlane v4, v0;
	v40 =	vmax.f32 v5, v57;
	v61 =	vperm.xlane v3, v1  }
0x5a: {  	v23 =	vmin.f32 v59, v60;
	v37 =	vmax.f32 v17, v35;
	v38 =	vmin.f32 v17, v35  }
0x5b: {  	v3 =	vmax.f32 v3, v61;
	v39 =	vperm.xlane v37, v1;
	v28 =	vperm.xlane v38, v1  }
0x5c: {  	v8 =	vld [tilespmem:s20+$0x290];
	v21 =	vmin.f32 v5, v57;
	v45 =	vperm.xlane v16, v1;
	v3 =	vmax.f32 v23, v3  }
0x5d: {  	vm0 =	vge.f32 v18, v3;
	v23 =	vmin.f32 v37, v39;
	v42 =	vmax.f32 v38, v28  }
0x5e: {  	v29 =	vmin.f32 v36, v47;
	v3 =	vnsel vm0, $0x0, v18;
	v18 =	vmax.f32 v23, v42  }
0x5f: {  	v19 =	vmax.f32 v19, v48;
	v49 =	vperm.xlane v40, v1;
	vm0 =	vge.f32 v17, v18  }
0x60: {  	v50 =	vperm.xlane v21, v1;
	v20 =	vmin.f32 v20, v43;
	v17 =	vnsel vm0, $0x0, v17  }
0x61: {  	s28 =	simm.s32 $0x40;
	s26 =	simm.s32 $0x200;
	v12 =	vmax.f32 v12, v44;
	v63 =	vperm.xlane v8, v0;
	v41 =	vmax.f32 v4, v58;
	[tilespmem:s0+$0x2000] =	vst v17  }
0x62: {  	s14 =	sand.u32 $0x60, s28;
	s31 =	sand.u32 $0xC00, s26;
	v22 =	vmin.f32 v4, v58;
	v16 =	vmax.f32 v16, v45;
	v12 =	vmax.f32 v20, v12;
	v51 =	vld [tilespmem:s20+$0x200]  }
0x63: {  	s25 =	sor.u32 s14, s31;
	v52 =	vperm.xlane v41, v1;
	v54 =	vperm.xlane v22, v1;
	v46 =	vmax.f32 v8, v63;
	v53 =	vld [tilespmem:s20+$0x280]  }
0x64: {  	v27 =	vmin.f32 v40, v49;
	v21 =	vmax.f32 v21, v50;
	v55 =	vperm.xlane v46, v1;
	v38 =	vld [tilespmem:s25+$0x100]  }
0x65: {  	vm1 =	vge.f32 v6, v12;
	v21 =	vmax.f32 v27, v21;
	v18 =	vperm.xlane v62, v1  }
0x66: {  	vm3 =	vge.f32 v5, v21;
	v25 =	vmin.f32 v46, v55;
	v17 =	vmin.f32 v8, v63  }
0x67: {  	v23 =	vmin.f32 v41, v52;
	v18 =	vmin.f32 v62, v18;
	v56 =	vperm.xlane v17, v1  }
0x68: {  	v16 =	vmax.f32 v18, v16;
	v57 =	vperm.xlane v51, v0;
	v58 =	vperm.xlane v53, v0  }
0x69: {  	v18 =	vmax.f32 v29, v19;
	v41 =	vperm.xlane v38, v0;
	v17 =	vmax.f32 v17, v56  }
0x6a: {  	v60 =	vld [tilespmem:s25+$0x0];
	v19 =	vmax.f32 v51, v57;
	v20 =	vmin.f32 v51, v57;
	v59 =	vmax.f32 v53, v58  }
0x6b: {  	v63 =	vld [tilespmem:s25+$0x80];
	v28 =	vmin.f32 v53, v58;
	v61 =	vperm.xlane v19, v1;
	v62 =	vperm.xlane v20, v1  }
0x6c: {  	v43 =	vmax.f32 v38, v41;
	v36 =	vperm.xlane v59, v1;
	v37 =	vperm.xlane v28, v1  }
0x6d: {  	v48 =	vperm.xlane v43, v1;
	v19 =	vmin.f32 v19, v61;
	v20 =	vmax.f32 v20, v62  }
0x6e: {  	v39 =	vmax.f32 v28, v37;
	v19 =	vmax.f32 v19, v20;
	v20 =	vmin.f32 v59, v36  }
0x6f: {  	s16 =	simm.s32 $0x1;
	vm0 =	vge.f32 v51, v19;
	v19 =	vmax.f32 v20, v39;
	v20 =	vperm.xlane v60, v0  }
0x70: {  	[tilespmem:s21+$0x2010] =	vst v14;
	s0 =	sand.u32 $0x3, s16;
	v40 =	vnsel vm0, $0x0, v51;
	vm0 =	vge.f32 v53, v19;
	v19 =	vperm.xlane v63, v0  }
0x71: {  	[tilespmem:s21+$0x2090] =	vst v13;
	s0 =	sshll.u32 s0, $0x5;
	v14 =	vnsel vm0, $0x0, v53;
	v42 =	vmax.f32 v60, v20;
	v13 =	vmin.f32 v60, v20  }
0x72: {  	s0 =	sadd.s32 $0x100, s0;
	[tilespmem:s20+$0x2200] =	vst v40;
	v20 =	vmax.f32 v63, v19;
	v19 =	vmin.f32 v63, v19;
	v44 =	vperm.xlane v42, v1  }
0x73: {  	s1 =	sor.u32 $0x300, s0;
	v45 =	vperm.xlane v13, v1;
	[tilespmem:s20+$0x2280] =	vst v14;
	v14 =	vmin.f32 v38, v41;
	v46 =	vperm.xlane v20, v1  }
0x74: {  	[tilespmem:s21+$0x2110] =	vst v15;
	v15 =	vmax.f32 v25, v17;
	v47 =	vperm.xlane v19, v1;
	v17 =	vld [tilespmem:s1+$0x0];
	v49 =	vperm.xlane v14, v1  }
0x75: {  	[tilespmem:s21+$0x2190] =	vst v11;
	v11 =	vmin.f32 v42, v44;
	v13 =	vmax.f32 v13, v45;
	v20 =	vmin.f32 v20, v46  }
0x76: {  	s30 =	sadd.s32 $0x10, s29;
	[tilespmem:s21+$0x2210] =	vst v10;
	v10 =	vmax.f32 v11, v13;
	v11 =	vmax.f32 v19, v47;
	v13 =	vmin.f32 v43, v48  }
0x77: {  	s14 =	sor.u32 $0x300, s30;
	[tilespmem:s21+$0x2290] =	vst v9;
	vm0 =	vge.f32 v60, v10;
	v9 =	vmax.f32 v20, v11;
	v10 =	vmax.f32 v14, v49  }
0x78: {  	v11 =	vld [tilespmem:s14+$0x0];
	v14 =	vnsel vm0, $0x0, v60;
	vm0 =	vge.f32 v63, v9;
	v9 =	vmax.f32 v13, v10  }
0x79: {  	v10 =	vperm.xlane v17, v0;
	[tilespmem:s25+$0x2000] =	vst v14;
	v13 =	vnsel vm0, $0x0, v63;
	vm0 =	vge.f32 v38, v9  }
0x7a: {  	v22 =	vmax.f32 v22, v54;
	v5 =	vnsel vm3, $0x0, v5;
	s16 =	sor.u32 s31, s28;
	[tilespmem:s25+$0x2080] =	vst v13;
	v9 =	vnsel vm0, $0x0, v38  }
0x7b: {  	s21 =	sor.u32 $0x180, s16;
	vm2 =	vge.f32 v7, v16;
	v12 =	vmax.f32 v17, v10;
	v10 =	vmin.f32 v17, v10;
	[tilespmem:s25+$0x2100] =	vst v9  }
0x7c: {  	v16 =	vnsel vm1, $0x0, v6;
	v9 =	vperm.xlane v12, v1;
	v13 =	vperm.xlane v10, v1;
	v14 =	vld [tilespmem:s21+$0x0]  }
0x7d: {  	vm5 =	vge.f32 v8, v15;
	vm0 =	vge.f32 v2, v18;
	v15 =	vperm.xlane v11, v0  }
0x7e: {  	v18 =	vnsel vm2, $0x0, v7;
	v6 =	vmin.f32 v12, v9;
	v9 =	vmax.f32 v10, v13  }
0x7f: {  	v10 =	vmax.f32 v11, v15;
	v12 =	vmin.f32 v11, v15;
	v7 =	vmax.f32 v6, v9  }
0x80: {  	v9 =	vperm.xlane v10, v1;
	v6 =	vld [tilespmem:s25+$0x10];
	v13 =	vperm.xlane v12, v1;
	vm1 =	vge.f32 v17, v7  }
0x81: {  	v22 =	vmax.f32 v23, v22;
	v7 =	vld [tilespmem:s25+$0x90];
	v15 =	vnsel vm1, $0x0, v17;
	v17 =	vperm.xlane v14, v0  }
0x82: {  	s22 =	sor.u32 s22, s23;
	vm4 =	vge.f32 v4, v22;
	v10 =	vmin.f32 v10, v9;
	v9 =	vld [tilespmem:s25+$0x110];
	v12 =	vmax.f32 v12, v13  }
0x83: {  	s29 =	sor.u32 $0x380, s22;
	v4 =	vnsel vm4, $0x0, v4;
	[tilespmem:s1+$0x2000] =	vst v15;
	v12 =	vmax.f32 v10, v12;
	v10 =	vld [tilespmem:s25+$0x190];
	v13 =	vmax.f32 v14, v17  }
0x84: {  	v2 =	vnsel vm0, $0x0, v2;
	v15 =	vld [tilespmem:s29+$0x0];
	v17 =	vmin.f32 v14, v17;
	v19 =	vperm.xlane v13, v1  }
0x85: {  	vm0 =	vge.f32 v11, v12;
	v12 =	vld [tilespmem:s25+$0x210];
	v20 =	vperm.xlane v17, v1;
	v50 =	vperm.xlane v6, v0  }
0x86: {  	v8 =	vnsel vm5, $0x0, v8;
	v11 =	vnsel vm0, $0x0, v11;
	v19 =	vmin.f32 v13, v19  }
0x87: {  	v17 =	vmax.f32 v17, v20;
	v20 =	vperm.xlane v7, v0;
	v51 =	vmax.f32 v6, v50  }
0x88: {  	v21 =	vmin.f32 v6, v50;
	v52 =	vperm.xlane v10, v0;
	v61 =	vperm.xlane v51, v1  }
0x89: {  	v17 =	vmax.f32 v19, v17;
	v63 =	vperm.xlane v21, v1;
	v19 =	vperm.xlane v15, v0  }
0x8a: {  	vm0 =	vge.f32 v14, v17;
	v17 =	vperm.xlane v9, v0;
	v53 =	vperm.xlane v12, v0  }
0x8b: {  	v13 =	vld [tilespmem:s25+$0x290];
	v57 =	vmax.f32 v7, v20;
	v20 =	vmin.f32 v7, v20;
	v14 =	vnsel vm0, $0x0, v14  }
0x8c: {  	v60 =	vmax.f32 v10, v52;
	v23 =	vmin.f32 v10, v52;
	v22 =	vmin.f32 v51, v61  }
0x8d: {  	[tilespmem:s20+$0x2090] =	vst v18;
	v21 =	vmax.f32 v21, v63;
	v18 =	vperm.xlane v20, v1;
	v54 =	vmax.f32 v15, v19  }
0x8e: {  	[tilespmem:s20+$0x2190] =	vst v5;
	v19 =	vmin.f32 v15, v19;
	v59 =	vmax.f32 v9, v17;
	v5 =	vperm.xlane v60, v1  }
0x8f: {  	[tilespmem:s21+$0x2000] =	vst v14;
	v17 =	vmin.f32 v9, v17;
	v45 =	vperm.xlane v23, v1;
	v14 =	vperm.xlane v54, v1  }
0x90: {  	v62 =	vmax.f32 v12, v53;
	v55 =	vperm.xlane v19, v1;
	v58 =	vperm.xlane v13, v0  }
0x91: {  	[tilespmem:s20+$0x2110] =	vst v2;
	v24 =	vmin.f32 v12, v53;
	v56 =	vld [tilespmem:s25+$0x200];
	v2 =	vperm.xlane v59, v1;
	v44 =	vperm.xlane v17, v1  }
0x92: {  	[tilespmem:s20+$0x2210] =	vst v4;
	v21 =	vmax.f32 v22, v21;
	v4 =	vperm.xlane v62, v1;
	v46 =	vperm.xlane v24, v1  }
0x93: {  	[tilespmem:s14+$0x2000] =	vst v11;
	v11 =	vmax.f32 v20, v18;
	v14 =	vmin.f32 v54, v14;
	v19 =	vmax.f32 v19, v55  }
0x94: {  	vm5 =	vge.f32 v6, v21;
	v5 =	vmin.f32 v60, v5;
	v14 =	vmax.f32 v14, v19;
	v19 =	vld [tilespmem:s25+$0x280]  }
0x95: {  	v40 =	vmax.f32 v13, v58;
	v29 =	vmin.f32 v13, v58;
	vm0 =	vge.f32 v15, v14  }
0x96: {  	v36 =	vperm.xlane v56, v0;
	v14 =	vnsel vm0, $0x0, v15;
	v15 =	vperm.xlane v57, v1  }
0x97: {  	s22 =	simm.s32 $0x2;
	v20 =	vmin.f32 v59, v2;
	v17 =	vmax.f32 v17, v44;
	v4 =	vmin.f32 v62, v4  }
0x98: {  	s23 =	sand.u32 $0x3, s22;
	s22 =	simm.s32 $0x60;
	s21 =	simm.s32 $0x300;
	v37 =	vmax.f32 v56, v36;
	v33 =	vmin.f32 v56, v36;
	v28 =	vmin.f32 v57, v15  }
0x99: {  	s1 =	sand.u32 $0x60, s22;
	s12 =	sand.u32 $0xC00, s21;
	v38 =	vperm.xlane v19, v0;
	v39 =	vperm.xlane v37, v1;
	v11 =	vmax.f32 v28, v11  }
0x9a: {  	s31 =	sadd.s32 $0x10, s0;
	s0 =	sshll.u32 s23, $0x5;
	s23 =	sor.u32 s1, s12;
	v17 =	vmax.f32 v20, v17;
	v15 =	vperm.xlane v33, v1;
	vm4 =	vge.f32 v7, v11  }
0x9b: {  	[tilespmem:s20+$0x2010] =	vst v16;
	v11 =	vld [tilespmem:s23+$0x100];
	v26 =	vmin.f32 v37, v39;
	v41 =	vmax.f32 v19, v38;
	v16 =	vmin.f32 v19, v38  }
0x9c: {  	v15 =	vmax.f32 v33, v15;
	v42 =	vperm.xlane v41, v1;
	v43 =	vperm.xlane v16, v1  }
0x9d: {  	[tilespmem:s20+$0x2290] =	vst v8;
	v8 =	vperm.xlane v40, v1;
	vm3 =	vge.f32 v9, v17;
	v15 =	vmax.f32 v26, v15  }
0x9e: {  	vm0 =	vge.f32 v56, v15;
	v32 =	vmin.f32 v41, v42;
	v16 =	vmax.f32 v16, v43  }
0x9f: {  	v17 =	vnsel vm5, $0x0, v6;
	v18 =	vnsel vm0, $0x0, v56;
	v15 =	vmax.f32 v32, v16  }
0xa0: {  	s20 =	sor.u32 $0x380, s30;
	v16 =	vperm.xlane v29, v1;
	v49 =	vperm.xlane v11, v0;
	vm0 =	vge.f32 v19, v15  }
0xa1: {  	s0 =	sadd.s32 $0x200, s0;
	s30 =	sor.u32 $0x300, s31;
	v2 =	vld [tilespmem:s20+$0x0];
	v8 =	vmin.f32 v40, v8;
	v9 =	vnsel vm3, $0x0, v9;
	[tilespmem:s25+$0x2200] =	vst v18;
	v18 =	vnsel vm0, $0x0, v19  }
0xa2: {  	s14 =	sor.u32 $0x300, s0;
	v15 =	vld [tilespmem:s30+$0x0];
	v19 =	vmax.f32 v23, v45;
	v16 =	vmax.f32 v29, v16;
	v54 =	vmax.f32 v11, v49;
	[tilespmem:s25+$0x2280] =	vst v18  }
0xa3: {  	v22 =	vmin.f32 v11, v49;
	v18 =	vmax.f32 v24, v46;
	v5 =	vmax.f32 v5, v19;
	v47 =	vld [tilespmem:s14+$0x0]  }
0xa4: {  	v20 =	vld [tilespmem:s23+$0x0];
	v8 =	vmax.f32 v8, v16;
	v57 =	vperm.xlane v54, v1;
	v58 =	vperm.xlane v22, v1  }
0xa5: {  	v4 =	vmax.f32 v4, v18;
	v18 =	vld [tilespmem:s23+$0x80];
	vm0 =	vge.f32 v10, v5;
	vm2 =	vge.f32 v13, v8  }
0xa6: {  	v8 =	vperm.xlane v2, v0;
	vm1 =	vge.f32 v12, v4;
	v24 =	vmin.f32 v54, v57  }
0xa7: {  	v22 =	vmax.f32 v22, v58;
	v10 =	vnsel vm0, $0x0, v10;
	v4 =	vperm.xlane v15, v0  }
0xa8: {  	v13 =	vnsel vm2, $0x0, v13;
	v60 =	vmax.f32 v2, v8;
	v5 =	vperm.xlane v47, v0  }
0xa9: {  	v19 =	vmax.f32 v15, v4;
	v48 =	vmin.f32 v15, v4;
	v4 =	vperm.xlane v20, v0  }
0xaa: {  	v6 =	vperm.xlane v18, v0;
	v16 =	vmax.f32 v47, v5;
	v5 =	vmin.f32 v47, v5  }
0xab: {  	v52 =	vmax.f32 v20, v4;
	v50 =	vperm.xlane v16, v1;
	v51 =	vperm.xlane v5, v1  }
0xac: {  	v4 =	vmin.f32 v20, v4;
	v53 =	vmax.f32 v18, v6;
	v6 =	vmin.f32 v18, v6  }
0xad: {  	v55 =	vperm.xlane v4, v1;
	v16 =	vmin.f32 v16, v50;
	v5 =	vmax.f32 v5, v51  }
0xae: {  	v56 =	vperm.xlane v6, v1;
	v5 =	vmax.f32 v16, v5;
	v16 =	vperm.xlane v52, v1  }
0xaf: {  	v59 =	vperm.xlane v19, v1;
	vm5 =	vge.f32 v47, v5;
	v5 =	vperm.xlane v53, v1  }
0xb0: {  	v4 =	vmax.f32 v4, v55;
	v6 =	vmax.f32 v6, v56;
	v26 =	vmin.f32 v52, v16  }
0xb1: {  	v23 =	vnsel vm5, $0x0, v47;
	v16 =	vld [tilespmem:s23+$0x10];
	v5 =	vmin.f32 v53, v5;
	v25 =	vmax.f32 v26, v4  }
0xb2: {  	v4 =	vld [tilespmem:s23+$0x90];
	vm5 =	vge.f32 v20, v25;
	v6 =	vmax.f32 v5, v6;
	v25 =	vnsel vm4, $0x0, v7  }
0xb3: {  	s26 =	sor.u32 s26, s28;
	[tilespmem:s14+$0x2000] =	vst v23;
	v5 =	vld [tilespmem:s23+$0x110];
	v20 =	vnsel vm5, $0x0, v20;
	vm5 =	vge.f32 v18, v6;
	v6 =	vmax.f32 v24, v22  }
0xb4: {  	s16 =	sor.u32 $0x380, s26;
	v7 =	vld [tilespmem:s23+$0x210];
	[tilespmem:s23+$0x2000] =	vst v20;
	v18 =	vnsel vm5, $0x0, v18;
	vm5 =	vge.f32 v11, v6;
	v20 =	vperm.xlane v48, v1  }
0xb5: {  	v8 =	vmin.f32 v2, v8;
	v12 =	vnsel vm1, $0x0, v12;
	v23 =	vld [tilespmem:s16+$0x0];
	[tilespmem:s23+$0x2080] =	vst v18;
	v11 =	vnsel vm5, $0x0, v11  }
0xb6: {  	v6 =	vld [tilespmem:s23+$0x190];
	v18 =	vperm.xlane v60, v1;
	[tilespmem:s23+$0x2100] =	vst v11;
	v11 =	vmin.f32 v19, v59;
	v19 =	vmax.f32 v48, v20  }
0xb7: {  	v20 =	vperm.xlane v8, v1;
	v62 =	vperm.xlane v4, v0;
	v11 =	vmax.f32 v11, v19  }
0xb8: {  	v18 =	vmin.f32 v60, v18;
	v19 =	vperm.xlane v16, v0;
	v36 =	vperm.xlane v5, v0  }
0xb9: {  	s12 =	sor.u32 s12, s22;
	v38 =	vperm.xlane v7, v0;
	vm4 =	vge.f32 v15, v11;
	v11 =	vmax.f32 v8, v20  }
0xba: {  	s12 =	sor.u32 $0x180, s12;
	v20 =	vperm.xlane v23, v0;
	v43 =	vmax.f32 v4, v62;
	v22 =	vmin.f32 v4, v62  }
0xbb: {  	v61 =	vld [tilespmem:s12+$0x0];
	v63 =	vmax.f32 v16, v19;
	v37 =	vperm.xlane v6, v0;
	v19 =	vmin.f32 v16, v19  }
0xbc: {  	v48 =	vmax.f32 v5, v36;
	v26 =	vmin.f32 v5, v36;
	v11 =	vmax.f32 v18, v11  }
0xbd: {  	v18 =	vmax.f32 v7, v38;
	v51 =	vperm.xlane v43, v1;
	v52 =	vperm.xlane v22, v1  }
0xbe: {  	v28 =	vmin.f32 v7, v38;
	v15 =	vnsel vm4, $0x0, v15;
	v50 =	vperm.xlane v19, v1  }
0xbf: {  	v39 =	vmax.f32 v23, v20;
	v53 =	vperm.xlane v26, v1;
	v56 =	vperm.xlane v18, v1  }
0xc0: {  	v20 =	vmin.f32 v23, v20;
	v57 =	vperm.xlane v28, v1;
	v41 =	vperm.xlane v61, v0  }
0xc1: {  	v40 =	vperm.xlane v39, v1;
	v42 =	vperm.xlane v20, v1;
	v49 =	vmax.f32 v6, v37  }
0xc2: {  	v8 =	vld [tilespmem:s23+$0x290];
	v27 =	vmin.f32 v6, v37;
	v44 =	vmax.f32 v61, v41;
	v31 =	vmin.f32 v61, v41  }
0xc3: {  	v22 =	vmax.f32 v22, v52;
	v45 =	vperm.xlane v44, v1;
	v47 =	vperm.xlane v31, v1  }
0xc4: {  	v54 =	vperm.xlane v49, v1;
	v29 =	vmin.f32 v39, v40;
	v20 =	vmax.f32 v20, v42  }
0xc5: {  	v20 =	vmax.f32 v29, v20;
	v30 =	vmin.f32 v44, v45;
	v29 =	vmax.f32 v31, v47  }
0xc6: {  	v29 =	vmax.f32 v30, v29;
	v30 =	vmax.f32 v19, v50;
	v19 =	vperm.xlane v48, v1  }
0xc7: {  	v26 =	vmax.f32 v26, v53;
	v46 =	vperm.xlane v8, v0;
	vm6 =	vge.f32 v61, v29  }
0xc8: {  	v21 =	vnsel vm6, $0x0, v61;
	v32 =	vmin.f32 v48, v19;
	v19 =	vperm.xlane v27, v1  }
0xc9: {  	v24 =	vmin.f32 v49, v54;
	vm5 =	vge.f32 v23, v20;
	v20 =	vperm.xlane v63, v1;
	[tilespmem:s12+$0x2000] =	vst v21  }
0xca: {  	v55 =	vmax.f32 v8, v46;
	v34 =	vmin.f32 v8, v46;
	v27 =	vmax.f32 v27, v19;
	v19 =	vld [tilespmem:s23+$0x200]  }
0xcb: {  	v58 =	vperm.xlane v55, v1;
	v59 =	vperm.xlane v34, v1;
	v31 =	vmin.f32 v18, v56;
	v18 =	vld [tilespmem:s23+$0x280]  }
0xcc: {  	v23 =	vnsel vm5, $0x0, v23;
	v20 =	vmin.f32 v63, v20;
	v29 =	vmin.f32 v43, v51  }
0xcd: {  	[tilespmem:s24+$0x2000] =	vst v3;
	v33 =	vmin.f32 v55, v58;
	v3 =	vmax.f32 v20, v30;
	v20 =	vmax.f32 v29, v22  }
0xce: {  	[tilespmem:s25+$0x2010] =	vst v17;
	vm5 =	vge.f32 v16, v3;
	v21 =	vmax.f32 v28, v57;
	v28 =	vmax.f32 v34, v59  }
0xcf: {  	[tilespmem:s29+$0x2000] =	vst v14;
	v60 =	vmax.f32 v32, v26;
	vm2 =	vge.f32 v4, v20;
	v21 =	vmax.f32 v31, v21  }
0xd0: {  	[tilespmem:s25+$0x2110] =	vst v9;
	v14 =	vmax.f32 v24, v27;
	v17 =	vperm.xlane v19, v0;
	v62 =	vperm.xlane v18, v0  }
0xd1: {  	[tilespmem:s25+$0x2190] =	vst v10;
	v61 =	vmax.f32 v33, v28;
	vm1 =	vge.f32 v5, v60;
	vm0 =	vge.f32 v6, v14  }
0xd2: {  	[tilespmem:s25+$0x2290] =	vst v13;
	v3 =	vmax.f32 v19, v17;
	v9 =	vmin.f32 v19, v17;
	v14 =	vmax.f32 v18, v62  }
0xd3: {  	s0 =	sadd.s32 $0x10, s0;
	[tilespmem:s25+$0x2210] =	vst v12;
	v20 =	vmin.f32 v18, v62;
	v10 =	vperm.xlane v3, v1;
	v17 =	vperm.xlane v9, v1  }
0xd4: {  	s26 =	sor.u32 $0x300, s0;
	[tilespmem:s25+$0x2090] =	vst v25;
	vm3 =	vge.f32 v7, v21;
	v12 =	vperm.xlane v14, v1;
	v63 =	vperm.xlane v20, v1  }
0xd5: {  	s24 =	sor.u32 $0x380, s31;
	[tilespmem:s30+$0x2000] =	vst v15;
	vm4 =	vge.f32 v8, v61;
	v10 =	vmin.f32 v3, v10;
	v9 =	vmax.f32 v9, v17;
	v3 =	vld [tilespmem:s26+$0x0]  }
0xd6: {  	s28 =	simm.s32 $0x6;
	s31 =	simm.s32 $0x80;
	s29 =	simm.s32 $0x3;
	v12 =	vmin.f32 v14, v12;
	v13 =	vmax.f32 v20, v63;
	v10 =	vmax.f32 v10, v9;
	v9 =	vld [tilespmem:s24+$0x0]  }
0xd7: {  	s1 =	sand.u32 $0x3, s29;
	s25 =	sor.u32 $0x380, s0;
	s30 =	simm.s32 $0x400;
	[tilespmem:s16+$0x2000] =	vst v23;
	v12 =	vmax.f32 v12, v13;
	vm6 =	vge.f32 v19, v10;
	v10 =	vnsel vm5, $0x0, v16  }
.LBB2_2:
0xd8: {  	s12 =	sand.u32 $0x60, s31;
	s0 =	sand.u32 $0xC00, s30;
	s1 =	sshll.u32 s1, $0x5;
	v13 =	vnsel vm6, $0x0, v19;
	vm5 =	vge.f32 v18, v12;
	[tilespmem:s23+$0x2010] =	vst v10;
	v4 =	vnsel vm2, $0x0, v4  }
0xd9: {  	v5 =	vnsel vm1, $0x0, v5;
	v6 =	vnsel vm0, $0x0, v6;
	s12 =	sor.u32 s12, s0;
	[tilespmem:s23+$0x2200] =	vst v13;
	v10 =	vnsel vm5, $0x0, v18;
	s14 =	sadd.s32 s1, s21  }
0xda: {  	v7 =	vnsel vm3, $0x0, v7;
	v8 =	vnsel vm4, $0x0, v8;
	v12 =	vld [tilespmem:s12+$0x0];
	[tilespmem:s23+$0x2280] =	vst v10;
	s1 =	sor.u32 $0x300, s14;
	s14 =	sadd.s32 $0x10, s14;
	v10 =	vperm.xlane v3, v0  }
0xdb: {  	vm0 =	vge.f32 v2, v11;
	v13 =	vld [tilespmem:s1+$0x0];
	[tilespmem:s23+$0x2090] =	vst v4;
	s16 =	sor.u32 $0x300, s14;
	s14 =	sor.u32 $0x380, s14;
	v4 =	vperm.xlane v9, v0  }
0xdc: {  	v15 =	vnsel vm0, $0x0, v2;
	v2 =	vmovc v9;
	v14 =	vld [tilespmem:s12+$0x80];
	[tilespmem:s23+$0x2110] =	vst v5;
	v5 =	vmax.f32 v3, v10;
	v11 =	vmin.f32 v3, v10  }
0xdd: {  	v16 =	vld [tilespmem:s12+$0x100];
	[tilespmem:s23+$0x2190] =	vst v6;
	v6 =	vperm.xlane v5, v1;
	v9 =	vperm.xlane v11, v1;
	v17 =	vmax.f32 v2, v4  }
0xde: {  	v18 =	vmin.f32 v2, v4;
	v10 =	vld [tilespmem:s12+$0x10];
	[tilespmem:s23+$0x2210] =	vst v7;
	v7 =	vperm.xlane v17, v1  }
0xdf: {  	v19 =	vperm.xlane v18, v1;
	v4 =	vld [tilespmem:s12+$0x90];
	[tilespmem:s23+$0x2290] =	vst v8;
	v6 =	vmin.f32 v5, v6;
	v8 =	vmax.f32 v11, v9;
	s23 =	smov.u32 s12  }
0xe0: {  	v5 =	vld [tilespmem:s23+$0x110];
	v9 =	vperm.xlane v13, v0;
	v8 =	vmax.f32 v6, v8;
	v11 =	vmin.f32 v17, v7;
	[tilespmem:s20+$0x2000] =	vst v15;
	s20 =	smov.u32 s24;
	s24 =	smov.u32 s25;
	s25 =	smov.u32 s14  }
0xe1: {  	v15 =	vperm.xlane v12, v0;
	v17 =	vperm.xlane v14, v0;
	v6 =	vld [tilespmem:s23+$0x190];
	vm0 =	vge.f32 v3, v8  }
0xe2: {  	s28 =	sadd.s32 $0x2, s28;
	v20 =	vperm.xlane v16, v0;
	v7 =	vld [tilespmem:s23+$0x210];
	v21 =	vmax.f32 v13, v9;
	v9 =	vmin.f32 v13, v9  }
0xe3: {  	p0 =	slt.u32 s28, $0x1E;
	v24 =	vnsel vm0, $0x0, v3;
	v8 =	vld [tilespmem:s23+$0x290];
	v22 =	vperm.xlane v21, v1;
	v23 =	vperm.xlane v9, v1  }
0xe4: {  	v25 =	vmax.f32 v12, v15;
	v15 =	vmin.f32 v12, v15;
	v26 =	vmax.f32 v14, v17;
	v3 =	vld [tilespmem:s16+$0x0];
	[tilespmem:s26+$0x2000] =	vst v24;
	s26 =	smov.u32 s16  }
0xe5: {  	v17 =	vmin.f32 v14, v17;
	v21 =	vmin.f32 v21, v22;
	v22 =	vmax.f32 v9, v23;
	v9 =	vld [tilespmem:s24+$0x0]  }
0xe6: {  	v23 =	vmax.f32 v16, v20;
	v20 =	vmin.f32 v16, v20;
	v21 =	vmax.f32 v21, v22  }
0xe7: {  	v24 =	vperm.xlane v15, v1;
	v22 =	vperm.xlane v25, v1;
	vm0 =	vge.f32 v13, v21  }
0xe8: {  	s12 =	sor.u32 s21, s22;
	s21 =	smov.u32 s30;
	s22 =	smov.u32 s31;
	v27 =	vperm.xlane v17, v1;
	v21 =	vperm.xlane v26, v1;
	v13 =	vnsel vm0, $0x0, v13  }
0xe9: {  	v28 =	vperm.xlane v23, v1;
	v29 =	vperm.xlane v20, v1;
	[tilespmem:s1+$0x2000] =	vst v13;
	s1 =	sor.u32 $0x380, s12;
	v13 =	vmax.f32 v18, v19  }
0xea: {  	v15 =	vmax.f32 v15, v24;
	v18 =	vmin.f32 v25, v22;
	v19 =	vmin.f32 v26, v21;
	v21 =	vld [tilespmem:s1+$0x0]  }
0xeb: {  	v17 =	vmax.f32 v17, v27;
	v15 =	vmax.f32 v18, v15;
	v18 =	vmin.f32 v23, v28  }
0xec: {  	vm0 =	vge.f32 v12, v15;
	v15 =	vmax.f32 v19, v17;
	v17 =	vmax.f32 v20, v29  }
0xed: {  	v12 =	vnsel vm0, $0x0, v12;
	vm0 =	vge.f32 v14, v15;
	v15 =	vmax.f32 v18, v17  }
0xee: {  	[tilespmem:s23+$0x2000] =	vst v12;
	v12 =	vnsel vm0, $0x0, v14;
	vm0 =	vge.f32 v16, v15;
	v14 =	vperm.xlane v10, v0  }
0xef: {  	s0 =	sor.u32 s0, s31;
	v15 =	vperm.xlane v4, v0;
	[tilespmem:s23+$0x2080] =	vst v12;
	v12 =	vnsel vm0, $0x0, v16;
	v16 =	vperm.xlane v21, v0  }
0xf0: {  	s0 =	sor.u32 $0x180, s0;
	v17 =	vperm.xlane v5, v0;
	v18 =	vperm.xlane v6, v0;
	[tilespmem:s23+$0x2100] =	vst v12;
	v12 =	vmax.f32 v10, v14  }
0xf1: {  	v20 =	vperm.xlane v7, v0;
	v19 =	vld [tilespmem:s0+$0x0];
	v22 =	vmax.f32 v21, v16;
	v16 =	vmin.f32 v21, v16  }
0xf2: {  	v14 =	vmin.f32 v10, v14;
	v23 =	vperm.xlane v22, v1;
	v24 =	vperm.xlane v16, v1  }
0xf3: {  	v26 =	vperm.xlane v8, v0;
	v25 =	vmax.f32 v4, v15;
	v15 =	vmin.f32 v4, v15  }
0xf4: {  	v27 =	vmax.f32 v5, v17;
	v22 =	vmin.f32 v22, v23;
	v16 =	vmax.f32 v16, v24  }
0xf5: {  	v17 =	vmin.f32 v5, v17;
	v23 =	vmax.f32 v6, v18;
	v16 =	vmax.f32 v22, v16  }
0xf6: {  	v24 =	vmin.f32 v6, v18;
	v22 =	vperm.xlane v19, v0;
	vm0 =	vge.f32 v21, v16  }
0xf7: {  	v16 =	vmax.f32 v7, v20;
	v20 =	vmin.f32 v7, v20;
	v18 =	vnsel vm0, $0x0, v21  }
0xf8: {  	v28 =	vmax.f32 v8, v26;
	v21 =	vmax.f32 v19, v22;
	v22 =	vmin.f32 v19, v22;
	[tilespmem:s1+$0x2000] =	vst v18  }
0xf9: {  	v26 =	vmin.f32 v8, v26;
	v18 =	vperm.xlane v21, v1;
	v29 =	vperm.xlane v22, v1  }
0xfa: {  	v11 =	vmax.f32 v11, v13;
	v30 =	vperm.xlane v12, v1;
	v31 =	vperm.xlane v14, v1  }
0xfb: {  	v13 =	vmin.f32 v21, v18;
	v18 =	vmax.f32 v22, v29;
	v21 =	vperm.xlane v25, v1  }
0xfc: {  	v22 =	vperm.xlane v15, v1;
	v29 =	vperm.xlane v27, v1;
	v13 =	vmax.f32 v13, v18  }
0xfd: {  	v32 =	vperm.xlane v23, v1;
	vm0 =	vge.f32 v19, v13;
	v13 =	vperm.xlane v17, v1  }
0xfe: {  	v33 =	vperm.xlane v24, v1;
	v34 =	vperm.xlane v16, v1;
	v18 =	vnsel vm0, $0x0, v19  }
0xff: {  	v35 =	vperm.xlane v28, v1;
	v12 =	vmin.f32 v12, v30;
	v30 =	vperm.xlane v20, v1;
	[tilespmem:s0+$0x2000] =	vst v18  }
0x100: {  	v14 =	vmax.f32 v14, v31;
	v21 =	vmin.f32 v25, v21;
	v25 =	vperm.xlane v26, v1;
	v19 =	vld [tilespmem:s23+$0x200]  }
0x101: {  	v15 =	vmax.f32 v15, v22;
	v22 =	vmin.f32 v27, v29;
	v13 =	vmax.f32 v17, v13;
	v18 =	vld [tilespmem:s23+$0x280]  }
0x102: {  	v16 =	vmin.f32 v16, v34;
	v17 =	vmin.f32 v23, v32;
	v23 =	vmax.f32 v24, v33  }
0x103: {  	v20 =	vmax.f32 v20, v30;
	v24 =	vmin.f32 v28, v35;
	v25 =	vmax.f32 v26, v25  }
0x104: {  	v12 =	vmax.f32 v12, v14;
	v14 =	vmax.f32 v21, v15;
	v13 =	vmax.f32 v22, v13  }
0x105: {  	v16 =	vmax.f32 v16, v20;
	v15 =	vmax.f32 v17, v23;
	v17 =	vmax.f32 v24, v25  }
0x106: {  	vm5 =	vge.f32 v10, v12;
	v20 =	vperm.xlane v19, v0;
	v21 =	vperm.xlane v18, v0  }
0x107: {  	vm2 =	vge.f32 v4, v14;
	vm1 =	vge.f32 v5, v13;
	vm0 =	vge.f32 v6, v15  }
0x108: {  	v12 =	vmax.f32 v19, v20;
	v13 =	vmin.f32 v19, v20;
	v14 =	vmax.f32 v18, v21  }
.Ltmp0:
0x109: {  	v15 =	vperm.xlane v12, v1;
	v20 =	vperm.xlane v13, v1;
	v21 =	vmin.f32 v18, v21;
	(pc) =	sbr.rel @p0 .LBB2_2-.Ltmp0, $4  }
0x10a: {  	vm3 =	vge.f32 v7, v16;
	v22 =	vperm.xlane v14, v1;
	v23 =	vperm.xlane v21, v1  }
0x10b: {  	vm4 =	vge.f32 v8, v17;
	v12 =	vmin.f32 v12, v15;
	v13 =	vmax.f32 v13, v20  }
0x10c: {  	s29 =	sadd.s32 $0x1, s29;
	v12 =	vmax.f32 v12, v13;
	v13 =	vmin.f32 v14, v22;
	v14 =	vmax.f32 v21, v23  }
0x10d: {  	s30 =	sadd.s32 $0x100, s30;
	s31 =	sadd.s32 $0x20, s31;
	v10 =	vnsel vm5, $0x0, v10;
	s1 =	sand.u32 $0x3, s29;
	vm6 =	vge.f32 v19, v12;
	v12 =	vmax.f32 v13, v14  }
0x10e: {  	s0 =	sshll.u32 s1, $0x5;
	v13 =	vnsel vm6, $0x0, v19;
	vm5 =	vge.f32 v18, v12  }
0x10f: {  	[tilespmem:s23+$0x2200] =	vst v13;
	v12 =	vnsel vm5, $0x0, v18;
	s0 =	sadd.s32 s0, s21  }
0x110: {  	[tilespmem:s23+$0x2280] =	vst v12;
	s16 =	sor.u32 $0x300, s0  }
0x111: {  	v12 =	vld [tilespmem:s16+$0x0]  }
0x112: {  	[tilespmem:s23+$0x2010] =	vst v10;
	v4 =	vnsel vm2, $0x0, v4  }
0x113: {  	v5 =	vnsel vm1, $0x0, v5;
	[tilespmem:s23+$0x2090] =	vst v4  }
0x114: {  	v4 =	vnsel vm0, $0x0, v6;
	[tilespmem:s23+$0x2110] =	vst v5  }
0x115: {  	v5 =	vnsel vm3, $0x0, v7;
	[tilespmem:s23+$0x2190] =	vst v4  }
0x116: {  	v4 =	vnsel vm4, $0x0, v8;
	s0 =	sadd.s32 $0x10, s0;
	[tilespmem:s23+$0x2210] =	vst v5;
	v5 =	vperm.xlane v12, v0  }
0x117: {  	s12 =	sor.u32 $0x300, s0;
	[tilespmem:s23+$0x2290] =	vst v4  }
0x118: {  	v6 =	vld [tilespmem:s12+$0x0];
	v4 =	vmax.f32 v12, v5;
	v5 =	vmin.f32 v12, v5  }
0x119: {  	v7 =	vperm.xlane v4, v1;
	v8 =	vperm.xlane v5, v1  }
0x11a: {  	v10 =	vperm.xlane v3, v0  }
0x11b: {  	v4 =	vmin.f32 v4, v7;
	v5 =	vmax.f32 v5, v8  }
0x11c: {  	v7 =	vmax.f32 v3, v10;
	v8 =	vmin.f32 v3, v10;
	v4 =	vmax.f32 v4, v5  }
0x11d: {  	v5 =	vperm.xlane v7, v1;
	vm0 =	vge.f32 v12, v4;
	v4 =	vperm.xlane v6, v0  }
0x11e: {  	s14 =	sor.u32 s21, s22;
	v10 =	vperm.xlane v8, v1;
	v12 =	vnsel vm0, $0x0, v12  }
0x11f: {  	s23 =	sor.u32 $0x380, s14;
	v5 =	vmin.f32 v7, v5;
	[tilespmem:s16+$0x2000] =	vst v12;
	v7 =	vmax.f32 v6, v4;
	v4 =	vmin.f32 v6, v4  }
0x120: {  	v8 =	vmax.f32 v8, v10;
	v10 =	vld [tilespmem:s23+$0x0];
	v12 =	vperm.xlane v7, v1;
	v13 =	vperm.xlane v4, v1  }
0x121: {  	v5 =	vmax.f32 v5, v8  }
0x122: {  	vm0 =	vge.f32 v3, v5;
	v5 =	vmin.f32 v7, v12;
	v4 =	vmax.f32 v4, v13  }
0x123: {  	v3 =	vnsel vm0, $0x0, v3;
	v4 =	vmax.f32 v5, v4  }
0x124: {  	[tilespmem:s26+$0x2000] =	vst v3;
	vm0 =	vge.f32 v6, v4  }
0x125: {  	v3 =	vperm.xlane v9, v0;
	v4 =	vld [tilespmem:s25+$0x0];
	v5 =	vperm.xlane v10, v0;
	v6 =	vnsel vm0, $0x0, v6  }
0x126: {  	s0 =	sor.u32 $0x380, s0;
	vm0 =	vge.f32 v2, v11;
	[tilespmem:s12+$0x2000] =	vst v6  }
0x127: {  	v6 =	vmax.f32 v9, v3;
	v7 =	vmax.f32 v10, v5;
	v5 =	vmin.f32 v10, v5;
	v8 =	vld [tilespmem:s0+$0x0]  }
0x128: {  	v3 =	vmin.f32 v9, v3;
	v11 =	vperm.xlane v7, v1;
	v12 =	vperm.xlane v5, v1  }
0x129: {  	v2 =	vnsel vm0, $0x0, v2;
	v13 =	vperm.xlane v6, v1;
	v14 =	vperm.xlane v3, v1  }
0x12a: {  	v7 =	vmin.f32 v7, v11;
	v5 =	vmax.f32 v5, v12;
	v11 =	vperm.xlane v4, v0  }
0x12b: {  	v6 =	vmin.f32 v6, v13;
	v3 =	vmax.f32 v3, v14;
	v5 =	vmax.f32 v7, v5  }
0x12c: {  	vm0 =	vge.f32 v10, v5;
	v5 =	vmax.f32 v4, v11;
	v7 =	vperm.xlane v8, v0  }
0x12d: {  	v3 =	vmax.f32 v6, v3;
	v11 =	vmin.f32 v4, v11;
	v12 =	vperm.xlane v5, v1  }
0x12e: {  	v13 =	vperm.xlane v11, v1;
	v14 =	vmax.f32 v8, v7;
	v7 =	vmin.f32 v8, v7  }
0x12f: {  	v10 =	vnsel vm0, $0x0, v10;
	v6 =	vperm.xlane v14, v1;
	v15 =	vperm.xlane v7, v1  }
0x130: {  	vm0 =	vge.f32 v9, v3;
	v3 =	vmin.f32 v5, v12;
	v5 =	vmax.f32 v11, v13  }
0x131: {  	[tilespmem:s20+$0x2000] =	vst v2;
	v2 =	vmax.f32 v3, v5;
	v3 =	vmin.f32 v14, v6;
	v5 =	vmax.f32 v7, v15  }
0x132: {  	[tilespmem:s23+$0x2000] =	vst v10;
	v6 =	vnsel vm0, $0x0, v9;
	vm0 =	vge.f32 v4, v2;
	v2 =	vmax.f32 v3, v5  }
0x133: {  	[tilespmem:s24+$0x2000] =	vst v6;
	v3 =	vnsel vm0, $0x0, v4;
	vm0 =	vge.f32 v8, v2  }
0x134: {  	[tilespmem:s25+$0x2000] =	vst v3;
	v2 =	vnsel vm0, $0x0, v8  }
0x135: {  	s14 =	simm.s32 $0x2000;
	[tilespmem:s0+$0x2000] =	vst v2;
	s0 =	simm.s32 $0x0  }
0x136: {  	[hbm4b:s5+s0] =	stream.linear.scatter [tilespmem:s14], [sflag:$0x3], $0x1000, $0x38;
	[tilespmem:$0x4000] =	vst v63  }
0x137: {  	_ = 	snop  }
0x138: {  	[tilespmem:s0], [sflag:$0x1] =	stream.linear.gather [hbm4b:s6+s0], $0x1000, $0x38;
	[tilespmem:$0x4000] =	vst v63  }
0x139: {  	_ =	swait.ge [sflag:s15], $0x1000  }
0x13a: {  	s16 =	sand.u32 $0x60, s0;
	s20 =	sand.u32 $0xC00, s0;
	[sflag:s15] =	ssyncset.done $0x0  }
0x13b: {  	s21 =	sor.u32 s16, s20;
	[sflag:s15] =	ssyncadd.s32 $0xFFFFF000  }
0x13c: {  	v2 =	vld [tilespmem:s21+$0x1000]  }
0x13d: {  	v3 =	vld [tilespmem:s21+$0x1080]  }
0x13e: {  	v4 =	vld [tilespmem:s21+$0x1100];
	_ =	sdelay $0x2  }
0x13f: {  	v5 =	vperm.xlane v2, v0  }
0x140: {  	v6 =	vperm.xlane v3, v0  }
0x141: {  	v7 =	vperm.xlane v4, v0;
	v8 =	vmax.f32 v2, v5  }
0x142: {  	v5 =	vmin.f32 v2, v5;
	v9 =	vmax.f32 v3, v6;
	v6 =	vmin.f32 v3, v6  }
0x143: {  	v10 =	vmax.f32 v4, v7;
	v11 =	vperm.xlane v8, v1;
	v12 =	vperm.xlane v5, v1  }
0x144: {  	v7 =	vmin.f32 v4, v7;
	v13 =	vperm.xlane v9, v1;
	v14 =	vperm.xlane v6, v1  }
0x145: {  	v15 =	vperm.xlane v10, v1;
	v16 =	vperm.xlane v7, v1  }
0x146: {  	v8 =	vmin.f32 v8, v11;
	v5 =	vmax.f32 v5, v12;
	v9 =	vmin.f32 v9, v13  }
0x147: {  	v6 =	vmax.f32 v6, v14;
	v5 =	vmax.f32 v8, v5;
	v8 =	vmin.f32 v10, v15  }
0x148: {  	vm0 =	vge.f32 v2, v5;
	v5 =	vmax.f32 v9, v6;
	v6 =	vmax.f32 v7, v16  }
0x149: {  	v2 =	vnsel vm0, $0x0, v2;
	vm0 =	vge.f32 v3, v5;
	v5 =	vmax.f32 v8, v6  }
0x14a: {  	[tilespmem:s21+$0x3000] =	vst v2;
	v2 =	vnsel vm0, $0x0, v3;
	vm0 =	vge.f32 v4, v5  }
0x14b: {  	s22 =	sor.u32 s20, s0;
	[tilespmem:s21+$0x3080] =	vst v2;
	v2 =	vnsel vm0, $0x0, v4  }
0x14c: {  	s1 =	sor.u32 $0x1180, s22;
	[tilespmem:s21+$0x3100] =	vst v2  }
0x14d: {  	v2 =	vld [tilespmem:s1+$0x0];
	_ =	sdelay $0x3  }
0x14e: {  	v12 =	vld [tilespmem:s21+$0x1190]  }
0x14f: {  	v10 =	vld [tilespmem:s21+$0x1210];
	v3 =	vperm.xlane v2, v0;
	_ =	sdelay $0x1  }
0x150: {  	v4 =	vmax.f32 v2, v3;
	v3 =	vmin.f32 v2, v3  }
0x151: {  	v5 =	vperm.xlane v4, v1;
	v6 =	vperm.xlane v3, v1  }
0x152: {  	v11 =	vld [tilespmem:s21+$0x1110];
	v13 =	vperm.xlane v12, v0  }
0x153: {  	v9 =	vld [tilespmem:s21+$0x1010];
	v14 =	vperm.xlane v10, v0;
	v4 =	vmin.f32 v4, v5;
	v3 =	vmax.f32 v3, v6  }
0x154: {  	v19 =	vmax.f32 v12, v13;
	v4 =	vmax.f32 v4, v3  }
0x155: {  	v8 =	vld [tilespmem:s21+$0x1090];
	v13 =	vmin.f32 v12, v13;
	v22 =	vmax.f32 v10, v14;
	vm0 =	vge.f32 v2, v4  }
0x156: {  	v44 =	vperm.xlane v19, v1;
	v46 =	vperm.xlane v13, v1;
	v2 =	vnsel vm0, $0x0, v2  }
0x157: {  	v14 =	vmin.f32 v10, v14;
	v48 =	vperm.xlane v22, v1;
	v6 =	vperm.xlane v11, v0;
	v3 =	vld [tilespmem:s21+$0x1290];
	[tilespmem:s1+$0x2000] =	vst v2  }
0x158: {  	v19 =	vmin.f32 v19, v44;
	v13 =	vmax.f32 v13, v46;
	v4 =	vperm.xlane v9, v0;
	v7 =	vld [tilespmem:s21+$0x1200]  }
0x159: {  	v22 =	vmin.f32 v22, v48;
	v18 =	vmax.f32 v11, v6;
	v6 =	vmin.f32 v11, v6;
	v15 =	vld [tilespmem:s21+$0x1280]  }
0x15a: {  	v28 =	vperm.xlane v18, v1;
	v2 =	vperm.xlane v8, v0;
	v5 =	vmax.f32 v9, v4  }
0x15b: {  	v29 =	vperm.xlane v6, v1;
	v4 =	vmin.f32 v9, v4;
	v20 =	vperm.xlane v5, v1  }
0x15c: {  	v21 =	vperm.xlane v4, v1;
	v18 =	vmin.f32 v18, v28;
	v16 =	vmax.f32 v8, v2  }
0x15d: {  	v6 =	vmax.f32 v6, v29;
	v17 =	vperm.xlane v3, v0;
	v23 =	vperm.xlane v16, v1  }
0x15e: {  	v2 =	vmin.f32 v8, v2;
	v25 =	vperm.xlane v7, v0;
	v26 =	vperm.xlane v15, v0  }
0x15f: {  	v24 =	vperm.xlane v2, v1;
	v5 =	vmin.f32 v5, v20;
	v20 =	vperm.xlane v14, v1  }
0x160: {  	s23 =	sand.u32 $0x3, s0;
	v30 =	vmax.f32 v7, v25;
	v25 =	vmin.f32 v7, v25;
	v31 =	vmax.f32 v15, v26  }
0x161: {  	s22 =	simm.s32 $0x100;
	s1 =	sshll.u32 s23, $0x5;
	s23 =	simm.s32 $0x20;
	v26 =	vmin.f32 v15, v26;
	v32 =	vperm.xlane v30, v1;
	v33 =	vperm.xlane v25, v1  }
0x162: {  	s25 =	sand.u32 $0xC00, s22;
	s24 =	sand.u32 $0x60, s23;
	v4 =	vmax.f32 v4, v21;
	v34 =	vperm.xlane v31, v1;
	v35 =	vperm.xlane v26, v1  }
0x163: {  	s20 =	sor.u32 s24, s25;
	v14 =	vmax.f32 v14, v20;
	v30 =	vmin.f32 v30, v32;
	v25 =	vmax.f32 v25, v33  }
0x164: {  	v20 =	vld [tilespmem:s20+$0x1080];
	v45 =	vmin.f32 v31, v34;
	v26 =	vmax.f32 v26, v35;
	v25 =	vmax.f32 v30, v25  }
0x165: {  	v27 =	vmax.f32 v3, v17;
	v47 =	vmax.f32 v45, v26;
	vm0 =	vge.f32 v7, v25  }
0x166: {  	v17 =	vmin.f32 v3, v17;
	v7 =	vnsel vm0, $0x0, v7;
	vm0 =	vge.f32 v15, v47  }
0x167: {  	s29 =	sadd.s32 $0x0, s1;
	v50 =	vld [tilespmem:s20+$0x1000];
	v4 =	vmax.f32 v5, v4;
	v5 =	vmax.f32 v18, v6;
	[tilespmem:s21+$0x3200] =	vst v7;
	v7 =	vnsel vm0, $0x0, v15  }
0x168: {  	s26 =	sor.u32 $0x1300, s29;
	v6 =	vmax.f32 v19, v13;
	v16 =	vmin.f32 v16, v23;
	v2 =	vmax.f32 v2, v24;
	[tilespmem:s21+$0x3280] =	vst v7  }
0x169: {  	vm3 =	vge.f32 v9, v4;
	vm1 =	vge.f32 v11, v5;
	v5 =	vperm.xlane v20, v0;
	v49 =	vld [tilespmem:s26+$0x0]  }
0x16a: {  	vm2 =	vge.f32 v12, v6;
	v2 =	vmax.f32 v16, v2;
	v13 =	vmax.f32 v22, v14  }
0x16b: {  	vm5 =	vge.f32 v10, v13;
	v19 =	vmax.f32 v20, v5;
	v5 =	vmin.f32 v20, v5  }
0x16c: {  	v15 =	vperm.xlane v27, v1;
	vm0 =	vge.f32 v8, v2;
	v2 =	vperm.xlane v50, v0  }
0x16d: {  	v16 =	vld [tilespmem:s20+$0x1100];
	v10 =	vnsel vm5, $0x0, v10;
	v53 =	vperm.xlane v5, v1;
	v7 =	vperm.xlane v17, v1  }
0x16e: {  	v15 =	vmin.f32 v27, v15;
	v18 =	vmax.f32 v50, v2;
	v4 =	vperm.xlane v49, v0  }
0x16f: {  	v2 =	vmin.f32 v50, v2;
	v7 =	vmax.f32 v17, v7;
	v51 =	vperm.xlane v18, v1  }
0x170: {  	v52 =	vperm.xlane v2, v1;
	v6 =	vmax.f32 v49, v4;
	v4 =	vmin.f32 v49, v4  }
0x171: {  	v14 =	vmax.f32 v15, v7;
	v15 =	vperm.xlane v6, v1;
	v17 =	vperm.xlane v4, v1  }
0x172: {  	v7 =	vperm.xlane v16, v0;
	v18 =	vmin.f32 v18, v51;
	v56 =	vmax.f32 v2, v52  }
0x173: {  	vm6 =	vge.f32 v3, v14;
	v6 =	vmin.f32 v6, v15;
	v4 =	vmax.f32 v4, v17  }
0x174: {  	v15 =	vmax.f32 v16, v7;
	v17 =	vmin.f32 v16, v7;
	v4 =	vmax.f32 v6, v4  }
0x175: {  	v54 =	vperm.xlane v15, v1;
	vm4 =	vge.f32 v49, v4;
	v4 =	vperm.xlane v19, v1  }
0x176: {  	v2 =	vld [tilespmem:s20+$0x1110];
	v18 =	vmax.f32 v18, v56;
	v55 =	vperm.xlane v17, v1;
	v21 =	vnsel vm4, $0x0, v49  }
0x177: {  	v6 =	vld [tilespmem:s20+$0x1010];
	v15 =	vmin.f32 v15, v54;
	v4 =	vmin.f32 v19, v4;
	v19 =	vmax.f32 v5, v53  }
0x178: {  	s0 =	sor.u32 s0, s0;
	v7 =	vld [tilespmem:s20+$0x1090];
	vm4 =	vge.f32 v50, v18;
	v17 =	vmax.f32 v17, v55;
	v4 =	vmax.f32 v4, v19  }
0x179: {  	s24 =	sor.u32 $0x1380, s0;
	v5 =	vld [tilespmem:s20+$0x1190];
	[tilespmem:s26+$0x2000] =	vst v21;
	v15 =	vmax.f32 v15, v17;
	v19 =	vnsel vm4, $0x0, v50;
	vm4 =	vge.f32 v20, v4  }
0x17a: {  	v14 =	vnsel vm3, $0x0, v9;
	v18 =	vld [tilespmem:s24+$0x0];
	[tilespmem:s20+$0x3000] =	vst v19;
	v13 =	vnsel vm4, $0x0, v20;
	vm4 =	vge.f32 v16, v15  }
0x17b: {  	s16 =	sor.u32 s25, s23;
	v19 =	vperm.xlane v2, v0;
	v15 =	vnsel vm1, $0x0, v11;
	[tilespmem:s20+$0x3080] =	vst v13;
	v9 =	vnsel vm4, $0x0, v16  }
0x17c: {  	s0 =	sor.u32 $0x1180, s16;
	v11 =	vnsel vm2, $0x0, v12;
	v12 =	vperm.xlane v6, v0;
	v13 =	vnsel vm0, $0x0, v8;
	[tilespmem:s20+$0x3100] =	vst v9  }
0x17d: {  	v16 =	vperm.xlane v7, v0;
	v36 =	vmax.f32 v2, v19;
	v19 =	vmin.f32 v2, v19;
	v17 =	vld [tilespmem:s0+$0x0]  }
0x17e: {  	v4 =	vld [tilespmem:s20+$0x1210];
	v9 =	vnsel vm6, $0x0, v3;
	v20 =	vmax.f32 v6, v12;
	v57 =	vperm.xlane v5, v0  }
0x17f: {  	v12 =	vmin.f32 v6, v12;
	v47 =	vperm.xlane v36, v1;
	v3 =	vperm.xlane v18, v0  }
0x180: {  	v48 =	vperm.xlane v19, v1;
	v62 =	vmax.f32 v7, v16;
	v16 =	vmin.f32 v7, v16  }
0x181: {  	v43 =	vperm.xlane v20, v1;
	v44 =	vperm.xlane v12, v1;
	v59 =	vmax.f32 v18, v3  }
0x182: {  	v3 =	vmin.f32 v18, v3;
	v60 =	vperm.xlane v59, v1;
	v35 =	vperm.xlane v17, v0  }
0x183: {  	v58 =	vperm.xlane v4, v0;
	v40 =	vmax.f32 v5, v57;
	v61 =	vperm.xlane v3, v1  }
0x184: {  	v23 =	vmin.f32 v59, v60;
	v37 =	vmax.f32 v17, v35;
	v38 =	vmin.f32 v17, v35  }
0x185: {  	v3 =	vmax.f32 v3, v61;
	v39 =	vperm.xlane v37, v1;
	v28 =	vperm.xlane v38, v1  }
0x186: {  	v8 =	vld [tilespmem:s20+$0x1290];
	v21 =	vmin.f32 v5, v57;
	v45 =	vperm.xlane v16, v1;
	v3 =	vmax.f32 v23, v3  }
0x187: {  	vm0 =	vge.f32 v18, v3;
	v23 =	vmin.f32 v37, v39;
	v42 =	vmax.f32 v38, v28  }
0x188: {  	v29 =	vmin.f32 v36, v47;
	v3 =	vnsel vm0, $0x0, v18;
	v18 =	vmax.f32 v23, v42  }
0x189: {  	v19 =	vmax.f32 v19, v48;
	v49 =	vperm.xlane v40, v1;
	vm0 =	vge.f32 v17, v18  }
0x18a: {  	v50 =	vperm.xlane v21, v1;
	v20 =	vmin.f32 v20, v43;
	v17 =	vnsel vm0, $0x0, v17  }
0x18b: {  	s28 =	simm.s32 $0x40;
	s26 =	simm.s32 $0x200;
	v12 =	vmax.f32 v12, v44;
	v63 =	vperm.xlane v8, v0;
	v41 =	vmax.f32 v4, v58;
	[tilespmem:s0+$0x2000] =	vst v17  }
0x18c: {  	s25 =	sand.u32 $0x60, s28;
	s1 =	sand.u32 $0xC00, s26;
	v22 =	vmin.f32 v4, v58;
	v16 =	vmax.f32 v16, v45;
	v12 =	vmax.f32 v20, v12;
	v51 =	vld [tilespmem:s20+$0x1200]  }
0x18d: {  	s25 =	sor.u32 s25, s1;
	v52 =	vperm.xlane v41, v1;
	v54 =	vperm.xlane v22, v1;
	v46 =	vmax.f32 v8, v63;
	v53 =	vld [tilespmem:s20+$0x1280]  }
0x18e: {  	v27 =	vmin.f32 v40, v49;
	v21 =	vmax.f32 v21, v50;
	v55 =	vperm.xlane v46, v1;
	v38 =	vld [tilespmem:s25+$0x1100]  }
0x18f: {  	vm1 =	vge.f32 v6, v12;
	v21 =	vmax.f32 v27, v21;
	v18 =	vperm.xlane v62, v1  }
0x190: {  	vm3 =	vge.f32 v5, v21;
	v25 =	vmin.f32 v46, v55;
	v17 =	vmin.f32 v8, v63  }
0x191: {  	v23 =	vmin.f32 v41, v52;
	v18 =	vmin.f32 v62, v18;
	v56 =	vperm.xlane v17, v1  }
0x192: {  	v16 =	vmax.f32 v18, v16;
	v57 =	vperm.xlane v51, v0;
	v58 =	vperm.xlane v53, v0  }
0x193: {  	v18 =	vmax.f32 v29, v19;
	v41 =	vperm.xlane v38, v0;
	v17 =	vmax.f32 v17, v56  }
0x194: {  	v60 =	vld [tilespmem:s25+$0x1000];
	v19 =	vmax.f32 v51, v57;
	v20 =	vmin.f32 v51, v57;
	v59 =	vmax.f32 v53, v58  }
0x195: {  	v63 =	vld [tilespmem:s25+$0x1080];
	v28 =	vmin.f32 v53, v58;
	v61 =	vperm.xlane v19, v1;
	v62 =	vperm.xlane v20, v1  }
0x196: {  	v43 =	vmax.f32 v38, v41;
	v36 =	vperm.xlane v59, v1;
	v37 =	vperm.xlane v28, v1  }
0x197: {  	v48 =	vperm.xlane v43, v1;
	v19 =	vmin.f32 v19, v61;
	v20 =	vmax.f32 v20, v62  }
0x198: {  	v39 =	vmax.f32 v28, v37;
	v19 =	vmax.f32 v19, v20;
	v20 =	vmin.f32 v59, v36  }
0x199: {  	s14 =	simm.s32 $0x1;
	vm0 =	vge.f32 v51, v19;
	v19 =	vmax.f32 v20, v39;
	v20 =	vperm.xlane v60, v0  }
0x19a: {  	[tilespmem:s21+$0x3010] =	vst v14;
	s0 =	sand.u32 $0x3, s14;
	v40 =	vnsel vm0, $0x0, v51;
	vm0 =	vge.f32 v53, v19;
	v19 =	vperm.xlane v63, v0  }
0x19b: {  	[tilespmem:s21+$0x3090] =	vst v13;
	s0 =	sshll.u32 s0, $0x5;
	v14 =	vnsel vm0, $0x0, v53;
	v42 =	vmax.f32 v60, v20;
	v13 =	vmin.f32 v60, v20  }
0x19c: {  	s0 =	sadd.s32 $0x100, s0;
	[tilespmem:s20+$0x3200] =	vst v40;
	v20 =	vmax.f32 v63, v19;
	v19 =	vmin.f32 v63, v19;
	v44 =	vperm.xlane v42, v1  }
0x19d: {  	s31 =	sor.u32 $0x1300, s0;
	v45 =	vperm.xlane v13, v1;
	[tilespmem:s20+$0x3280] =	vst v14;
	v14 =	vmin.f32 v38, v41;
	v46 =	vperm.xlane v20, v1  }
0x19e: {  	[tilespmem:s21+$0x3110] =	vst v15;
	v15 =	vmax.f32 v25, v17;
	v47 =	vperm.xlane v19, v1;
	v17 =	vld [tilespmem:s31+$0x0];
	v49 =	vperm.xlane v14, v1  }
0x19f: {  	[tilespmem:s21+$0x3190] =	vst v11;
	v11 =	vmin.f32 v42, v44;
	v13 =	vmax.f32 v13, v45;
	v20 =	vmin.f32 v20, v46  }
0x1a0: {  	s30 =	sadd.s32 $0x10, s29;
	[tilespmem:s21+$0x3210] =	vst v10;
	v10 =	vmax.f32 v11, v13;
	v11 =	vmax.f32 v19, v47;
	v13 =	vmin.f32 v43, v48  }
0x1a1: {  	s16 =	sor.u32 $0x1300, s30;
	[tilespmem:s21+$0x3290] =	vst v9;
	vm0 =	vge.f32 v60, v10;
	v9 =	vmax.f32 v20, v11;
	v10 =	vmax.f32 v14, v49  }
0x1a2: {  	v11 =	vld [tilespmem:s16+$0x0];
	v14 =	vnsel vm0, $0x0, v60;
	vm0 =	vge.f32 v63, v9;
	v9 =	vmax.f32 v13, v10  }
0x1a3: {  	v10 =	vperm.xlane v17, v0;
	[tilespmem:s25+$0x3000] =	vst v14;
	v13 =	vnsel vm0, $0x0, v63;
	vm0 =	vge.f32 v38, v9  }
0x1a4: {  	s12 =	sor.u32 s1, s28;
	v22 =	vmax.f32 v22, v54;
	v5 =	vnsel vm3, $0x0, v5;
	[tilespmem:s25+$0x3080] =	vst v13;
	v9 =	vnsel vm0, $0x0, v38  }
0x1a5: {  	s12 =	sor.u32 $0x1180, s12;
	vm2 =	vge.f32 v7, v16;
	v12 =	vmax.f32 v17, v10;
	v10 =	vmin.f32 v17, v10;
	[tilespmem:s25+$0x3100] =	vst v9  }
0x1a6: {  	v16 =	vnsel vm1, $0x0, v6;
	v9 =	vperm.xlane v12, v1;
	v13 =	vperm.xlane v10, v1;
	v14 =	vld [tilespmem:s12+$0x0]  }
0x1a7: {  	vm5 =	vge.f32 v8, v15;
	vm0 =	vge.f32 v2, v18;
	v15 =	vperm.xlane v11, v0  }
0x1a8: {  	v18 =	vnsel vm2, $0x0, v7;
	v6 =	vmin.f32 v12, v9;
	v9 =	vmax.f32 v10, v13  }
0x1a9: {  	v10 =	vmax.f32 v11, v15;
	v12 =	vmin.f32 v11, v15;
	v7 =	vmax.f32 v6, v9  }
0x1aa: {  	v9 =	vperm.xlane v10, v1;
	v6 =	vld [tilespmem:s25+$0x1010];
	v13 =	vperm.xlane v12, v1;
	vm1 =	vge.f32 v17, v7  }
0x1ab: {  	v22 =	vmax.f32 v23, v22;
	v7 =	vld [tilespmem:s25+$0x1090];
	v15 =	vnsel vm1, $0x0, v17;
	v17 =	vperm.xlane v14, v0  }
0x1ac: {  	s21 =	sor.u32 s22, s23;
	vm4 =	vge.f32 v4, v22;
	v10 =	vmin.f32 v10, v9;
	v9 =	vld [tilespmem:s25+$0x1110];
	v12 =	vmax.f32 v12, v13  }
0x1ad: {  	s29 =	sor.u32 $0x1380, s21;
	v4 =	vnsel vm4, $0x0, v4;
	[tilespmem:s31+$0x2000] =	vst v15;
	v12 =	vmax.f32 v10, v12;
	v10 =	vld [tilespmem:s25+$0x1190];
	v13 =	vmax.f32 v14, v17  }
0x1ae: {  	v2 =	vnsel vm0, $0x0, v2;
	v15 =	vld [tilespmem:s29+$0x0];
	v17 =	vmin.f32 v14, v17;
	v19 =	vperm.xlane v13, v1  }
0x1af: {  	vm0 =	vge.f32 v11, v12;
	v12 =	vld [tilespmem:s25+$0x1210];
	v20 =	vperm.xlane v17, v1;
	v50 =	vperm.xlane v6, v0  }
0x1b0: {  	v8 =	vnsel vm5, $0x0, v8;
	v11 =	vnsel vm0, $0x0, v11;
	v19 =	vmin.f32 v13, v19  }
0x1b1: {  	v17 =	vmax.f32 v17, v20;
	v20 =	vperm.xlane v7, v0;
	v51 =	vmax.f32 v6, v50  }
0x1b2: {  	v21 =	vmin.f32 v6, v50;
	v52 =	vperm.xlane v10, v0;
	v61 =	vperm.xlane v51, v1  }
0x1b3: {  	v17 =	vmax.f32 v19, v17;
	v63 =	vperm.xlane v21, v1;
	v19 =	vperm.xlane v15, v0  }
0x1b4: {  	vm0 =	vge.f32 v14, v17;
	v17 =	vperm.xlane v9, v0;
	v53 =	vperm.xlane v12, v0  }
0x1b5: {  	v13 =	vld [tilespmem:s25+$0x1290];
	v57 =	vmax.f32 v7, v20;
	v20 =	vmin.f32 v7, v20;
	v14 =	vnsel vm0, $0x0, v14  }
0x1b6: {  	v60 =	vmax.f32 v10, v52;
	v23 =	vmin.f32 v10, v52;
	v22 =	vmin.f32 v51, v61  }
0x1b7: {  	[tilespmem:s20+$0x3090] =	vst v18;
	v21 =	vmax.f32 v21, v63;
	v18 =	vperm.xlane v20, v1;
	v54 =	vmax.f32 v15, v19  }
0x1b8: {  	[tilespmem:s20+$0x3190] =	vst v5;
	v19 =	vmin.f32 v15, v19;
	v59 =	vmax.f32 v9, v17;
	v5 =	vperm.xlane v60, v1  }
0x1b9: {  	[tilespmem:s12+$0x2000] =	vst v14;
	v17 =	vmin.f32 v9, v17;
	v45 =	vperm.xlane v23, v1;
	v14 =	vperm.xlane v54, v1  }
0x1ba: {  	v62 =	vmax.f32 v12, v53;
	v55 =	vperm.xlane v19, v1;
	v58 =	vperm.xlane v13, v0  }
0x1bb: {  	[tilespmem:s20+$0x3110] =	vst v2;
	v24 =	vmin.f32 v12, v53;
	v56 =	vld [tilespmem:s25+$0x1200];
	v2 =	vperm.xlane v59, v1;
	v44 =	vperm.xlane v17, v1  }
0x1bc: {  	[tilespmem:s20+$0x3210] =	vst v4;
	v21 =	vmax.f32 v22, v21;
	v4 =	vperm.xlane v62, v1;
	v46 =	vperm.xlane v24, v1  }
0x1bd: {  	[tilespmem:s16+$0x2000] =	vst v11;
	v11 =	vmax.f32 v20, v18;
	v14 =	vmin.f32 v54, v14;
	v19 =	vmax.f32 v19, v55  }
0x1be: {  	vm5 =	vge.f32 v6, v21;
	v5 =	vmin.f32 v60, v5;
	v14 =	vmax.f32 v14, v19;
	v19 =	vld [tilespmem:s25+$0x1280]  }
0x1bf: {  	v40 =	vmax.f32 v13, v58;
	v29 =	vmin.f32 v13, v58;
	vm0 =	vge.f32 v15, v14  }
0x1c0: {  	v36 =	vperm.xlane v56, v0;
	v14 =	vnsel vm0, $0x0, v15;
	v15 =	vperm.xlane v57, v1  }
0x1c1: {  	s22 =	simm.s32 $0x2;
	v20 =	vmin.f32 v59, v2;
	v17 =	vmax.f32 v17, v44;
	v4 =	vmin.f32 v62, v4  }
0x1c2: {  	s23 =	sand.u32 $0x3, s22;
	s21 =	simm.s32 $0x300;
	s22 =	simm.s32 $0x60;
	v37 =	vmax.f32 v56, v36;
	v33 =	vmin.f32 v56, v36;
	v28 =	vmin.f32 v57, v15  }
0x1c3: {  	s1 =	sand.u32 $0x60, s22;
	s12 =	sand.u32 $0xC00, s21;
	v38 =	vperm.xlane v19, v0;
	v39 =	vperm.xlane v37, v1;
	v11 =	vmax.f32 v28, v11  }
0x1c4: {  	s31 =	sadd.s32 $0x10, s0;
	s0 =	sshll.u32 s23, $0x5;
	s23 =	sor.u32 s1, s12;
	v17 =	vmax.f32 v20, v17;
	v15 =	vperm.xlane v33, v1;
	vm4 =	vge.f32 v7, v11  }
0x1c5: {  	[tilespmem:s20+$0x3010] =	vst v16;
	v11 =	vld [tilespmem:s23+$0x1100];
	v26 =	vmin.f32 v37, v39;
	v41 =	vmax.f32 v19, v38;
	v16 =	vmin.f32 v19, v38  }
0x1c6: {  	v15 =	vmax.f32 v33, v15;
	v42 =	vperm.xlane v41, v1;
	v43 =	vperm.xlane v16, v1  }
0x1c7: {  	[tilespmem:s20+$0x3290] =	vst v8;
	v8 =	vperm.xlane v40, v1;
	vm3 =	vge.f32 v9, v17;
	v15 =	vmax.f32 v26, v15  }
0x1c8: {  	vm0 =	vge.f32 v56, v15;
	v32 =	vmin.f32 v41, v42;
	v16 =	vmax.f32 v16, v43  }
0x1c9: {  	v17 =	vnsel vm5, $0x0, v6;
	v18 =	vnsel vm0, $0x0, v56;
	v15 =	vmax.f32 v32, v16  }
0x1ca: {  	s20 =	sor.u32 $0x1380, s30;
	v16 =	vperm.xlane v29, v1;
	v49 =	vperm.xlane v11, v0;
	vm0 =	vge.f32 v19, v15  }
0x1cb: {  	s30 =	sor.u32 $0x1300, s31;
	s0 =	sadd.s32 $0x200, s0;
	v2 =	vld [tilespmem:s20+$0x0];
	v8 =	vmin.f32 v40, v8;
	v9 =	vnsel vm3, $0x0, v9;
	[tilespmem:s25+$0x3200] =	vst v18;
	v18 =	vnsel vm0, $0x0, v19  }
0x1cc: {  	s16 =	sor.u32 $0x1300, s0;
	v15 =	vld [tilespmem:s30+$0x0];
	v19 =	vmax.f32 v23, v45;
	v16 =	vmax.f32 v29, v16;
	v54 =	vmax.f32 v11, v49;
	[tilespmem:s25+$0x3280] =	vst v18  }
0x1cd: {  	v22 =	vmin.f32 v11, v49;
	v18 =	vmax.f32 v24, v46;
	v5 =	vmax.f32 v5, v19;
	v47 =	vld [tilespmem:s16+$0x0]  }
0x1ce: {  	v20 =	vld [tilespmem:s23+$0x1000];
	v8 =	vmax.f32 v8, v16;
	v57 =	vperm.xlane v54, v1;
	v58 =	vperm.xlane v22, v1  }
0x1cf: {  	v4 =	vmax.f32 v4, v18;
	v18 =	vld [tilespmem:s23+$0x1080];
	vm0 =	vge.f32 v10, v5;
	vm2 =	vge.f32 v13, v8  }
0x1d0: {  	v8 =	vperm.xlane v2, v0;
	vm1 =	vge.f32 v12, v4;
	v24 =	vmin.f32 v54, v57  }
0x1d1: {  	v22 =	vmax.f32 v22, v58;
	v10 =	vnsel vm0, $0x0, v10;
	v4 =	vperm.xlane v15, v0  }
0x1d2: {  	v13 =	vnsel vm2, $0x0, v13;
	v60 =	vmax.f32 v2, v8;
	v5 =	vperm.xlane v47, v0  }
0x1d3: {  	v19 =	vmax.f32 v15, v4;
	v48 =	vmin.f32 v15, v4;
	v4 =	vperm.xlane v20, v0  }
0x1d4: {  	v6 =	vperm.xlane v18, v0;
	v16 =	vmax.f32 v47, v5;
	v5 =	vmin.f32 v47, v5  }
0x1d5: {  	v52 =	vmax.f32 v20, v4;
	v50 =	vperm.xlane v16, v1;
	v51 =	vperm.xlane v5, v1  }
0x1d6: {  	v4 =	vmin.f32 v20, v4;
	v53 =	vmax.f32 v18, v6;
	v6 =	vmin.f32 v18, v6  }
0x1d7: {  	v55 =	vperm.xlane v4, v1;
	v16 =	vmin.f32 v16, v50;
	v5 =	vmax.f32 v5, v51  }
0x1d8: {  	v56 =	vperm.xlane v6, v1;
	v5 =	vmax.f32 v16, v5;
	v16 =	vperm.xlane v52, v1  }
0x1d9: {  	v59 =	vperm.xlane v19, v1;
	vm5 =	vge.f32 v47, v5;
	v5 =	vperm.xlane v53, v1  }
0x1da: {  	v4 =	vmax.f32 v4, v55;
	v6 =	vmax.f32 v6, v56;
	v26 =	vmin.f32 v52, v16  }
0x1db: {  	v23 =	vnsel vm5, $0x0, v47;
	v16 =	vld [tilespmem:s23+$0x1010];
	v5 =	vmin.f32 v53, v5;
	v25 =	vmax.f32 v26, v4  }
0x1dc: {  	v4 =	vld [tilespmem:s23+$0x1090];
	vm5 =	vge.f32 v20, v25;
	v6 =	vmax.f32 v5, v6;
	v25 =	vnsel vm4, $0x0, v7  }
0x1dd: {  	s26 =	sor.u32 s26, s28;
	[tilespmem:s16+$0x2000] =	vst v23;
	v5 =	vld [tilespmem:s23+$0x1110];
	v20 =	vnsel vm5, $0x0, v20;
	vm5 =	vge.f32 v18, v6;
	v6 =	vmax.f32 v24, v22  }
0x1de: {  	s16 =	sor.u32 $0x1380, s26;
	v7 =	vld [tilespmem:s23+$0x1210];
	[tilespmem:s23+$0x3000] =	vst v20;
	v18 =	vnsel vm5, $0x0, v18;
	vm5 =	vge.f32 v11, v6;
	v20 =	vperm.xlane v48, v1  }
0x1df: {  	v8 =	vmin.f32 v2, v8;
	v12 =	vnsel vm1, $0x0, v12;
	v23 =	vld [tilespmem:s16+$0x0];
	[tilespmem:s23+$0x3080] =	vst v18;
	v11 =	vnsel vm5, $0x0, v11  }
0x1e0: {  	v6 =	vld [tilespmem:s23+$0x1190];
	v18 =	vperm.xlane v60, v1;
	[tilespmem:s23+$0x3100] =	vst v11;
	v11 =	vmin.f32 v19, v59;
	v19 =	vmax.f32 v48, v20  }
0x1e1: {  	v20 =	vperm.xlane v8, v1;
	v62 =	vperm.xlane v4, v0;
	v11 =	vmax.f32 v11, v19  }
0x1e2: {  	v18 =	vmin.f32 v60, v18;
	v19 =	vperm.xlane v16, v0;
	v36 =	vperm.xlane v5, v0  }
0x1e3: {  	s12 =	sor.u32 s12, s22;
	v38 =	vperm.xlane v7, v0;
	vm4 =	vge.f32 v15, v11;
	v11 =	vmax.f32 v8, v20  }
0x1e4: {  	s12 =	sor.u32 $0x1180, s12;
	v20 =	vperm.xlane v23, v0;
	v43 =	vmax.f32 v4, v62;
	v22 =	vmin.f32 v4, v62  }
0x1e5: {  	v61 =	vld [tilespmem:s12+$0x0];
	v63 =	vmax.f32 v16, v19;
	v37 =	vperm.xlane v6, v0;
	v19 =	vmin.f32 v16, v19  }
0x1e6: {  	v48 =	vmax.f32 v5, v36;
	v26 =	vmin.f32 v5, v36;
	v11 =	vmax.f32 v18, v11  }
0x1e7: {  	v18 =	vmax.f32 v7, v38;
	v51 =	vperm.xlane v43, v1;
	v52 =	vperm.xlane v22, v1  }
0x1e8: {  	v28 =	vmin.f32 v7, v38;
	v15 =	vnsel vm4, $0x0, v15;
	v50 =	vperm.xlane v19, v1  }
0x1e9: {  	v39 =	vmax.f32 v23, v20;
	v53 =	vperm.xlane v26, v1;
	v56 =	vperm.xlane v18, v1  }
0x1ea: {  	v20 =	vmin.f32 v23, v20;
	v57 =	vperm.xlane v28, v1;
	v41 =	vperm.xlane v61, v0  }
0x1eb: {  	v40 =	vperm.xlane v39, v1;
	v42 =	vperm.xlane v20, v1;
	v49 =	vmax.f32 v6, v37  }
0x1ec: {  	v8 =	vld [tilespmem:s23+$0x1290];
	v27 =	vmin.f32 v6, v37;
	v44 =	vmax.f32 v61, v41;
	v31 =	vmin.f32 v61, v41  }
0x1ed: {  	v22 =	vmax.f32 v22, v52;
	v45 =	vperm.xlane v44, v1;
	v47 =	vperm.xlane v31, v1  }
0x1ee: {  	v54 =	vperm.xlane v49, v1;
	v29 =	vmin.f32 v39, v40;
	v20 =	vmax.f32 v20, v42  }
0x1ef: {  	v20 =	vmax.f32 v29, v20;
	v30 =	vmin.f32 v44, v45;
	v29 =	vmax.f32 v31, v47  }
0x1f0: {  	v29 =	vmax.f32 v30, v29;
	v30 =	vmax.f32 v19, v50;
	v19 =	vperm.xlane v48, v1  }
0x1f1: {  	v26 =	vmax.f32 v26, v53;
	v46 =	vperm.xlane v8, v0;
	vm6 =	vge.f32 v61, v29  }
0x1f2: {  	v21 =	vnsel vm6, $0x0, v61;
	v32 =	vmin.f32 v48, v19;
	v19 =	vperm.xlane v27, v1  }
0x1f3: {  	v24 =	vmin.f32 v49, v54;
	vm5 =	vge.f32 v23, v20;
	v20 =	vperm.xlane v63, v1;
	[tilespmem:s12+$0x2000] =	vst v21  }
0x1f4: {  	v55 =	vmax.f32 v8, v46;
	v34 =	vmin.f32 v8, v46;
	v27 =	vmax.f32 v27, v19;
	v19 =	vld [tilespmem:s23+$0x1200]  }
0x1f5: {  	v58 =	vperm.xlane v55, v1;
	v59 =	vperm.xlane v34, v1;
	v31 =	vmin.f32 v18, v56;
	v18 =	vld [tilespmem:s23+$0x1280]  }
0x1f6: {  	v23 =	vnsel vm5, $0x0, v23;
	v20 =	vmin.f32 v63, v20;
	v29 =	vmin.f32 v43, v51  }
0x1f7: {  	[tilespmem:s24+$0x2000] =	vst v3;
	v33 =	vmin.f32 v55, v58;
	v3 =	vmax.f32 v20, v30;
	v20 =	vmax.f32 v29, v22  }
0x1f8: {  	[tilespmem:s25+$0x3010] =	vst v17;
	vm5 =	vge.f32 v16, v3;
	v21 =	vmax.f32 v28, v57;
	v28 =	vmax.f32 v34, v59  }
0x1f9: {  	[tilespmem:s29+$0x2000] =	vst v14;
	v60 =	vmax.f32 v32, v26;
	vm2 =	vge.f32 v4, v20;
	v21 =	vmax.f32 v31, v21  }
0x1fa: {  	[tilespmem:s25+$0x3110] =	vst v9;
	v14 =	vmax.f32 v24, v27;
	v17 =	vperm.xlane v19, v0;
	v62 =	vperm.xlane v18, v0  }
0x1fb: {  	[tilespmem:s25+$0x3190] =	vst v10;
	v61 =	vmax.f32 v33, v28;
	vm1 =	vge.f32 v5, v60;
	vm0 =	vge.f32 v6, v14  }
0x1fc: {  	[tilespmem:s25+$0x3290] =	vst v13;
	v3 =	vmax.f32 v19, v17;
	v9 =	vmin.f32 v19, v17;
	v14 =	vmax.f32 v18, v62  }
0x1fd: {  	s0 =	sadd.s32 $0x10, s0;
	[tilespmem:s25+$0x3210] =	vst v12;
	v20 =	vmin.f32 v18, v62;
	v10 =	vperm.xlane v3, v1;
	v17 =	vperm.xlane v9, v1  }
0x1fe: {  	s26 =	sor.u32 $0x1300, s0;
	[tilespmem:s25+$0x3090] =	vst v25;
	vm3 =	vge.f32 v7, v21;
	v12 =	vperm.xlane v14, v1;
	v63 =	vperm.xlane v20, v1  }
0x1ff: {  	s24 =	sor.u32 $0x1380, s31;
	[tilespmem:s30+$0x2000] =	vst v15;
	vm4 =	vge.f32 v8, v61;
	v10 =	vmin.f32 v3, v10;
	v9 =	vmax.f32 v9, v17;
	v3 =	vld [tilespmem:s26+$0x0]  }
0x200: {  	s28 =	simm.s32 $0x6;
	s31 =	simm.s32 $0x80;
	s29 =	simm.s32 $0x3;
	v12 =	vmin.f32 v14, v12;
	v13 =	vmax.f32 v20, v63;
	v10 =	vmax.f32 v10, v9;
	v9 =	vld [tilespmem:s24+$0x0]  }
0x201: {  	s1 =	sand.u32 $0x3, s29;
	s25 =	sor.u32 $0x1380, s0;
	s30 =	simm.s32 $0x400;
	[tilespmem:s16+$0x2000] =	vst v23;
	v12 =	vmax.f32 v12, v13;
	vm6 =	vge.f32 v19, v10;
	v10 =	vnsel vm5, $0x0, v16  }
.LBB2_4:
0x202: {  	s12 =	sand.u32 $0x60, s31;
	s0 =	sand.u32 $0xC00, s30;
	s1 =	sshll.u32 s1, $0x5;
	v13 =	vnsel vm6, $0x0, v19;
	vm5 =	vge.f32 v18, v12;
	[tilespmem:s23+$0x3010] =	vst v10;
	v4 =	vnsel vm2, $0x0, v4  }
0x203: {  	v5 =	vnsel vm1, $0x0, v5;
	v6 =	vnsel vm0, $0x0, v6;
	s12 =	sor.u32 s12, s0;
	[tilespmem:s23+$0x3200] =	vst v13;
	v10 =	vnsel vm5, $0x0, v18;
	s14 =	sadd.s32 s1, s21  }
0x204: {  	v7 =	vnsel vm3, $0x0, v7;
	v8 =	vnsel vm4, $0x0, v8;
	v12 =	vld [tilespmem:s12+$0x1000];
	[tilespmem:s23+$0x3280] =	vst v10;
	s1 =	sor.u32 $0x1300, s14;
	s14 =	sadd.s32 $0x10, s14;
	v10 =	vperm.xlane v3, v0  }
0x205: {  	vm0 =	vge.f32 v2, v11;
	v13 =	vld [tilespmem:s1+$0x0];
	[tilespmem:s23+$0x3090] =	vst v4;
	s16 =	sor.u32 $0x1300, s14;
	s14 =	sor.u32 $0x1380, s14;
	v4 =	vperm.xlane v9, v0  }
0x206: {  	v15 =	vnsel vm0, $0x0, v2;
	v2 =	vmovc v9;
	v14 =	vld [tilespmem:s12+$0x1080];
	[tilespmem:s23+$0x3110] =	vst v5;
	v5 =	vmax.f32 v3, v10;
	v11 =	vmin.f32 v3, v10  }
0x207: {  	v16 =	vld [tilespmem:s12+$0x1100];
	[tilespmem:s23+$0x3190] =	vst v6;
	v6 =	vperm.xlane v5, v1;
	v9 =	vperm.xlane v11, v1;
	v17 =	vmax.f32 v2, v4  }
0x208: {  	v18 =	vmin.f32 v2, v4;
	v10 =	vld [tilespmem:s12+$0x1010];
	[tilespmem:s23+$0x3210] =	vst v7;
	v7 =	vperm.xlane v17, v1  }
0x209: {  	v19 =	vperm.xlane v18, v1;
	v4 =	vld [tilespmem:s12+$0x1090];
	[tilespmem:s23+$0x3290] =	vst v8;
	v6 =	vmin.f32 v5, v6;
	v8 =	vmax.f32 v11, v9;
	s23 =	smov.u32 s12  }
0x20a: {  	v5 =	vld [tilespmem:s23+$0x1110];
	v9 =	vperm.xlane v13, v0;
	v8 =	vmax.f32 v6, v8;
	v11 =	vmin.f32 v17, v7;
	[tilespmem:s20+$0x2000] =	vst v15;
	s20 =	smov.u32 s24;
	s24 =	smov.u32 s25;
	s25 =	smov.u32 s14  }
0x20b: {  	v15 =	vperm.xlane v12, v0;
	v17 =	vperm.xlane v14, v0;
	v6 =	vld [tilespmem:s23+$0x1190];
	vm0 =	vge.f32 v3, v8  }
0x20c: {  	s28 =	sadd.s32 $0x2, s28;
	v20 =	vperm.xlane v16, v0;
	v7 =	vld [tilespmem:s23+$0x1210];
	v21 =	vmax.f32 v13, v9;
	v9 =	vmin.f32 v13, v9  }
0x20d: {  	p0 =	slt.u32 s28, $0x1E;
	v24 =	vnsel vm0, $0x0, v3;
	v8 =	vld [tilespmem:s23+$0x1290];
	v22 =	vperm.xlane v21, v1;
	v23 =	vperm.xlane v9, v1  }
0x20e: {  	v25 =	vmax.f32 v12, v15;
	v15 =	vmin.f32 v12, v15;
	v26 =	vmax.f32 v14, v17;
	v3 =	vld [tilespmem:s16+$0x0];
	[tilespmem:s26+$0x2000] =	vst v24;
	s26 =	smov.u32 s16  }
0x20f: {  	v17 =	vmin.f32 v14, v17;
	v21 =	vmin.f32 v21, v22;
	v22 =	vmax.f32 v9, v23;
	v9 =	vld [tilespmem:s24+$0x0]  }
0x210: {  	v23 =	vmax.f32 v16, v20;
	v20 =	vmin.f32 v16, v20;
	v21 =	vmax.f32 v21, v22  }
0x211: {  	v24 =	vperm.xlane v15, v1;
	v22 =	vperm.xlane v25, v1;
	vm0 =	vge.f32 v13, v21  }
0x212: {  	s12 =	sor.u32 s21, s22;
	s21 =	smov.u32 s30;
	s22 =	smov.u32 s31;
	v27 =	vperm.xlane v17, v1;
	v21 =	vperm.xlane v26, v1;
	v13 =	vnsel vm0, $0x0, v13  }
0x213: {  	v28 =	vperm.xlane v23, v1;
	v29 =	vperm.xlane v20, v1;
	[tilespmem:s1+$0x2000] =	vst v13;
	s1 =	sor.u32 $0x1380, s12;
	v13 =	vmax.f32 v18, v19  }
0x214: {  	v15 =	vmax.f32 v15, v24;
	v18 =	vmin.f32 v25, v22;
	v19 =	vmin.f32 v26, v21;
	v21 =	vld [tilespmem:s1+$0x0]  }
0x215: {  	v17 =	vmax.f32 v17, v27;
	v15 =	vmax.f32 v18, v15;
	v18 =	vmin.f32 v23, v28  }
0x216: {  	vm0 =	vge.f32 v12, v15;
	v15 =	vmax.f32 v19, v17;
	v17 =	vmax.f32 v20, v29  }
0x217: {  	v12 =	vnsel vm0, $0x0, v12;
	vm0 =	vge.f32 v14, v15;
	v15 =	vmax.f32 v18, v17  }
0x218: {  	[tilespmem:s23+$0x3000] =	vst v12;
	v12 =	vnsel vm0, $0x0, v14;
	vm0 =	vge.f32 v16, v15;
	v14 =	vperm.xlane v10, v0  }
0x219: {  	s0 =	sor.u32 s0, s31;
	v15 =	vperm.xlane v4, v0;
	[tilespmem:s23+$0x3080] =	vst v12;
	v12 =	vnsel vm0, $0x0, v16;
	v16 =	vperm.xlane v21, v0  }
0x21a: {  	s0 =	sor.u32 $0x1180, s0;
	v17 =	vperm.xlane v5, v0;
	v18 =	vperm.xlane v6, v0;
	[tilespmem:s23+$0x3100] =	vst v12;
	v12 =	vmax.f32 v10, v14  }
0x21b: {  	v20 =	vperm.xlane v7, v0;
	v19 =	vld [tilespmem:s0+$0x0];
	v22 =	vmax.f32 v21, v16;
	v16 =	vmin.f32 v21, v16  }
0x21c: {  	v14 =	vmin.f32 v10, v14;
	v23 =	vperm.xlane v22, v1;
	v24 =	vperm.xlane v16, v1  }
0x21d: {  	v26 =	vperm.xlane v8, v0;
	v25 =	vmax.f32 v4, v15;
	v15 =	vmin.f32 v4, v15  }
0x21e: {  	v27 =	vmax.f32 v5, v17;
	v22 =	vmin.f32 v22, v23;
	v16 =	vmax.f32 v16, v24  }
0x21f: {  	v17 =	vmin.f32 v5, v17;
	v23 =	vmax.f32 v6, v18;
	v16 =	vmax.f32 v22, v16  }
0x220: {  	v24 =	vmin.f32 v6, v18;
	v22 =	vperm.xlane v19, v0;
	vm0 =	vge.f32 v21, v16  }
0x221: {  	v16 =	vmax.f32 v7, v20;
	v20 =	vmin.f32 v7, v20;
	v18 =	vnsel vm0, $0x0, v21  }
0x222: {  	v28 =	vmax.f32 v8, v26;
	v21 =	vmax.f32 v19, v22;
	v22 =	vmin.f32 v19, v22;
	[tilespmem:s1+$0x2000] =	vst v18  }
0x223: {  	v26 =	vmin.f32 v8, v26;
	v18 =	vperm.xlane v21, v1;
	v29 =	vperm.xlane v22, v1  }
0x224: {  	v11 =	vmax.f32 v11, v13;
	v30 =	vperm.xlane v12, v1;
	v31 =	vperm.xlane v14, v1  }
0x225: {  	v13 =	vmin.f32 v21, v18;
	v18 =	vmax.f32 v22, v29;
	v21 =	vperm.xlane v25, v1  }
0x226: {  	v22 =	vperm.xlane v15, v1;
	v29 =	vperm.xlane v27, v1;
	v13 =	vmax.f32 v13, v18  }
0x227: {  	v32 =	vperm.xlane v23, v1;
	vm0 =	vge.f32 v19, v13;
	v13 =	vperm.xlane v17, v1  }
0x228: {  	v33 =	vperm.xlane v24, v1;
	v34 =	vperm.xlane v16, v1;
	v18 =	vnsel vm0, $0x0, v19  }
0x229: {  	v35 =	vperm.xlane v28, v1;
	v12 =	vmin.f32 v12, v30;
	v30 =	vperm.xlane v20, v1;
	[tilespmem:s0+$0x2000] =	vst v18  }
0x22a: {  	v14 =	vmax.f32 v14, v31;
	v21 =	vmin.f32 v25, v21;
	v25 =	vperm.xlane v26, v1;
	v19 =	vld [tilespmem:s23+$0x1200]  }
0x22b: {  	v15 =	vmax.f32 v15, v22;
	v22 =	vmin.f32 v27, v29;
	v13 =	vmax.f32 v17, v13;
	v18 =	vld [tilespmem:s23+$0x1280]  }
0x22c: {  	v16 =	vmin.f32 v16, v34;
	v17 =	vmin.f32 v23, v32;
	v23 =	vmax.f32 v24, v33  }
0x22d: {  	v20 =	vmax.f32 v20, v30;
	v24 =	vmin.f32 v28, v35;
	v25 =	vmax.f32 v26, v25  }
0x22e: {  	v12 =	vmax.f32 v12, v14;
	v14 =	vmax.f32 v21, v15;
	v13 =	vmax.f32 v22, v13  }
0x22f: {  	v16 =	vmax.f32 v16, v20;
	v15 =	vmax.f32 v17, v23;
	v17 =	vmax.f32 v24, v25  }
0x230: {  	vm5 =	vge.f32 v10, v12;
	v20 =	vperm.xlane v19, v0;
	v21 =	vperm.xlane v18, v0  }
0x231: {  	vm2 =	vge.f32 v4, v14;
	vm1 =	vge.f32 v5, v13;
	vm0 =	vge.f32 v6, v15  }
0x232: {  	v12 =	vmax.f32 v19, v20;
	v13 =	vmin.f32 v19, v20;
	v14 =	vmax.f32 v18, v21  }
.Ltmp1:
0x233: {  	v15 =	vperm.xlane v12, v1;
	v20 =	vperm.xlane v13, v1;
	v21 =	vmin.f32 v18, v21;
	(pc) =	sbr.rel @p0 .LBB2_4-.Ltmp1, $4  }
0x234: {  	vm3 =	vge.f32 v7, v16;
	v22 =	vperm.xlane v14, v1;
	v23 =	vperm.xlane v21, v1  }
0x235: {  	vm4 =	vge.f32 v8, v17;
	v12 =	vmin.f32 v12, v15;
	v13 =	vmax.f32 v13, v20  }
0x236: {  	s29 =	sadd.s32 $0x1, s29;
	v12 =	vmax.f32 v12, v13;
	v13 =	vmin.f32 v14, v22;
	v14 =	vmax.f32 v21, v23  }
0x237: {  	s30 =	sadd.s32 $0x100, s30;
	s31 =	sadd.s32 $0x20, s31;
	v10 =	vnsel vm5, $0x0, v10;
	s1 =	sand.u32 $0x3, s29;
	vm6 =	vge.f32 v19, v12;
	v12 =	vmax.f32 v13, v14  }
0x238: {  	s0 =	sshll.u32 s1, $0x5;
	v13 =	vnsel vm6, $0x0, v19;
	vm5 =	vge.f32 v18, v12  }
0x239: {  	[tilespmem:s23+$0x3200] =	vst v13;
	v12 =	vnsel vm5, $0x0, v18;
	s0 =	sadd.s32 s0, s21  }
0x23a: {  	[tilespmem:s23+$0x3280] =	vst v12;
	s16 =	sor.u32 $0x1300, s0  }
0x23b: {  	v12 =	vld [tilespmem:s16+$0x0]  }
0x23c: {  	[tilespmem:s23+$0x3010] =	vst v10;
	v4 =	vnsel vm2, $0x0, v4  }
0x23d: {  	v5 =	vnsel vm1, $0x0, v5;
	[tilespmem:s23+$0x3090] =	vst v4  }
0x23e: {  	v4 =	vnsel vm0, $0x0, v6;
	[tilespmem:s23+$0x3110] =	vst v5  }
0x23f: {  	v5 =	vnsel vm3, $0x0, v7;
	[tilespmem:s23+$0x3190] =	vst v4  }
0x240: {  	v4 =	vnsel vm4, $0x0, v8;
	s0 =	sadd.s32 $0x10, s0;
	[tilespmem:s23+$0x3210] =	vst v5;
	v5 =	vperm.xlane v12, v0  }
0x241: {  	s12 =	sor.u32 $0x1300, s0;
	[tilespmem:s23+$0x3290] =	vst v4  }
0x242: {  	v6 =	vld [tilespmem:s12+$0x0];
	v4 =	vmax.f32 v12, v5;
	v5 =	vmin.f32 v12, v5  }
0x243: {  	v7 =	vperm.xlane v4, v1;
	v8 =	vperm.xlane v5, v1  }
0x244: {  	v10 =	vperm.xlane v3, v0  }
0x245: {  	v4 =	vmin.f32 v4, v7;
	v5 =	vmax.f32 v5, v8  }
0x246: {  	v7 =	vmax.f32 v3, v10;
	v8 =	vmin.f32 v3, v10;
	v4 =	vmax.f32 v4, v5  }
0x247: {  	v5 =	vperm.xlane v7, v1;
	vm0 =	vge.f32 v12, v4;
	v4 =	vperm.xlane v6, v0  }
0x248: {  	s14 =	sor.u32 s21, s22;
	v10 =	vperm.xlane v8, v1;
	v12 =	vnsel vm0, $0x0, v12  }
0x249: {  	s23 =	sor.u32 $0x1380, s14;
	v5 =	vmin.f32 v7, v5;
	[tilespmem:s16+$0x2000] =	vst v12;
	v7 =	vmax.f32 v6, v4;
	v4 =	vmin.f32 v6, v4  }
0x24a: {  	v8 =	vmax.f32 v8, v10;
	v10 =	vld [tilespmem:s23+$0x0];
	v12 =	vperm.xlane v7, v1;
	v13 =	vperm.xlane v4, v1  }
0x24b: {  	v5 =	vmax.f32 v5, v8  }
0x24c: {  	vm0 =	vge.f32 v3, v5;
	v5 =	vmin.f32 v7, v12;
	v4 =	vmax.f32 v4, v13  }
0x24d: {  	v3 =	vnsel vm0, $0x0, v3;
	v4 =	vmax.f32 v5, v4  }
0x24e: {  	[tilespmem:s26+$0x2000] =	vst v3;
	vm0 =	vge.f32 v6, v4  }
0x24f: {  	v3 =	vperm.xlane v9, v0;
	v4 =	vld [tilespmem:s25+$0x0];
	v5 =	vperm.xlane v10, v0;
	v6 =	vnsel vm0, $0x0, v6  }
0x250: {  	s0 =	sor.u32 $0x1380, s0;
	vm0 =	vge.f32 v2, v11;
	[tilespmem:s12+$0x2000] =	vst v6  }
0x251: {  	v6 =	vmax.f32 v9, v3;
	v7 =	vmax.f32 v10, v5;
	v5 =	vmin.f32 v10, v5;
	v8 =	vld [tilespmem:s0+$0x0]  }
0x252: {  	v3 =	vmin.f32 v9, v3;
	v11 =	vperm.xlane v7, v1;
	v12 =	vperm.xlane v5, v1  }
0x253: {  	v2 =	vnsel vm0, $0x0, v2;
	v13 =	vperm.xlane v6, v1;
	v14 =	vperm.xlane v3, v1  }
0x254: {  	v7 =	vmin.f32 v7, v11;
	v5 =	vmax.f32 v5, v12;
	v11 =	vperm.xlane v4, v0  }
0x255: {  	v6 =	vmin.f32 v6, v13;
	v3 =	vmax.f32 v3, v14;
	v5 =	vmax.f32 v7, v5  }
0x256: {  	vm0 =	vge.f32 v10, v5;
	v5 =	vmax.f32 v4, v11;
	v7 =	vperm.xlane v8, v0  }
0x257: {  	v3 =	vmax.f32 v6, v3;
	v11 =	vmin.f32 v4, v11;
	v12 =	vperm.xlane v5, v1  }
0x258: {  	v13 =	vperm.xlane v11, v1;
	v14 =	vmax.f32 v8, v7;
	v7 =	vmin.f32 v8, v7  }
0x259: {  	v10 =	vnsel vm0, $0x0, v10;
	v6 =	vperm.xlane v14, v1;
	v15 =	vperm.xlane v7, v1  }
0x25a: {  	vm0 =	vge.f32 v9, v3;
	v3 =	vmin.f32 v5, v12;
	v5 =	vmax.f32 v11, v13  }
0x25b: {  	[tilespmem:s20+$0x2000] =	vst v2;
	v2 =	vmax.f32 v3, v5;
	v3 =	vmin.f32 v14, v6;
	v5 =	vmax.f32 v7, v15  }
0x25c: {  	[tilespmem:s23+$0x2000] =	vst v10;
	v6 =	vnsel vm0, $0x0, v9;
	vm0 =	vge.f32 v4, v2;
	v2 =	vmax.f32 v3, v5  }
0x25d: {  	[tilespmem:s24+$0x2000] =	vst v6;
	v3 =	vnsel vm0, $0x0, v4;
	vm0 =	vge.f32 v8, v2  }
0x25e: {  	[tilespmem:s25+$0x2000] =	vst v3;
	v2 =	vnsel vm0, $0x0, v8  }
0x25f: {  	s12 =	simm.s32 $0x3000;
	[tilespmem:s0+$0x2000] =	vst v2;
	s0 =	simm.s32 $0x0  }
0x260: {  	[hbm4b:s7+s0] =	stream.linear.scatter [tilespmem:s12], [sflag:$0x4], $0x1000, $0x38;
	[tilespmem:$0x4000] =	vst v63  }
0x261: {  	s14 =	simm.s32 $0x1000  }
0x262: {  	[tilespmem:s14], [sflag:$0x2] =	stream.linear.gather [hbm4b:s8+s0], $0x1000, $0x38;
	[tilespmem:$0x4000] =	vst v63  }
0x263: {  	_ =	swait.ge [sflag:s13], $0x1000  }
0x264: {  	[sflag:s13] =	ssyncset.done $0x0  }
0x265: {  	[sflag:s13] =	ssyncadd.s32 $0xFFFFF000  }
0x266: {  	_ =	swait.ge [sflag:s17], $0x1000  }
0x267: {  	s16 =	sand.u32 $0x60, s0;
	s20 =	sand.u32 $0xC00, s0;
	[sflag:s17] =	ssyncset.done $0x0  }
0x268: {  	s21 =	sor.u32 s16, s20;
	[sflag:s17] =	ssyncadd.s32 $0xFFFFF000  }
0x269: {  	v2 =	vld [tilespmem:s21+$0x0]  }
0x26a: {  	v3 =	vld [tilespmem:s21+$0x80]  }
0x26b: {  	v4 =	vld [tilespmem:s21+$0x100];
	_ =	sdelay $0x2  }
0x26c: {  	v5 =	vperm.xlane v2, v0  }
0x26d: {  	v6 =	vperm.xlane v3, v0  }
0x26e: {  	v7 =	vperm.xlane v4, v0;
	v8 =	vmax.f32 v2, v5  }
0x26f: {  	v5 =	vmin.f32 v2, v5;
	v9 =	vmax.f32 v3, v6;
	v6 =	vmin.f32 v3, v6  }
0x270: {  	v10 =	vmax.f32 v4, v7;
	v11 =	vperm.xlane v8, v1;
	v12 =	vperm.xlane v5, v1  }
0x271: {  	v7 =	vmin.f32 v4, v7;
	v13 =	vperm.xlane v9, v1;
	v14 =	vperm.xlane v6, v1  }
0x272: {  	v15 =	vperm.xlane v10, v1;
	v16 =	vperm.xlane v7, v1  }
0x273: {  	v8 =	vmin.f32 v8, v11;
	v5 =	vmax.f32 v5, v12;
	v9 =	vmin.f32 v9, v13  }
0x274: {  	v6 =	vmax.f32 v6, v14;
	v5 =	vmax.f32 v8, v5;
	v8 =	vmin.f32 v10, v15  }
0x275: {  	vm0 =	vge.f32 v2, v5;
	v5 =	vmax.f32 v9, v6;
	v6 =	vmax.f32 v7, v16  }
0x276: {  	v2 =	vnsel vm0, $0x0, v2;
	vm0 =	vge.f32 v3, v5;
	v5 =	vmax.f32 v8, v6  }
0x277: {  	[tilespmem:s21+$0x2000] =	vst v2;
	v2 =	vnsel vm0, $0x0, v3;
	vm0 =	vge.f32 v4, v5  }
0x278: {  	s22 =	sor.u32 s20, s0;
	[tilespmem:s21+$0x2080] =	vst v2;
	v2 =	vnsel vm0, $0x0, v4  }
0x279: {  	s1 =	sor.u32 $0x180, s22;
	[tilespmem:s21+$0x2100] =	vst v2  }
0x27a: {  	v2 =	vld [tilespmem:s1+$0x0];
	_ =	sdelay $0x3  }
0x27b: {  	v12 =	vld [tilespmem:s21+$0x190]  }
0x27c: {  	v10 =	vld [tilespmem:s21+$0x210];
	v3 =	vperm.xlane v2, v0;
	_ =	sdelay $0x1  }
0x27d: {  	v4 =	vmax.f32 v2, v3;
	v3 =	vmin.f32 v2, v3  }
0x27e: {  	v5 =	vperm.xlane v4, v1;
	v6 =	vperm.xlane v3, v1  }
0x27f: {  	v11 =	vld [tilespmem:s21+$0x110];
	v13 =	vperm.xlane v12, v0  }
0x280: {  	v9 =	vld [tilespmem:s21+$0x10];
	v14 =	vperm.xlane v10, v0;
	v4 =	vmin.f32 v4, v5;
	v3 =	vmax.f32 v3, v6  }
0x281: {  	v19 =	vmax.f32 v12, v13;
	v4 =	vmax.f32 v4, v3  }
0x282: {  	v8 =	vld [tilespmem:s21+$0x90];
	v13 =	vmin.f32 v12, v13;
	v22 =	vmax.f32 v10, v14;
	vm0 =	vge.f32 v2, v4  }
0x283: {  	v44 =	vperm.xlane v19, v1;
	v46 =	vperm.xlane v13, v1;
	v2 =	vnsel vm0, $0x0, v2  }
0x284: {  	v14 =	vmin.f32 v10, v14;
	v48 =	vperm.xlane v22, v1;
	v6 =	vperm.xlane v11, v0;
	v3 =	vld [tilespmem:s21+$0x290];
	[tilespmem:s1+$0x2000] =	vst v2  }
0x285: {  	v19 =	vmin.f32 v19, v44;
	v13 =	vmax.f32 v13, v46;
	v4 =	vperm.xlane v9, v0;
	v7 =	vld [tilespmem:s21+$0x200]  }
0x286: {  	v22 =	vmin.f32 v22, v48;
	v18 =	vmax.f32 v11, v6;
	v6 =	vmin.f32 v11, v6;
	v15 =	vld [tilespmem:s21+$0x280]  }
0x287: {  	v28 =	vperm.xlane v18, v1;
	v2 =	vperm.xlane v8, v0;
	v5 =	vmax.f32 v9, v4  }
0x288: {  	v29 =	vperm.xlane v6, v1;
	v4 =	vmin.f32 v9, v4;
	v20 =	vperm.xlane v5, v1  }
0x289: {  	v21 =	vperm.xlane v4, v1;
	v18 =	vmin.f32 v18, v28;
	v16 =	vmax.f32 v8, v2  }
0x28a: {  	v6 =	vmax.f32 v6, v29;
	v17 =	vperm.xlane v3, v0;
	v23 =	vperm.xlane v16, v1  }
0x28b: {  	v2 =	vmin.f32 v8, v2;
	v25 =	vperm.xlane v7, v0;
	v26 =	vperm.xlane v15, v0  }
0x28c: {  	v24 =	vperm.xlane v2, v1;
	v5 =	vmin.f32 v5, v20;
	v20 =	vperm.xlane v14, v1  }
0x28d: {  	s23 =	sand.u32 $0x3, s0;
	v30 =	vmax.f32 v7, v25;
	v25 =	vmin.f32 v7, v25;
	v31 =	vmax.f32 v15, v26  }
0x28e: {  	s22 =	simm.s32 $0x100;
	s1 =	sshll.u32 s23, $0x5;
	s23 =	simm.s32 $0x20;
	v26 =	vmin.f32 v15, v26;
	v32 =	vperm.xlane v30, v1;
	v33 =	vperm.xlane v25, v1  }
0x28f: {  	s25 =	sand.u32 $0xC00, s22;
	s24 =	sand.u32 $0x60, s23;
	v4 =	vmax.f32 v4, v21;
	v34 =	vperm.xlane v31, v1;
	v35 =	vperm.xlane v26, v1  }
0x290: {  	s20 =	sor.u32 s24, s25;
	v14 =	vmax.f32 v14, v20;
	v30 =	vmin.f32 v30, v32;
	v25 =	vmax.f32 v25, v33  }
0x291: {  	v20 =	vld [tilespmem:s20+$0x80];
	v45 =	vmin.f32 v31, v34;
	v26 =	vmax.f32 v26, v35;
	v25 =	vmax.f32 v30, v25  }
0x292: {  	v27 =	vmax.f32 v3, v17;
	v47 =	vmax.f32 v45, v26;
	vm0 =	vge.f32 v7, v25  }
0x293: {  	v17 =	vmin.f32 v3, v17;
	v7 =	vnsel vm0, $0x0, v7;
	vm0 =	vge.f32 v15, v47  }
0x294: {  	s29 =	sadd.s32 $0x0, s1;
	v50 =	vld [tilespmem:s20+$0x0];
	v4 =	vmax.f32 v5, v4;
	v5 =	vmax.f32 v18, v6;
	[tilespmem:s21+$0x2200] =	vst v7;
	v7 =	vnsel vm0, $0x0, v15  }
0x295: {  	s26 =	sor.u32 $0x300, s29;
	v6 =	vmax.f32 v19, v13;
	v16 =	vmin.f32 v16, v23;
	v2 =	vmax.f32 v2, v24;
	[tilespmem:s21+$0x2280] =	vst v7  }
0x296: {  	vm3 =	vge.f32 v9, v4;
	vm1 =	vge.f32 v11, v5;
	v5 =	vperm.xlane v20, v0;
	v49 =	vld [tilespmem:s26+$0x0]  }
0x297: {  	vm2 =	vge.f32 v12, v6;
	v2 =	vmax.f32 v16, v2;
	v13 =	vmax.f32 v22, v14  }
0x298: {  	vm5 =	vge.f32 v10, v13;
	v19 =	vmax.f32 v20, v5;
	v5 =	vmin.f32 v20, v5  }
0x299: {  	v15 =	vperm.xlane v27, v1;
	vm0 =	vge.f32 v8, v2;
	v2 =	vperm.xlane v50, v0  }
0x29a: {  	v16 =	vld [tilespmem:s20+$0x100];
	v10 =	vnsel vm5, $0x0, v10;
	v53 =	vperm.xlane v5, v1;
	v7 =	vperm.xlane v17, v1  }
0x29b: {  	v15 =	vmin.f32 v27, v15;
	v18 =	vmax.f32 v50, v2;
	v4 =	vperm.xlane v49, v0  }
0x29c: {  	v2 =	vmin.f32 v50, v2;
	v7 =	vmax.f32 v17, v7;
	v51 =	vperm.xlane v18, v1  }
0x29d: {  	v52 =	vperm.xlane v2, v1;
	v6 =	vmax.f32 v49, v4;
	v4 =	vmin.f32 v49, v4  }
0x29e: {  	v14 =	vmax.f32 v15, v7;
	v15 =	vperm.xlane v6, v1;
	v17 =	vperm.xlane v4, v1  }
0x29f: {  	v7 =	vperm.xlane v16, v0;
	v18 =	vmin.f32 v18, v51;
	v56 =	vmax.f32 v2, v52  }
0x2a0: {  	vm6 =	vge.f32 v3, v14;
	v6 =	vmin.f32 v6, v15;
	v4 =	vmax.f32 v4, v17  }
0x2a1: {  	v15 =	vmax.f32 v16, v7;
	v17 =	vmin.f32 v16, v7;
	v4 =	vmax.f32 v6, v4  }
0x2a2: {  	v54 =	vperm.xlane v15, v1;
	vm4 =	vge.f32 v49, v4;
	v4 =	vperm.xlane v19, v1  }
0x2a3: {  	v2 =	vld [tilespmem:s20+$0x110];
	v18 =	vmax.f32 v18, v56;
	v55 =	vperm.xlane v17, v1;
	v21 =	vnsel vm4, $0x0, v49  }
0x2a4: {  	v6 =	vld [tilespmem:s20+$0x10];
	v15 =	vmin.f32 v15, v54;
	v4 =	vmin.f32 v19, v4;
	v19 =	vmax.f32 v5, v53  }
0x2a5: {  	s0 =	sor.u32 s0, s0;
	v7 =	vld [tilespmem:s20+$0x90];
	vm4 =	vge.f32 v50, v18;
	v17 =	vmax.f32 v17, v55;
	v4 =	vmax.f32 v4, v19  }
0x2a6: {  	s24 =	sor.u32 $0x380, s0;
	v5 =	vld [tilespmem:s20+$0x190];
	[tilespmem:s26+$0x2000] =	vst v21;
	v15 =	vmax.f32 v15, v17;
	v19 =	vnsel vm4, $0x0, v50;
	vm4 =	vge.f32 v20, v4  }
0x2a7: {  	v14 =	vnsel vm3, $0x0, v9;
	v18 =	vld [tilespmem:s24+$0x0];
	[tilespmem:s20+$0x2000] =	vst v19;
	v13 =	vnsel vm4, $0x0, v20;
	vm4 =	vge.f32 v16, v15  }
0x2a8: {  	s16 =	sor.u32 s25, s23;
	v19 =	vperm.xlane v2, v0;
	v15 =	vnsel vm1, $0x0, v11;
	[tilespmem:s20+$0x2080] =	vst v13;
	v9 =	vnsel vm4, $0x0, v16  }
0x2a9: {  	s0 =	sor.u32 $0x180, s16;
	v11 =	vnsel vm2, $0x0, v12;
	v12 =	vperm.xlane v6, v0;
	v13 =	vnsel vm0, $0x0, v8;
	[tilespmem:s20+$0x2100] =	vst v9  }
0x2aa: {  	v16 =	vperm.xlane v7, v0;
	v36 =	vmax.f32 v2, v19;
	v19 =	vmin.f32 v2, v19;
	v17 =	vld [tilespmem:s0+$0x0]  }
0x2ab: {  	v4 =	vld [tilespmem:s20+$0x210];
	v9 =	vnsel vm6, $0x0, v3;
	v20 =	vmax.f32 v6, v12;
	v57 =	vperm.xlane v5, v0  }
0x2ac: {  	v12 =	vmin.f32 v6, v12;
	v47 =	vperm.xlane v36, v1;
	v3 =	vperm.xlane v18, v0  }
0x2ad: {  	v48 =	vperm.xlane v19, v1;
	v62 =	vmax.f32 v7, v16;
	v16 =	vmin.f32 v7, v16  }
0x2ae: {  	v43 =	vperm.xlane v20, v1;
	v44 =	vperm.xlane v12, v1;
	v59 =	vmax.f32 v18, v3  }
0x2af: {  	v3 =	vmin.f32 v18, v3;
	v60 =	vperm.xlane v59, v1;
	v35 =	vperm.xlane v17, v0  }
0x2b0: {  	v58 =	vperm.xlane v4, v0;
	v40 =	vmax.f32 v5, v57;
	v61 =	vperm.xlane v3, v1  }
0x2b1: {  	v23 =	vmin.f32 v59, v60;
	v37 =	vmax.f32 v17, v35;
	v38 =	vmin.f32 v17, v35  }
0x2b2: {  	v3 =	vmax.f32 v3, v61;
	v39 =	vperm.xlane v37, v1;
	v28 =	vperm.xlane v38, v1  }
0x2b3: {  	v8 =	vld [tilespmem:s20+$0x290];
	v21 =	vmin.f32 v5, v57;
	v45 =	vperm.xlane v16, v1;
	v3 =	vmax.f32 v23, v3  }
0x2b4: {  	vm0 =	vge.f32 v18, v3;
	v23 =	vmin.f32 v37, v39;
	v42 =	vmax.f32 v38, v28  }
0x2b5: {  	v29 =	vmin.f32 v36, v47;
	v3 =	vnsel vm0, $0x0, v18;
	v18 =	vmax.f32 v23, v42  }
0x2b6: {  	v19 =	vmax.f32 v19, v48;
	v49 =	vperm.xlane v40, v1;
	vm0 =	vge.f32 v17, v18  }
0x2b7: {  	v50 =	vperm.xlane v21, v1;
	v20 =	vmin.f32 v20, v43;
	v17 =	vnsel vm0, $0x0, v17  }
0x2b8: {  	s28 =	simm.s32 $0x40;
	s26 =	simm.s32 $0x200;
	v12 =	vmax.f32 v12, v44;
	v63 =	vperm.xlane v8, v0;
	v41 =	vmax.f32 v4, v58;
	[tilespmem:s0+$0x2000] =	vst v17  }
0x2b9: {  	s25 =	sand.u32 $0x60, s28;
	s1 =	sand.u32 $0xC00, s26;
	v22 =	vmin.f32 v4, v58;
	v16 =	vmax.f32 v16, v45;
	v12 =	vmax.f32 v20, v12;
	v51 =	vld [tilespmem:s20+$0x200]  }
0x2ba: {  	s25 =	sor.u32 s25, s1;
	v52 =	vperm.xlane v41, v1;
	v54 =	vperm.xlane v22, v1;
	v46 =	vmax.f32 v8, v63;
	v53 =	vld [tilespmem:s20+$0x280]  }
0x2bb: {  	v27 =	vmin.f32 v40, v49;
	v21 =	vmax.f32 v21, v50;
	v55 =	vperm.xlane v46, v1;
	v38 =	vld [tilespmem:s25+$0x100]  }
0x2bc: {  	vm1 =	vge.f32 v6, v12;
	v21 =	vmax.f32 v27, v21;
	v18 =	vperm.xlane v62, v1  }
0x2bd: {  	vm3 =	vge.f32 v5, v21;
	v25 =	vmin.f32 v46, v55;
	v17 =	vmin.f32 v8, v63  }
0x2be: {  	v23 =	vmin.f32 v41, v52;
	v18 =	vmin.f32 v62, v18;
	v56 =	vperm.xlane v17, v1  }
0x2bf: {  	v16 =	vmax.f32 v18, v16;
	v57 =	vperm.xlane v51, v0;
	v58 =	vperm.xlane v53, v0  }
0x2c0: {  	v18 =	vmax.f32 v29, v19;
	v41 =	vperm.xlane v38, v0;
	v17 =	vmax.f32 v17, v56  }
0x2c1: {  	v60 =	vld [tilespmem:s25+$0x0];
	v19 =	vmax.f32 v51, v57;
	v20 =	vmin.f32 v51, v57;
	v59 =	vmax.f32 v53, v58  }
0x2c2: {  	v63 =	vld [tilespmem:s25+$0x80];
	v28 =	vmin.f32 v53, v58;
	v61 =	vperm.xlane v19, v1;
	v62 =	vperm.xlane v20, v1  }
0x2c3: {  	v43 =	vmax.f32 v38, v41;
	v36 =	vperm.xlane v59, v1;
	v37 =	vperm.xlane v28, v1  }
0x2c4: {  	v48 =	vperm.xlane v43, v1;
	v19 =	vmin.f32 v19, v61;
	v20 =	vmax.f32 v20, v62  }
0x2c5: {  	v39 =	vmax.f32 v28, v37;
	v19 =	vmax.f32 v19, v20;
	v20 =	vmin.f32 v59, v36  }
0x2c6: {  	s14 =	simm.s32 $0x1;
	vm0 =	vge.f32 v51, v19;
	v19 =	vmax.f32 v20, v39;
	v20 =	vperm.xlane v60, v0  }
0x2c7: {  	[tilespmem:s21+$0x2010] =	vst v14;
	s0 =	sand.u32 $0x3, s14;
	v40 =	vnsel vm0, $0x0, v51;
	vm0 =	vge.f32 v53, v19;
	v19 =	vperm.xlane v63, v0  }
0x2c8: {  	[tilespmem:s21+$0x2090] =	vst v13;
	s0 =	sshll.u32 s0, $0x5;
	v14 =	vnsel vm0, $0x0, v53;
	v42 =	vmax.f32 v60, v20;
	v13 =	vmin.f32 v60, v20  }
0x2c9: {  	s0 =	sadd.s32 $0x100, s0;
	[tilespmem:s20+$0x2200] =	vst v40;
	v20 =	vmax.f32 v63, v19;
	v19 =	vmin.f32 v63, v19;
	v44 =	vperm.xlane v42, v1  }
0x2ca: {  	s31 =	sor.u32 $0x300, s0;
	v45 =	vperm.xlane v13, v1;
	[tilespmem:s20+$0x2280] =	vst v14;
	v14 =	vmin.f32 v38, v41;
	v46 =	vperm.xlane v20, v1  }
0x2cb: {  	[tilespmem:s21+$0x2110] =	vst v15;
	v15 =	vmax.f32 v25, v17;
	v47 =	vperm.xlane v19, v1;
	v17 =	vld [tilespmem:s31+$0x0];
	v49 =	vperm.xlane v14, v1  }
0x2cc: {  	[tilespmem:s21+$0x2190] =	vst v11;
	v11 =	vmin.f32 v42, v44;
	v13 =	vmax.f32 v13, v45;
	v20 =	vmin.f32 v20, v46  }
0x2cd: {  	s30 =	sadd.s32 $0x10, s29;
	[tilespmem:s21+$0x2210] =	vst v10;
	v10 =	vmax.f32 v11, v13;
	v11 =	vmax.f32 v19, v47;
	v13 =	vmin.f32 v43, v48  }
0x2ce: {  	s16 =	sor.u32 $0x300, s30;
	[tilespmem:s21+$0x2290] =	vst v9;
	vm0 =	vge.f32 v60, v10;
	v9 =	vmax.f32 v20, v11;
	v10 =	vmax.f32 v14, v49  }
0x2cf: {  	v11 =	vld [tilespmem:s16+$0x0];
	v14 =	vnsel vm0, $0x0, v60;
	vm0 =	vge.f32 v63, v9;
	v9 =	vmax.f32 v13, v10  }
0x2d0: {  	v10 =	vperm.xlane v17, v0;
	[tilespmem:s25+$0x2000] =	vst v14;
	v13 =	vnsel vm0, $0x0, v63;
	vm0 =	vge.f32 v38, v9  }
0x2d1: {  	s12 =	sor.u32 s1, s28;
	v22 =	vmax.f32 v22, v54;
	v5 =	vnsel vm3, $0x0, v5;
	[tilespmem:s25+$0x2080] =	vst v13;
	v9 =	vnsel vm0, $0x0, v38  }
0x2d2: {  	s12 =	sor.u32 $0x180, s12;
	vm2 =	vge.f32 v7, v16;
	v12 =	vmax.f32 v17, v10;
	v10 =	vmin.f32 v17, v10;
	[tilespmem:s25+$0x2100] =	vst v9  }
0x2d3: {  	v16 =	vnsel vm1, $0x0, v6;
	v9 =	vperm.xlane v12, v1;
	v13 =	vperm.xlane v10, v1;
	v14 =	vld [tilespmem:s12+$0x0]  }
0x2d4: {  	vm5 =	vge.f32 v8, v15;
	vm0 =	vge.f32 v2, v18;
	v15 =	vperm.xlane v11, v0  }
0x2d5: {  	v18 =	vnsel vm2, $0x0, v7;
	v6 =	vmin.f32 v12, v9;
	v9 =	vmax.f32 v10, v13  }
0x2d6: {  	v10 =	vmax.f32 v11, v15;
	v12 =	vmin.f32 v11, v15;
	v7 =	vmax.f32 v6, v9  }
0x2d7: {  	v9 =	vperm.xlane v10, v1;
	v6 =	vld [tilespmem:s25+$0x10];
	v13 =	vperm.xlane v12, v1;
	vm1 =	vge.f32 v17, v7  }
0x2d8: {  	v22 =	vmax.f32 v23, v22;
	v7 =	vld [tilespmem:s25+$0x90];
	v15 =	vnsel vm1, $0x0, v17;
	v17 =	vperm.xlane v14, v0  }
0x2d9: {  	s21 =	sor.u32 s22, s23;
	vm4 =	vge.f32 v4, v22;
	v10 =	vmin.f32 v10, v9;
	v9 =	vld [tilespmem:s25+$0x110];
	v12 =	vmax.f32 v12, v13  }
0x2da: {  	s29 =	sor.u32 $0x380, s21;
	v4 =	vnsel vm4, $0x0, v4;
	[tilespmem:s31+$0x2000] =	vst v15;
	v12 =	vmax.f32 v10, v12;
	v10 =	vld [tilespmem:s25+$0x190];
	v13 =	vmax.f32 v14, v17  }
0x2db: {  	v2 =	vnsel vm0, $0x0, v2;
	v15 =	vld [tilespmem:s29+$0x0];
	v17 =	vmin.f32 v14, v17;
	v19 =	vperm.xlane v13, v1  }
0x2dc: {  	vm0 =	vge.f32 v11, v12;
	v12 =	vld [tilespmem:s25+$0x210];
	v20 =	vperm.xlane v17, v1;
	v50 =	vperm.xlane v6, v0  }
0x2dd: {  	v8 =	vnsel vm5, $0x0, v8;
	v11 =	vnsel vm0, $0x0, v11;
	v19 =	vmin.f32 v13, v19  }
0x2de: {  	v17 =	vmax.f32 v17, v20;
	v20 =	vperm.xlane v7, v0;
	v51 =	vmax.f32 v6, v50  }
0x2df: {  	v21 =	vmin.f32 v6, v50;
	v52 =	vperm.xlane v10, v0;
	v61 =	vperm.xlane v51, v1  }
0x2e0: {  	v17 =	vmax.f32 v19, v17;
	v63 =	vperm.xlane v21, v1;
	v19 =	vperm.xlane v15, v0  }
0x2e1: {  	vm0 =	vge.f32 v14, v17;
	v17 =	vperm.xlane v9, v0;
	v53 =	vperm.xlane v12, v0  }
0x2e2: {  	v13 =	vld [tilespmem:s25+$0x290];
	v57 =	vmax.f32 v7, v20;
	v20 =	vmin.f32 v7, v20;
	v14 =	vnsel vm0, $0x0, v14  }
0x2e3: {  	v60 =	vmax.f32 v10, v52;
	v23 =	vmin.f32 v10, v52;
	v22 =	vmin.f32 v51, v61  }
0x2e4: {  	[tilespmem:s20+$0x2090] =	vst v18;
	v21 =	vmax.f32 v21, v63;
	v18 =	vperm.xlane v20, v1;
	v54 =	vmax.f32 v15, v19  }
0x2e5: {  	[tilespmem:s20+$0x2190] =	vst v5;
	v19 =	vmin.f32 v15, v19;
	v59 =	vmax.f32 v9, v17;
	v5 =	vperm.xlane v60, v1  }
0x2e6: {  	[tilespmem:s12+$0x2000] =	vst v14;
	v17 =	vmin.f32 v9, v17;
	v45 =	vperm.xlane v23, v1;
	v14 =	vperm.xlane v54, v1  }
0x2e7: {  	v62 =	vmax.f32 v12, v53;
	v55 =	vperm.xlane v19, v1;
	v58 =	vperm.xlane v13, v0  }
0x2e8: {  	[tilespmem:s20+$0x2110] =	vst v2;
	v24 =	vmin.f32 v12, v53;
	v56 =	vld [tilespmem:s25+$0x200];
	v2 =	vperm.xlane v59, v1;
	v44 =	vperm.xlane v17, v1  }
0x2e9: {  	[tilespmem:s20+$0x2210] =	vst v4;
	v21 =	vmax.f32 v22, v21;
	v4 =	vperm.xlane v62, v1;
	v46 =	vperm.xlane v24, v1  }
0x2ea: {  	[tilespmem:s16+$0x2000] =	vst v11;
	v11 =	vmax.f32 v20, v18;
	v14 =	vmin.f32 v54, v14;
	v19 =	vmax.f32 v19, v55  }
0x2eb: {  	vm5 =	vge.f32 v6, v21;
	v5 =	vmin.f32 v60, v5;
	v14 =	vmax.f32 v14, v19;
	v19 =	vld [tilespmem:s25+$0x280]  }
0x2ec: {  	v40 =	vmax.f32 v13, v58;
	v29 =	vmin.f32 v13, v58;
	vm0 =	vge.f32 v15, v14  }
0x2ed: {  	v36 =	vperm.xlane v56, v0;
	v14 =	vnsel vm0, $0x0, v15;
	v15 =	vperm.xlane v57, v1  }
0x2ee: {  	s22 =	simm.s32 $0x2;
	v20 =	vmin.f32 v59, v2;
	v17 =	vmax.f32 v17, v44;
	v4 =	vmin.f32 v62, v4  }
0x2ef: {  	s23 =	sand.u32 $0x3, s22;
	s21 =	simm.s32 $0x300;
	s22 =	simm.s32 $0x60;
	v37 =	vmax.f32 v56, v36;
	v33 =	vmin.f32 v56, v36;
	v28 =	vmin.f32 v57, v15  }
0x2f0: {  	s1 =	sand.u32 $0x60, s22;
	s12 =	sand.u32 $0xC00, s21;
	v38 =	vperm.xlane v19, v0;
	v39 =	vperm.xlane v37, v1;
	v11 =	vmax.f32 v28, v11  }
0x2f1: {  	s31 =	sadd.s32 $0x10, s0;
	s0 =	sshll.u32 s23, $0x5;
	s23 =	sor.u32 s1, s12;
	v17 =	vmax.f32 v20, v17;
	v15 =	vperm.xlane v33, v1;
	vm4 =	vge.f32 v7, v11  }
0x2f2: {  	[tilespmem:s20+$0x2010] =	vst v16;
	v11 =	vld [tilespmem:s23+$0x100];
	v26 =	vmin.f32 v37, v39;
	v41 =	vmax.f32 v19, v38;
	v16 =	vmin.f32 v19, v38  }
0x2f3: {  	v15 =	vmax.f32 v33, v15;
	v42 =	vperm.xlane v41, v1;
	v43 =	vperm.xlane v16, v1  }
0x2f4: {  	[tilespmem:s20+$0x2290] =	vst v8;
	v8 =	vperm.xlane v40, v1;
	vm3 =	vge.f32 v9, v17;
	v15 =	vmax.f32 v26, v15  }
0x2f5: {  	vm0 =	vge.f32 v56, v15;
	v32 =	vmin.f32 v41, v42;
	v16 =	vmax.f32 v16, v43  }
0x2f6: {  	v17 =	vnsel vm5, $0x0, v6;
	v18 =	vnsel vm0, $0x0, v56;
	v15 =	vmax.f32 v32, v16  }
0x2f7: {  	s20 =	sor.u32 $0x380, s30;
	v16 =	vperm.xlane v29, v1;
	v49 =	vperm.xlane v11, v0;
	vm0 =	vge.f32 v19, v15  }
0x2f8: {  	s30 =	sor.u32 $0x300, s31;
	s0 =	sadd.s32 $0x200, s0;
	v2 =	vld [tilespmem:s20+$0x0];
	v8 =	vmin.f32 v40, v8;
	v9 =	vnsel vm3, $0x0, v9;
	[tilespmem:s25+$0x2200] =	vst v18;
	v18 =	vnsel vm0, $0x0, v19  }
0x2f9: {  	s16 =	sor.u32 $0x300, s0;
	v15 =	vld [tilespmem:s30+$0x0];
	v19 =	vmax.f32 v23, v45;
	v16 =	vmax.f32 v29, v16;
	v54 =	vmax.f32 v11, v49;
	[tilespmem:s25+$0x2280] =	vst v18  }
0x2fa: {  	v22 =	vmin.f32 v11, v49;
	v18 =	vmax.f32 v24, v46;
	v5 =	vmax.f32 v5, v19;
	v47 =	vld [tilespmem:s16+$0x0]  }
0x2fb: {  	v20 =	vld [tilespmem:s23+$0x0];
	v8 =	vmax.f32 v8, v16;
	v57 =	vperm.xlane v54, v1;
	v58 =	vperm.xlane v22, v1  }
0x2fc: {  	v4 =	vmax.f32 v4, v18;
	v18 =	vld [tilespmem:s23+$0x80];
	vm0 =	vge.f32 v10, v5;
	vm2 =	vge.f32 v13, v8  }
0x2fd: {  	v8 =	vperm.xlane v2, v0;
	vm1 =	vge.f32 v12, v4;
	v24 =	vmin.f32 v54, v57  }
0x2fe: {  	v22 =	vmax.f32 v22, v58;
	v10 =	vnsel vm0, $0x0, v10;
	v4 =	vperm.xlane v15, v0  }
0x2ff: {  	v13 =	vnsel vm2, $0x0, v13;
	v60 =	vmax.f32 v2, v8;
	v5 =	vperm.xlane v47, v0  }
0x300: {  	v19 =	vmax.f32 v15, v4;
	v48 =	vmin.f32 v15, v4;
	v4 =	vperm.xlane v20, v0  }
0x301: {  	v6 =	vperm.xlane v18, v0;
	v16 =	vmax.f32 v47, v5;
	v5 =	vmin.f32 v47, v5  }
0x302: {  	v52 =	vmax.f32 v20, v4;
	v50 =	vperm.xlane v16, v1;
	v51 =	vperm.xlane v5, v1  }
0x303: {  	v4 =	vmin.f32 v20, v4;
	v53 =	vmax.f32 v18, v6;
	v6 =	vmin.f32 v18, v6  }
0x304: {  	v55 =	vperm.xlane v4, v1;
	v16 =	vmin.f32 v16, v50;
	v5 =	vmax.f32 v5, v51  }
0x305: {  	v56 =	vperm.xlane v6, v1;
	v5 =	vmax.f32 v16, v5;
	v16 =	vperm.xlane v52, v1  }
0x306: {  	v59 =	vperm.xlane v19, v1;
	vm5 =	vge.f32 v47, v5;
	v5 =	vperm.xlane v53, v1  }
0x307: {  	v4 =	vmax.f32 v4, v55;
	v6 =	vmax.f32 v6, v56;
	v26 =	vmin.f32 v52, v16  }
0x308: {  	v23 =	vnsel vm5, $0x0, v47;
	v16 =	vld [tilespmem:s23+$0x10];
	v5 =	vmin.f32 v53, v5;
	v25 =	vmax.f32 v26, v4  }
0x309: {  	v4 =	vld [tilespmem:s23+$0x90];
	vm5 =	vge.f32 v20, v25;
	v6 =	vmax.f32 v5, v6;
	v25 =	vnsel vm4, $0x0, v7  }
0x30a: {  	s26 =	sor.u32 s26, s28;
	[tilespmem:s16+$0x2000] =	vst v23;
	v5 =	vld [tilespmem:s23+$0x110];
	v20 =	vnsel vm5, $0x0, v20;
	vm5 =	vge.f32 v18, v6;
	v6 =	vmax.f32 v24, v22  }
0x30b: {  	s16 =	sor.u32 $0x380, s26;
	v7 =	vld [tilespmem:s23+$0x210];
	[tilespmem:s23+$0x2000] =	vst v20;
	v18 =	vnsel vm5, $0x0, v18;
	vm5 =	vge.f32 v11, v6;
	v20 =	vperm.xlane v48, v1  }
0x30c: {  	v8 =	vmin.f32 v2, v8;
	v12 =	vnsel vm1, $0x0, v12;
	v23 =	vld [tilespmem:s16+$0x0];
	[tilespmem:s23+$0x2080] =	vst v18;
	v11 =	vnsel vm5, $0x0, v11  }
0x30d: {  	v6 =	vld [tilespmem:s23+$0x190];
	v18 =	vperm.xlane v60, v1;
	[tilespmem:s23+$0x2100] =	vst v11;
	v11 =	vmin.f32 v19, v59;
	v19 =	vmax.f32 v48, v20  }
0x30e: {  	v20 =	vperm.xlane v8, v1;
	v62 =	vperm.xlane v4, v0;
	v11 =	vmax.f32 v11, v19  }
0x30f: {  	v18 =	vmin.f32 v60, v18;
	v19 =	vperm.xlane v16, v0;
	v36 =	vperm.xlane v5, v0  }
0x310: {  	s12 =	sor.u32 s12, s22;
	v38 =	vperm.xlane v7, v0;
	vm4 =	vge.f32 v15, v11;
	v11 =	vmax.f32 v8, v20  }
0x311: {  	s12 =	sor.u32 $0x180, s12;
	v20 =	vperm.xlane v23, v0;
	v43 =	vmax.f32 v4, v62;
	v22 =	vmin.f32 v4, v62  }
0x312: {  	v61 =	vld [tilespmem:s12+$0x0];
	v63 =	vmax.f32 v16, v19;
	v37 =	vperm.xlane v6, v0;
	v19 =	vmin.f32 v16, v19  }
0x313: {  	v48 =	vmax.f32 v5, v36;
	v26 =	vmin.f32 v5, v36;
	v11 =	vmax.f32 v18, v11  }
0x314: {  	v18 =	vmax.f32 v7, v38;
	v51 =	vperm.xlane v43, v1;
	v52 =	vperm.xlane v22, v1  }
0x315: {  	v28 =	vmin.f32 v7, v38;
	v15 =	vnsel vm4, $0x0, v15;
	v50 =	vperm.xlane v19, v1  }
0x316: {  	v39 =	vmax.f32 v23, v20;
	v53 =	vperm.xlane v26, v1;
	v56 =	vperm.xlane v18, v1  }
0x317: {  	v20 =	vmin.f32 v23, v20;
	v57 =	vperm.xlane v28, v1;
	v41 =	vperm.xlane v61, v0  }
0x318: {  	v40 =	vperm.xlane v39, v1;
	v42 =	vperm.xlane v20, v1;
	v49 =	vmax.f32 v6, v37  }
0x319: {  	v8 =	vld [tilespmem:s23+$0x290];
	v27 =	vmin.f32 v6, v37;
	v44 =	vmax.f32 v61, v41;
	v31 =	vmin.f32 v61, v41  }
0x31a: {  	v22 =	vmax.f32 v22, v52;
	v45 =	vperm.xlane v44, v1;
	v47 =	vperm.xlane v31, v1  }
0x31b: {  	v54 =	vperm.xlane v49, v1;
	v29 =	vmin.f32 v39, v40;
	v20 =	vmax.f32 v20, v42  }
0x31c: {  	v20 =	vmax.f32 v29, v20;
	v30 =	vmin.f32 v44, v45;
	v29 =	vmax.f32 v31, v47  }
0x31d: {  	v29 =	vmax.f32 v30, v29;
	v30 =	vmax.f32 v19, v50;
	v19 =	vperm.xlane v48, v1  }
0x31e: {  	v26 =	vmax.f32 v26, v53;
	v46 =	vperm.xlane v8, v0;
	vm6 =	vge.f32 v61, v29  }
0x31f: {  	v21 =	vnsel vm6, $0x0, v61;
	v32 =	vmin.f32 v48, v19;
	v19 =	vperm.xlane v27, v1  }
0x320: {  	v24 =	vmin.f32 v49, v54;
	vm5 =	vge.f32 v23, v20;
	v20 =	vperm.xlane v63, v1;
	[tilespmem:s12+$0x2000] =	vst v21  }
0x321: {  	v55 =	vmax.f32 v8, v46;
	v34 =	vmin.f32 v8, v46;
	v27 =	vmax.f32 v27, v19;
	v19 =	vld [tilespmem:s23+$0x200]  }
0x322: {  	v58 =	vperm.xlane v55, v1;
	v59 =	vperm.xlane v34, v1;
	v31 =	vmin.f32 v18, v56;
	v18 =	vld [tilespmem:s23+$0x280]  }
0x323: {  	v23 =	vnsel vm5, $0x0, v23;
	v20 =	vmin.f32 v63, v20;
	v29 =	vmin.f32 v43, v51  }
0x324: {  	[tilespmem:s24+$0x2000] =	vst v3;
	v33 =	vmin.f32 v55, v58;
	v3 =	vmax.f32 v20, v30;
	v20 =	vmax.f32 v29, v22  }
0x325: {  	[tilespmem:s25+$0x2010] =	vst v17;
	vm5 =	vge.f32 v16, v3;
	v21 =	vmax.f32 v28, v57;
	v28 =	vmax.f32 v34, v59  }
0x326: {  	[tilespmem:s29+$0x2000] =	vst v14;
	v60 =	vmax.f32 v32, v26;
	vm2 =	vge.f32 v4, v20;
	v21 =	vmax.f32 v31, v21  }
0x327: {  	[tilespmem:s25+$0x2110] =	vst v9;
	v14 =	vmax.f32 v24, v27;
	v17 =	vperm.xlane v19, v0;
	v62 =	vperm.xlane v18, v0  }
0x328: {  	[tilespmem:s25+$0x2190] =	vst v10;
	v61 =	vmax.f32 v33, v28;
	vm1 =	vge.f32 v5, v60;
	vm0 =	vge.f32 v6, v14  }
0x329: {  	[tilespmem:s25+$0x2290] =	vst v13;
	v3 =	vmax.f32 v19, v17;
	v9 =	vmin.f32 v19, v17;
	v14 =	vmax.f32 v18, v62  }
0x32a: {  	s0 =	sadd.s32 $0x10, s0;
	[tilespmem:s25+$0x2210] =	vst v12;
	v20 =	vmin.f32 v18, v62;
	v10 =	vperm.xlane v3, v1;
	v17 =	vperm.xlane v9, v1  }
0x32b: {  	s26 =	sor.u32 $0x300, s0;
	[tilespmem:s25+$0x2090] =	vst v25;
	vm3 =	vge.f32 v7, v21;
	v12 =	vperm.xlane v14, v1;
	v63 =	vperm.xlane v20, v1  }
0x32c: {  	s24 =	sor.u32 $0x380, s31;
	[tilespmem:s30+$0x2000] =	vst v15;
	vm4 =	vge.f32 v8, v61;
	v10 =	vmin.f32 v3, v10;
	v9 =	vmax.f32 v9, v17;
	v3 =	vld [tilespmem:s26+$0x0]  }
0x32d: {  	s28 =	simm.s32 $0x6;
	s31 =	simm.s32 $0x80;
	s29 =	simm.s32 $0x3;
	v12 =	vmin.f32 v14, v12;
	v13 =	vmax.f32 v20, v63;
	v10 =	vmax.f32 v10, v9;
	v9 =	vld [tilespmem:s24+$0x0]  }
0x32e: {  	s1 =	sand.u32 $0x3, s29;
	s25 =	sor.u32 $0x380, s0;
	s30 =	simm.s32 $0x400;
	[tilespmem:s16+$0x2000] =	vst v23;
	v12 =	vmax.f32 v12, v13;
	vm6 =	vge.f32 v19, v10;
	v10 =	vnsel vm5, $0x0, v16  }
.LBB2_6:
0x32f: {  	s12 =	sand.u32 $0x60, s31;
	s0 =	sand.u32 $0xC00, s30;
	s1 =	sshll.u32 s1, $0x5;
	v13 =	vnsel vm6, $0x0, v19;
	vm5 =	vge.f32 v18, v12;
	[tilespmem:s23+$0x2010] =	vst v10;
	v4 =	vnsel vm2, $0x0, v4  }
0x330: {  	v5 =	vnsel vm1, $0x0, v5;
	v6 =	vnsel vm0, $0x0, v6;
	s12 =	sor.u32 s12, s0;
	[tilespmem:s23+$0x2200] =	vst v13;
	v10 =	vnsel vm5, $0x0, v18;
	s14 =	sadd.s32 s1, s21  }
0x331: {  	v7 =	vnsel vm3, $0x0, v7;
	v8 =	vnsel vm4, $0x0, v8;
	v12 =	vld [tilespmem:s12+$0x0];
	[tilespmem:s23+$0x2280] =	vst v10;
	s1 =	sor.u32 $0x300, s14;
	s14 =	sadd.s32 $0x10, s14;
	v10 =	vperm.xlane v3, v0  }
0x332: {  	vm0 =	vge.f32 v2, v11;
	v13 =	vld [tilespmem:s1+$0x0];
	[tilespmem:s23+$0x2090] =	vst v4;
	s16 =	sor.u32 $0x300, s14;
	s14 =	sor.u32 $0x380, s14;
	v4 =	vperm.xlane v9, v0  }
0x333: {  	v15 =	vnsel vm0, $0x0, v2;
	v2 =	vmovc v9;
	v14 =	vld [tilespmem:s12+$0x80];
	[tilespmem:s23+$0x2110] =	vst v5;
	v5 =	vmax.f32 v3, v10;
	v11 =	vmin.f32 v3, v10  }
0x334: {  	v16 =	vld [tilespmem:s12+$0x100];
	[tilespmem:s23+$0x2190] =	vst v6;
	v6 =	vperm.xlane v5, v1;
	v9 =	vperm.xlane v11, v1;
	v17 =	vmax.f32 v2, v4  }
0x335: {  	v18 =	vmin.f32 v2, v4;
	v10 =	vld [tilespmem:s12+$0x10];
	[tilespmem:s23+$0x2210] =	vst v7;
	v7 =	vperm.xlane v17, v1  }
0x336: {  	v19 =	vperm.xlane v18, v1;
	v4 =	vld [tilespmem:s12+$0x90];
	[tilespmem:s23+$0x2290] =	vst v8;
	v6 =	vmin.f32 v5, v6;
	v8 =	vmax.f32 v11, v9;
	s23 =	smov.u32 s12  }
0x337: {  	v5 =	vld [tilespmem:s23+$0x110];
	v9 =	vperm.xlane v13, v0;
	v8 =	vmax.f32 v6, v8;
	v11 =	vmin.f32 v17, v7;
	[tilespmem:s20+$0x2000] =	vst v15;
	s20 =	smov.u32 s24;
	s24 =	smov.u32 s25;
	s25 =	smov.u32 s14  }
0x338: {  	v15 =	vperm.xlane v12, v0;
	v17 =	vperm.xlane v14, v0;
	v6 =	vld [tilespmem:s23+$0x190];
	vm0 =	vge.f32 v3, v8  }
0x339: {  	s28 =	sadd.s32 $0x2, s28;
	v20 =	vperm.xlane v16, v0;
	v7 =	vld [tilespmem:s23+$0x210];
	v21 =	vmax.f32 v13, v9;
	v9 =	vmin.f32 v13, v9  }
0x33a: {  	p0 =	slt.u32 s28, $0x1E;
	v24 =	vnsel vm0, $0x0, v3;
	v8 =	vld [tilespmem:s23+$0x290];
	v22 =	vperm.xlane v21, v1;
	v23 =	vperm.xlane v9, v1  }
0x33b: {  	v25 =	vmax.f32 v12, v15;
	v15 =	vmin.f32 v12, v15;
	v26 =	vmax.f32 v14, v17;
	v3 =	vld [tilespmem:s16+$0x0];
	[tilespmem:s26+$0x2000] =	vst v24;
	s26 =	smov.u32 s16  }
0x33c: {  	v17 =	vmin.f32 v14, v17;
	v21 =	vmin.f32 v21, v22;
	v22 =	vmax.f32 v9, v23;
	v9 =	vld [tilespmem:s24+$0x0]  }
0x33d: {  	v23 =	vmax.f32 v16, v20;
	v20 =	vmin.f32 v16, v20;
	v21 =	vmax.f32 v21, v22  }
0x33e: {  	v24 =	vperm.xlane v15, v1;
	v22 =	vperm.xlane v25, v1;
	vm0 =	vge.f32 v13, v21  }
0x33f: {  	s12 =	sor.u32 s21, s22;
	s21 =	smov.u32 s30;
	s22 =	smov.u32 s31;
	v27 =	vperm.xlane v17, v1;
	v21 =	vperm.xlane v26, v1;
	v13 =	vnsel vm0, $0x0, v13  }
0x340: {  	v28 =	vperm.xlane v23, v1;
	v29 =	vperm.xlane v20, v1;
	[tilespmem:s1+$0x2000] =	vst v13;
	s1 =	sor.u32 $0x380, s12;
	v13 =	vmax.f32 v18, v19  }
0x341: {  	v15 =	vmax.f32 v15, v24;
	v18 =	vmin.f32 v25, v22;
	v19 =	vmin.f32 v26, v21;
	v21 =	vld [tilespmem:s1+$0x0]  }
0x342: {  	v17 =	vmax.f32 v17, v27;
	v15 =	vmax.f32 v18, v15;
	v18 =	vmin.f32 v23, v28  }
0x343: {  	vm0 =	vge.f32 v12, v15;
	v15 =	vmax.f32 v19, v17;
	v17 =	vmax.f32 v20, v29  }
0x344: {  	v12 =	vnsel vm0, $0x0, v12;
	vm0 =	vge.f32 v14, v15;
	v15 =	vmax.f32 v18, v17  }
0x345: {  	[tilespmem:s23+$0x2000] =	vst v12;
	v12 =	vnsel vm0, $0x0, v14;
	vm0 =	vge.f32 v16, v15;
	v14 =	vperm.xlane v10, v0  }
0x346: {  	s0 =	sor.u32 s0, s31;
	v15 =	vperm.xlane v4, v0;
	[tilespmem:s23+$0x2080] =	vst v12;
	v12 =	vnsel vm0, $0x0, v16;
	v16 =	vperm.xlane v21, v0  }
0x347: {  	s0 =	sor.u32 $0x180, s0;
	v17 =	vperm.xlane v5, v0;
	v18 =	vperm.xlane v6, v0;
	[tilespmem:s23+$0x2100] =	vst v12;
	v12 =	vmax.f32 v10, v14  }
0x348: {  	v20 =	vperm.xlane v7, v0;
	v19 =	vld [tilespmem:s0+$0x0];
	v22 =	vmax.f32 v21, v16;
	v16 =	vmin.f32 v21, v16  }
0x349: {  	v14 =	vmin.f32 v10, v14;
	v23 =	vperm.xlane v22, v1;
	v24 =	vperm.xlane v16, v1  }
0x34a: {  	v26 =	vperm.xlane v8, v0;
	v25 =	vmax.f32 v4, v15;
	v15 =	vmin.f32 v4, v15  }
0x34b: {  	v27 =	vmax.f32 v5, v17;
	v22 =	vmin.f32 v22, v23;
	v16 =	vmax.f32 v16, v24  }
0x34c: {  	v17 =	vmin.f32 v5, v17;
	v23 =	vmax.f32 v6, v18;
	v16 =	vmax.f32 v22, v16  }
0x34d: {  	v24 =	vmin.f32 v6, v18;
	v22 =	vperm.xlane v19, v0;
	vm0 =	vge.f32 v21, v16  }
0x34e: {  	v16 =	vmax.f32 v7, v20;
	v20 =	vmin.f32 v7, v20;
	v18 =	vnsel vm0, $0x0, v21  }
0x34f: {  	v28 =	vmax.f32 v8, v26;
	v21 =	vmax.f32 v19, v22;
	v22 =	vmin.f32 v19, v22;
	[tilespmem:s1+$0x2000] =	vst v18  }
0x350: {  	v26 =	vmin.f32 v8, v26;
	v18 =	vperm.xlane v21, v1;
	v29 =	vperm.xlane v22, v1  }
0x351: {  	v11 =	vmax.f32 v11, v13;
	v30 =	vperm.xlane v12, v1;
	v31 =	vperm.xlane v14, v1  }
0x352: {  	v13 =	vmin.f32 v21, v18;
	v18 =	vmax.f32 v22, v29;
	v21 =	vperm.xlane v25, v1  }
0x353: {  	v22 =	vperm.xlane v15, v1;
	v29 =	vperm.xlane v27, v1;
	v13 =	vmax.f32 v13, v18  }
0x354: {  	v32 =	vperm.xlane v23, v1;
	vm0 =	vge.f32 v19, v13;
	v13 =	vperm.xlane v17, v1  }
0x355: {  	v33 =	vperm.xlane v24, v1;
	v34 =	vperm.xlane v16, v1;
	v18 =	vnsel vm0, $0x0, v19  }
0x356: {  	v35 =	vperm.xlane v28, v1;
	v12 =	vmin.f32 v12, v30;
	v30 =	vperm.xlane v20, v1;
	[tilespmem:s0+$0x2000] =	vst v18  }
0x357: {  	v14 =	vmax.f32 v14, v31;
	v21 =	vmin.f32 v25, v21;
	v25 =	vperm.xlane v26, v1;
	v19 =	vld [tilespmem:s23+$0x200]  }
0x358: {  	v15 =	vmax.f32 v15, v22;
	v22 =	vmin.f32 v27, v29;
	v13 =	vmax.f32 v17, v13;
	v18 =	vld [tilespmem:s23+$0x280]  }
0x359: {  	v16 =	vmin.f32 v16, v34;
	v17 =	vmin.f32 v23, v32;
	v23 =	vmax.f32 v24, v33  }
0x35a: {  	v20 =	vmax.f32 v20, v30;
	v24 =	vmin.f32 v28, v35;
	v25 =	vmax.f32 v26, v25  }
0x35b: {  	v12 =	vmax.f32 v12, v14;
	v14 =	vmax.f32 v21, v15;
	v13 =	vmax.f32 v22, v13  }
0x35c: {  	v16 =	vmax.f32 v16, v20;
	v15 =	vmax.f32 v17, v23;
	v17 =	vmax.f32 v24, v25  }
0x35d: {  	vm5 =	vge.f32 v10, v12;
	v20 =	vperm.xlane v19, v0;
	v21 =	vperm.xlane v18, v0  }
0x35e: {  	vm2 =	vge.f32 v4, v14;
	vm1 =	vge.f32 v5, v13;
	vm0 =	vge.f32 v6, v15  }
0x35f: {  	v12 =	vmax.f32 v19, v20;
	v13 =	vmin.f32 v19, v20;
	v14 =	vmax.f32 v18, v21  }
.Ltmp2:
0x360: {  	v15 =	vperm.xlane v12, v1;
	v20 =	vperm.xlane v13, v1;
	v21 =	vmin.f32 v18, v21;
	(pc) =	sbr.rel @p0 .LBB2_6-.Ltmp2, $4  }
0x361: {  	vm3 =	vge.f32 v7, v16;
	v22 =	vperm.xlane v14, v1;
	v23 =	vperm.xlane v21, v1  }
0x362: {  	vm4 =	vge.f32 v8, v17;
	v12 =	vmin.f32 v12, v15;
	v13 =	vmax.f32 v13, v20  }
0x363: {  	s29 =	sadd.s32 $0x1, s29;
	v12 =	vmax.f32 v12, v13;
	v13 =	vmin.f32 v14, v22;
	v14 =	vmax.f32 v21, v23  }
0x364: {  	s30 =	sadd.s32 $0x100, s30;
	s31 =	sadd.s32 $0x20, s31;
	v10 =	vnsel vm5, $0x0, v10;
	s1 =	sand.u32 $0x3, s29;
	vm6 =	vge.f32 v19, v12;
	v12 =	vmax.f32 v13, v14  }
0x365: {  	s0 =	sshll.u32 s1, $0x5;
	v13 =	vnsel vm6, $0x0, v19;
	vm5 =	vge.f32 v18, v12  }
0x366: {  	[tilespmem:s23+$0x2200] =	vst v13;
	v12 =	vnsel vm5, $0x0, v18;
	s0 =	sadd.s32 s0, s21  }
0x367: {  	[tilespmem:s23+$0x2280] =	vst v12;
	s16 =	sor.u32 $0x300, s0  }
0x368: {  	v12 =	vld [tilespmem:s16+$0x0]  }
0x369: {  	[tilespmem:s23+$0x2010] =	vst v10;
	v4 =	vnsel vm2, $0x0, v4  }
0x36a: {  	v5 =	vnsel vm1, $0x0, v5;
	[tilespmem:s23+$0x2090] =	vst v4  }
0x36b: {  	v4 =	vnsel vm0, $0x0, v6;
	[tilespmem:s23+$0x2110] =	vst v5  }
0x36c: {  	v5 =	vnsel vm3, $0x0, v7;
	[tilespmem:s23+$0x2190] =	vst v4  }
0x36d: {  	v4 =	vnsel vm4, $0x0, v8;
	s0 =	sadd.s32 $0x10, s0;
	[tilespmem:s23+$0x2210] =	vst v5;
	v5 =	vperm.xlane v12, v0  }
0x36e: {  	s12 =	sor.u32 $0x300, s0;
	[tilespmem:s23+$0x2290] =	vst v4  }
0x36f: {  	v6 =	vld [tilespmem:s12+$0x0];
	v4 =	vmax.f32 v12, v5;
	v5 =	vmin.f32 v12, v5  }
0x370: {  	v7 =	vperm.xlane v4, v1;
	v8 =	vperm.xlane v5, v1  }
0x371: {  	v10 =	vperm.xlane v3, v0  }
0x372: {  	v4 =	vmin.f32 v4, v7;
	v5 =	vmax.f32 v5, v8  }
0x373: {  	v7 =	vmax.f32 v3, v10;
	v8 =	vmin.f32 v3, v10;
	v4 =	vmax.f32 v4, v5  }
0x374: {  	v5 =	vperm.xlane v7, v1;
	vm0 =	vge.f32 v12, v4;
	v4 =	vperm.xlane v6, v0  }
0x375: {  	s14 =	sor.u32 s21, s22;
	v10 =	vperm.xlane v8, v1;
	v12 =	vnsel vm0, $0x0, v12  }
0x376: {  	s23 =	sor.u32 $0x380, s14;
	v5 =	vmin.f32 v7, v5;
	[tilespmem:s16+$0x2000] =	vst v12;
	v7 =	vmax.f32 v6, v4;
	v4 =	vmin.f32 v6, v4  }
0x377: {  	v8 =	vmax.f32 v8, v10;
	v10 =	vld [tilespmem:s23+$0x0];
	v12 =	vperm.xlane v7, v1;
	v13 =	vperm.xlane v4, v1  }
0x378: {  	v5 =	vmax.f32 v5, v8  }
0x379: {  	vm0 =	vge.f32 v3, v5;
	v5 =	vmin.f32 v7, v12;
	v4 =	vmax.f32 v4, v13  }
0x37a: {  	v3 =	vnsel vm0, $0x0, v3;
	v4 =	vmax.f32 v5, v4  }
0x37b: {  	[tilespmem:s26+$0x2000] =	vst v3;
	vm0 =	vge.f32 v6, v4  }
0x37c: {  	v3 =	vperm.xlane v9, v0;
	v4 =	vld [tilespmem:s25+$0x0];
	v5 =	vperm.xlane v10, v0;
	v6 =	vnsel vm0, $0x0, v6  }
0x37d: {  	s0 =	sor.u32 $0x380, s0;
	vm0 =	vge.f32 v2, v11;
	[tilespmem:s12+$0x2000] =	vst v6  }
0x37e: {  	v6 =	vmax.f32 v9, v3;
	v7 =	vmax.f32 v10, v5;
	v5 =	vmin.f32 v10, v5;
	v8 =	vld [tilespmem:s0+$0x0]  }
0x37f: {  	v3 =	vmin.f32 v9, v3;
	v11 =	vperm.xlane v7, v1;
	v12 =	vperm.xlane v5, v1  }
0x380: {  	v2 =	vnsel vm0, $0x0, v2;
	v13 =	vperm.xlane v6, v1;
	v14 =	vperm.xlane v3, v1  }
0x381: {  	v7 =	vmin.f32 v7, v11;
	v5 =	vmax.f32 v5, v12;
	v11 =	vperm.xlane v4, v0  }
0x382: {  	v6 =	vmin.f32 v6, v13;
	v3 =	vmax.f32 v3, v14;
	v5 =	vmax.f32 v7, v5  }
0x383: {  	vm0 =	vge.f32 v10, v5;
	v5 =	vmax.f32 v4, v11;
	v7 =	vperm.xlane v8, v0  }
0x384: {  	v3 =	vmax.f32 v6, v3;
	v11 =	vmin.f32 v4, v11;
	v12 =	vperm.xlane v5, v1  }
0x385: {  	v13 =	vperm.xlane v11, v1;
	v14 =	vmax.f32 v8, v7;
	v7 =	vmin.f32 v8, v7  }
0x386: {  	v10 =	vnsel vm0, $0x0, v10;
	v6 =	vperm.xlane v14, v1;
	v15 =	vperm.xlane v7, v1  }
0x387: {  	vm0 =	vge.f32 v9, v3;
	v3 =	vmin.f32 v5, v12;
	v5 =	vmax.f32 v11, v13  }
0x388: {  	[tilespmem:s20+$0x2000] =	vst v2;
	v2 =	vmax.f32 v3, v5;
	v3 =	vmin.f32 v14, v6;
	v5 =	vmax.f32 v7, v15  }
0x389: {  	[tilespmem:s23+$0x2000] =	vst v10;
	v6 =	vnsel vm0, $0x0, v9;
	vm0 =	vge.f32 v4, v2;
	v2 =	vmax.f32 v3, v5  }
0x38a: {  	[tilespmem:s24+$0x2000] =	vst v6;
	v3 =	vnsel vm0, $0x0, v4;
	vm0 =	vge.f32 v8, v2  }
0x38b: {  	[tilespmem:s25+$0x2000] =	vst v3;
	v2 =	vnsel vm0, $0x0, v8  }
0x38c: {  	s14 =	simm.s32 $0x2000;
	[tilespmem:s0+$0x2000] =	vst v2;
	s0 =	simm.s32 $0x0  }
0x38d: {  	[hbm4b:s9+s0] =	stream.linear.scatter [tilespmem:s14], [sflag:$0x3], $0x1000, $0x38;
	[tilespmem:$0x4000] =	vst v63  }
0x38e: {  	_ =	swait.ge [sflag:s15], $0x1000  }
0x38f: {  	[sflag:s15] =	ssyncset.done $0x0  }
0x390: {  	[sflag:s15] =	ssyncadd.s32 $0xFFFFF000  }
0x391: {  	_ =	swait.ge [sflag:s18], $0x1000  }
0x392: {  	s16 =	sand.u32 $0x60, s0;
	s20 =	sand.u32 $0xC00, s0;
	[sflag:s18] =	ssyncset.done $0x0  }
0x393: {  	s21 =	sor.u32 s16, s20;
	[sflag:s18] =	ssyncadd.s32 $0xFFFFF000  }
0x394: {  	v2 =	vld [tilespmem:s21+$0x1000]  }
0x395: {  	v3 =	vld [tilespmem:s21+$0x1080]  }
0x396: {  	v4 =	vld [tilespmem:s21+$0x1100];
	_ =	sdelay $0x2  }
0x397: {  	v5 =	vperm.xlane v2, v0  }
0x398: {  	v6 =	vperm.xlane v3, v0  }
0x399: {  	v7 =	vperm.xlane v4, v0;
	v8 =	vmax.f32 v2, v5  }
0x39a: {  	v5 =	vmin.f32 v2, v5;
	v9 =	vmax.f32 v3, v6;
	v6 =	vmin.f32 v3, v6  }
0x39b: {  	v10 =	vmax.f32 v4, v7;
	v11 =	vperm.xlane v8, v1;
	v12 =	vperm.xlane v5, v1  }
0x39c: {  	v7 =	vmin.f32 v4, v7;
	v13 =	vperm.xlane v9, v1;
	v14 =	vperm.xlane v6, v1  }
0x39d: {  	v15 =	vperm.xlane v10, v1;
	v16 =	vperm.xlane v7, v1  }
0x39e: {  	v8 =	vmin.f32 v8, v11;
	v5 =	vmax.f32 v5, v12;
	v9 =	vmin.f32 v9, v13  }
0x39f: {  	v6 =	vmax.f32 v6, v14;
	v5 =	vmax.f32 v8, v5;
	v8 =	vmin.f32 v10, v15  }
0x3a0: {  	vm0 =	vge.f32 v2, v5;
	v5 =	vmax.f32 v9, v6;
	v6 =	vmax.f32 v7, v16  }
0x3a1: {  	v2 =	vnsel vm0, $0x0, v2;
	vm0 =	vge.f32 v3, v5;
	v5 =	vmax.f32 v8, v6  }
0x3a2: {  	[tilespmem:s21+$0x3000] =	vst v2;
	v2 =	vnsel vm0, $0x0, v3;
	vm0 =	vge.f32 v4, v5  }
0x3a3: {  	s22 =	sor.u32 s20, s0;
	[tilespmem:s21+$0x3080] =	vst v2;
	v2 =	vnsel vm0, $0x0, v4  }
0x3a4: {  	s1 =	sor.u32 $0x1180, s22;
	[tilespmem:s21+$0x3100] =	vst v2  }
0x3a5: {  	v2 =	vld [tilespmem:s1+$0x0];
	_ =	sdelay $0x3  }
0x3a6: {  	v12 =	vld [tilespmem:s21+$0x1190]  }
0x3a7: {  	v10 =	vld [tilespmem:s21+$0x1210];
	v3 =	vperm.xlane v2, v0;
	_ =	sdelay $0x1  }
0x3a8: {  	v4 =	vmax.f32 v2, v3;
	v3 =	vmin.f32 v2, v3  }
0x3a9: {  	v5 =	vperm.xlane v4, v1;
	v6 =	vperm.xlane v3, v1  }
0x3aa: {  	v11 =	vld [tilespmem:s21+$0x1110];
	v13 =	vperm.xlane v12, v0  }
0x3ab: {  	v9 =	vld [tilespmem:s21+$0x1010];
	v14 =	vperm.xlane v10, v0;
	v4 =	vmin.f32 v4, v5;
	v3 =	vmax.f32 v3, v6  }
0x3ac: {  	v19 =	vmax.f32 v12, v13;
	v4 =	vmax.f32 v4, v3  }
0x3ad: {  	v8 =	vld [tilespmem:s21+$0x1090];
	v13 =	vmin.f32 v12, v13;
	v22 =	vmax.f32 v10, v14;
	vm0 =	vge.f32 v2, v4  }
0x3ae: {  	v44 =	vperm.xlane v19, v1;
	v46 =	vperm.xlane v13, v1;
	v2 =	vnsel vm0, $0x0, v2  }
0x3af: {  	v14 =	vmin.f32 v10, v14;
	v48 =	vperm.xlane v22, v1;
	v6 =	vperm.xlane v11, v0;
	v3 =	vld [tilespmem:s21+$0x1290];
	[tilespmem:s1+$0x2000] =	vst v2  }
0x3b0: {  	v19 =	vmin.f32 v19, v44;
	v13 =	vmax.f32 v13, v46;
	v4 =	vperm.xlane v9, v0;
	v7 =	vld [tilespmem:s21+$0x1200]  }
0x3b1: {  	v22 =	vmin.f32 v22, v48;
	v18 =	vmax.f32 v11, v6;
	v6 =	vmin.f32 v11, v6;
	v15 =	vld [tilespmem:s21+$0x1280]  }
0x3b2: {  	v28 =	vperm.xlane v18, v1;
	v2 =	vperm.xlane v8, v0;
	v5 =	vmax.f32 v9, v4  }
0x3b3: {  	v29 =	vperm.xlane v6, v1;
	v4 =	vmin.f32 v9, v4;
	v20 =	vperm.xlane v5, v1  }
0x3b4: {  	v21 =	vperm.xlane v4, v1;
	v18 =	vmin.f32 v18, v28;
	v16 =	vmax.f32 v8, v2  }
0x3b5: {  	v6 =	vmax.f32 v6, v29;
	v17 =	vperm.xlane v3, v0;
	v23 =	vperm.xlane v16, v1  }
0x3b6: {  	v2 =	vmin.f32 v8, v2;
	v25 =	vperm.xlane v7, v0;
	v26 =	vperm.xlane v15, v0  }
0x3b7: {  	v24 =	vperm.xlane v2, v1;
	v5 =	vmin.f32 v5, v20;
	v20 =	vperm.xlane v14, v1  }
0x3b8: {  	s23 =	sand.u32 $0x3, s0;
	v30 =	vmax.f32 v7, v25;
	v25 =	vmin.f32 v7, v25;
	v31 =	vmax.f32 v15, v26  }
0x3b9: {  	s22 =	simm.s32 $0x100;
	s1 =	sshll.u32 s23, $0x5;
	s23 =	simm.s32 $0x20;
	v26 =	vmin.f32 v15, v26;
	v32 =	vperm.xlane v30, v1;
	v33 =	vperm.xlane v25, v1  }
0x3ba: {  	s25 =	sand.u32 $0xC00, s22;
	s24 =	sand.u32 $0x60, s23;
	v4 =	vmax.f32 v4, v21;
	v34 =	vperm.xlane v31, v1;
	v35 =	vperm.xlane v26, v1  }
0x3bb: {  	s20 =	sor.u32 s24, s25;
	v14 =	vmax.f32 v14, v20;
	v30 =	vmin.f32 v30, v32;
	v25 =	vmax.f32 v25, v33  }
0x3bc: {  	v20 =	vld [tilespmem:s20+$0x1080];
	v45 =	vmin.f32 v31, v34;
	v26 =	vmax.f32 v26, v35;
	v25 =	vmax.f32 v30, v25  }
0x3bd: {  	v27 =	vmax.f32 v3, v17;
	v47 =	vmax.f32 v45, v26;
	vm0 =	vge.f32 v7, v25  }
0x3be: {  	v17 =	vmin.f32 v3, v17;
	v7 =	vnsel vm0, $0x0, v7;
	vm0 =	vge.f32 v15, v47  }
0x3bf: {  	s29 =	sadd.s32 $0x0, s1;
	v50 =	vld [tilespmem:s20+$0x1000];
	v4 =	vmax.f32 v5, v4;
	v5 =	vmax.f32 v18, v6;
	[tilespmem:s21+$0x3200] =	vst v7;
	v7 =	vnsel vm0, $0x0, v15  }
0x3c0: {  	s26 =	sor.u32 $0x1300, s29;
	v6 =	vmax.f32 v19, v13;
	v16 =	vmin.f32 v16, v23;
	v2 =	vmax.f32 v2, v24;
	[tilespmem:s21+$0x3280] =	vst v7  }
0x3c1: {  	vm3 =	vge.f32 v9, v4;
	vm1 =	vge.f32 v11, v5;
	v5 =	vperm.xlane v20, v0;
	v49 =	vld [tilespmem:s26+$0x0]  }
0x3c2: {  	vm2 =	vge.f32 v12, v6;
	v2 =	vmax.f32 v16, v2;
	v13 =	vmax.f32 v22, v14  }
0x3c3: {  	vm5 =	vge.f32 v10, v13;
	v19 =	vmax.f32 v20, v5;
	v5 =	vmin.f32 v20, v5  }
0x3c4: {  	v15 =	vperm.xlane v27, v1;
	vm0 =	vge.f32 v8, v2;
	v2 =	vperm.xlane v50, v0  }
0x3c5: {  	v16 =	vld [tilespmem:s20+$0x1100];
	v10 =	vnsel vm5, $0x0, v10;
	v53 =	vperm.xlane v5, v1;
	v7 =	vperm.xlane v17, v1  }
0x3c6: {  	v15 =	vmin.f32 v27, v15;
	v18 =	vmax.f32 v50, v2;
	v4 =	vperm.xlane v49, v0  }
0x3c7: {  	v2 =	vmin.f32 v50, v2;
	v7 =	vmax.f32 v17, v7;
	v51 =	vperm.xlane v18, v1  }
0x3c8: {  	v52 =	vperm.xlane v2, v1;
	v6 =	vmax.f32 v49, v4;
	v4 =	vmin.f32 v49, v4  }
0x3c9: {  	v14 =	vmax.f32 v15, v7;
	v15 =	vperm.xlane v6, v1;
	v17 =	vperm.xlane v4, v1  }
0x3ca: {  	v7 =	vperm.xlane v16, v0;
	v18 =	vmin.f32 v18, v51;
	v56 =	vmax.f32 v2, v52  }
0x3cb: {  	vm6 =	vge.f32 v3, v14;
	v6 =	vmin.f32 v6, v15;
	v4 =	vmax.f32 v4, v17  }
0x3cc: {  	v15 =	vmax.f32 v16, v7;
	v17 =	vmin.f32 v16, v7;
	v4 =	vmax.f32 v6, v4  }
0x3cd: {  	v54 =	vperm.xlane v15, v1;
	vm4 =	vge.f32 v49, v4;
	v4 =	vperm.xlane v19, v1  }
0x3ce: {  	v2 =	vld [tilespmem:s20+$0x1110];
	v18 =	vmax.f32 v18, v56;
	v55 =	vperm.xlane v17, v1;
	v21 =	vnsel vm4, $0x0, v49  }
0x3cf: {  	v6 =	vld [tilespmem:s20+$0x1010];
	v15 =	vmin.f32 v15, v54;
	v4 =	vmin.f32 v19, v4;
	v19 =	vmax.f32 v5, v53  }
0x3d0: {  	s0 =	sor.u32 s0, s0;
	v7 =	vld [tilespmem:s20+$0x1090];
	vm4 =	vge.f32 v50, v18;
	v17 =	vmax.f32 v17, v55;
	v4 =	vmax.f32 v4, v19  }
0x3d1: {  	s24 =	sor.u32 $0x1380, s0;
	v5 =	vld [tilespmem:s20+$0x1190];
	[tilespmem:s26+$0x2000] =	vst v21;
	v15 =	vmax.f32 v15, v17;
	v19 =	vnsel vm4, $0x0, v50;
	vm4 =	vge.f32 v20, v4  }
0x3d2: {  	v14 =	vnsel vm3, $0x0, v9;
	v18 =	vld [tilespmem:s24+$0x0];
	[tilespmem:s20+$0x3000] =	vst v19;
	v13 =	vnsel vm4, $0x0, v20;
	vm4 =	vge.f32 v16, v15  }
0x3d3: {  	s16 =	sor.u32 s25, s23;
	v19 =	vperm.xlane v2, v0;
	v15 =	vnsel vm1, $0x0, v11;
	[tilespmem:s20+$0x3080] =	vst v13;
	v9 =	vnsel vm4, $0x0, v16  }
0x3d4: {  	s0 =	sor.u32 $0x1180, s16;
	v11 =	vnsel vm2, $0x0, v12;
	v12 =	vperm.xlane v6, v0;
	v13 =	vnsel vm0, $0x0, v8;
	[tilespmem:s20+$0x3100] =	vst v9  }
0x3d5: {  	v16 =	vperm.xlane v7, v0;
	v36 =	vmax.f32 v2, v19;
	v19 =	vmin.f32 v2, v19;
	v17 =	vld [tilespmem:s0+$0x0]  }
0x3d6: {  	v4 =	vld [tilespmem:s20+$0x1210];
	v9 =	vnsel vm6, $0x0, v3;
	v20 =	vmax.f32 v6, v12;
	v57 =	vperm.xlane v5, v0  }
0x3d7: {  	v12 =	vmin.f32 v6, v12;
	v47 =	vperm.xlane v36, v1;
	v3 =	vperm.xlane v18, v0  }
0x3d8: {  	v48 =	vperm.xlane v19, v1;
	v62 =	vmax.f32 v7, v16;
	v16 =	vmin.f32 v7, v16  }
0x3d9: {  	v43 =	vperm.xlane v20, v1;
	v44 =	vperm.xlane v12, v1;
	v59 =	vmax.f32 v18, v3  }
0x3da: {  	v3 =	vmin.f32 v18, v3;
	v60 =	vperm.xlane v59, v1;
	v35 =	vperm.xlane v17, v0  }
0x3db: {  	v58 =	vperm.xlane v4, v0;
	v40 =	vmax.f32 v5, v57;
	v61 =	vperm.xlane v3, v1  }
0x3dc: {  	v23 =	vmin.f32 v59, v60;
	v37 =	vmax.f32 v17, v35;
	v38 =	vmin.f32 v17, v35  }
0x3dd: {  	v3 =	vmax.f32 v3, v61;
	v39 =	vperm.xlane v37, v1;
	v28 =	vperm.xlane v38, v1  }
0x3de: {  	v8 =	vld [tilespmem:s20+$0x1290];
	v21 =	vmin.f32 v5, v57;
	v45 =	vperm.xlane v16, v1;
	v3 =	vmax.f32 v23, v3  }
0x3df: {  	vm0 =	vge.f32 v18, v3;
	v23 =	vmin.f32 v37, v39;
	v42 =	vmax.f32 v38, v28  }
0x3e0: {  	v29 =	vmin.f32 v36, v47;
	v3 =	vnsel vm0, $0x0, v18;
	v18 =	vmax.f32 v23, v42  }
0x3e1: {  	v19 =	vmax.f32 v19, v48;
	v49 =	vperm.xlane v40, v1;
	vm0 =	vge.f32 v17, v18  }
0x3e2: {  	v50 =	vperm.xlane v21, v1;
	v20 =	vmin.f32 v20, v43;
	v17 =	vnsel vm0, $0x0, v17  }
0x3e3: {  	s28 =	simm.s32 $0x40;
	s26 =	simm.s32 $0x200;
	v12 =	vmax.f32 v12, v44;
	v63 =	vperm.xlane v8, v0;
	v41 =	vmax.f32 v4, v58;
	[tilespmem:s0+$0x2000] =	vst v17  }
0x3e4: {  	s25 =	sand.u32 $0x60, s28;
	s1 =	sand.u32 $0xC00, s26;
	v22 =	vmin.f32 v4, v58;
	v16 =	vmax.f32 v16, v45;
	v12 =	vmax.f32 v20, v12;
	v51 =	vld [tilespmem:s20+$0x1200]  }
0x3e5: {  	s25 =	sor.u32 s25, s1;
	v52 =	vperm.xlane v41, v1;
	v54 =	vperm.xlane v22, v1;
	v46 =	vmax.f32 v8, v63;
	v53 =	vld [tilespmem:s20+$0x1280]  }
0x3e6: {  	v27 =	vmin.f32 v40, v49;
	v21 =	vmax.f32 v21, v50;
	v55 =	vperm.xlane v46, v1;
	v38 =	vld [tilespmem:s25+$0x1100]  }
0x3e7: {  	vm1 =	vge.f32 v6, v12;
	v21 =	vmax.f32 v27, v21;
	v18 =	vperm.xlane v62, v1  }
0x3e8: {  	vm3 =	vge.f32 v5, v21;
	v25 =	vmin.f32 v46, v55;
	v17 =	vmin.f32 v8, v63  }
0x3e9: {  	v23 =	vmin.f32 v41, v52;
	v18 =	vmin.f32 v62, v18;
	v56 =	vperm.xlane v17, v1  }
0x3ea: {  	v16 =	vmax.f32 v18, v16;
	v57 =	vperm.xlane v51, v0;
	v58 =	vperm.xlane v53, v0  }
0x3eb: {  	v18 =	vmax.f32 v29, v19;
	v41 =	vperm.xlane v38, v0;
	v17 =	vmax.f32 v17, v56  }
0x3ec: {  	v60 =	vld [tilespmem:s25+$0x1000];
	v19 =	vmax.f32 v51, v57;
	v20 =	vmin.f32 v51, v57;
	v59 =	vmax.f32 v53, v58  }
0x3ed: {  	v63 =	vld [tilespmem:s25+$0x1080];
	v28 =	vmin.f32 v53, v58;
	v61 =	vperm.xlane v19, v1;
	v62 =	vperm.xlane v20, v1  }
0x3ee: {  	v43 =	vmax.f32 v38, v41;
	v36 =	vperm.xlane v59, v1;
	v37 =	vperm.xlane v28, v1  }
0x3ef: {  	v48 =	vperm.xlane v43, v1;
	v19 =	vmin.f32 v19, v61;
	v20 =	vmax.f32 v20, v62  }
0x3f0: {  	v39 =	vmax.f32 v28, v37;
	v19 =	vmax.f32 v19, v20;
	v20 =	vmin.f32 v59, v36  }
0x3f1: {  	s14 =	simm.s32 $0x1;
	vm0 =	vge.f32 v51, v19;
	v19 =	vmax.f32 v20, v39;
	v20 =	vperm.xlane v60, v0  }
0x3f2: {  	[tilespmem:s21+$0x3010] =	vst v14;
	s0 =	sand.u32 $0x3, s14;
	v40 =	vnsel vm0, $0x0, v51;
	vm0 =	vge.f32 v53, v19;
	v19 =	vperm.xlane v63, v0  }
0x3f3: {  	[tilespmem:s21+$0x3090] =	vst v13;
	s0 =	sshll.u32 s0, $0x5;
	v14 =	vnsel vm0, $0x0, v53;
	v42 =	vmax.f32 v60, v20;
	v13 =	vmin.f32 v60, v20  }
0x3f4: {  	s0 =	sadd.s32 $0x100, s0;
	[tilespmem:s20+$0x3200] =	vst v40;
	v20 =	vmax.f32 v63, v19;
	v19 =	vmin.f32 v63, v19;
	v44 =	vperm.xlane v42, v1  }
0x3f5: {  	s31 =	sor.u32 $0x1300, s0;
	v45 =	vperm.xlane v13, v1;
	[tilespmem:s20+$0x3280] =	vst v14;
	v14 =	vmin.f32 v38, v41;
	v46 =	vperm.xlane v20, v1  }
0x3f6: {  	[tilespmem:s21+$0x3110] =	vst v15;
	v15 =	vmax.f32 v25, v17;
	v47 =	vperm.xlane v19, v1;
	v17 =	vld [tilespmem:s31+$0x0];
	v49 =	vperm.xlane v14, v1  }
0x3f7: {  	[tilespmem:s21+$0x3190] =	vst v11;
	v11 =	vmin.f32 v42, v44;
	v13 =	vmax.f32 v13, v45;
	v20 =	vmin.f32 v20, v46  }
0x3f8: {  	s30 =	sadd.s32 $0x10, s29;
	[tilespmem:s21+$0x3210] =	vst v10;
	v10 =	vmax.f32 v11, v13;
	v11 =	vmax.f32 v19, v47;
	v13 =	vmin.f32 v43, v48  }
0x3f9: {  	s16 =	sor.u32 $0x1300, s30;
	[tilespmem:s21+$0x3290] =	vst v9;
	vm0 =	vge.f32 v60, v10;
	v9 =	vmax.f32 v20, v11;
	v10 =	vmax.f32 v14, v49  }
0x3fa: {  	v11 =	vld [tilespmem:s16+$0x0];
	v14 =	vnsel vm0, $0x0, v60;
	vm0 =	vge.f32 v63, v9;
	v9 =	vmax.f32 v13, v10  }
0x3fb: {  	v10 =	vperm.xlane v17, v0;
	[tilespmem:s25+$0x3000] =	vst v14;
	v13 =	vnsel vm0, $0x0, v63;
	vm0 =	vge.f32 v38, v9  }
0x3fc: {  	s12 =	sor.u32 s1, s28;
	v22 =	vmax.f32 v22, v54;
	v5 =	vnsel vm3, $0x0, v5;
	[tilespmem:s25+$0x3080] =	vst v13;
	v9 =	vnsel vm0, $0x0, v38  }
0x3fd: {  	s12 =	sor.u32 $0x1180, s12;
	vm2 =	vge.f32 v7, v16;
	v12 =	vmax.f32 v17, v10;
	v10 =	vmin.f32 v17, v10;
	[tilespmem:s25+$0x3100] =	vst v9  }
0x3fe: {  	v16 =	vnsel vm1, $0x0, v6;
	v9 =	vperm.xlane v12, v1;
	v13 =	vperm.xlane v10, v1;
	v14 =	vld [tilespmem:s12+$0x0]  }
0x3ff: {  	vm5 =	vge.f32 v8, v15;
	vm0 =	vge.f32 v2, v18;
	v15 =	vperm.xlane v11, v0  }
0x400: {  	v18 =	vnsel vm2, $0x0, v7;
	v6 =	vmin.f32 v12, v9;
	v9 =	vmax.f32 v10, v13  }
0x401: {  	v10 =	vmax.f32 v11, v15;
	v12 =	vmin.f32 v11, v15;
	v7 =	vmax.f32 v6, v9  }
0x402: {  	v9 =	vperm.xlane v10, v1;
	v6 =	vld [tilespmem:s25+$0x1010];
	v13 =	vperm.xlane v12, v1;
	vm1 =	vge.f32 v17, v7  }
0x403: {  	v22 =	vmax.f32 v23, v22;
	v7 =	vld [tilespmem:s25+$0x1090];
	v15 =	vnsel vm1, $0x0, v17;
	v17 =	vperm.xlane v14, v0  }
0x404: {  	s21 =	sor.u32 s22, s23;
	vm4 =	vge.f32 v4, v22;
	v10 =	vmin.f32 v10, v9;
	v9 =	vld [tilespmem:s25+$0x1110];
	v12 =	vmax.f32 v12, v13  }
0x405: {  	s29 =	sor.u32 $0x1380, s21;
	v4 =	vnsel vm4, $0x0, v4;
	[tilespmem:s31+$0x2000] =	vst v15;
	v12 =	vmax.f32 v10, v12;
	v10 =	vld [tilespmem:s25+$0x1190];
	v13 =	vmax.f32 v14, v17  }
0x406: {  	v2 =	vnsel vm0, $0x0, v2;
	v15 =	vld [tilespmem:s29+$0x0];
	v17 =	vmin.f32 v14, v17;
	v19 =	vperm.xlane v13, v1  }
0x407: {  	vm0 =	vge.f32 v11, v12;
	v12 =	vld [tilespmem:s25+$0x1210];
	v20 =	vperm.xlane v17, v1;
	v50 =	vperm.xlane v6, v0  }
0x408: {  	v8 =	vnsel vm5, $0x0, v8;
	v11 =	vnsel vm0, $0x0, v11;
	v19 =	vmin.f32 v13, v19  }
0x409: {  	v17 =	vmax.f32 v17, v20;
	v20 =	vperm.xlane v7, v0;
	v51 =	vmax.f32 v6, v50  }
0x40a: {  	v21 =	vmin.f32 v6, v50;
	v52 =	vperm.xlane v10, v0;
	v61 =	vperm.xlane v51, v1  }
0x40b: {  	v17 =	vmax.f32 v19, v17;
	v63 =	vperm.xlane v21, v1;
	v19 =	vperm.xlane v15, v0  }
0x40c: {  	vm0 =	vge.f32 v14, v17;
	v17 =	vperm.xlane v9, v0;
	v53 =	vperm.xlane v12, v0  }
0x40d: {  	v13 =	vld [tilespmem:s25+$0x1290];
	v57 =	vmax.f32 v7, v20;
	v20 =	vmin.f32 v7, v20;
	v14 =	vnsel vm0, $0x0, v14  }
0x40e: {  	v60 =	vmax.f32 v10, v52;
	v23 =	vmin.f32 v10, v52;
	v22 =	vmin.f32 v51, v61  }
0x40f: {  	[tilespmem:s20+$0x3090] =	vst v18;
	v21 =	vmax.f32 v21, v63;
	v18 =	vperm.xlane v20, v1;
	v54 =	vmax.f32 v15, v19  }
0x410: {  	[tilespmem:s20+$0x3190] =	vst v5;
	v19 =	vmin.f32 v15, v19;
	v59 =	vmax.f32 v9, v17;
	v5 =	vperm.xlane v60, v1  }
0x411: {  	[tilespmem:s12+$0x2000] =	vst v14;
	v17 =	vmin.f32 v9, v17;
	v45 =	vperm.xlane v23, v1;
	v14 =	vperm.xlane v54, v1  }
0x412: {  	v62 =	vmax.f32 v12, v53;
	v55 =	vperm.xlane v19, v1;
	v58 =	vperm.xlane v13, v0  }
0x413: {  	[tilespmem:s20+$0x3110] =	vst v2;
	v24 =	vmin.f32 v12, v53;
	v56 =	vld [tilespmem:s25+$0x1200];
	v2 =	vperm.xlane v59, v1;
	v44 =	vperm.xlane v17, v1  }
0x414: {  	[tilespmem:s20+$0x3210] =	vst v4;
	v21 =	vmax.f32 v22, v21;
	v4 =	vperm.xlane v62, v1;
	v46 =	vperm.xlane v24, v1  }
0x415: {  	[tilespmem:s16+$0x2000] =	vst v11;
	v11 =	vmax.f32 v20, v18;
	v14 =	vmin.f32 v54, v14;
	v19 =	vmax.f32 v19, v55  }
0x416: {  	vm5 =	vge.f32 v6, v21;
	v5 =	vmin.f32 v60, v5;
	v14 =	vmax.f32 v14, v19;
	v19 =	vld [tilespmem:s25+$0x1280]  }
0x417: {  	v40 =	vmax.f32 v13, v58;
	v29 =	vmin.f32 v13, v58;
	vm0 =	vge.f32 v15, v14  }
0x418: {  	v36 =	vperm.xlane v56, v0;
	v14 =	vnsel vm0, $0x0, v15;
	v15 =	vperm.xlane v57, v1  }
0x419: {  	s22 =	simm.s32 $0x2;
	v20 =	vmin.f32 v59, v2;
	v17 =	vmax.f32 v17, v44;
	v4 =	vmin.f32 v62, v4  }
0x41a: {  	s23 =	sand.u32 $0x3, s22;
	s21 =	simm.s32 $0x300;
	s22 =	simm.s32 $0x60;
	v37 =	vmax.f32 v56, v36;
	v33 =	vmin.f32 v56, v36;
	v28 =	vmin.f32 v57, v15  }
0x41b: {  	s1 =	sand.u32 $0x60, s22;
	s12 =	sand.u32 $0xC00, s21;
	v38 =	vperm.xlane v19, v0;
	v39 =	vperm.xlane v37, v1;
	v11 =	vmax.f32 v28, v11  }
0x41c: {  	s31 =	sadd.s32 $0x10, s0;
	s0 =	sshll.u32 s23, $0x5;
	s23 =	sor.u32 s1, s12;
	v17 =	vmax.f32 v20, v17;
	v15 =	vperm.xlane v33, v1;
	vm4 =	vge.f32 v7, v11  }
0x41d: {  	[tilespmem:s20+$0x3010] =	vst v16;
	v11 =	vld [tilespmem:s23+$0x1100];
	v26 =	vmin.f32 v37, v39;
	v41 =	vmax.f32 v19, v38;
	v16 =	vmin.f32 v19, v38  }
0x41e: {  	v15 =	vmax.f32 v33, v15;
	v42 =	vperm.xlane v41, v1;
	v43 =	vperm.xlane v16, v1  }
0x41f: {  	[tilespmem:s20+$0x3290] =	vst v8;
	v8 =	vperm.xlane v40, v1;
	vm3 =	vge.f32 v9, v17;
	v15 =	vmax.f32 v26, v15  }
0x420: {  	vm0 =	vge.f32 v56, v15;
	v32 =	vmin.f32 v41, v42;
	v16 =	vmax.f32 v16, v43  }
0x421: {  	v17 =	vnsel vm5, $0x0, v6;
	v18 =	vnsel vm0, $0x0, v56;
	v15 =	vmax.f32 v32, v16  }
0x422: {  	s20 =	sor.u32 $0x1380, s30;
	v16 =	vperm.xlane v29, v1;
	v49 =	vperm.xlane v11, v0;
	vm0 =	vge.f32 v19, v15  }
0x423: {  	s30 =	sor.u32 $0x1300, s31;
	s0 =	sadd.s32 $0x200, s0;
	v2 =	vld [tilespmem:s20+$0x0];
	v8 =	vmin.f32 v40, v8;
	v9 =	vnsel vm3, $0x0, v9;
	[tilespmem:s25+$0x3200] =	vst v18;
	v18 =	vnsel vm0, $0x0, v19  }
0x424: {  	s16 =	sor.u32 $0x1300, s0;
	v15 =	vld [tilespmem:s30+$0x0];
	v19 =	vmax.f32 v23, v45;
	v16 =	vmax.f32 v29, v16;
	v54 =	vmax.f32 v11, v49;
	[tilespmem:s25+$0x3280] =	vst v18  }
0x425: {  	v22 =	vmin.f32 v11, v49;
	v18 =	vmax.f32 v24, v46;
	v5 =	vmax.f32 v5, v19;
	v47 =	vld [tilespmem:s16+$0x0]  }
0x426: {  	v20 =	vld [tilespmem:s23+$0x1000];
	v8 =	vmax.f32 v8, v16;
	v57 =	vperm.xlane v54, v1;
	v58 =	vperm.xlane v22, v1  }
0x427: {  	v4 =	vmax.f32 v4, v18;
	v18 =	vld [tilespmem:s23+$0x1080];
	vm0 =	vge.f32 v10, v5;
	vm2 =	vge.f32 v13, v8  }
0x428: {  	v8 =	vperm.xlane v2, v0;
	vm1 =	vge.f32 v12, v4;
	v24 =	vmin.f32 v54, v57  }
0x429: {  	v22 =	vmax.f32 v22, v58;
	v10 =	vnsel vm0, $0x0, v10;
	v4 =	vperm.xlane v15, v0  }
0x42a: {  	v13 =	vnsel vm2, $0x0, v13;
	v60 =	vmax.f32 v2, v8;
	v5 =	vperm.xlane v47, v0  }
0x42b: {  	v19 =	vmax.f32 v15, v4;
	v48 =	vmin.f32 v15, v4;
	v4 =	vperm.xlane v20, v0  }
0x42c: {  	v6 =	vperm.xlane v18, v0;
	v16 =	vmax.f32 v47, v5;
	v5 =	vmin.f32 v47, v5  }
0x42d: {  	v52 =	vmax.f32 v20, v4;
	v50 =	vperm.xlane v16, v1;
	v51 =	vperm.xlane v5, v1  }
0x42e: {  	v4 =	vmin.f32 v20, v4;
	v53 =	vmax.f32 v18, v6;
	v6 =	vmin.f32 v18, v6  }
0x42f: {  	v55 =	vperm.xlane v4, v1;
	v16 =	vmin.f32 v16, v50;
	v5 =	vmax.f32 v5, v51  }
0x430: {  	v56 =	vperm.xlane v6, v1;
	v5 =	vmax.f32 v16, v5;
	v16 =	vperm.xlane v52, v1  }
0x431: {  	v59 =	vperm.xlane v19, v1;
	vm5 =	vge.f32 v47, v5;
	v5 =	vperm.xlane v53, v1  }
0x432: {  	v4 =	vmax.f32 v4, v55;
	v6 =	vmax.f32 v6, v56;
	v26 =	vmin.f32 v52, v16  }
0x433: {  	v23 =	vnsel vm5, $0x0, v47;
	v16 =	vld [tilespmem:s23+$0x1010];
	v5 =	vmin.f32 v53, v5;
	v25 =	vmax.f32 v26, v4  }
0x434: {  	v4 =	vld [tilespmem:s23+$0x1090];
	vm5 =	vge.f32 v20, v25;
	v6 =	vmax.f32 v5, v6;
	v25 =	vnsel vm4, $0x0, v7  }
0x435: {  	s26 =	sor.u32 s26, s28;
	[tilespmem:s16+$0x2000] =	vst v23;
	v5 =	vld [tilespmem:s23+$0x1110];
	v20 =	vnsel vm5, $0x0, v20;
	vm5 =	vge.f32 v18, v6;
	v6 =	vmax.f32 v24, v22  }
0x436: {  	s16 =	sor.u32 $0x1380, s26;
	v7 =	vld [tilespmem:s23+$0x1210];
	[tilespmem:s23+$0x3000] =	vst v20;
	v18 =	vnsel vm5, $0x0, v18;
	vm5 =	vge.f32 v11, v6;
	v20 =	vperm.xlane v48, v1  }
0x437: {  	v8 =	vmin.f32 v2, v8;
	v12 =	vnsel vm1, $0x0, v12;
	v23 =	vld [tilespmem:s16+$0x0];
	[tilespmem:s23+$0x3080] =	vst v18;
	v11 =	vnsel vm5, $0x0, v11  }
0x438: {  	v6 =	vld [tilespmem:s23+$0x1190];
	v18 =	vperm.xlane v60, v1;
	[tilespmem:s23+$0x3100] =	vst v11;
	v11 =	vmin.f32 v19, v59;
	v19 =	vmax.f32 v48, v20  }
0x439: {  	v20 =	vperm.xlane v8, v1;
	v62 =	vperm.xlane v4, v0;
	v11 =	vmax.f32 v11, v19  }
0x43a: {  	v18 =	vmin.f32 v60, v18;
	v19 =	vperm.xlane v16, v0;
	v36 =	vperm.xlane v5, v0  }
0x43b: {  	s12 =	sor.u32 s12, s22;
	v38 =	vperm.xlane v7, v0;
	vm4 =	vge.f32 v15, v11;
	v11 =	vmax.f32 v8, v20  }
0x43c: {  	s12 =	sor.u32 $0x1180, s12;
	v20 =	vperm.xlane v23, v0;
	v43 =	vmax.f32 v4, v62;
	v22 =	vmin.f32 v4, v62  }
0x43d: {  	v61 =	vld [tilespmem:s12+$0x0];
	v63 =	vmax.f32 v16, v19;
	v37 =	vperm.xlane v6, v0;
	v19 =	vmin.f32 v16, v19  }
0x43e: {  	v48 =	vmax.f32 v5, v36;
	v26 =	vmin.f32 v5, v36;
	v11 =	vmax.f32 v18, v11  }
0x43f: {  	v18 =	vmax.f32 v7, v38;
	v51 =	vperm.xlane v43, v1;
	v52 =	vperm.xlane v22, v1  }
0x440: {  	v28 =	vmin.f32 v7, v38;
	v15 =	vnsel vm4, $0x0, v15;
	v50 =	vperm.xlane v19, v1  }
0x441: {  	v39 =	vmax.f32 v23, v20;
	v53 =	vperm.xlane v26, v1;
	v56 =	vperm.xlane v18, v1  }
0x442: {  	v20 =	vmin.f32 v23, v20;
	v57 =	vperm.xlane v28, v1;
	v41 =	vperm.xlane v61, v0  }
0x443: {  	v40 =	vperm.xlane v39, v1;
	v42 =	vperm.xlane v20, v1;
	v49 =	vmax.f32 v6, v37  }
0x444: {  	v8 =	vld [tilespmem:s23+$0x1290];
	v27 =	vmin.f32 v6, v37;
	v44 =	vmax.f32 v61, v41;
	v31 =	vmin.f32 v61, v41  }
0x445: {  	v22 =	vmax.f32 v22, v52;
	v45 =	vperm.xlane v44, v1;
	v47 =	vperm.xlane v31, v1  }
0x446: {  	v54 =	vperm.xlane v49, v1;
	v29 =	vmin.f32 v39, v40;
	v20 =	vmax.f32 v20, v42  }
0x447: {  	v20 =	vmax.f32 v29, v20;
	v30 =	vmin.f32 v44, v45;
	v29 =	vmax.f32 v31, v47  }
0x448: {  	v29 =	vmax.f32 v30, v29;
	v30 =	vmax.f32 v19, v50;
	v19 =	vperm.xlane v48, v1  }
0x449: {  	v26 =	vmax.f32 v26, v53;
	v46 =	vperm.xlane v8, v0;
	vm6 =	vge.f32 v61, v29  }
0x44a: {  	v21 =	vnsel vm6, $0x0, v61;
	v32 =	vmin.f32 v48, v19;
	v19 =	vperm.xlane v27, v1  }
0x44b: {  	v24 =	vmin.f32 v49, v54;
	vm5 =	vge.f32 v23, v20;
	v20 =	vperm.xlane v63, v1;
	[tilespmem:s12+$0x2000] =	vst v21  }
0x44c: {  	v55 =	vmax.f32 v8, v46;
	v34 =	vmin.f32 v8, v46;
	v27 =	vmax.f32 v27, v19;
	v19 =	vld [tilespmem:s23+$0x1200]  }
0x44d: {  	v58 =	vperm.xlane v55, v1;
	v59 =	vperm.xlane v34, v1;
	v31 =	vmin.f32 v18, v56;
	v18 =	vld [tilespmem:s23+$0x1280]  }
0x44e: {  	v23 =	vnsel vm5, $0x0, v23;
	v20 =	vmin.f32 v63, v20;
	v29 =	vmin.f32 v43, v51  }
0x44f: {  	[tilespmem:s24+$0x2000] =	vst v3;
	v33 =	vmin.f32 v55, v58;
	v3 =	vmax.f32 v20, v30;
	v20 =	vmax.f32 v29, v22  }
0x450: {  	[tilespmem:s25+$0x3010] =	vst v17;
	vm5 =	vge.f32 v16, v3;
	v21 =	vmax.f32 v28, v57;
	v28 =	vmax.f32 v34, v59  }
0x451: {  	[tilespmem:s29+$0x2000] =	vst v14;
	v60 =	vmax.f32 v32, v26;
	vm2 =	vge.f32 v4, v20;
	v21 =	vmax.f32 v31, v21  }
0x452: {  	[tilespmem:s25+$0x3110] =	vst v9;
	v14 =	vmax.f32 v24, v27;
	v17 =	vperm.xlane v19, v0;
	v62 =	vperm.xlane v18, v0  }
0x453: {  	[tilespmem:s25+$0x3190] =	vst v10;
	v61 =	vmax.f32 v33, v28;
	vm1 =	vge.f32 v5, v60;
	vm0 =	vge.f32 v6, v14  }
0x454: {  	[tilespmem:s25+$0x3290] =	vst v13;
	v3 =	vmax.f32 v19, v17;
	v9 =	vmin.f32 v19, v17;
	v14 =	vmax.f32 v18, v62  }
0x455: {  	s0 =	sadd.s32 $0x10, s0;
	[tilespmem:s25+$0x3210] =	vst v12;
	v20 =	vmin.f32 v18, v62;
	v10 =	vperm.xlane v3, v1;
	v17 =	vperm.xlane v9, v1  }
0x456: {  	s26 =	sor.u32 $0x1300, s0;
	[tilespmem:s25+$0x3090] =	vst v25;
	vm3 =	vge.f32 v7, v21;
	v12 =	vperm.xlane v14, v1;
	v63 =	vperm.xlane v20, v1  }
0x457: {  	s24 =	sor.u32 $0x1380, s31;
	[tilespmem:s30+$0x2000] =	vst v15;
	vm4 =	vge.f32 v8, v61;
	v10 =	vmin.f32 v3, v10;
	v9 =	vmax.f32 v9, v17;
	v3 =	vld [tilespmem:s26+$0x0]  }
0x458: {  	s28 =	simm.s32 $0x6;
	s31 =	simm.s32 $0x80;
	s29 =	simm.s32 $0x3;
	v12 =	vmin.f32 v14, v12;
	v13 =	vmax.f32 v20, v63;
	v10 =	vmax.f32 v10, v9;
	v9 =	vld [tilespmem:s24+$0x0]  }
0x459: {  	s1 =	sand.u32 $0x3, s29;
	s25 =	sor.u32 $0x1380, s0;
	s30 =	simm.s32 $0x400;
	[tilespmem:s16+$0x2000] =	vst v23;
	v12 =	vmax.f32 v12, v13;
	vm6 =	vge.f32 v19, v10;
	v10 =	vnsel vm5, $0x0, v16  }
.LBB2_8:
0x45a: {  	s12 =	sand.u32 $0x60, s31;
	s0 =	sand.u32 $0xC00, s30;
	s1 =	sshll.u32 s1, $0x5;
	v13 =	vnsel vm6, $0x0, v19;
	vm5 =	vge.f32 v18, v12;
	[tilespmem:s23+$0x3010] =	vst v10;
	v4 =	vnsel vm2, $0x0, v4  }
0x45b: {  	v5 =	vnsel vm1, $0x0, v5;
	v6 =	vnsel vm0, $0x0, v6;
	s12 =	sor.u32 s12, s0;
	[tilespmem:s23+$0x3200] =	vst v13;
	v10 =	vnsel vm5, $0x0, v18;
	s14 =	sadd.s32 s1, s21  }
0x45c: {  	v7 =	vnsel vm3, $0x0, v7;
	v8 =	vnsel vm4, $0x0, v8;
	v12 =	vld [tilespmem:s12+$0x1000];
	[tilespmem:s23+$0x3280] =	vst v10;
	s1 =	sor.u32 $0x1300, s14;
	s14 =	sadd.s32 $0x10, s14;
	v10 =	vperm.xlane v3, v0  }
0x45d: {  	vm0 =	vge.f32 v2, v11;
	v13 =	vld [tilespmem:s1+$0x0];
	[tilespmem:s23+$0x3090] =	vst v4;
	s16 =	sor.u32 $0x1300, s14;
	s14 =	sor.u32 $0x1380, s14;
	v4 =	vperm.xlane v9, v0  }
0x45e: {  	v15 =	vnsel vm0, $0x0, v2;
	v2 =	vmovc v9;
	v14 =	vld [tilespmem:s12+$0x1080];
	[tilespmem:s23+$0x3110] =	vst v5;
	v5 =	vmax.f32 v3, v10;
	v11 =	vmin.f32 v3, v10  }
0x45f: {  	v16 =	vld [tilespmem:s12+$0x1100];
	[tilespmem:s23+$0x3190] =	vst v6;
	v6 =	vperm.xlane v5, v1;
	v9 =	vperm.xlane v11, v1;
	v17 =	vmax.f32 v2, v4  }
0x460: {  	v18 =	vmin.f32 v2, v4;
	v10 =	vld [tilespmem:s12+$0x1010];
	[tilespmem:s23+$0x3210] =	vst v7;
	v7 =	vperm.xlane v17, v1  }
0x461: {  	v19 =	vperm.xlane v18, v1;
	v4 =	vld [tilespmem:s12+$0x1090];
	[tilespmem:s23+$0x3290] =	vst v8;
	v6 =	vmin.f32 v5, v6;
	v8 =	vmax.f32 v11, v9;
	s23 =	smov.u32 s12  }
0x462: {  	v5 =	vld [tilespmem:s23+$0x1110];
	v9 =	vperm.xlane v13, v0;
	v8 =	vmax.f32 v6, v8;
	v11 =	vmin.f32 v17, v7;
	[tilespmem:s20+$0x2000] =	vst v15;
	s20 =	smov.u32 s24;
	s24 =	smov.u32 s25;
	s25 =	smov.u32 s14  }
0x463: {  	v15 =	vperm.xlane v12, v0;
	v17 =	vperm.xlane v14, v0;
	v6 =	vld [tilespmem:s23+$0x1190];
	vm0 =	vge.f32 v3, v8  }
0x464: {  	s28 =	sadd.s32 $0x2, s28;
	v20 =	vperm.xlane v16, v0;
	v7 =	vld [tilespmem:s23+$0x1210];
	v21 =	vmax.f32 v13, v9;
	v9 =	vmin.f32 v13, v9  }
0x465: {  	p0 =	slt.u32 s28, $0x1E;
	v24 =	vnsel vm0, $0x0, v3;
	v8 =	vld [tilespmem:s23+$0x1290];
	v22 =	vperm.xlane v21, v1;
	v23 =	vperm.xlane v9, v1  }
0x466: {  	v25 =	vmax.f32 v12, v15;
	v15 =	vmin.f32 v12, v15;
	v26 =	vmax.f32 v14, v17;
	v3 =	vld [tilespmem:s16+$0x0];
	[tilespmem:s26+$0x2000] =	vst v24;
	s26 =	smov.u32 s16  }
0x467: {  	v17 =	vmin.f32 v14, v17;
	v21 =	vmin.f32 v21, v22;
	v22 =	vmax.f32 v9, v23;
	v9 =	vld [tilespmem:s24+$0x0]  }
0x468: {  	v23 =	vmax.f32 v16, v20;
	v20 =	vmin.f32 v16, v20;
	v21 =	vmax.f32 v21, v22  }
0x469: {  	v24 =	vperm.xlane v15, v1;
	v22 =	vperm.xlane v25, v1;
	vm0 =	vge.f32 v13, v21  }
0x46a: {  	s12 =	sor.u32 s21, s22;
	s21 =	smov.u32 s30;
	s22 =	smov.u32 s31;
	v27 =	vperm.xlane v17, v1;
	v21 =	vperm.xlane v26, v1;
	v13 =	vnsel vm0, $0x0, v13  }
0x46b: {  	v28 =	vperm.xlane v23, v1;
	v29 =	vperm.xlane v20, v1;
	[tilespmem:s1+$0x2000] =	vst v13;
	s1 =	sor.u32 $0x1380, s12;
	v13 =	vmax.f32 v18, v19  }
0x46c: {  	v15 =	vmax.f32 v15, v24;
	v18 =	vmin.f32 v25, v22;
	v19 =	vmin.f32 v26, v21;
	v21 =	vld [tilespmem:s1+$0x0]  }
0x46d: {  	v17 =	vmax.f32 v17, v27;
	v15 =	vmax.f32 v18, v15;
	v18 =	vmin.f32 v23, v28  }
0x46e: {  	vm0 =	vge.f32 v12, v15;
	v15 =	vmax.f32 v19, v17;
	v17 =	vmax.f32 v20, v29  }
0x46f: {  	v12 =	vnsel vm0, $0x0, v12;
	vm0 =	vge.f32 v14, v15;
	v15 =	vmax.f32 v18, v17  }
0x470: {  	[tilespmem:s23+$0x3000] =	vst v12;
	v12 =	vnsel vm0, $0x0, v14;
	vm0 =	vge.f32 v16, v15;
	v14 =	vperm.xlane v10, v0  }
0x471: {  	s0 =	sor.u32 s0, s31;
	v15 =	vperm.xlane v4, v0;
	[tilespmem:s23+$0x3080] =	vst v12;
	v12 =	vnsel vm0, $0x0, v16;
	v16 =	vperm.xlane v21, v0  }
0x472: {  	s0 =	sor.u32 $0x1180, s0;
	v17 =	vperm.xlane v5, v0;
	v18 =	vperm.xlane v6, v0;
	[tilespmem:s23+$0x3100] =	vst v12;
	v12 =	vmax.f32 v10, v14  }
0x473: {  	v20 =	vperm.xlane v7, v0;
	v19 =	vld [tilespmem:s0+$0x0];
	v22 =	vmax.f32 v21, v16;
	v16 =	vmin.f32 v21, v16  }
0x474: {  	v14 =	vmin.f32 v10, v14;
	v23 =	vperm.xlane v22, v1;
	v24 =	vperm.xlane v16, v1  }
0x475: {  	v26 =	vperm.xlane v8, v0;
	v25 =	vmax.f32 v4, v15;
	v15 =	vmin.f32 v4, v15  }
0x476: {  	v27 =	vmax.f32 v5, v17;
	v22 =	vmin.f32 v22, v23;
	v16 =	vmax.f32 v16, v24  }
0x477: {  	v17 =	vmin.f32 v5, v17;
	v23 =	vmax.f32 v6, v18;
	v16 =	vmax.f32 v22, v16  }
0x478: {  	v24 =	vmin.f32 v6, v18;
	v22 =	vperm.xlane v19, v0;
	vm0 =	vge.f32 v21, v16  }
0x479: {  	v16 =	vmax.f32 v7, v20;
	v20 =	vmin.f32 v7, v20;
	v18 =	vnsel vm0, $0x0, v21  }
0x47a: {  	v28 =	vmax.f32 v8, v26;
	v21 =	vmax.f32 v19, v22;
	v22 =	vmin.f32 v19, v22;
	[tilespmem:s1+$0x2000] =	vst v18  }
0x47b: {  	v26 =	vmin.f32 v8, v26;
	v18 =	vperm.xlane v21, v1;
	v29 =	vperm.xlane v22, v1  }
0x47c: {  	v11 =	vmax.f32 v11, v13;
	v30 =	vperm.xlane v12, v1;
	v31 =	vperm.xlane v14, v1  }
0x47d: {  	v13 =	vmin.f32 v21, v18;
	v18 =	vmax.f32 v22, v29;
	v21 =	vperm.xlane v25, v1  }
0x47e: {  	v22 =	vperm.xlane v15, v1;
	v29 =	vperm.xlane v27, v1;
	v13 =	vmax.f32 v13, v18  }
0x47f: {  	v32 =	vperm.xlane v23, v1;
	vm0 =	vge.f32 v19, v13;
	v13 =	vperm.xlane v17, v1  }
0x480: {  	v33 =	vperm.xlane v24, v1;
	v34 =	vperm.xlane v16, v1;
	v18 =	vnsel vm0, $0x0, v19  }
0x481: {  	v35 =	vperm.xlane v28, v1;
	v12 =	vmin.f32 v12, v30;
	v30 =	vperm.xlane v20, v1;
	[tilespmem:s0+$0x2000] =	vst v18  }
0x482: {  	v14 =	vmax.f32 v14, v31;
	v21 =	vmin.f32 v25, v21;
	v25 =	vperm.xlane v26, v1;
	v19 =	vld [tilespmem:s23+$0x1200]  }
0x483: {  	v15 =	vmax.f32 v15, v22;
	v22 =	vmin.f32 v27, v29;
	v13 =	vmax.f32 v17, v13;
	v18 =	vld [tilespmem:s23+$0x1280]  }
0x484: {  	v16 =	vmin.f32 v16, v34;
	v17 =	vmin.f32 v23, v32;
	v23 =	vmax.f32 v24, v33  }
0x485: {  	v20 =	vmax.f32 v20, v30;
	v24 =	vmin.f32 v28, v35;
	v25 =	vmax.f32 v26, v25  }
0x486: {  	v12 =	vmax.f32 v12, v14;
	v14 =	vmax.f32 v21, v15;
	v13 =	vmax.f32 v22, v13  }
0x487: {  	v16 =	vmax.f32 v16, v20;
	v15 =	vmax.f32 v17, v23;
	v17 =	vmax.f32 v24, v25  }
0x488: {  	vm5 =	vge.f32 v10, v12;
	v20 =	vperm.xlane v19, v0;
	v21 =	vperm.xlane v18, v0  }
0x489: {  	vm2 =	vge.f32 v4, v14;
	vm1 =	vge.f32 v5, v13;
	vm0 =	vge.f32 v6, v15  }
0x48a: {  	v12 =	vmax.f32 v19, v20;
	v13 =	vmin.f32 v19, v20;
	v14 =	vmax.f32 v18, v21  }
.Ltmp3:
0x48b: {  	v15 =	vperm.xlane v12, v1;
	v20 =	vperm.xlane v13, v1;
	v21 =	vmin.f32 v18, v21;
	(pc) =	sbr.rel @p0 .LBB2_8-.Ltmp3, $4  }
0x48c: {  	vm3 =	vge.f32 v7, v16;
	v22 =	vperm.xlane v14, v1;
	v23 =	vperm.xlane v21, v1  }
0x48d: {  	vm4 =	vge.f32 v8, v17;
	v12 =	vmin.f32 v12, v15;
	v13 =	vmax.f32 v13, v20  }
0x48e: {  	s29 =	sadd.s32 $0x1, s29;
	v12 =	vmax.f32 v12, v13;
	v13 =	vmin.f32 v14, v22;
	v14 =	vmax.f32 v21, v23  }
0x48f: {  	s30 =	sadd.s32 $0x100, s30;
	s31 =	sadd.s32 $0x20, s31;
	v10 =	vnsel vm5, $0x0, v10;
	s1 =	sand.u32 $0x3, s29;
	vm6 =	vge.f32 v19, v12;
	v12 =	vmax.f32 v13, v14  }
0x490: {  	v13 =	vnsel vm6, $0x0, v19;
	[tilespmem:s23+$0x3010] =	vst v10  }
0x491: {  	s0 =	sshll.u32 s1, $0x5;
	vm5 =	vge.f32 v18, v12;
	v4 =	vnsel vm2, $0x0, v4;
	[tilespmem:s23+$0x3200] =	vst v13  }
0x492: {  	v12 =	vnsel vm5, $0x0, v18;
	s0 =	sadd.s32 s0, s21;
	[tilespmem:s23+$0x3090] =	vst v4  }
0x493: {  	v5 =	vnsel vm1, $0x0, v5;
	[tilespmem:s23+$0x3280] =	vst v12;
	s29 =	sor.u32 $0x1300, s0  }
0x494: {  	v28 =	vnsel vm0, $0x0, v6;
	[tilespmem:s23+$0x3110] =	vst v5;
	v12 =	vld [tilespmem:s29+$0x0]  }
0x495: {  	v29 =	vnsel vm3, $0x0, v7;
	[tilespmem:s23+$0x3190] =	vst v28  }
0x496: {  	v30 =	vnsel vm4, $0x0, v8;
	[tilespmem:s23+$0x3210] =	vst v29;
	s0 =	sadd.s32 $0x10, s0  }
0x497: {  	[tilespmem:s23+$0x3290] =	vst v30;
	s12 =	sor.u32 $0x1300, s0  }
0x498: {  	v33 =	vld [tilespmem:s12+$0x0]  }
0x499: {  	v31 =	vperm.xlane v12, v0  }
0x49a: {  	v36 =	vperm.xlane v3, v0  }
0x49b: {  	v32 =	vmax.f32 v12, v31;
	v5 =	vmin.f32 v12, v31  }
0x49c: {  	v38 =	vmin.f32 v3, v36;
	v34 =	vperm.xlane v32, v1;
	v35 =	vperm.xlane v5, v1  }
0x49d: {  	v37 =	vmax.f32 v3, v36;
	v10 =	vperm.xlane v38, v1;
	v40 =	vperm.xlane v33, v0  }
0x49e: {  	v39 =	vperm.xlane v37, v1;
	v4 =	vmin.f32 v32, v34;
	v5 =	vmax.f32 v5, v35  }
0x49f: {  	v8 =	vmax.f32 v38, v10;
	v41 =	vmax.f32 v33, v40;
	v4 =	vmax.f32 v4, v5  }
0x4a0: {  	v5 =	vmin.f32 v37, v39;
	vm8 =	vge.f32 v12, v4;
	v4 =	vmin.f32 v33, v40  }
0x4a1: {  	v43 =	vperm.xlane v41, v1;
	v5 =	vmax.f32 v5, v8;
	v44 =	vperm.xlane v4, v1  }
0x4a2: {  	s14 =	sor.u32 s21, s22;
	v12 =	vnsel vm8, $0x0, v12;
	vm9 =	vge.f32 v3, v5  }
0x4a3: {  	s30 =	sor.u32 $0x1380, s14;
	v45 =	vmin.f32 v41, v43;
	[tilespmem:s29+$0x2000] =	vst v12;
	v3 =	vnsel vm9, $0x0, v3;
	v4 =	vmax.f32 v4, v44  }
0x4a4: {  	v42 =	vld [tilespmem:s30+$0x0];
	[tilespmem:s26+$0x2000] =	vst v3;
	v3 =	vperm.xlane v9, v0;
	v4 =	vmax.f32 v45, v4  }
0x4a5: {  	v46 =	vld [tilespmem:s25+$0x0];
	vm10 =	vge.f32 v33, v4  }
0x4a6: {  	v48 =	vmax.f32 v9, v3;
	v3 =	vmin.f32 v9, v3;
	v6 =	vnsel vm10, $0x0, v33  }
0x4a7: {  	s0 =	sor.u32 $0x1380, s0;
	v53 =	vperm.xlane v48, v1;
	v14 =	vperm.xlane v3, v1;
	[tilespmem:s12+$0x2000] =	vst v6  }
0x4a8: {  	vm11 =	vge.f32 v2, v11;
	v50 =	vld [tilespmem:s0+$0x0]  }
0x4a9: {  	v47 =	vperm.xlane v42, v0;
	v6 =	vmin.f32 v48, v53;
	v3 =	vmax.f32 v3, v14  }
0x4aa: {  	v2 =	vnsel vm11, $0x0, v2;
	v54 =	vperm.xlane v46, v0;
	v3 =	vmax.f32 v6, v3  }
0x4ab: {  	v49 =	vmax.f32 v42, v47;
	v5 =	vmin.f32 v42, v47;
	vm13 =	vge.f32 v9, v3  }
0x4ac: {  	v51 =	vperm.xlane v49, v1;
	v52 =	vperm.xlane v5, v1;
	v55 =	vmax.f32 v46, v54  }
0x4ad: {  	v57 =	vmin.f32 v46, v54;
	v58 =	vperm.xlane v55, v1;
	v56 =	vperm.xlane v50, v0  }
0x4ae: {  	v59 =	vperm.xlane v57, v1;
	v7 =	vmin.f32 v49, v51;
	v5 =	vmax.f32 v5, v52  }
0x4af: {  	v5 =	vmax.f32 v7, v5;
	v60 =	vmax.f32 v50, v56;
	v7 =	vmin.f32 v50, v56  }
0x4b0: {  	v63 =	vnsel vm13, $0x0, v9;
	v3 =	vperm.xlane v60, v1;
	v61 =	vperm.xlane v7, v1  }
0x4b1: {  	v6 =	vmax.f32 v57, v59;
	vm12 =	vge.f32 v42, v5;
	v5 =	vmin.f32 v55, v58  }
0x4b2: {  	[tilespmem:s20+$0x2000] =	vst v2;
	v2 =	vmax.f32 v5, v6;
	v3 =	vmin.f32 v60, v3;
	v62 =	vmax.f32 v7, v61  }
0x4b3: {  	[tilespmem:s24+$0x2000] =	vst v63;
	v10 =	vnsel vm12, $0x0, v42;
	vm14 =	vge.f32 v46, v2;
	v2 =	vmax.f32 v3, v62  }
0x4b4: {  	[tilespmem:s30+$0x2000] =	vst v10;
	v3 =	vnsel vm14, $0x0, v46;
	vm15 =	vge.f32 v50, v2  }
0x4b5: {  	[tilespmem:s25+$0x2000] =	vst v3;
	v2 =	vnsel vm15, $0x0, v50  }
0x4b6: {  	s31 =	simm.s32 $0x3000;
	s19 =	sadd.s32 $0x1, s19;
	[tilespmem:s0+$0x2000] =	vst v2  }
0x4b7: {  	[hbm4b:s10+s2] =	stream.linear.scatter [tilespmem:s31], [sflag:$0x4], $0x1000, $0x38;
	[tilespmem:$0x4000] =	vst v63  }
0x4b8: {  	p0 =	sne.s32 s19, s11;
	_ =	swait.ge [sflag:s17], $0x1000  }
.Ltmp4:
0x4b9: {  	[sflag:s17] =	ssyncset.done $0x0;
	(pc) =	sbr.rel @p0 .LBB2_1-.Ltmp4, $4  }
0x4ba: {  	[sflag:s17] =	ssyncadd.s32 $0xFFFFF000  }
0x4bb: {  	_ =	swait.ge [sflag:s18], $0x1000  }
0x4bc: {  	[sflag:s18] =	ssyncset.done $0x0  }
0x4bd: {  	[sflag:s18] =	ssyncadd.s32 $0xFFFFF000  }
0x4be: {  	_ =	sfence.sel $0x180000  }
0x4bf: {  	[bflag:$0x0] =	sbarrier.arrive $0xFFFF  }
0x4c0: {  	_ =	strace $0x90000047  }
0x4c1: {  	s0 =	stileid.u32;
	[bflag:$0x2] =	sbarrier.arrive $0xFFFF  }
0x4c2: {  	p0 =	sne.s32 s0, $0x0;
	s0 =	rddreg [dreg:$0x2]  }
0x4c3: {  	s0 =	sadd.s32 @!p0 $0x100000, s0  }
0x4c4: {  	[sflag:s0] =	ssyncadd.tile.s32 @!p0 $0x1;
	_ =	shalt  }
.Lfunc_end2:
_tile_overlayer_lowered:
.L_overlay_start_2:
0x4c5: {  	(tag) =	ssettag $0x2  }
0x4c6: {  	s0 =	rddreg [dreg:$0x0];
	s2 =	stileid.u32  }
0x4c7: {  	s1 =	rddreg [dreg:$0x1];
	p0 =	sne.s32 s2, $0x0  }
0x4c8: {  	s3 =	rddreg [dreg:$0x2];
	[bflag:$0x3] =	sbarrier.arrive $0xFFFF;
	s2 =	simm.s32 @!p0 $0x1C05  }
0x4c9: {  	[timem:s3], [sflag:s2] =	dma.local @!p0 [hbm:s0], s1  }
0x4ca: {  	s0 =	simm.s32 @!p0 $0x5  }
0x4cb: {  	_ =	swait.ge @!p0 [sflag:s0], s1  }
0x4cc: {  	s1 =	ssub.s32 @!p0 $0x0, s1;
	[sflag:s0] =	ssyncset.done @!p0 $0x0  }
0x4cd: {  	[sflag:s0] =	ssyncadd.s32 @!p0 s1  }
0x4ce: {  	[bflag:$0x3] =	sbarrier.arrive $0xFFFF  }
0x4cf: {  	_ =	shalt  }

</sc_bundles>
